<compile_context>
chip_gen: v7x
topology: tpu7x:2x2x1
jax: 0.10.2.dev20260603
libtpu: 0.0.44.dev20260713+nightly
codegen_flags: <defaults>
</compile_context>

<pallas_src>
import functools

import jax
import jax.numpy as jnp
from jax import lax
from jax.experimental import pallas as pl
from jax.experimental.pallas import tpu as pltpu
from jax.experimental.pallas import tpu_sc as plsc

B = 16384
D = 32
V = 100001
VPAD = 100096
NUM_CORES = 2
NUM_SUBCORES = 16
NW = NUM_CORES * NUM_SUBCORES
N_TILES = VPAD // 128
SLAB_TILES = 25
SLAB_COLS = SLAB_TILES * 128
N_BANDS = D // 8
IDX_BLK = 4096
POS_SHIFT = 14


def _make_kernel():
    mesh = plsc.VectorSubcoreMesh(core_axis_name="c", subcore_axis_name="s")

    @functools.partial(
        pl.kernel,
        mesh=mesh,
        out_type=jax.ShapeDtypeStruct((B * D,), jnp.float32),
        scratch_types=[
            pltpu.VMEM((2 * IDX_BLK,), jnp.int32),
            pltpu.VMEM((N_BANDS, 8, SLAB_COLS), jnp.float32),
            pltpu.VMEM((B + 32,), jnp.int32),
            pltpu.VMEM((16, D), jnp.float32),
            pltpu.VMEM((16 * D,), jnp.float32),
            pltpu.SemaphoreType.DMA,
            pltpu.SemaphoreType.DMA,
            pltpu.SemaphoreType.DMA,
        ],
        compiler_params=pltpu.CompilerParams(
            use_tc_tiling_on_sc=True,
            needs_layout_passes=False,
            disable_bounds_checks=True,
            disable_semaphore_checks=True,
        ),
    )
    def k(
        tbl_hbm, idx_hbm, out_hbm, idx_v, slab_v, hits_v, ring_v, drain_v,
        sem, osem, isem,
    ):
        wid = lax.axis_index("s") * NUM_CORES + lax.axis_index("c")
        small = jnp.int32(25 * 14)
        t0 = jnp.where(wid < 14, 25 * wid, small + 24 * (wid - 14))
        ntc = jnp.where(wid < 14, 25, 24)
        slab_t0 = jnp.minimum(t0, N_TILES - SLAB_TILES)
        slab_c0 = slab_t0 * 128
        sel_a = t0 * 128
        sel_b = (t0 + ntc) * 128

        slab_cps = []
        for band in range(N_BANDS):
            slab_cps.append(
                pltpu.async_copy(
                    tbl_hbm.at[pl.ds(band * 8, 8), pl.ds(slab_c0, SLAB_COLS)],
                    slab_v.at[band],
                    sem,
                )
            )

        lane = lax.iota(jnp.int32, 16)
        zeros = jnp.full((16,), 0, jnp.int32)
        sel_a_v = zeros + sel_a
        sel_b_v = zeros + sel_b
        c0_v = zeros + slab_c0

        TOP = B + 32
        total = jnp.int32(0)
        topb = jnp.int32(TOP)
        idx_cp = pltpu.async_copy(
            idx_hbm.at[pl.ds(0, IDX_BLK)], idx_v.at[pl.ds(0, IDX_BLK)], isem
        )
        for blk in range(B // IDX_BLK):
            idx_cp.wait()
            if blk + 1 < B // IDX_BLK:
                idx_cp = pltpu.async_copy(
                    idx_hbm.at[pl.ds((blk + 1) * IDX_BLK, IDX_BLK)],
                    idx_v.at[pl.ds(((blk + 1) % 2) * IDX_BLK, IDX_BLK)],
                    isem,
                )
            ibase = (blk % 2) * IDX_BLK

            def sel_body(j, carry, blk=blk, ibase=ibase):
                off, top = carry
                outs = []
                for half in range(2):
                    g = 2 * j + half
                    vec = idx_v[pl.ds(ibase + g * 16, 16)]
                    m = jnp.logical_and(vec >= sel_a_v, vec < sel_b_v)
                    cnt = plsc.all_reduce_population_count(m)
                    pos_v = lane + (blk * IDX_BLK + g * 16)
                    packed = pos_v + lax.shift_left(vec - c0_v, POS_SHIFT)
                    outs.append((packed, m, cnt[0]))
                pa, ma, ca = outs[0]
                pb, mb, cb = outs[1]
                plsc.store_compressed(hits_v.at[pl.ds(off, 16)], pa, mask=ma)
                new_top = top - cb
                plsc.store_compressed(
                    hits_v.at[pl.ds(new_top, 16)], pb, mask=mb
                )
                return (off + ca, new_top)

            total, topb = lax.fori_loop(
                0, IDX_BLK // 32, sel_body, (total, topb)
            )

        first_vec = hits_v[pl.ds(0, 16)]
        first = zeros + first_vec[0]

        @pl.when(total > 0)
        def _():
            hits_v[pl.ds(total, 16)] = first

        last_vec = hits_v[pl.ds(topb, 16)]
        last = zeros + last_vec[0]

        @pl.when(topb < TOP)
        def _():
            hits_v[pl.ds(topb - 16, 16)] = last

        for c in slab_cps:
            c.wait()

        band_idx, sub_idx = [], []
        for h in range(2):
            d = lane + h * 16
            band_idx.append(lax.shift_right_logical(d, 3))
            sub_idx.append(d & 7)
        pos_mask = zeros + ((1 << POS_SHIFT) - 1)
        n_grp = lax.shift_right_logical(total + 15, 4)
        n_grp_b = lax.shift_right_logical(TOP - topb + 15, 4)

        def ext_body(eg, carry, region=0):
            if region == 0:
                pk = hits_v[pl.ds(eg * 16, 16)]
            else:
                pk = hits_v[pl.ds(TOP - (eg + 1) * 16, 16)]
            pos_v = pk & pos_mask
            col_v = lax.shift_right_logical(pk, POS_SHIFT)
            for e in range(16):
                col = zeros + col_v[e]
                for h in range(2):
                    ring_v[e, pl.ds(h * 16, 16)] = plsc.load_gather(
                        slab_v, [band_idx[h], sub_idx[h], col]
                    )
                pltpu.async_copy(
                    ring_v.at[e],
                    out_hbm.at[pl.ds(pos_v[e] * D, D)],
                    osem,
                )
            pltpu.make_async_copy(
                out_hbm.at[pl.ds(0, 16 * D)], drain_v, osem
            ).wait()
            return carry

        lax.fori_loop(0, n_grp, ext_body, jnp.int32(0))
        lax.fori_loop(
            0, n_grp_b, functools.partial(ext_body, region=1), jnp.int32(0)
        )

    return k


@jax.jit
def kernel(template_table, eventids):
    idx = eventids.astype(jnp.int32)
    tbl_t = template_table.T
    out1d = _make_kernel()(tbl_t, idx)
    return out1d.reshape(B, D)

# --- scband reference (transcript-rebuilt; emitter-appended) ---
"""Pipeline reference for scband-semantics-embedding-8220567404946 (READ-ONLY COPY).

The authoritative reference and input builder live on the scoring server;
editing this copy changes nothing except your own understanding.
"""

import jax, jax.numpy as jnp
import numpy as np

NUM_CLASSES = 100000   # num_classes init kwarg
N_DIM = 32             # n_dim init kwarg
WORD_VOCAB = 30000     # rows of pretrain_matrix (word embedding table)
TOKENS_PER_TEMPLATE = 8  # tokens per template in training_tokens_id
BATCH = 16384


def setup_inputs(seed: int = 0) -> dict:
    key = jax.random.key(seed)
    k1, k2, k3 = jax.random.split(key, 3)
    # pretrain_matrix: frozen word embedding table
    word_table = jax.random.normal(k1, (WORD_VOCAB, N_DIM), dtype=jnp.float32)
    # training_tokens_id: one fixed-length token list per template class
    tokens_id = jax.random.randint(k2, (NUM_CLASSES, TOKENS_PER_TEMPLATE), 0, WORD_VOCAB)
    # templateEmbedding: mean of word embeddings over each template's tokens
    template_emb = jnp.mean(jnp.take(word_table, tokens_id, axis=0), axis=1)  # [NUM_CLASSES, N_DIM]
    # the appended empty token list -> sum over zero rows -> zero vector
    empty_row = jnp.zeros((1, N_DIM), dtype=jnp.float32)
    template_table = jnp.vstack([template_emb, empty_row])  # [NUM_CLASSES+1, N_DIM]
    # forward input: input_dict['eventids']
    eventids = jax.random.randint(k3, (BATCH,), 0, NUM_CLASSES)
    return {"template_table": template_table, "eventids": eventids}


def reference(template_table, eventids):
    # forward: self.template_embedder(batch_event_ids)
    return jnp.take(template_table, eventids, axis=0)

if __name__ == "__main__":
    import jax
    _d = setup_inputs()
    print(jax.jit(kernel)(*tuple(_d.values())))

</pallas_src>

<mosaic_0001>
#map = affine_map<(d0, d1) -> (0, 0)>
#map1 = affine_map<(d0, d1) -> (0)>
module attributes {stable_mosaic.version = 14 : i64} {
  func.func @k(%arg0: i32, %arg1: i32, %arg2: memref<32x100001xf32, #tpu.memory_space<hbm>>, %arg3: memref<16384xi32, #tpu.memory_space<hbm>>, %arg4: memref<524288xf32, #tpu.memory_space<hbm>>, %arg5: memref<8192xi32, #tpu.memory_space<vmem>>, %arg6: memref<4x8x3200xf32, #tpu.memory_space<vmem>>, %arg7: memref<16416xi32, #tpu.memory_space<vmem>>, %arg8: memref<16x32xf32, #tpu.memory_space<vmem>>, %arg9: memref<512xf32, #tpu.memory_space<vmem>>, %arg10: memref<!tpu.dma_semaphore, #tpu.memory_space<semaphore_mem>>, %arg11: memref<!tpu.dma_semaphore, #tpu.memory_space<semaphore_mem>>, %arg12: memref<!tpu.dma_semaphore, #tpu.memory_space<semaphore_mem>>) attributes {dimension_semantics = [#tpu.dimension_semantics<core_parallel>, #tpu.dimension_semantics<subcore_parallel>], iteration_bounds = array<i64: 2, 16>, scalar_prefetch = 0 : i64, scratch_operands = 8 : i64, tpu.core_type = #tpu.core_type<sc_vector_subcore>, window_params = [{transform_indices = #map}, {transform_indices = #map1}, {transform_indices = #map1}]} {
    %mul3A = arith.constant 2 : i32
    %mul3A_0 = arith.muli %arg1, %mul3A : i32
    %add3A = arith.addi %mul3A_0, %arg0 : i32
    %lt3A = arith.constant 14 : i32
    %lt3A_1 = arith.cmpi slt, %add3A, %lt3A : i32
    %mul3A_2 = arith.constant 25 : i32
    %mul3A_3 = arith.muli %mul3A_2, %add3A : i32
    %sub3A = arith.constant 14 : i32
    %sub3A_4 = arith.subi %add3A, %sub3A : i32
    %mul3A_5 = arith.constant 24 : i32
    %mul3A_6 = arith.muli %mul3A_5, %sub3A_4 : i32
    %add3A_7 = arith.constant 350 : i32
    %add3A_8 = arith.addi %add3A_7, %mul3A_6 : i32
    %select_n3A = arith.select %lt3A_1, %mul3A_3, %add3A_8 : i32
    %lt3A_9 = arith.constant 14 : i32
    %lt3A_10 = arith.cmpi slt, %add3A, %lt3A_9 : i32
    %jit3A = arith.constant 25 : i32
    %jit3A_11 = arith.constant 24 : i32
    %select_n3A_12 = arith.select %lt3A_10, %jit3A, %jit3A_11 : i32
    %min3A = arith.constant 757 : i32
    %min3A_13 = arith.minsi %select_n3A, %min3A : i32
    %mul3A_14 = arith.constant 128 : i32
    %mul3A_15 = arith.muli %min3A_13, %mul3A_14 : i32
    %mul3A_16 = arith.constant 128 : i32
    %mul3A_17 = arith.muli %select_n3A, %mul3A_16 : i32
    %add3A_18 = arith.addi %select_n3A, %select_n3A_12 : i32
    %mul3A_19 = arith.constant 128 : i32
    %mul3A_20 = arith.muli %add3A_18, %mul3A_19 : i32
    %dma_start3A = arith.constant 0 : i32
    %dma_start3A_21 = arith.constant 0 : i32
    %dma_start3A_22 = arith.constant 0 : i32
    %dma_start3A_23 = tpu.memref_slice %arg6[%dma_start3A, %dma_start3A_21, %dma_start3A_22] : memref<4x8x3200xf32, #tpu.memory_space<vmem>> -> memref<1x8x3200xf32, #tpu.memory_space<vmem>>
    %dma_start3A_24 = tpu.memref_squeeze %dma_start3A_23 : memref<1x8x3200xf32, #tpu.memory_space<vmem>> -> memref<8x3200xf32, #tpu.memory_space<vmem>>
    %dma_start3A_25 = arith.constant 0 : i32
    %dma_start3A_26 = tpu.memref_slice %arg2[%dma_start3A_25, %mul3A_15] : memref<32x100001xf32, #tpu.memory_space<hbm>> -> memref<8x3200xf32, #tpu.memory_space<hbm>>
    %dma_start3A_27 = arith.constant 0 : i32
    %dma_start3A_28 = arith.constant 0 : i32
    %dma_start3A_29 = tpu.memref_slice %arg6[%dma_start3A, %dma_start3A_27, %dma_start3A_28] : memref<4x8x3200xf32, #tpu.memory_space<vmem>> -> memref<1x8x3200xf32, #tpu.memory_space<vmem>>
    %dma_start3A_30 = tpu.memref_squeeze %dma_start3A_29 : memref<1x8x3200xf32, #tpu.memory_space<vmem>> -> memref<8x3200xf32, #tpu.memory_space<vmem>>
    %dma_start3A_31 = arith.constant 0 : i32
    %dma_start3A_32 = tpu.memref_slice %arg2[%dma_start3A_31, %mul3A_15] : memref<32x100001xf32, #tpu.memory_space<hbm>> -> memref<8x3200xf32, #tpu.memory_space<hbm>>
    tpu.enqueue_dma source(%dma_start3A_32 : memref<8x3200xf32, #tpu.memory_space<hbm>>) target(%dma_start3A_30 : memref<8x3200xf32, #tpu.memory_space<vmem>>) target_semaphore(%arg10 : memref<!tpu.dma_semaphore, #tpu.memory_space<semaphore_mem>>)
    %dma_start3A_33 = arith.constant 1 : i32
    %dma_start3A_34 = arith.constant 0 : i32
    %dma_start3A_35 = arith.constant 0 : i32
    %dma_start3A_36 = tpu.memref_slice %arg6[%dma_start3A_33, %dma_start3A_34, %dma_start3A_35] : memref<4x8x3200xf32, #tpu.memory_space<vmem>> -> memref<1x8x3200xf32, #tpu.memory_space<vmem>>
    %dma_start3A_37 = tpu.memref_squeeze %dma_start3A_36 : memref<1x8x3200xf32, #tpu.memory_space<vmem>> -> memref<8x3200xf32, #tpu.memory_space<vmem>>
    %dma_start3A_38 = arith.constant 8 : i32
    %dma_start3A_39 = tpu.memref_slice %arg2[%dma_start3A_38, %mul3A_15] : memref<32x100001xf32, #tpu.memory_space<hbm>> -> memref<8x3200xf32, #tpu.memory_space<hbm>>
    %dma_start3A_40 = arith.constant 0 : i32
    %dma_start3A_41 = arith.constant 0 : i32
    %dma_start3A_42 = tpu.memref_slice %arg6[%dma_start3A_33, %dma_start3A_40, %dma_start3A_41] : memref<4x8x3200xf32, #tpu.memory_space<vmem>> -> memref<1x8x3200xf32, #tpu.memory_space<vmem>>
    %dma_start3A_43 = tpu.memref_squeeze %dma_start3A_42 : memref<1x8x3200xf32, #tpu.memory_space<vmem>> -> memref<8x3200xf32, #tpu.memory_space<vmem>>
    %dma_start3A_44 = arith.constant 8 : i32
    %dma_start3A_45 = tpu.memref_slice %arg2[%dma_start3A_44, %mul3A_15] : memref<32x100001xf32, #tpu.memory_space<hbm>> -> memref<8x3200xf32, #tpu.memory_space<hbm>>
    tpu.enqueue_dma source(%dma_start3A_45 : memref<8x3200xf32, #tpu.memory_space<hbm>>) target(%dma_start3A_43 : memref<8x3200xf32, #tpu.memory_space<vmem>>) target_semaphore(%arg10 : memref<!tpu.dma_semaphore, #tpu.memory_space<semaphore_mem>>)
    %dma_start3A_46 = arith.constant 2 : i32
    %dma_start3A_47 = arith.constant 0 : i32
    %dma_start3A_48 = arith.constant 0 : i32
    %dma_start3A_49 = tpu.memref_slice %arg6[%dma_start3A_46, %dma_start3A_47, %dma_start3A_48] : memref<4x8x3200xf32, #tpu.memory_space<vmem>> -> memref<1x8x3200xf32, #tpu.memory_space<vmem>>
    %dma_start3A_50 = tpu.memref_squeeze %dma_start3A_49 : memref<1x8x3200xf32, #tpu.memory_space<vmem>> -> memref<8x3200xf32, #tpu.memory_space<vmem>>
    %dma_start3A_51 = arith.constant 16 : i32
    %dma_start3A_52 = tpu.memref_slice %arg2[%dma_start3A_51, %mul3A_15] : memref<32x100001xf32, #tpu.memory_space<hbm>> -> memref<8x3200xf32, #tpu.memory_space<hbm>>
    %dma_start3A_53 = arith.constant 0 : i32
    %dma_start3A_54 = arith.constant 0 : i32
    %dma_start3A_55 = tpu.memref_slice %arg6[%dma_start3A_46, %dma_start3A_53, %dma_start3A_54] : memref<4x8x3200xf32, #tpu.memory_space<vmem>> -> memref<1x8x3200xf32, #tpu.memory_space<vmem>>
    %dma_start3A_56 = tpu.memref_squeeze %dma_start3A_55 : memref<1x8x3200xf32, #tpu.memory_space<vmem>> -> memref<8x3200xf32, #tpu.memory_space<vmem>>
    %dma_start3A_57 = arith.constant 16 : i32
    %dma_start3A_58 = tpu.memref_slice %arg2[%dma_start3A_57, %mul3A_15] : memref<32x100001xf32, #tpu.memory_space<hbm>> -> memref<8x3200xf32, #tpu.memory_space<hbm>>
    tpu.enqueue_dma source(%dma_start3A_58 : memref<8x3200xf32, #tpu.memory_space<hbm>>) target(%dma_start3A_56 : memref<8x3200xf32, #tpu.memory_space<vmem>>) target_semaphore(%arg10 : memref<!tpu.dma_semaphore, #tpu.memory_space<semaphore_mem>>)
    %dma_start3A_59 = arith.constant 3 : i32
    %dma_start3A_60 = arith.constant 0 : i32
    %dma_start3A_61 = arith.constant 0 : i32
    %dma_start3A_62 = tpu.memref_slice %arg6[%dma_start3A_59, %dma_start3A_60, %dma_start3A_61] : memref<4x8x3200xf32, #tpu.memory_space<vmem>> -> memref<1x8x3200xf32, #tpu.memory_space<vmem>>
    %dma_start3A_63 = tpu.memref_squeeze %dma_start3A_62 : memref<1x8x3200xf32, #tpu.memory_space<vmem>> -> memref<8x3200xf32, #tpu.memory_space<vmem>>
    %dma_start3A_64 = arith.constant 24 : i32
    %dma_start3A_65 = tpu.memref_slice %arg2[%dma_start3A_64, %mul3A_15] : memref<32x100001xf32, #tpu.memory_space<hbm>> -> memref<8x3200xf32, #tpu.memory_space<hbm>>
    %dma_start3A_66 = arith.constant 0 : i32
    %dma_start3A_67 = arith.constant 0 : i32
    %dma_start3A_68 = tpu.memref_slice %arg6[%dma_start3A_59, %dma_start3A_66, %dma_start3A_67] : memref<4x8x3200xf32, #tpu.memory_space<vmem>> -> memref<1x8x3200xf32, #tpu.memory_space<vmem>>
    %dma_start3A_69 = tpu.memref_squeeze %dma_start3A_68 : memref<1x8x3200xf32, #tpu.memory_space<vmem>> -> memref<8x3200xf32, #tpu.memory_space<vmem>>
    %dma_start3A_70 = arith.constant 24 : i32
    %dma_start3A_71 = tpu.memref_slice %arg2[%dma_start3A_70, %mul3A_15] : memref<32x100001xf32, #tpu.memory_space<hbm>> -> memref<8x3200xf32, #tpu.memory_space<hbm>>
    tpu.enqueue_dma source(%dma_start3A_71 : memref<8x3200xf32, #tpu.memory_space<hbm>>) target(%dma_start3A_69 : memref<8x3200xf32, #tpu.memory_space<vmem>>) target_semaphore(%arg10 : memref<!tpu.dma_semaphore, #tpu.memory_space<semaphore_mem>>)
    %iota3A = tpu.iota {dimensions = array<i32: 0>} : vector<16xi32>
    %broadcast_in_dim3A = arith.constant 0 : i32
    %broadcast_in_dim3A_72 = vector.broadcast %broadcast_in_dim3A : i32 to vector<16xi32>
    %add3A_73 = vector.broadcast %mul3A_17 : i32 to vector<16xi32>
    %add3A_74 = arith.addi %broadcast_in_dim3A_72, %add3A_73 : vector<16xi32>
    %add3A_75 = vector.broadcast %mul3A_20 : i32 to vector<16xi32>
    %add3A_76 = arith.addi %broadcast_in_dim3A_72, %add3A_75 : vector<16xi32>
    %add3A_77 = vector.broadcast %mul3A_15 : i32 to vector<16xi32>
    %add3A_78 = arith.addi %broadcast_in_dim3A_72, %add3A_77 : vector<16xi32>
    %dma_start3A_79 = arith.constant 0 : i32
    %dma_start3A_80 = tpu.memref_slice %arg5[%dma_start3A_79] : memref<8192xi32, #tpu.memory_space<vmem>> -> memref<4096xi32, #tpu.memory_space<vmem>>
    %dma_start3A_81 = arith.constant 0 : i32
    %dma_start3A_82 = tpu.memref_slice %arg3[%dma_start3A_81] : memref<16384xi32, #tpu.memory_space<hbm>> -> memref<4096xi32, #tpu.memory_space<hbm>>
    %dma_start3A_83 = arith.constant 0 : i32
    %dma_start3A_84 = tpu.memref_slice %arg5[%dma_start3A_83] : memref<8192xi32, #tpu.memory_space<vmem>> -> memref<4096xi32, #tpu.memory_space<vmem>>
    %dma_start3A_85 = arith.constant 0 : i32
    %dma_start3A_86 = tpu.memref_slice %arg3[%dma_start3A_85] : memref<16384xi32, #tpu.memory_space<hbm>> -> memref<4096xi32, #tpu.memory_space<hbm>>
    tpu.enqueue_dma source(%dma_start3A_86 : memref<4096xi32, #tpu.memory_space<hbm>>) target(%dma_start3A_84 : memref<4096xi32, #tpu.memory_space<vmem>>) target_semaphore(%arg12 : memref<!tpu.dma_semaphore, #tpu.memory_space<semaphore_mem>>)
    %dma_wait3A = arith.constant 0 : i32
    %dma_wait3A_87 = tpu.memref_slice %arg5[%dma_wait3A] : memref<8192xi32, #tpu.memory_space<vmem>> -> memref<4096xi32, #tpu.memory_space<vmem>>
    %dma_wait3A_88 = arith.constant 0 : i32
    %dma_wait3A_89 = tpu.memref_slice %arg3[%dma_wait3A_88] : memref<16384xi32, #tpu.memory_space<hbm>> -> memref<4096xi32, #tpu.memory_space<hbm>>
    %dma_wait3A_90 = arith.constant 0 : i32
    %dma_wait3A_91 = tpu.memref_slice %arg5[%dma_wait3A_90] : memref<8192xi32, #tpu.memory_space<vmem>> -> memref<4096xi32, #tpu.memory_space<vmem>>
    %dma_wait3A_92 = arith.constant 0 : i32
    %dma_wait3A_93 = tpu.memref_slice %arg3[%dma_wait3A_92] : memref<16384xi32, #tpu.memory_space<hbm>> -> memref<4096xi32, #tpu.memory_space<hbm>>
    tpu.wait_dma2 semaphore(%arg12 : memref<!tpu.dma_semaphore, #tpu.memory_space<semaphore_mem>>) src(%dma_wait3A_93 : memref<4096xi32, #tpu.memory_space<hbm>>) dst(%dma_wait3A_91 : memref<4096xi32, #tpu.memory_space<vmem>>)
    %dma_start3A_94 = arith.constant 4096 : i32
    %dma_start3A_95 = tpu.memref_slice %arg5[%dma_start3A_94] : memref<8192xi32, #tpu.memory_space<vmem>> -> memref<4096xi32, #tpu.memory_space<vmem>>
    %dma_start3A_96 = arith.constant 4096 : i32
    %dma_start3A_97 = tpu.memref_slice %arg3[%dma_start3A_96] : memref<16384xi32, #tpu.memory_space<hbm>> -> memref<4096xi32, #tpu.memory_space<hbm>>
    %dma_start3A_98 = arith.constant 4096 : i32
    %dma_start3A_99 = tpu.memref_slice %arg5[%dma_start3A_98] : memref<8192xi32, #tpu.memory_space<vmem>> -> memref<4096xi32, #tpu.memory_space<vmem>>
    %dma_start3A_100 = arith.constant 4096 : i32
    %dma_start3A_101 = tpu.memref_slice %arg3[%dma_start3A_100] : memref<16384xi32, #tpu.memory_space<hbm>> -> memref<4096xi32, #tpu.memory_space<hbm>>
    tpu.enqueue_dma source(%dma_start3A_101 : memref<4096xi32, #tpu.memory_space<hbm>>) target(%dma_start3A_99 : memref<4096xi32, #tpu.memory_space<vmem>>) target_semaphore(%arg12 : memref<!tpu.dma_semaphore, #tpu.memory_space<semaphore_mem>>)
    %scan3A = arith.constant 0 : i32
    %scan3A_102 = arith.constant 16416 : i32
    %scan3A_103 = arith.constant 0 : i32
    %scan3A_104 = arith.constant 128 : i32
    %scan3A_105 = arith.addi %scan3A_103, %scan3A_104 : i32
    %scan3A_106 = arith.constant 1 : i32
    %scan3A_107:2 = scf.for %scan3A_283 = %scan3A_103 to %scan3A_105 step %scan3A_106 iter_args(%scan3A_284 = %scan3A, %scan3A_285 = %scan3A_102) -> (i32, i32)  : i32 {
      %mul3A_286 = arith.constant 2 : i32
      %mul3A_287 = arith.muli %mul3A_286, %scan3A_283 : i32
      %add3A_288 = arith.constant 0 : i32
      %add3A_289 = arith.addi %mul3A_287, %add3A_288 : i32
      %mul3A_290 = arith.constant 16 : i32
      %mul3A_291 = arith.muli %add3A_289, %mul3A_290 : i32
      %add3A_292 = arith.constant 0 : i32
      %add3A_293 = arith.addi %add3A_292, %mul3A_291 : i32
      %get3A_294 = arith.index_cast %add3A_293 : i32 to index
      %get3A_295 = tpu.vector_load %arg5[%get3A_294] {strides = array<i32>} : memref<8192xi32, #tpu.memory_space<vmem>>, vector<16xi32>,
      %ge3A = arith.cmpi sge, %get3A_295, %add3A_74 : vector<16xi32>
      %lt3A_296 = arith.cmpi slt, %get3A_295, %add3A_76 : vector<16xi32>
      %and3A_297 = arith.andi %ge3A, %lt3A_296 : vector<16xi1>
      %all_reduce_population_count3A = tpu.all_reduce %and3A_297 {dim = 0 : i64, kind = #tpu.reduction_kind<sum>} : vector<16xi1> -> vector<16xi32>
      %mul3A_298 = arith.constant 16 : i32
      %mul3A_299 = arith.muli %add3A_289, %mul3A_298 : i32
      %add3A_300 = arith.constant 0 : i32
      %add3A_301 = arith.addi %add3A_300, %mul3A_299 : i32
      %add3A_302 = vector.broadcast %add3A_301 : i32 to vector<16xi32>
      %add3A_303 = arith.addi %iota3A, %add3A_302 : vector<16xi32>
      %sub3A_304 = arith.subi %get3A_295, %add3A_78 : vector<16xi32>
      %shift_left3A = arith.constant 14 : i32
      %shift_left3A_305 = vector.broadcast %shift_left3A : i32 to vector<16xi32>
      %shift_left3A_306 = arith.shli %sub3A_304, %shift_left3A_305 : vector<16xi32>
      %add3A_307 = arith.addi %add3A_303, %shift_left3A_306 : vector<16xi32>
      %slice3A_308 = vector.extract_strided_slice %all_reduce_population_count3A {offsets = [0], sizes = [1], strides = [1]} : vector<16xi32> to vector<1xi32>
      %squeeze3A_309 = vector.extract %slice3A_308[0] : i32 from vector<1xi32>
      %mul3A_310 = arith.constant 2 : i32
      %mul3A_311 = arith.muli %mul3A_310, %scan3A_283 : i32
      %add3A_312 = arith.constant 1 : i32
      %add3A_313 = arith.addi %mul3A_311, %add3A_312 : i32
      %mul3A_314 = arith.constant 16 : i32
      %mul3A_315 = arith.muli %add3A_313, %mul3A_314 : i32
      %add3A_316 = arith.constant 0 : i32
      %add3A_317 = arith.addi %add3A_316, %mul3A_315 : i32
      %get3A_318 = arith.index_cast %add3A_317 : i32 to index
      %get3A_319 = tpu.vector_load %arg5[%get3A_318] {strides = array<i32>} : memref<8192xi32, #tpu.memory_space<vmem>>, vector<16xi32>,
      %ge3A_320 = arith.cmpi sge, %get3A_319, %add3A_74 : vector<16xi32>
      %lt3A_321 = arith.cmpi slt, %get3A_319, %add3A_76 : vector<16xi32>
      %and3A_322 = arith.andi %ge3A_320, %lt3A_321 : vector<16xi1>
      %all_reduce_population_count3A_323 = tpu.all_reduce %and3A_322 {dim = 0 : i64, kind = #tpu.reduction_kind<sum>} : vector<16xi1> -> vector<16xi32>
      %mul3A_324 = arith.constant 16 : i32
      %mul3A_325 = arith.muli %add3A_313, %mul3A_324 : i32
      %add3A_326 = arith.constant 0 : i32
      %add3A_327 = arith.addi %add3A_326, %mul3A_325 : i32
      %add3A_328 = vector.broadcast %add3A_327 : i32 to vector<16xi32>
      %add3A_329 = arith.addi %iota3A, %add3A_328 : vector<16xi32>
      %sub3A_330 = arith.subi %get3A_319, %add3A_78 : vector<16xi32>
      %shift_left3A_331 = arith.constant 14 : i32
      %shift_left3A_332 = vector.broadcast %shift_left3A_331 : i32 to vector<16xi32>
      %shift_left3A_333 = arith.shli %sub3A_330, %shift_left3A_332 : vector<16xi32>
      %add3A_334 = arith.addi %add3A_329, %shift_left3A_333 : vector<16xi32>
      %slice3A_335 = vector.extract_strided_slice %all_reduce_population_count3A_323 {offsets = [0], sizes = [1], strides = [1]} : vector<16xi32> to vector<1xi32>
      %squeeze3A_336 = vector.extract %slice3A_335[0] : i32 from vector<1xi32>
      %swap3A = arith.index_cast %scan3A_284 : i32 to index
      %swap3A_337 = tpu.vector_load %arg7[%swap3A] masked %and3A_297 {strides = array<i32>} : memref<16416xi32, #tpu.memory_space<vmem>>, vector<16xi32>, vector<16xi1>
      tpu.vector_store %arg7[%swap3A], %add3A_307 masked %and3A_297 {strides = array<i32>} : memref<16416xi32, #tpu.memory_space<vmem>>, vector<16xi32>, vector<16xi1>
      %sub3A_338 = arith.subi %scan3A_285, %squeeze3A_336 : i32
      %swap3A_339 = arith.index_cast %sub3A_338 : i32 to index
      %swap3A_340 = tpu.vector_load %arg7[%swap3A_339] masked %and3A_322 {strides = array<i32>} : memref<16416xi32, #tpu.memory_space<vmem>>, vector<16xi32>, vector<16xi1>
      tpu.vector_store %arg7[%swap3A_339], %add3A_334 masked %and3A_322 {strides = array<i32>} : memref<16416xi32, #tpu.memory_space<vmem>>, vector<16xi32>, vector<16xi1>
      %add3A_341 = arith.addi %scan3A_284, %squeeze3A_309 : i32
      scf.yield %add3A_341, %sub3A_338 : i32, i32
    }
    %scan3A_108 = arith.constant 128 : i32
    %dma_wait3A_109 = arith.constant 4096 : i32
    %dma_wait3A_110 = tpu.memref_slice %arg5[%dma_wait3A_109] : memref<8192xi32, #tpu.memory_space<vmem>> -> memref<4096xi32, #tpu.memory_space<vmem>>
    %dma_wait3A_111 = arith.constant 4096 : i32
    %dma_wait3A_112 = tpu.memref_slice %arg3[%dma_wait3A_111] : memref<16384xi32, #tpu.memory_space<hbm>> -> memref<4096xi32, #tpu.memory_space<hbm>>
    %dma_wait3A_113 = arith.constant 4096 : i32
    %dma_wait3A_114 = tpu.memref_slice %arg5[%dma_wait3A_113] : memref<8192xi32, #tpu.memory_space<vmem>> -> memref<4096xi32, #tpu.memory_space<vmem>>
    %dma_wait3A_115 = arith.constant 4096 : i32
    %dma_wait3A_116 = tpu.memref_slice %arg3[%dma_wait3A_115] : memref<16384xi32, #tpu.memory_space<hbm>> -> memref<4096xi32, #tpu.memory_space<hbm>>
    tpu.wait_dma2 semaphore(%arg12 : memref<!tpu.dma_semaphore, #tpu.memory_space<semaphore_mem>>) src(%dma_wait3A_116 : memref<4096xi32, #tpu.memory_space<hbm>>) dst(%dma_wait3A_114 : memref<4096xi32, #tpu.memory_space<vmem>>)
    %dma_start3A_117 = arith.constant 0 : i32
    %dma_start3A_118 = tpu.memref_slice %arg5[%dma_start3A_117] : memref<8192xi32, #tpu.memory_space<vmem>> -> memref<4096xi32, #tpu.memory_space<vmem>>
    %dma_start3A_119 = arith.constant 8192 : i32
    %dma_start3A_120 = tpu.memref_slice %arg3[%dma_start3A_119] : memref<16384xi32, #tpu.memory_space<hbm>> -> memref<4096xi32, #tpu.memory_space<hbm>>
    %dma_start3A_121 = arith.constant 0 : i32
    %dma_start3A_122 = tpu.memref_slice %arg5[%dma_start3A_121] : memref<8192xi32, #tpu.memory_space<vmem>> -> memref<4096xi32, #tpu.memory_space<vmem>>
    %dma_start3A_123 = arith.constant 8192 : i32
    %dma_start3A_124 = tpu.memref_slice %arg3[%dma_start3A_123] : memref<16384xi32, #tpu.memory_space<hbm>> -> memref<4096xi32, #tpu.memory_space<hbm>>
    tpu.enqueue_dma source(%dma_start3A_124 : memref<4096xi32, #tpu.memory_space<hbm>>) target(%dma_start3A_122 : memref<4096xi32, #tpu.memory_space<vmem>>) target_semaphore(%arg12 : memref<!tpu.dma_semaphore, #tpu.memory_space<semaphore_mem>>)
    %scan3A_125 = arith.constant 0 : i32
    %scan3A_126 = arith.constant 128 : i32
    %scan3A_127 = arith.addi %scan3A_125, %scan3A_126 : i32
    %scan3A_128 = arith.constant 1 : i32
    %scan3A_129:2 = scf.for %scan3A_283 = %scan3A_125 to %scan3A_127 step %scan3A_128 iter_args(%scan3A_284 = %scan3A_107#0, %scan3A_285 = %scan3A_107#1) -> (i32, i32)  : i32 {
      %mul3A_286 = arith.constant 2 : i32
      %mul3A_287 = arith.muli %mul3A_286, %scan3A_283 : i32
      %add3A_288 = arith.constant 0 : i32
      %add3A_289 = arith.addi %mul3A_287, %add3A_288 : i32
      %mul3A_290 = arith.constant 16 : i32
      %mul3A_291 = arith.muli %add3A_289, %mul3A_290 : i32
      %add3A_292 = arith.constant 4096 : i32
      %add3A_293 = arith.addi %add3A_292, %mul3A_291 : i32
      %get3A_294 = arith.index_cast %add3A_293 : i32 to index
      %get3A_295 = tpu.vector_load %arg5[%get3A_294] {strides = array<i32>} : memref<8192xi32, #tpu.memory_space<vmem>>, vector<16xi32>,
      %ge3A = arith.cmpi sge, %get3A_295, %add3A_74 : vector<16xi32>
      %lt3A_296 = arith.cmpi slt, %get3A_295, %add3A_76 : vector<16xi32>
      %and3A_297 = arith.andi %ge3A, %lt3A_296 : vector<16xi1>
      %all_reduce_population_count3A = tpu.all_reduce %and3A_297 {dim = 0 : i64, kind = #tpu.reduction_kind<sum>} : vector<16xi1> -> vector<16xi32>
      %mul3A_298 = arith.constant 16 : i32
      %mul3A_299 = arith.muli %add3A_289, %mul3A_298 : i32
      %add3A_300 = arith.constant 4096 : i32
      %add3A_301 = arith.addi %add3A_300, %mul3A_299 : i32
      %add3A_302 = vector.broadcast %add3A_301 : i32 to vector<16xi32>
      %add3A_303 = arith.addi %iota3A, %add3A_302 : vector<16xi32>
      %sub3A_304 = arith.subi %get3A_295, %add3A_78 : vector<16xi32>
      %shift_left3A = arith.constant 14 : i32
      %shift_left3A_305 = vector.broadcast %shift_left3A : i32 to vector<16xi32>
      %shift_left3A_306 = arith.shli %sub3A_304, %shift_left3A_305 : vector<16xi32>
      %add3A_307 = arith.addi %add3A_303, %shift_left3A_306 : vector<16xi32>
      %slice3A_308 = vector.extract_strided_slice %all_reduce_population_count3A {offsets = [0], sizes = [1], strides = [1]} : vector<16xi32> to vector<1xi32>
      %squeeze3A_309 = vector.extract %slice3A_308[0] : i32 from vector<1xi32>
      %mul3A_310 = arith.constant 2 : i32
      %mul3A_311 = arith.muli %mul3A_310, %scan3A_283 : i32
      %add3A_312 = arith.constant 1 : i32
      %add3A_313 = arith.addi %mul3A_311, %add3A_312 : i32
      %mul3A_314 = arith.constant 16 : i32
      %mul3A_315 = arith.muli %add3A_313, %mul3A_314 : i32
      %add3A_316 = arith.constant 4096 : i32
      %add3A_317 = arith.addi %add3A_316, %mul3A_315 : i32
      %get3A_318 = arith.index_cast %add3A_317 : i32 to index
      %get3A_319 = tpu.vector_load %arg5[%get3A_318] {strides = array<i32>} : memref<8192xi32, #tpu.memory_space<vmem>>, vector<16xi32>,
      %ge3A_320 = arith.cmpi sge, %get3A_319, %add3A_74 : vector<16xi32>
      %lt3A_321 = arith.cmpi slt, %get3A_319, %add3A_76 : vector<16xi32>
      %and3A_322 = arith.andi %ge3A_320, %lt3A_321 : vector<16xi1>
      %all_reduce_population_count3A_323 = tpu.all_reduce %and3A_322 {dim = 0 : i64, kind = #tpu.reduction_kind<sum>} : vector<16xi1> -> vector<16xi32>
      %mul3A_324 = arith.constant 16 : i32
      %mul3A_325 = arith.muli %add3A_313, %mul3A_324 : i32
      %add3A_326 = arith.constant 4096 : i32
      %add3A_327 = arith.addi %add3A_326, %mul3A_325 : i32
      %add3A_328 = vector.broadcast %add3A_327 : i32 to vector<16xi32>
      %add3A_329 = arith.addi %iota3A, %add3A_328 : vector<16xi32>
      %sub3A_330 = arith.subi %get3A_319, %add3A_78 : vector<16xi32>
      %shift_left3A_331 = arith.constant 14 : i32
      %shift_left3A_332 = vector.broadcast %shift_left3A_331 : i32 to vector<16xi32>
      %shift_left3A_333 = arith.shli %sub3A_330, %shift_left3A_332 : vector<16xi32>
      %add3A_334 = arith.addi %add3A_329, %shift_left3A_333 : vector<16xi32>
      %slice3A_335 = vector.extract_strided_slice %all_reduce_population_count3A_323 {offsets = [0], sizes = [1], strides = [1]} : vector<16xi32> to vector<1xi32>
      %squeeze3A_336 = vector.extract %slice3A_335[0] : i32 from vector<1xi32>
      %swap3A = arith.index_cast %scan3A_284 : i32 to index
      %swap3A_337 = tpu.vector_load %arg7[%swap3A] masked %and3A_297 {strides = array<i32>} : memref<16416xi32, #tpu.memory_space<vmem>>, vector<16xi32>, vector<16xi1>
      tpu.vector_store %arg7[%swap3A], %add3A_307 masked %and3A_297 {strides = array<i32>} : memref<16416xi32, #tpu.memory_space<vmem>>, vector<16xi32>, vector<16xi1>
      %sub3A_338 = arith.subi %scan3A_285, %squeeze3A_336 : i32
      %swap3A_339 = arith.index_cast %sub3A_338 : i32 to index
      %swap3A_340 = tpu.vector_load %arg7[%swap3A_339] masked %and3A_322 {strides = array<i32>} : memref<16416xi32, #tpu.memory_space<vmem>>, vector<16xi32>, vector<16xi1>
      tpu.vector_store %arg7[%swap3A_339], %add3A_334 masked %and3A_322 {strides = array<i32>} : memref<16416xi32, #tpu.memory_space<vmem>>, vector<16xi32>, vector<16xi1>
      %add3A_341 = arith.addi %scan3A_284, %squeeze3A_309 : i32
      scf.yield %add3A_341, %sub3A_338 : i32, i32
    }
    %scan3A_130 = arith.constant 128 : i32
    %dma_wait3A_131 = arith.constant 0 : i32
    %dma_wait3A_132 = tpu.memref_slice %arg5[%dma_wait3A_131] : memref<8192xi32, #tpu.memory_space<vmem>> -> memref<4096xi32, #tpu.memory_space<vmem>>
    %dma_wait3A_133 = arith.constant 8192 : i32
    %dma_wait3A_134 = tpu.memref_slice %arg3[%dma_wait3A_133] : memref<16384xi32, #tpu.memory_space<hbm>> -> memref<4096xi32, #tpu.memory_space<hbm>>
    %dma_wait3A_135 = arith.constant 0 : i32
    %dma_wait3A_136 = tpu.memref_slice %arg5[%dma_wait3A_135] : memref<8192xi32, #tpu.memory_space<vmem>> -> memref<4096xi32, #tpu.memory_space<vmem>>
    %dma_wait3A_137 = arith.constant 8192 : i32
    %dma_wait3A_138 = tpu.memref_slice %arg3[%dma_wait3A_137] : memref<16384xi32, #tpu.memory_space<hbm>> -> memref<4096xi32, #tpu.memory_space<hbm>>
    tpu.wait_dma2 semaphore(%arg12 : memref<!tpu.dma_semaphore, #tpu.memory_space<semaphore_mem>>) src(%dma_wait3A_138 : memref<4096xi32, #tpu.memory_space<hbm>>) dst(%dma_wait3A_136 : memref<4096xi32, #tpu.memory_space<vmem>>)
    %dma_start3A_139 = arith.constant 4096 : i32
    %dma_start3A_140 = tpu.memref_slice %arg5[%dma_start3A_139] : memref<8192xi32, #tpu.memory_space<vmem>> -> memref<4096xi32, #tpu.memory_space<vmem>>
    %dma_start3A_141 = arith.constant 12288 : i32
    %dma_start3A_142 = tpu.memref_slice %arg3[%dma_start3A_141] : memref<16384xi32, #tpu.memory_space<hbm>> -> memref<4096xi32, #tpu.memory_space<hbm>>
    %dma_start3A_143 = arith.constant 4096 : i32
    %dma_start3A_144 = tpu.memref_slice %arg5[%dma_start3A_143] : memref<8192xi32, #tpu.memory_space<vmem>> -> memref<4096xi32, #tpu.memory_space<vmem>>
    %dma_start3A_145 = arith.constant 12288 : i32
    %dma_start3A_146 = tpu.memref_slice %arg3[%dma_start3A_145] : memref<16384xi32, #tpu.memory_space<hbm>> -> memref<4096xi32, #tpu.memory_space<hbm>>
    tpu.enqueue_dma source(%dma_start3A_146 : memref<4096xi32, #tpu.memory_space<hbm>>) target(%dma_start3A_144 : memref<4096xi32, #tpu.memory_space<vmem>>) target_semaphore(%arg12 : memref<!tpu.dma_semaphore, #tpu.memory_space<semaphore_mem>>)
    %scan3A_147 = arith.constant 0 : i32
    %scan3A_148 = arith.constant 128 : i32
    %scan3A_149 = arith.addi %scan3A_147, %scan3A_148 : i32
    %scan3A_150 = arith.constant 1 : i32
    %scan3A_151:2 = scf.for %scan3A_283 = %scan3A_147 to %scan3A_149 step %scan3A_150 iter_args(%scan3A_284 = %scan3A_129#0, %scan3A_285 = %scan3A_129#1) -> (i32, i32)  : i32 {
      %mul3A_286 = arith.constant 2 : i32
      %mul3A_287 = arith.muli %mul3A_286, %scan3A_283 : i32
      %add3A_288 = arith.constant 0 : i32
      %add3A_289 = arith.addi %mul3A_287, %add3A_288 : i32
      %mul3A_290 = arith.constant 16 : i32
      %mul3A_291 = arith.muli %add3A_289, %mul3A_290 : i32
      %add3A_292 = arith.constant 0 : i32
      %add3A_293 = arith.addi %add3A_292, %mul3A_291 : i32
      %get3A_294 = arith.index_cast %add3A_293 : i32 to index
      %get3A_295 = tpu.vector_load %arg5[%get3A_294] {strides = array<i32>} : memref<8192xi32, #tpu.memory_space<vmem>>, vector<16xi32>,
      %ge3A = arith.cmpi sge, %get3A_295, %add3A_74 : vector<16xi32>
      %lt3A_296 = arith.cmpi slt, %get3A_295, %add3A_76 : vector<16xi32>
      %and3A_297 = arith.andi %ge3A, %lt3A_296 : vector<16xi1>
      %all_reduce_population_count3A = tpu.all_reduce %and3A_297 {dim = 0 : i64, kind = #tpu.reduction_kind<sum>} : vector<16xi1> -> vector<16xi32>
      %mul3A_298 = arith.constant 16 : i32
      %mul3A_299 = arith.muli %add3A_289, %mul3A_298 : i32
      %add3A_300 = arith.constant 8192 : i32
      %add3A_301 = arith.addi %add3A_300, %mul3A_299 : i32
      %add3A_302 = vector.broadcast %add3A_301 : i32 to vector<16xi32>
      %add3A_303 = arith.addi %iota3A, %add3A_302 : vector<16xi32>
      %sub3A_304 = arith.subi %get3A_295, %add3A_78 : vector<16xi32>
      %shift_left3A = arith.constant 14 : i32
      %shift_left3A_305 = vector.broadcast %shift_left3A : i32 to vector<16xi32>
      %shift_left3A_306 = arith.shli %sub3A_304, %shift_left3A_305 : vector<16xi32>
      %add3A_307 = arith.addi %add3A_303, %shift_left3A_306 : vector<16xi32>
      %slice3A_308 = vector.extract_strided_slice %all_reduce_population_count3A {offsets = [0], sizes = [1], strides = [1]} : vector<16xi32> to vector<1xi32>
      %squeeze3A_309 = vector.extract %slice3A_308[0] : i32 from vector<1xi32>
      %mul3A_310 = arith.constant 2 : i32
      %mul3A_311 = arith.muli %mul3A_310, %scan3A_283 : i32
      %add3A_312 = arith.constant 1 : i32
      %add3A_313 = arith.addi %mul3A_311, %add3A_312 : i32
      %mul3A_314 = arith.constant 16 : i32
      %mul3A_315 = arith.muli %add3A_313, %mul3A_314 : i32
      %add3A_316 = arith.constant 0 : i32
      %add3A_317 = arith.addi %add3A_316, %mul3A_315 : i32
      %get3A_318 = arith.index_cast %add3A_317 : i32 to index
      %get3A_319 = tpu.vector_load %arg5[%get3A_318] {strides = array<i32>} : memref<8192xi32, #tpu.memory_space<vmem>>, vector<16xi32>,
      %ge3A_320 = arith.cmpi sge, %get3A_319, %add3A_74 : vector<16xi32>
      %lt3A_321 = arith.cmpi slt, %get3A_319, %add3A_76 : vector<16xi32>
      %and3A_322 = arith.andi %ge3A_320, %lt3A_321 : vector<16xi1>
      %all_reduce_population_count3A_323 = tpu.all_reduce %and3A_322 {dim = 0 : i64, kind = #tpu.reduction_kind<sum>} : vector<16xi1> -> vector<16xi32>
      %mul3A_324 = arith.constant 16 : i32
      %mul3A_325 = arith.muli %add3A_313, %mul3A_324 : i32
      %add3A_326 = arith.constant 8192 : i32
      %add3A_327 = arith.addi %add3A_326, %mul3A_325 : i32
      %add3A_328 = vector.broadcast %add3A_327 : i32 to vector<16xi32>
      %add3A_329 = arith.addi %iota3A, %add3A_328 : vector<16xi32>
      %sub3A_330 = arith.subi %get3A_319, %add3A_78 : vector<16xi32>
      %shift_left3A_331 = arith.constant 14 : i32
      %shift_left3A_332 = vector.broadcast %shift_left3A_331 : i32 to vector<16xi32>
      %shift_left3A_333 = arith.shli %sub3A_330, %shift_left3A_332 : vector<16xi32>
      %add3A_334 = arith.addi %add3A_329, %shift_left3A_333 : vector<16xi32>
      %slice3A_335 = vector.extract_strided_slice %all_reduce_population_count3A_323 {offsets = [0], sizes = [1], strides = [1]} : vector<16xi32> to vector<1xi32>
      %squeeze3A_336 = vector.extract %slice3A_335[0] : i32 from vector<1xi32>
      %swap3A = arith.index_cast %scan3A_284 : i32 to index
      %swap3A_337 = tpu.vector_load %arg7[%swap3A] masked %and3A_297 {strides = array<i32>} : memref<16416xi32, #tpu.memory_space<vmem>>, vector<16xi32>, vector<16xi1>
      tpu.vector_store %arg7[%swap3A], %add3A_307 masked %and3A_297 {strides = array<i32>} : memref<16416xi32, #tpu.memory_space<vmem>>, vector<16xi32>, vector<16xi1>
      %sub3A_338 = arith.subi %scan3A_285, %squeeze3A_336 : i32
      %swap3A_339 = arith.index_cast %sub3A_338 : i32 to index
      %swap3A_340 = tpu.vector_load %arg7[%swap3A_339] masked %and3A_322 {strides = array<i32>} : memref<16416xi32, #tpu.memory_space<vmem>>, vector<16xi32>, vector<16xi1>
      tpu.vector_store %arg7[%swap3A_339], %add3A_334 masked %and3A_322 {strides = array<i32>} : memref<16416xi32, #tpu.memory_space<vmem>>, vector<16xi32>, vector<16xi1>
      %add3A_341 = arith.addi %scan3A_284, %squeeze3A_309 : i32
      scf.yield %add3A_341, %sub3A_338 : i32, i32
    }
    %scan3A_152 = arith.constant 128 : i32
    %dma_wait3A_153 = arith.constant 4096 : i32
    %dma_wait3A_154 = tpu.memref_slice %arg5[%dma_wait3A_153] : memref<8192xi32, #tpu.memory_space<vmem>> -> memref<4096xi32, #tpu.memory_space<vmem>>
    %dma_wait3A_155 = arith.constant 12288 : i32
    %dma_wait3A_156 = tpu.memref_slice %arg3[%dma_wait3A_155] : memref<16384xi32, #tpu.memory_space<hbm>> -> memref<4096xi32, #tpu.memory_space<hbm>>
    %dma_wait3A_157 = arith.constant 4096 : i32
    %dma_wait3A_158 = tpu.memref_slice %arg5[%dma_wait3A_157] : memref<8192xi32, #tpu.memory_space<vmem>> -> memref<4096xi32, #tpu.memory_space<vmem>>
    %dma_wait3A_159 = arith.constant 12288 : i32
    %dma_wait3A_160 = tpu.memref_slice %arg3[%dma_wait3A_159] : memref<16384xi32, #tpu.memory_space<hbm>> -> memref<4096xi32, #tpu.memory_space<hbm>>
    tpu.wait_dma2 semaphore(%arg12 : memref<!tpu.dma_semaphore, #tpu.memory_space<semaphore_mem>>) src(%dma_wait3A_160 : memref<4096xi32, #tpu.memory_space<hbm>>) dst(%dma_wait3A_158 : memref<4096xi32, #tpu.memory_space<vmem>>)
    %scan3A_161 = arith.constant 0 : i32
    %scan3A_162 = arith.constant 128 : i32
    %scan3A_163 = arith.addi %scan3A_161, %scan3A_162 : i32
    %scan3A_164 = arith.constant 1 : i32
    %scan3A_165:2 = scf.for %scan3A_283 = %scan3A_161 to %scan3A_163 step %scan3A_164 iter_args(%scan3A_284 = %scan3A_151#0, %scan3A_285 = %scan3A_151#1) -> (i32, i32)  : i32 {
      %mul3A_286 = arith.constant 2 : i32
      %mul3A_287 = arith.muli %mul3A_286, %scan3A_283 : i32
      %add3A_288 = arith.constant 0 : i32
      %add3A_289 = arith.addi %mul3A_287, %add3A_288 : i32
      %mul3A_290 = arith.constant 16 : i32
      %mul3A_291 = arith.muli %add3A_289, %mul3A_290 : i32
      %add3A_292 = arith.constant 4096 : i32
      %add3A_293 = arith.addi %add3A_292, %mul3A_291 : i32
      %get3A_294 = arith.index_cast %add3A_293 : i32 to index
      %get3A_295 = tpu.vector_load %arg5[%get3A_294] {strides = array<i32>} : memref<8192xi32, #tpu.memory_space<vmem>>, vector<16xi32>,
      %ge3A = arith.cmpi sge, %get3A_295, %add3A_74 : vector<16xi32>
      %lt3A_296 = arith.cmpi slt, %get3A_295, %add3A_76 : vector<16xi32>
      %and3A_297 = arith.andi %ge3A, %lt3A_296 : vector<16xi1>
      %all_reduce_population_count3A = tpu.all_reduce %and3A_297 {dim = 0 : i64, kind = #tpu.reduction_kind<sum>} : vector<16xi1> -> vector<16xi32>
      %mul3A_298 = arith.constant 16 : i32
      %mul3A_299 = arith.muli %add3A_289, %mul3A_298 : i32
      %add3A_300 = arith.constant 12288 : i32
      %add3A_301 = arith.addi %add3A_300, %mul3A_299 : i32
      %add3A_302 = vector.broadcast %add3A_301 : i32 to vector<16xi32>
      %add3A_303 = arith.addi %iota3A, %add3A_302 : vector<16xi32>
      %sub3A_304 = arith.subi %get3A_295, %add3A_78 : vector<16xi32>
      %shift_left3A = arith.constant 14 : i32
      %shift_left3A_305 = vector.broadcast %shift_left3A : i32 to vector<16xi32>
      %shift_left3A_306 = arith.shli %sub3A_304, %shift_left3A_305 : vector<16xi32>
      %add3A_307 = arith.addi %add3A_303, %shift_left3A_306 : vector<16xi32>
      %slice3A_308 = vector.extract_strided_slice %all_reduce_population_count3A {offsets = [0], sizes = [1], strides = [1]} : vector<16xi32> to vector<1xi32>
      %squeeze3A_309 = vector.extract %slice3A_308[0] : i32 from vector<1xi32>
      %mul3A_310 = arith.constant 2 : i32
      %mul3A_311 = arith.muli %mul3A_310, %scan3A_283 : i32
      %add3A_312 = arith.constant 1 : i32
      %add3A_313 = arith.addi %mul3A_311, %add3A_312 : i32
      %mul3A_314 = arith.constant 16 : i32
      %mul3A_315 = arith.muli %add3A_313, %mul3A_314 : i32
      %add3A_316 = arith.constant 4096 : i32
      %add3A_317 = arith.addi %add3A_316, %mul3A_315 : i32
      %get3A_318 = arith.index_cast %add3A_317 : i32 to index
      %get3A_319 = tpu.vector_load %arg5[%get3A_318] {strides = array<i32>} : memref<8192xi32, #tpu.memory_space<vmem>>, vector<16xi32>,
      %ge3A_320 = arith.cmpi sge, %get3A_319, %add3A_74 : vector<16xi32>
      %lt3A_321 = arith.cmpi slt, %get3A_319, %add3A_76 : vector<16xi32>
      %and3A_322 = arith.andi %ge3A_320, %lt3A_321 : vector<16xi1>
      %all_reduce_population_count3A_323 = tpu.all_reduce %and3A_322 {dim = 0 : i64, kind = #tpu.reduction_kind<sum>} : vector<16xi1> -> vector<16xi32>
      %mul3A_324 = arith.constant 16 : i32
      %mul3A_325 = arith.muli %add3A_313, %mul3A_324 : i32
      %add3A_326 = arith.constant 12288 : i32
      %add3A_327 = arith.addi %add3A_326, %mul3A_325 : i32
      %add3A_328 = vector.broadcast %add3A_327 : i32 to vector<16xi32>
      %add3A_329 = arith.addi %iota3A, %add3A_328 : vector<16xi32>
      %sub3A_330 = arith.subi %get3A_319, %add3A_78 : vector<16xi32>
      %shift_left3A_331 = arith.constant 14 : i32
      %shift_left3A_332 = vector.broadcast %shift_left3A_331 : i32 to vector<16xi32>
      %shift_left3A_333 = arith.shli %sub3A_330, %shift_left3A_332 : vector<16xi32>
      %add3A_334 = arith.addi %add3A_329, %shift_left3A_333 : vector<16xi32>
      %slice3A_335 = vector.extract_strided_slice %all_reduce_population_count3A_323 {offsets = [0], sizes = [1], strides = [1]} : vector<16xi32> to vector<1xi32>
      %squeeze3A_336 = vector.extract %slice3A_335[0] : i32 from vector<1xi32>
      %swap3A = arith.index_cast %scan3A_284 : i32 to index
      %swap3A_337 = tpu.vector_load %arg7[%swap3A] masked %and3A_297 {strides = array<i32>} : memref<16416xi32, #tpu.memory_space<vmem>>, vector<16xi32>, vector<16xi1>
      tpu.vector_store %arg7[%swap3A], %add3A_307 masked %and3A_297 {strides = array<i32>} : memref<16416xi32, #tpu.memory_space<vmem>>, vector<16xi32>, vector<16xi1>
      %sub3A_338 = arith.subi %scan3A_285, %squeeze3A_336 : i32
      %swap3A_339 = arith.index_cast %sub3A_338 : i32 to index
      %swap3A_340 = tpu.vector_load %arg7[%swap3A_339] masked %and3A_322 {strides = array<i32>} : memref<16416xi32, #tpu.memory_space<vmem>>, vector<16xi32>, vector<16xi1>
      tpu.vector_store %arg7[%swap3A_339], %add3A_334 masked %and3A_322 {strides = array<i32>} : memref<16416xi32, #tpu.memory_space<vmem>>, vector<16xi32>, vector<16xi1>
      %add3A_341 = arith.addi %scan3A_284, %squeeze3A_309 : i32
      scf.yield %add3A_341, %sub3A_338 : i32, i32
    }
    %scan3A_166 = arith.constant 128 : i32
    %get3A = arith.constant 0 : index
    %get3A_167 = tpu.vector_load %arg7[%get3A] {strides = array<i32>} : memref<16416xi32, #tpu.memory_space<vmem>>, vector<16xi32>,
    %slice3A = vector.extract_strided_slice %get3A_167 {offsets = [0], sizes = [1], strides = [1]} : vector<16xi32> to vector<1xi32>
    %squeeze3A = vector.extract %slice3A[0] : i32 from vector<1xi32>
    %add3A_168 = vector.broadcast %squeeze3A : i32 to vector<16xi32>
    %add3A_169 = arith.addi %broadcast_in_dim3A_72, %add3A_168 : vector<16xi32>
    %gt3A = arith.constant 0 : i32
    %gt3A_170 = arith.cmpi sgt, %scan3A_165#0, %gt3A : i32
    %convert_element_type3A = arith.extui %gt3A_170 : i1 to i32
    %cond3A = arith.constant 0 : i32
    %cond3A_171 = arith.cmpi ne, %convert_element_type3A, %cond3A : i32
    scf.if %cond3A_171 {
      %swap3A = arith.index_cast %scan3A_165#0 : i32 to index
      %swap3A_283 = tpu.vector_load %arg7[%swap3A] {strides = array<i32>} : memref<16416xi32, #tpu.memory_space<vmem>>, vector<16xi32>,
      tpu.vector_store %arg7[%swap3A], %add3A_169 {strides = array<i32>} : memref<16416xi32, #tpu.memory_space<vmem>>, vector<16xi32>,
    } else {
    }
    %get3A_172 = arith.index_cast %scan3A_165#1 : i32 to index
    %get3A_173 = tpu.vector_load %arg7[%get3A_172] {strides = array<i32>} : memref<16416xi32, #tpu.memory_space<vmem>>, vector<16xi32>,
    %slice3A_174 = vector.extract_strided_slice %get3A_173 {offsets = [0], sizes = [1], strides = [1]} : vector<16xi32> to vector<1xi32>
    %squeeze3A_175 = vector.extract %slice3A_174[0] : i32 from vector<1xi32>
    %add3A_176 = vector.broadcast %squeeze3A_175 : i32 to vector<16xi32>
    %add3A_177 = arith.addi %broadcast_in_dim3A_72, %add3A_176 : vector<16xi32>
    %lt3A_178 = arith.constant 16416 : i32
    %lt3A_179 = arith.cmpi slt, %scan3A_165#1, %lt3A_178 : i32
    %convert_element_type3A_180 = arith.extui %lt3A_179 : i1 to i32
    %cond3A_181 = arith.constant 0 : i32
    %cond3A_182 = arith.cmpi ne, %convert_element_type3A_180, %cond3A_181 : i32
    scf.if %cond3A_182 {
      %sub3A_283 = arith.constant 16 : i32
      %sub3A_284 = arith.subi %scan3A_165#1, %sub3A_283 : i32
      %swap3A = arith.index_cast %sub3A_284 : i32 to index
      %swap3A_285 = tpu.vector_load %arg7[%swap3A] {strides = array<i32>} : memref<16416xi32, #tpu.memory_space<vmem>>, vector<16xi32>,
      tpu.vector_store %arg7[%swap3A], %add3A_177 {strides = array<i32>} : memref<16416xi32, #tpu.memory_space<vmem>>, vector<16xi32>,
    } else {
    }
    %dma_wait3A_183 = arith.constant 0 : i32
    %dma_wait3A_184 = arith.constant 0 : i32
    %dma_wait3A_185 = arith.constant 0 : i32
    %dma_wait3A_186 = tpu.memref_slice %arg6[%dma_wait3A_183, %dma_wait3A_184, %dma_wait3A_185] : memref<4x8x3200xf32, #tpu.memory_space<vmem>> -> memref<1x8x3200xf32, #tpu.memory_space<vmem>>
    %dma_wait3A_187 = tpu.memref_squeeze %dma_wait3A_186 : memref<1x8x3200xf32, #tpu.memory_space<vmem>> -> memref<8x3200xf32, #tpu.memory_space<vmem>>
    %dma_wait3A_188 = arith.constant 0 : i32
    %dma_wait3A_189 = tpu.memref_slice %arg2[%dma_wait3A_188, %mul3A_15] : memref<32x100001xf32, #tpu.memory_space<hbm>> -> memref<8x3200xf32, #tpu.memory_space<hbm>>
    %dma_wait3A_190 = arith.constant 0 : i32
    %dma_wait3A_191 = arith.constant 0 : i32
    %dma_wait3A_192 = tpu.memref_slice %arg6[%dma_wait3A_183, %dma_wait3A_190, %dma_wait3A_191] : memref<4x8x3200xf32, #tpu.memory_space<vmem>> -> memref<1x8x3200xf32, #tpu.memory_space<vmem>>
    %dma_wait3A_193 = tpu.memref_squeeze %dma_wait3A_192 : memref<1x8x3200xf32, #tpu.memory_space<vmem>> -> memref<8x3200xf32, #tpu.memory_space<vmem>>
    %dma_wait3A_194 = arith.constant 0 : i32
    %dma_wait3A_195 = tpu.memref_slice %arg2[%dma_wait3A_194, %mul3A_15] : memref<32x100001xf32, #tpu.memory_space<hbm>> -> memref<8x3200xf32, #tpu.memory_space<hbm>>
    tpu.wait_dma2 semaphore(%arg10 : memref<!tpu.dma_semaphore, #tpu.memory_space<semaphore_mem>>) src(%dma_wait3A_195 : memref<8x3200xf32, #tpu.memory_space<hbm>>) dst(%dma_wait3A_193 : memref<8x3200xf32, #tpu.memory_space<vmem>>)
    %dma_wait3A_196 = arith.constant 1 : i32
    %dma_wait3A_197 = arith.constant 0 : i32
    %dma_wait3A_198 = arith.constant 0 : i32
    %dma_wait3A_199 = tpu.memref_slice %arg6[%dma_wait3A_196, %dma_wait3A_197, %dma_wait3A_198] : memref<4x8x3200xf32, #tpu.memory_space<vmem>> -> memref<1x8x3200xf32, #tpu.memory_space<vmem>>
    %dma_wait3A_200 = tpu.memref_squeeze %dma_wait3A_199 : memref<1x8x3200xf32, #tpu.memory_space<vmem>> -> memref<8x3200xf32, #tpu.memory_space<vmem>>
    %dma_wait3A_201 = arith.constant 8 : i32
    %dma_wait3A_202 = tpu.memref_slice %arg2[%dma_wait3A_201, %mul3A_15] : memref<32x100001xf32, #tpu.memory_space<hbm>> -> memref<8x3200xf32, #tpu.memory_space<hbm>>
    %dma_wait3A_203 = arith.constant 0 : i32
    %dma_wait3A_204 = arith.constant 0 : i32
    %dma_wait3A_205 = tpu.memref_slice %arg6[%dma_wait3A_196, %dma_wait3A_203, %dma_wait3A_204] : memref<4x8x3200xf32, #tpu.memory_space<vmem>> -> memref<1x8x3200xf32, #tpu.memory_space<vmem>>
    %dma_wait3A_206 = tpu.memref_squeeze %dma_wait3A_205 : memref<1x8x3200xf32, #tpu.memory_space<vmem>> -> memref<8x3200xf32, #tpu.memory_space<vmem>>
    %dma_wait3A_207 = arith.constant 8 : i32
    %dma_wait3A_208 = tpu.memref_slice %arg2[%dma_wait3A_207, %mul3A_15] : memref<32x100001xf32, #tpu.memory_space<hbm>> -> memref<8x3200xf32, #tpu.memory_space<hbm>>
    tpu.wait_dma2 semaphore(%arg10 : memref<!tpu.dma_semaphore, #tpu.memory_space<semaphore_mem>>) src(%dma_wait3A_208 : memref<8x3200xf32, #tpu.memory_space<hbm>>) dst(%dma_wait3A_206 : memref<8x3200xf32, #tpu.memory_space<vmem>>)
    %dma_wait3A_209 = arith.constant 2 : i32
    %dma_wait3A_210 = arith.constant 0 : i32
    %dma_wait3A_211 = arith.constant 0 : i32
    %dma_wait3A_212 = tpu.memref_slice %arg6[%dma_wait3A_209, %dma_wait3A_210, %dma_wait3A_211] : memref<4x8x3200xf32, #tpu.memory_space<vmem>> -> memref<1x8x3200xf32, #tpu.memory_space<vmem>>
    %dma_wait3A_213 = tpu.memref_squeeze %dma_wait3A_212 : memref<1x8x3200xf32, #tpu.memory_space<vmem>> -> memref<8x3200xf32, #tpu.memory_space<vmem>>
    %dma_wait3A_214 = arith.constant 16 : i32
    %dma_wait3A_215 = tpu.memref_slice %arg2[%dma_wait3A_214, %mul3A_15] : memref<32x100001xf32, #tpu.memory_space<hbm>> -> memref<8x3200xf32, #tpu.memory_space<hbm>>
    %dma_wait3A_216 = arith.constant 0 : i32
    %dma_wait3A_217 = arith.constant 0 : i32
    %dma_wait3A_218 = tpu.memref_slice %arg6[%dma_wait3A_209, %dma_wait3A_216, %dma_wait3A_217] : memref<4x8x3200xf32, #tpu.memory_space<vmem>> -> memref<1x8x3200xf32, #tpu.memory_space<vmem>>
    %dma_wait3A_219 = tpu.memref_squeeze %dma_wait3A_218 : memref<1x8x3200xf32, #tpu.memory_space<vmem>> -> memref<8x3200xf32, #tpu.memory_space<vmem>>
    %dma_wait3A_220 = arith.constant 16 : i32
    %dma_wait3A_221 = tpu.memref_slice %arg2[%dma_wait3A_220, %mul3A_15] : memref<32x100001xf32, #tpu.memory_space<hbm>> -> memref<8x3200xf32, #tpu.memory_space<hbm>>
    tpu.wait_dma2 semaphore(%arg10 : memref<!tpu.dma_semaphore, #tpu.memory_space<semaphore_mem>>) src(%dma_wait3A_221 : memref<8x3200xf32, #tpu.memory_space<hbm>>) dst(%dma_wait3A_219 : memref<8x3200xf32, #tpu.memory_space<vmem>>)
    %dma_wait3A_222 = arith.constant 3 : i32
    %dma_wait3A_223 = arith.constant 0 : i32
    %dma_wait3A_224 = arith.constant 0 : i32
    %dma_wait3A_225 = tpu.memref_slice %arg6[%dma_wait3A_222, %dma_wait3A_223, %dma_wait3A_224] : memref<4x8x3200xf32, #tpu.memory_space<vmem>> -> memref<1x8x3200xf32, #tpu.memory_space<vmem>>
    %dma_wait3A_226 = tpu.memref_squeeze %dma_wait3A_225 : memref<1x8x3200xf32, #tpu.memory_space<vmem>> -> memref<8x3200xf32, #tpu.memory_space<vmem>>
    %dma_wait3A_227 = arith.constant 24 : i32
    %dma_wait3A_228 = tpu.memref_slice %arg2[%dma_wait3A_227, %mul3A_15] : memref<32x100001xf32, #tpu.memory_space<hbm>> -> memref<8x3200xf32, #tpu.memory_space<hbm>>
    %dma_wait3A_229 = arith.constant 0 : i32
    %dma_wait3A_230 = arith.constant 0 : i32
    %dma_wait3A_231 = tpu.memref_slice %arg6[%dma_wait3A_222, %dma_wait3A_229, %dma_wait3A_230] : memref<4x8x3200xf32, #tpu.memory_space<vmem>> -> memref<1x8x3200xf32, #tpu.memory_space<vmem>>
    %dma_wait3A_232 = tpu.memref_squeeze %dma_wait3A_231 : memref<1x8x3200xf32, #tpu.memory_space<vmem>> -> memref<8x3200xf32, #tpu.memory_space<vmem>>
    %dma_wait3A_233 = arith.constant 24 : i32
    %dma_wait3A_234 = tpu.memref_slice %arg2[%dma_wait3A_233, %mul3A_15] : memref<32x100001xf32, #tpu.memory_space<hbm>> -> memref<8x3200xf32, #tpu.memory_space<hbm>>
    tpu.wait_dma2 semaphore(%arg10 : memref<!tpu.dma_semaphore, #tpu.memory_space<semaphore_mem>>) src(%dma_wait3A_234 : memref<8x3200xf32, #tpu.memory_space<hbm>>) dst(%dma_wait3A_232 : memref<8x3200xf32, #tpu.memory_space<vmem>>)
    %add3A_235 = arith.constant 0 : i32
    %add3A_236 = vector.broadcast %add3A_235 : i32 to vector<16xi32>
    %add3A_237 = arith.addi %iota3A, %add3A_236 : vector<16xi32>
    %shift_right_logical3A = arith.constant 3 : i32
    %shift_right_logical3A_238 = vector.broadcast %shift_right_logical3A : i32 to vector<16xi32>
    %shift_right_logical3A_239 = arith.shrui %add3A_237, %shift_right_logical3A_238 : vector<16xi32>
    %and3A = arith.constant 7 : i32
    %and3A_240 = vector.broadcast %and3A : i32 to vector<16xi32>
    %and3A_241 = arith.andi %add3A_237, %and3A_240 : vector<16xi32>
    %add3A_242 = arith.constant 16 : i32
    %add3A_243 = vector.broadcast %add3A_242 : i32 to vector<16xi32>
    %add3A_244 = arith.addi %iota3A, %add3A_243 : vector<16xi32>
    %shift_right_logical3A_245 = arith.constant 3 : i32
    %shift_right_logical3A_246 = vector.broadcast %shift_right_logical3A_245 : i32 to vector<16xi32>
    %shift_right_logical3A_247 = arith.shrui %add3A_244, %shift_right_logical3A_246 : vector<16xi32>
    %and3A_248 = arith.constant 7 : i32
    %and3A_249 = vector.broadcast %and3A_248 : i32 to vector<16xi32>
    %and3A_250 = arith.andi %add3A_244, %and3A_249 : vector<16xi32>
    %add3A_251 = arith.constant 16383 : i32
    %add3A_252 = vector.broadcast %add3A_251 : i32 to vector<16xi32>
    %add3A_253 = arith.addi %broadcast_in_dim3A_72, %add3A_252 : vector<16xi32>
    %add3A_254 = arith.constant 15 : i32
    %add3A_255 = arith.addi %scan3A_165#0, %add3A_254 : i32
    %shift_right_logical3A_256 = arith.constant 4 : i32
    %shift_right_logical3A_257 = arith.shrui %add3A_255, %shift_right_logical3A_256 : i32
    %sub3A_258 = arith.constant 16416 : i32
    %sub3A_259 = arith.subi %sub3A_258, %scan3A_165#1 : i32
    %add3A_260 = arith.constant 15 : i32
    %add3A_261 = arith.addi %sub3A_259, %add3A_260 : i32
    %shift_right_logical3A_262 = arith.constant 4 : i32
    %shift_right_logical3A_263 = arith.shrui %add3A_261, %shift_right_logical3A_262 : i32
    %while3A = arith.constant 0 : i32
    %while3A_264 = arith.constant 0 : i32
    %while3A_265 = arith.subi %shift_right_logical3A_257, %while3A_264 : i32
    %while3A_266 = arith.addi %while3A_264, %while3A_265 : i32
    %while3A_267 = arith.constant 1 : i32
    %while3A_268 = arith.divsi %while3A_265, %while3A_267 : i32
    %while3A_269 = arith.muli %while3A_268, %while3A_267 : i32
    %while3A_270 = arith.addi %while3A_264, %while3A_269 : i32
    %while3A_271 = arith.constant 1 : i32
    scf.for %while3A_283 = %while3A_264 to %while3A_270 step %while3A_271  : i32 {
      %mul3A_284 = arith.constant 16 : i32
      %mul3A_285 = arith.muli %while3A_283, %mul3A_284 : i32
      %get3A_286 = arith.index_cast %mul3A_285 : i32 to index
      %get3A_287 = tpu.vector_load %arg7[%get3A_286] {strides = array<i32>} : memref<16416xi32, #tpu.memory_space<vmem>>, vector<16xi32>,
      %and3A_288 = arith.andi %get3A_287, %add3A_253 : vector<16xi32>
      %shift_right_logical3A_289 = arith.constant 14 : i32
      %shift_right_logical3A_290 = vector.broadcast %shift_right_logical3A_289 : i32 to vector<16xi32>
      %shift_right_logical3A_291 = arith.shrui %get3A_287, %shift_right_logical3A_290 : vector<16xi32>
      %slice3A_292 = vector.extract_strided_slice %shift_right_logical3A_291 {offsets = [0], sizes = [1], strides = [1]} : vector<16xi32> to vector<1xi32>
      %squeeze3A_293 = vector.extract %slice3A_292[0] : i32 from vector<1xi32>
      %add3A_294 = vector.broadcast %squeeze3A_293 : i32 to vector<16xi32>
      %add3A_295 = arith.addi %broadcast_in_dim3A_72, %add3A_294 : vector<16xi32>
      %gather3A = tpu.vector_load_idx %arg6[%shift_right_logical3A_239, %and3A_241, %add3A_295] : memref<4x8x3200xf32, #tpu.memory_space<vmem>>[vector<16xi32>, vector<16xi32>, vector<16xi32>], vector<16xf32>,
      %swap3A = arith.constant 0 : i32
      %swap3A_296 = arith.index_cast %swap3A : i32 to index
      %swap3A_297 = arith.constant 0 : index
      %swap3A_298 = tpu.vector_load %arg8[%swap3A_296, %swap3A_297] {strides = array<i32>} : memref<16x32xf32, #tpu.memory_space<vmem>>, vector<16xf32>,
      tpu.vector_store %arg8[%swap3A_296, %swap3A_297], %gather3A {strides = array<i32>} : memref<16x32xf32, #tpu.memory_space<vmem>>, vector<16xf32>,
      %gather3A_299 = tpu.vector_load_idx %arg6[%shift_right_logical3A_247, %and3A_250, %add3A_295] : memref<4x8x3200xf32, #tpu.memory_space<vmem>>[vector<16xi32>, vector<16xi32>, vector<16xi32>], vector<16xf32>,
      %swap3A_300 = arith.constant 0 : i32
      %swap3A_301 = arith.index_cast %swap3A_300 : i32 to index
      %swap3A_302 = arith.constant 16 : index
      %swap3A_303 = tpu.vector_load %arg8[%swap3A_301, %swap3A_302] {strides = array<i32>} : memref<16x32xf32, #tpu.memory_space<vmem>>, vector<16xf32>,
      tpu.vector_store %arg8[%swap3A_301, %swap3A_302], %gather3A_299 {strides = array<i32>} : memref<16x32xf32, #tpu.memory_space<vmem>>, vector<16xf32>,
      %slice3A_304 = vector.extract_strided_slice %and3A_288 {offsets = [0], sizes = [1], strides = [1]} : vector<16xi32> to vector<1xi32>
      %squeeze3A_305 = vector.extract %slice3A_304[0] : i32 from vector<1xi32>
      %mul3A_306 = arith.constant 32 : i32
      %mul3A_307 = arith.muli %squeeze3A_305, %mul3A_306 : i32
      %dma_start3A_308 = arith.constant 0 : i32
      %dma_start3A_309 = arith.constant 0 : i32
      %dma_start3A_310 = tpu.memref_slice %arg8[%dma_start3A_308, %dma_start3A_309] : memref<16x32xf32, #tpu.memory_space<vmem>> -> memref<1x32xf32, #tpu.memory_space<vmem>>
      %dma_start3A_311 = tpu.memref_squeeze %dma_start3A_310 : memref<1x32xf32, #tpu.memory_space<vmem>> -> memref<32xf32, #tpu.memory_space<vmem>>
      %dma_start3A_312 = tpu.memref_slice %arg4[%mul3A_307] : memref<524288xf32, #tpu.memory_space<hbm>> -> memref<32xf32, #tpu.memory_space<hbm>>
      %dma_start3A_313 = tpu.memref_slice %arg4[%mul3A_307] : memref<524288xf32, #tpu.memory_space<hbm>> -> memref<32xf32, #tpu.memory_space<hbm>>
      %dma_start3A_314 = arith.constant 0 : i32
      %dma_start3A_315 = tpu.memref_slice %arg8[%dma_start3A_308, %dma_start3A_314] : memref<16x32xf32, #tpu.memory_space<vmem>> -> memref<1x32xf32, #tpu.memory_space<vmem>>
      %dma_start3A_316 = tpu.memref_squeeze %dma_start3A_315 : memref<1x32xf32, #tpu.memory_space<vmem>> -> memref<32xf32, #tpu.memory_space<vmem>>
      tpu.enqueue_dma source(%dma_start3A_316 : memref<32xf32, #tpu.memory_space<vmem>>) target(%dma_start3A_313 : memref<32xf32, #tpu.memory_space<hbm>>) target_semaphore(%arg11 : memref<!tpu.dma_semaphore, #tpu.memory_space<semaphore_mem>>)
      %slice3A_317 = vector.extract_strided_slice %shift_right_logical3A_291 {offsets = [1], sizes = [1], strides = [1]} : vector<16xi32> to vector<1xi32>
      %squeeze3A_318 = vector.extract %slice3A_317[0] : i32 from vector<1xi32>
      %add3A_319 = vector.broadcast %squeeze3A_318 : i32 to vector<16xi32>
      %add3A_320 = arith.addi %broadcast_in_dim3A_72, %add3A_319 : vector<16xi32>
      %gather3A_321 = tpu.vector_load_idx %arg6[%shift_right_logical3A_239, %and3A_241, %add3A_320] : memref<4x8x3200xf32, #tpu.memory_space<vmem>>[vector<16xi32>, vector<16xi32>, vector<16xi32>], vector<16xf32>,
      %swap3A_322 = arith.constant 1 : i32
      %swap3A_323 = arith.index_cast %swap3A_322 : i32 to index
      %swap3A_324 = arith.constant 0 : index
      %swap3A_325 = tpu.vector_load %arg8[%swap3A_323, %swap3A_324] {strides = array<i32>} : memref<16x32xf32, #tpu.memory_space<vmem>>, vector<16xf32>,
      tpu.vector_store %arg8[%swap3A_323, %swap3A_324], %gather3A_321 {strides = array<i32>} : memref<16x32xf32, #tpu.memory_space<vmem>>, vector<16xf32>,
      %gather3A_326 = tpu.vector_load_idx %arg6[%shift_right_logical3A_247, %and3A_250, %add3A_320] : memref<4x8x3200xf32, #tpu.memory_space<vmem>>[vector<16xi32>, vector<16xi32>, vector<16xi32>], vector<16xf32>,
      %swap3A_327 = arith.constant 1 : i32
      %swap3A_328 = arith.index_cast %swap3A_327 : i32 to index
      %swap3A_329 = arith.constant 16 : index
      %swap3A_330 = tpu.vector_load %arg8[%swap3A_328, %swap3A_329] {strides = array<i32>} : memref<16x32xf32, #tpu.memory_space<vmem>>, vector<16xf32>,
      tpu.vector_store %arg8[%swap3A_328, %swap3A_329], %gather3A_326 {strides = array<i32>} : memref<16x32xf32, #tpu.memory_space<vmem>>, vector<16xf32>,
      %slice3A_331 = vector.extract_strided_slice %and3A_288 {offsets = [1], sizes = [1], strides = [1]} : vector<16xi32> to vector<1xi32>
      %squeeze3A_332 = vector.extract %slice3A_331[0] : i32 from vector<1xi32>
      %mul3A_333 = arith.constant 32 : i32
      %mul3A_334 = arith.muli %squeeze3A_332, %mul3A_333 : i32
      %dma_start3A_335 = arith.constant 1 : i32
      %dma_start3A_336 = arith.constant 0 : i32
      %dma_start3A_337 = tpu.memref_slice %arg8[%dma_start3A_335, %dma_start3A_336] : memref<16x32xf32, #tpu.memory_space<vmem>> -> memref<1x32xf32, #tpu.memory_space<vmem>>
      %dma_start3A_338 = tpu.memref_squeeze %dma_start3A_337 : memref<1x32xf32, #tpu.memory_space<vmem>> -> memref<32xf32, #tpu.memory_space<vmem>>
      %dma_start3A_339 = tpu.memref_slice %arg4[%mul3A_334] : memref<524288xf32, #tpu.memory_space<hbm>> -> memref<32xf32, #tpu.memory_space<hbm>>
      %dma_start3A_340 = tpu.memref_slice %arg4[%mul3A_334] : memref<524288xf32, #tpu.memory_space<hbm>> -> memref<32xf32, #tpu.memory_space<hbm>>
      %dma_start3A_341 = arith.constant 0 : i32
      %dma_start3A_342 = tpu.memref_slice %arg8[%dma_start3A_335, %dma_start3A_341] : memref<16x32xf32, #tpu.memory_space<vmem>> -> memref<1x32xf32, #tpu.memory_space<vmem>>
      %dma_start3A_343 = tpu.memref_squeeze %dma_start3A_342 : memref<1x32xf32, #tpu.memory_space<vmem>> -> memref<32xf32, #tpu.memory_space<vmem>>
      tpu.enqueue_dma source(%dma_start3A_343 : memref<32xf32, #tpu.memory_space<vmem>>) target(%dma_start3A_340 : memref<32xf32, #tpu.memory_space<hbm>>) target_semaphore(%arg11 : memref<!tpu.dma_semaphore, #tpu.memory_space<semaphore_mem>>)
      %slice3A_344 = vector.extract_strided_slice %shift_right_logical3A_291 {offsets = [2], sizes = [1], strides = [1]} : vector<16xi32> to vector<1xi32>
      %squeeze3A_345 = vector.extract %slice3A_344[0] : i32 from vector<1xi32>
      %add3A_346 = vector.broadcast %squeeze3A_345 : i32 to vector<16xi32>
      %add3A_347 = arith.addi %broadcast_in_dim3A_72, %add3A_346 : vector<16xi32>
      %gather3A_348 = tpu.vector_load_idx %arg6[%shift_right_logical3A_239, %and3A_241, %add3A_347] : memref<4x8x3200xf32, #tpu.memory_space<vmem>>[vector<16xi32>, vector<16xi32>, vector<16xi32>], vector<16xf32>,
      %swap3A_349 = arith.constant 2 : i32
      %swap3A_350 = arith.index_cast %swap3A_349 : i32 to index
      %swap3A_351 = arith.constant 0 : index
      %swap3A_352 = tpu.vector_load %arg8[%swap3A_350, %swap3A_351] {strides = array<i32>} : memref<16x32xf32, #tpu.memory_space<vmem>>, vector<16xf32>,
      tpu.vector_store %arg8[%swap3A_350, %swap3A_351], %gather3A_348 {strides = array<i32>} : memref<16x32xf32, #tpu.memory_space<vmem>>, vector<16xf32>,
      %gather3A_353 = tpu.vector_load_idx %arg6[%shift_right_logical3A_247, %and3A_250, %add3A_347] : memref<4x8x3200xf32, #tpu.memory_space<vmem>>[vector<16xi32>, vector<16xi32>, vector<16xi32>], vector<16xf32>,
      %swap3A_354 = arith.constant 2 : i32
      %swap3A_355 = arith.index_cast %swap3A_354 : i32 to index
      %swap3A_356 = arith.constant 16 : index
      %swap3A_357 = tpu.vector_load %arg8[%swap3A_355, %swap3A_356] {strides = array<i32>} : memref<16x32xf32, #tpu.memory_space<vmem>>, vector<16xf32>,
      tpu.vector_store %arg8[%swap3A_355, %swap3A_356], %gather3A_353 {strides = array<i32>} : memref<16x32xf32, #tpu.memory_space<vmem>>, vector<16xf32>,
      %slice3A_358 = vector.extract_strided_slice %and3A_288 {offsets = [2], sizes = [1], strides = [1]} : vector<16xi32> to vector<1xi32>
      %squeeze3A_359 = vector.extract %slice3A_358[0] : i32 from vector<1xi32>
      %mul3A_360 = arith.constant 32 : i32
      %mul3A_361 = arith.muli %squeeze3A_359, %mul3A_360 : i32
      %dma_start3A_362 = arith.constant 2 : i32
      %dma_start3A_363 = arith.constant 0 : i32
      %dma_start3A_364 = tpu.memref_slice %arg8[%dma_start3A_362, %dma_start3A_363] : memref<16x32xf32, #tpu.memory_space<vmem>> -> memref<1x32xf32, #tpu.memory_space<vmem>>
      %dma_start3A_365 = tpu.memref_squeeze %dma_start3A_364 : memref<1x32xf32, #tpu.memory_space<vmem>> -> memref<32xf32, #tpu.memory_space<vmem>>
      %dma_start3A_366 = tpu.memref_slice %arg4[%mul3A_361] : memref<524288xf32, #tpu.memory_space<hbm>> -> memref<32xf32, #tpu.memory_space<hbm>>
      %dma_start3A_367 = tpu.memref_slice %arg4[%mul3A_361] : memref<524288xf32, #tpu.memory_space<hbm>> -> memref<32xf32, #tpu.memory_space<hbm>>
      %dma_start3A_368 = arith.constant 0 : i32
      %dma_start3A_369 = tpu.memref_slice %arg8[%dma_start3A_362, %dma_start3A_368] : memref<16x32xf32, #tpu.memory_space<vmem>> -> memref<1x32xf32, #tpu.memory_space<vmem>>
      %dma_start3A_370 = tpu.memref_squeeze %dma_start3A_369 : memref<1x32xf32, #tpu.memory_space<vmem>> -> memref<32xf32, #tpu.memory_space<vmem>>
      tpu.enqueue_dma source(%dma_start3A_370 : memref<32xf32, #tpu.memory_space<vmem>>) target(%dma_start3A_367 : memref<32xf32, #tpu.memory_space<hbm>>) target_semaphore(%arg11 : memref<!tpu.dma_semaphore, #tpu.memory_space<semaphore_mem>>)
      %slice3A_371 = vector.extract_strided_slice %shift_right_logical3A_291 {offsets = [3], sizes = [1], strides = [1]} : vector<16xi32> to vector<1xi32>
      %squeeze3A_372 = vector.extract %slice3A_371[0] : i32 from vector<1xi32>
      %add3A_373 = vector.broadcast %squeeze3A_372 : i32 to vector<16xi32>
      %add3A_374 = arith.addi %broadcast_in_dim3A_72, %add3A_373 : vector<16xi32>
      %gather3A_375 = tpu.vector_load_idx %arg6[%shift_right_logical3A_239, %and3A_241, %add3A_374] : memref<4x8x3200xf32, #tpu.memory_space<vmem>>[vector<16xi32>, vector<16xi32>, vector<16xi32>], vector<16xf32>,
      %swap3A_376 = arith.constant 3 : i32
      %swap3A_377 = arith.index_cast %swap3A_376 : i32 to index
      %swap3A_378 = arith.constant 0 : index
      %swap3A_379 = tpu.vector_load %arg8[%swap3A_377, %swap3A_378] {strides = array<i32>} : memref<16x32xf32, #tpu.memory_space<vmem>>, vector<16xf32>,
      tpu.vector_store %arg8[%swap3A_377, %swap3A_378], %gather3A_375 {strides = array<i32>} : memref<16x32xf32, #tpu.memory_space<vmem>>, vector<16xf32>,
      %gather3A_380 = tpu.vector_load_idx %arg6[%shift_right_logical3A_247, %and3A_250, %add3A_374] : memref<4x8x3200xf32, #tpu.memory_space<vmem>>[vector<16xi32>, vector<16xi32>, vector<16xi32>], vector<16xf32>,
      %swap3A_381 = arith.constant 3 : i32
      %swap3A_382 = arith.index_cast %swap3A_381 : i32 to index
      %swap3A_383 = arith.constant 16 : index
      %swap3A_384 = tpu.vector_load %arg8[%swap3A_382, %swap3A_383] {strides = array<i32>} : memref<16x32xf32, #tpu.memory_space<vmem>>, vector<16xf32>,
      tpu.vector_store %arg8[%swap3A_382, %swap3A_383], %gather3A_380 {strides = array<i32>} : memref<16x32xf32, #tpu.memory_space<vmem>>, vector<16xf32>,
      %slice3A_385 = vector.extract_strided_slice %and3A_288 {offsets = [3], sizes = [1], strides = [1]} : vector<16xi32> to vector<1xi32>
      %squeeze3A_386 = vector.extract %slice3A_385[0] : i32 from vector<1xi32>
      %mul3A_387 = arith.constant 32 : i32
      %mul3A_388 = arith.muli %squeeze3A_386, %mul3A_387 : i32
      %dma_start3A_389 = arith.constant 3 : i32
      %dma_start3A_390 = arith.constant 0 : i32
      %dma_start3A_391 = tpu.memref_slice %arg8[%dma_start3A_389, %dma_start3A_390] : memref<16x32xf32, #tpu.memory_space<vmem>> -> memref<1x32xf32, #tpu.memory_space<vmem>>
      %dma_start3A_392 = tpu.memref_squeeze %dma_start3A_391 : memref<1x32xf32, #tpu.memory_space<vmem>> -> memref<32xf32, #tpu.memory_space<vmem>>
      %dma_start3A_393 = tpu.memref_slice %arg4[%mul3A_388] : memref<524288xf32, #tpu.memory_space<hbm>> -> memref<32xf32, #tpu.memory_space<hbm>>
      %dma_start3A_394 = tpu.memref_slice %arg4[%mul3A_388] : memref<524288xf32, #tpu.memory_space<hbm>> -> memref<32xf32, #tpu.memory_space<hbm>>
      %dma_start3A_395 = arith.constant 0 : i32
      %dma_start3A_396 = tpu.memref_slice %arg8[%dma_start3A_389, %dma_start3A_395] : memref<16x32xf32, #tpu.memory_space<vmem>> -> memref<1x32xf32, #tpu.memory_space<vmem>>
      %dma_start3A_397 = tpu.memref_squeeze %dma_start3A_396 : memref<1x32xf32, #tpu.memory_space<vmem>> -> memref<32xf32, #tpu.memory_space<vmem>>
      tpu.enqueue_dma source(%dma_start3A_397 : memref<32xf32, #tpu.memory_space<vmem>>) target(%dma_start3A_394 : memref<32xf32, #tpu.memory_space<hbm>>) target_semaphore(%arg11 : memref<!tpu.dma_semaphore, #tpu.memory_space<semaphore_mem>>)
      %slice3A_398 = vector.extract_strided_slice %shift_right_logical3A_291 {offsets = [4], sizes = [1], strides = [1]} : vector<16xi32> to vector<1xi32>
      %squeeze3A_399 = vector.extract %slice3A_398[0] : i32 from vector<1xi32>
      %add3A_400 = vector.broadcast %squeeze3A_399 : i32 to vector<16xi32>
      %add3A_401 = arith.addi %broadcast_in_dim3A_72, %add3A_400 : vector<16xi32>
      %gather3A_402 = tpu.vector_load_idx %arg6[%shift_right_logical3A_239, %and3A_241, %add3A_401] : memref<4x8x3200xf32, #tpu.memory_space<vmem>>[vector<16xi32>, vector<16xi32>, vector<16xi32>], vector<16xf32>,
      %swap3A_403 = arith.constant 4 : i32
      %swap3A_404 = arith.index_cast %swap3A_403 : i32 to index
      %swap3A_405 = arith.constant 0 : index
      %swap3A_406 = tpu.vector_load %arg8[%swap3A_404, %swap3A_405] {strides = array<i32>} : memref<16x32xf32, #tpu.memory_space<vmem>>, vector<16xf32>,
      tpu.vector_store %arg8[%swap3A_404, %swap3A_405], %gather3A_402 {strides = array<i32>} : memref<16x32xf32, #tpu.memory_space<vmem>>, vector<16xf32>,
      %gather3A_407 = tpu.vector_load_idx %arg6[%shift_right_logical3A_247, %and3A_250, %add3A_401] : memref<4x8x3200xf32, #tpu.memory_space<vmem>>[vector<16xi32>, vector<16xi32>, vector<16xi32>], vector<16xf32>,
      %swap3A_408 = arith.constant 4 : i32
      %swap3A_409 = arith.index_cast %swap3A_408 : i32 to index
      %swap3A_410 = arith.constant 16 : index
      %swap3A_411 = tpu.vector_load %arg8[%swap3A_409, %swap3A_410] {strides = array<i32>} : memref<16x32xf32, #tpu.memory_space<vmem>>, vector<16xf32>,
      tpu.vector_store %arg8[%swap3A_409, %swap3A_410], %gather3A_407 {strides = array<i32>} : memref<16x32xf32, #tpu.memory_space<vmem>>, vector<16xf32>,
      %slice3A_412 = vector.extract_strided_slice %and3A_288 {offsets = [4], sizes = [1], strides = [1]} : vector<16xi32> to vector<1xi32>
      %squeeze3A_413 = vector.extract %slice3A_412[0] : i32 from vector<1xi32>
      %mul3A_414 = arith.constant 32 : i32
      %mul3A_415 = arith.muli %squeeze3A_413, %mul3A_414 : i32
      %dma_start3A_416 = arith.constant 4 : i32
      %dma_start3A_417 = arith.constant 0 : i32
      %dma_start3A_418 = tpu.memref_slice %arg8[%dma_start3A_416, %dma_start3A_417] : memref<16x32xf32, #tpu.memory_space<vmem>> -> memref<1x32xf32, #tpu.memory_space<vmem>>
      %dma_start3A_419 = tpu.memref_squeeze %dma_start3A_418 : memref<1x32xf32, #tpu.memory_space<vmem>> -> memref<32xf32, #tpu.memory_space<vmem>>
      %dma_start3A_420 = tpu.memref_slice %arg4[%mul3A_415] : memref<524288xf32, #tpu.memory_space<hbm>> -> memref<32xf32, #tpu.memory_space<hbm>>
      %dma_start3A_421 = tpu.memref_slice %arg4[%mul3A_415] : memref<524288xf32, #tpu.memory_space<hbm>> -> memref<32xf32, #tpu.memory_space<hbm>>
      %dma_start3A_422 = arith.constant 0 : i32
      %dma_start3A_423 = tpu.memref_slice %arg8[%dma_start3A_416, %dma_start3A_422] : memref<16x32xf32, #tpu.memory_space<vmem>> -> memref<1x32xf32, #tpu.memory_space<vmem>>
      %dma_start3A_424 = tpu.memref_squeeze %dma_start3A_423 : memref<1x32xf32, #tpu.memory_space<vmem>> -> memref<32xf32, #tpu.memory_space<vmem>>
      tpu.enqueue_dma source(%dma_start3A_424 : memref<32xf32, #tpu.memory_space<vmem>>) target(%dma_start3A_421 : memref<32xf32, #tpu.memory_space<hbm>>) target_semaphore(%arg11 : memref<!tpu.dma_semaphore, #tpu.memory_space<semaphore_mem>>)
      %slice3A_425 = vector.extract_strided_slice %shift_right_logical3A_291 {offsets = [5], sizes = [1], strides = [1]} : vector<16xi32> to vector<1xi32>
      %squeeze3A_426 = vector.extract %slice3A_425[0] : i32 from vector<1xi32>
      %add3A_427 = vector.broadcast %squeeze3A_426 : i32 to vector<16xi32>
      %add3A_428 = arith.addi %broadcast_in_dim3A_72, %add3A_427 : vector<16xi32>
      %gather3A_429 = tpu.vector_load_idx %arg6[%shift_right_logical3A_239, %and3A_241, %add3A_428] : memref<4x8x3200xf32, #tpu.memory_space<vmem>>[vector<16xi32>, vector<16xi32>, vector<16xi32>], vector<16xf32>,
      %swap3A_430 = arith.constant 5 : i32
      %swap3A_431 = arith.index_cast %swap3A_430 : i32 to index
      %swap3A_432 = arith.constant 0 : index
      %swap3A_433 = tpu.vector_load %arg8[%swap3A_431, %swap3A_432] {strides = array<i32>} : memref<16x32xf32, #tpu.memory_space<vmem>>, vector<16xf32>,
      tpu.vector_store %arg8[%swap3A_431, %swap3A_432], %gather3A_429 {strides = array<i32>} : memref<16x32xf32, #tpu.memory_space<vmem>>, vector<16xf32>,
      %gather3A_434 = tpu.vector_load_idx %arg6[%shift_right_logical3A_247, %and3A_250, %add3A_428] : memref<4x8x3200xf32, #tpu.memory_space<vmem>>[vector<16xi32>, vector<16xi32>, vector<16xi32>], vector<16xf32>,
      %swap3A_435 = arith.constant 5 : i32
      %swap3A_436 = arith.index_cast %swap3A_435 : i32 to index
      %swap3A_437 = arith.constant 16 : index
      %swap3A_438 = tpu.vector_load %arg8[%swap3A_436, %swap3A_437] {strides = array<i32>} : memref<16x32xf32, #tpu.memory_space<vmem>>, vector<16xf32>,
      tpu.vector_store %arg8[%swap3A_436, %swap3A_437], %gather3A_434 {strides = array<i32>} : memref<16x32xf32, #tpu.memory_space<vmem>>, vector<16xf32>,
      %slice3A_439 = vector.extract_strided_slice %and3A_288 {offsets = [5], sizes = [1], strides = [1]} : vector<16xi32> to vector<1xi32>
      %squeeze3A_440 = vector.extract %slice3A_439[0] : i32 from vector<1xi32>
      %mul3A_441 = arith.constant 32 : i32
      %mul3A_442 = arith.muli %squeeze3A_440, %mul3A_441 : i32
      %dma_start3A_443 = arith.constant 5 : i32
      %dma_start3A_444 = arith.constant 0 : i32
      %dma_start3A_445 = tpu.memref_slice %arg8[%dma_start3A_443, %dma_start3A_444] : memref<16x32xf32, #tpu.memory_space<vmem>> -> memref<1x32xf32, #tpu.memory_space<vmem>>
      %dma_start3A_446 = tpu.memref_squeeze %dma_start3A_445 : memref<1x32xf32, #tpu.memory_space<vmem>> -> memref<32xf32, #tpu.memory_space<vmem>>
      %dma_start3A_447 = tpu.memref_slice %arg4[%mul3A_442] : memref<524288xf32, #tpu.memory_space<hbm>> -> memref<32xf32, #tpu.memory_space<hbm>>
      %dma_start3A_448 = tpu.memref_slice %arg4[%mul3A_442] : memref<524288xf32, #tpu.memory_space<hbm>> -> memref<32xf32, #tpu.memory_space<hbm>>
      %dma_start3A_449 = arith.constant 0 : i32
      %dma_start3A_450 = tpu.memref_slice %arg8[%dma_start3A_443, %dma_start3A_449] : memref<16x32xf32, #tpu.memory_space<vmem>> -> memref<1x32xf32, #tpu.memory_space<vmem>>
      %dma_start3A_451 = tpu.memref_squeeze %dma_start3A_450 : memref<1x32xf32, #tpu.memory_space<vmem>> -> memref<32xf32, #tpu.memory_space<vmem>>
      tpu.enqueue_dma source(%dma_start3A_451 : memref<32xf32, #tpu.memory_space<vmem>>) target(%dma_start3A_448 : memref<32xf32, #tpu.memory_space<hbm>>) target_semaphore(%arg11 : memref<!tpu.dma_semaphore, #tpu.memory_space<semaphore_mem>>)
      %slice3A_452 = vector.extract_strided_slice %shift_right_logical3A_291 {offsets = [6], sizes = [1], strides = [1]} : vector<16xi32> to vector<1xi32>
      %squeeze3A_453 = vector.extract %slice3A_452[0] : i32 from vector<1xi32>
      %add3A_454 = vector.broadcast %squeeze3A_453 : i32 to vector<16xi32>
      %add3A_455 = arith.addi %broadcast_in_dim3A_72, %add3A_454 : vector<16xi32>
      %gather3A_456 = tpu.vector_load_idx %arg6[%shift_right_logical3A_239, %and3A_241, %add3A_455] : memref<4x8x3200xf32, #tpu.memory_space<vmem>>[vector<16xi32>, vector<16xi32>, vector<16xi32>], vector<16xf32>,
      %swap3A_457 = arith.constant 6 : i32
      %swap3A_458 = arith.index_cast %swap3A_457 : i32 to index
      %swap3A_459 = arith.constant 0 : index
      %swap3A_460 = tpu.vector_load %arg8[%swap3A_458, %swap3A_459] {strides = array<i32>} : memref<16x32xf32, #tpu.memory_space<vmem>>, vector<16xf32>,
      tpu.vector_store %arg8[%swap3A_458, %swap3A_459], %gather3A_456 {strides = array<i32>} : memref<16x32xf32, #tpu.memory_space<vmem>>, vector<16xf32>,
      %gather3A_461 = tpu.vector_load_idx %arg6[%shift_right_logical3A_247, %and3A_250, %add3A_455] : memref<4x8x3200xf32, #tpu.memory_space<vmem>>[vector<16xi32>, vector<16xi32>, vector<16xi32>], vector<16xf32>,
      %swap3A_462 = arith.constant 6 : i32
      %swap3A_463 = arith.index_cast %swap3A_462 : i32 to index
      %swap3A_464 = arith.constant 16 : index
      %swap3A_465 = tpu.vector_load %arg8[%swap3A_463, %swap3A_464] {strides = array<i32>} : memref<16x32xf32, #tpu.memory_space<vmem>>, vector<16xf32>,
      tpu.vector_store %arg8[%swap3A_463, %swap3A_464], %gather3A_461 {strides = array<i32>} : memref<16x32xf32, #tpu.memory_space<vmem>>, vector<16xf32>,
      %slice3A_466 = vector.extract_strided_slice %and3A_288 {offsets = [6], sizes = [1], strides = [1]} : vector<16xi32> to vector<1xi32>
      %squeeze3A_467 = vector.extract %slice3A_466[0] : i32 from vector<1xi32>
      %mul3A_468 = arith.constant 32 : i32
      %mul3A_469 = arith.muli %squeeze3A_467, %mul3A_468 : i32
      %dma_start3A_470 = arith.constant 6 : i32
      %dma_start3A_471 = arith.constant 0 : i32
      %dma_start3A_472 = tpu.memref_slice %arg8[%dma_start3A_470, %dma_start3A_471] : memref<16x32xf32, #tpu.memory_space<vmem>> -> memref<1x32xf32, #tpu.memory_space<vmem>>
      %dma_start3A_473 = tpu.memref_squeeze %dma_start3A_472 : memref<1x32xf32, #tpu.memory_space<vmem>> -> memref<32xf32, #tpu.memory_space<vmem>>
      %dma_start3A_474 = tpu.memref_slice %arg4[%mul3A_469] : memref<524288xf32, #tpu.memory_space<hbm>> -> memref<32xf32, #tpu.memory_space<hbm>>
      %dma_start3A_475 = tpu.memref_slice %arg4[%mul3A_469] : memref<524288xf32, #tpu.memory_space<hbm>> -> memref<32xf32, #tpu.memory_space<hbm>>
      %dma_start3A_476 = arith.constant 0 : i32
      %dma_start3A_477 = tpu.memref_slice %arg8[%dma_start3A_470, %dma_start3A_476] : memref<16x32xf32, #tpu.memory_space<vmem>> -> memref<1x32xf32, #tpu.memory_space<vmem>>
      %dma_start3A_478 = tpu.memref_squeeze %dma_start3A_477 : memref<1x32xf32, #tpu.memory_space<vmem>> -> memref<32xf32, #tpu.memory_space<vmem>>
      tpu.enqueue_dma source(%dma_start3A_478 : memref<32xf32, #tpu.memory_space<vmem>>) target(%dma_start3A_475 : memref<32xf32, #tpu.memory_space<hbm>>) target_semaphore(%arg11 : memref<!tpu.dma_semaphore, #tpu.memory_space<semaphore_mem>>)
      %slice3A_479 = vector.extract_strided_slice %shift_right_logical3A_291 {offsets = [7], sizes = [1], strides = [1]} : vector<16xi32> to vector<1xi32>
      %squeeze3A_480 = vector.extract %slice3A_479[0] : i32 from vector<1xi32>
      %add3A_481 = vector.broadcast %squeeze3A_480 : i32 to vector<16xi32>
      %add3A_482 = arith.addi %broadcast_in_dim3A_72, %add3A_481 : vector<16xi32>
      %gather3A_483 = tpu.vector_load_idx %arg6[%shift_right_logical3A_239, %and3A_241, %add3A_482] : memref<4x8x3200xf32, #tpu.memory_space<vmem>>[vector<16xi32>, vector<16xi32>, vector<16xi32>], vector<16xf32>,
      %swap3A_484 = arith.constant 7 : i32
      %swap3A_485 = arith.index_cast %swap3A_484 : i32 to index
      %swap3A_486 = arith.constant 0 : index
      %swap3A_487 = tpu.vector_load %arg8[%swap3A_485, %swap3A_486] {strides = array<i32>} : memref<16x32xf32, #tpu.memory_space<vmem>>, vector<16xf32>,
      tpu.vector_store %arg8[%swap3A_485, %swap3A_486], %gather3A_483 {strides = array<i32>} : memref<16x32xf32, #tpu.memory_space<vmem>>, vector<16xf32>,
      %gather3A_488 = tpu.vector_load_idx %arg6[%shift_right_logical3A_247, %and3A_250, %add3A_482] : memref<4x8x3200xf32, #tpu.memory_space<vmem>>[vector<16xi32>, vector<16xi32>, vector<16xi32>], vector<16xf32>,
      %swap3A_489 = arith.constant 7 : i32
      %swap3A_490 = arith.index_cast %swap3A_489 : i32 to index
      %swap3A_491 = arith.constant 16 : index
      %swap3A_492 = tpu.vector_load %arg8[%swap3A_490, %swap3A_491] {strides = array<i32>} : memref<16x32xf32, #tpu.memory_space<vmem>>, vector<16xf32>,
      tpu.vector_store %arg8[%swap3A_490, %swap3A_491], %gather3A_488 {strides = array<i32>} : memref<16x32xf32, #tpu.memory_space<vmem>>, vector<16xf32>,
      %slice3A_493 = vector.extract_strided_slice %and3A_288 {offsets = [7], sizes = [1], strides = [1]} : vector<16xi32> to vector<1xi32>
      %squeeze3A_494 = vector.extract %slice3A_493[0] : i32 from vector<1xi32>
      %mul3A_495 = arith.constant 32 : i32
      %mul3A_496 = arith.muli %squeeze3A_494, %mul3A_495 : i32
      %dma_start3A_497 = arith.constant 7 : i32
      %dma_start3A_498 = arith.constant 0 : i32
      %dma_start3A_499 = tpu.memref_slice %arg8[%dma_start3A_497, %dma_start3A_498] : memref<16x32xf32, #tpu.memory_space<vmem>> -> memref<1x32xf32, #tpu.memory_space<vmem>>
      %dma_start3A_500 = tpu.memref_squeeze %dma_start3A_499 : memref<1x32xf32, #tpu.memory_space<vmem>> -> memref<32xf32, #tpu.memory_space<vmem>>
      %dma_start3A_501 = tpu.memref_slice %arg4[%mul3A_496] : memref<524288xf32, #tpu.memory_space<hbm>> -> memref<32xf32, #tpu.memory_space<hbm>>
      %dma_start3A_502 = tpu.memref_slice %arg4[%mul3A_496] : memref<524288xf32, #tpu.memory_space<hbm>> -> memref<32xf32, #tpu.memory_space<hbm>>
      %dma_start3A_503 = arith.constant 0 : i32
      %dma_start3A_504 = tpu.memref_slice %arg8[%dma_start3A_497, %dma_start3A_503] : memref<16x32xf32, #tpu.memory_space<vmem>> -> memref<1x32xf32, #tpu.memory_space<vmem>>
      %dma_start3A_505 = tpu.memref_squeeze %dma_start3A_504 : memref<1x32xf32, #tpu.memory_space<vmem>> -> memref<32xf32, #tpu.memory_space<vmem>>
      tpu.enqueue_dma source(%dma_start3A_505 : memref<32xf32, #tpu.memory_space<vmem>>) target(%dma_start3A_502 : memref<32xf32, #tpu.memory_space<hbm>>) target_semaphore(%arg11 : memref<!tpu.dma_semaphore, #tpu.memory_space<semaphore_mem>>)
      %slice3A_506 = vector.extract_strided_slice %shift_right_logical3A_291 {offsets = [8], sizes = [1], strides = [1]} : vector<16xi32> to vector<1xi32>
      %squeeze3A_507 = vector.extract %slice3A_506[0] : i32 from vector<1xi32>
      %add3A_508 = vector.broadcast %squeeze3A_507 : i32 to vector<16xi32>
      %add3A_509 = arith.addi %broadcast_in_dim3A_72, %add3A_508 : vector<16xi32>
      %gather3A_510 = tpu.vector_load_idx %arg6[%shift_right_logical3A_239, %and3A_241, %add3A_509] : memref<4x8x3200xf32, #tpu.memory_space<vmem>>[vector<16xi32>, vector<16xi32>, vector<16xi32>], vector<16xf32>,
      %swap3A_511 = arith.constant 8 : i32
      %swap3A_512 = arith.index_cast %swap3A_511 : i32 to index
      %swap3A_513 = arith.constant 0 : index
      %swap3A_514 = tpu.vector_load %arg8[%swap3A_512, %swap3A_513] {strides = array<i32>} : memref<16x32xf32, #tpu.memory_space<vmem>>, vector<16xf32>,
      tpu.vector_store %arg8[%swap3A_512, %swap3A_513], %gather3A_510 {strides = array<i32>} : memref<16x32xf32, #tpu.memory_space<vmem>>, vector<16xf32>,
      %gather3A_515 = tpu.vector_load_idx %arg6[%shift_right_logical3A_247, %and3A_250, %add3A_509] : memref<4x8x3200xf32, #tpu.memory_space<vmem>>[vector<16xi32>, vector<16xi32>, vector<16xi32>], vector<16xf32>,
      %swap3A_516 = arith.constant 8 : i32
      %swap3A_517 = arith.index_cast %swap3A_516 : i32 to index
      %swap3A_518 = arith.constant 16 : index
      %swap3A_519 = tpu.vector_load %arg8[%swap3A_517, %swap3A_518] {strides = array<i32>} : memref<16x32xf32, #tpu.memory_space<vmem>>, vector<16xf32>,
      tpu.vector_store %arg8[%swap3A_517, %swap3A_518], %gather3A_515 {strides = array<i32>} : memref<16x32xf32, #tpu.memory_space<vmem>>, vector<16xf32>,
      %slice3A_520 = vector.extract_strided_slice %and3A_288 {offsets = [8], sizes = [1], strides = [1]} : vector<16xi32> to vector<1xi32>
      %squeeze3A_521 = vector.extract %slice3A_520[0] : i32 from vector<1xi32>
      %mul3A_522 = arith.constant 32 : i32
      %mul3A_523 = arith.muli %squeeze3A_521, %mul3A_522 : i32
      %dma_start3A_524 = arith.constant 8 : i32
      %dma_start3A_525 = arith.constant 0 : i32
      %dma_start3A_526 = tpu.memref_slice %arg8[%dma_start3A_524, %dma_start3A_525] : memref<16x32xf32, #tpu.memory_space<vmem>> -> memref<1x32xf32, #tpu.memory_space<vmem>>
      %dma_start3A_527 = tpu.memref_squeeze %dma_start3A_526 : memref<1x32xf32, #tpu.memory_space<vmem>> -> memref<32xf32, #tpu.memory_space<vmem>>
      %dma_start3A_528 = tpu.memref_slice %arg4[%mul3A_523] : memref<524288xf32, #tpu.memory_space<hbm>> -> memref<32xf32, #tpu.memory_space<hbm>>
      %dma_start3A_529 = tpu.memref_slice %arg4[%mul3A_523] : memref<524288xf32, #tpu.memory_space<hbm>> -> memref<32xf32, #tpu.memory_space<hbm>>
      %dma_start3A_530 = arith.constant 0 : i32
      %dma_start3A_531 = tpu.memref_slice %arg8[%dma_start3A_524, %dma_start3A_530] : memref<16x32xf32, #tpu.memory_space<vmem>> -> memref<1x32xf32, #tpu.memory_space<vmem>>
      %dma_start3A_532 = tpu.memref_squeeze %dma_start3A_531 : memref<1x32xf32, #tpu.memory_space<vmem>> -> memref<32xf32, #tpu.memory_space<vmem>>
      tpu.enqueue_dma source(%dma_start3A_532 : memref<32xf32, #tpu.memory_space<vmem>>) target(%dma_start3A_529 : memref<32xf32, #tpu.memory_space<hbm>>) target_semaphore(%arg11 : memref<!tpu.dma_semaphore, #tpu.memory_space<semaphore_mem>>)
      %slice3A_533 = vector.extract_strided_slice %shift_right_logical3A_291 {offsets = [9], sizes = [1], strides = [1]} : vector<16xi32> to vector<1xi32>
      %squeeze3A_534 = vector.extract %slice3A_533[0] : i32 from vector<1xi32>
      %add3A_535 = vector.broadcast %squeeze3A_534 : i32 to vector<16xi32>
      %add3A_536 = arith.addi %broadcast_in_dim3A_72, %add3A_535 : vector<16xi32>
      %gather3A_537 = tpu.vector_load_idx %arg6[%shift_right_logical3A_239, %and3A_241, %add3A_536] : memref<4x8x3200xf32, #tpu.memory_space<vmem>>[vector<16xi32>, vector<16xi32>, vector<16xi32>], vector<16xf32>,
      %swap3A_538 = arith.constant 9 : i32
      %swap3A_539 = arith.index_cast %swap3A_538 : i32 to index
      %swap3A_540 = arith.constant 0 : index
      %swap3A_541 = tpu.vector_load %arg8[%swap3A_539, %swap3A_540] {strides = array<i32>} : memref<16x32xf32, #tpu.memory_space<vmem>>, vector<16xf32>,
      tpu.vector_store %arg8[%swap3A_539, %swap3A_540], %gather3A_537 {strides = array<i32>} : memref<16x32xf32, #tpu.memory_space<vmem>>, vector<16xf32>,
      %gather3A_542 = tpu.vector_load_idx %arg6[%shift_right_logical3A_247, %and3A_250, %add3A_536] : memref<4x8x3200xf32, #tpu.memory_space<vmem>>[vector<16xi32>, vector<16xi32>, vector<16xi32>], vector<16xf32>,
      %swap3A_543 = arith.constant 9 : i32
      %swap3A_544 = arith.index_cast %swap3A_543 : i32 to index
      %swap3A_545 = arith.constant 16 : index
      %swap3A_546 = tpu.vector_load %arg8[%swap3A_544, %swap3A_545] {strides = array<i32>} : memref<16x32xf32, #tpu.memory_space<vmem>>, vector<16xf32>,
      tpu.vector_store %arg8[%swap3A_544, %swap3A_545], %gather3A_542 {strides = array<i32>} : memref<16x32xf32, #tpu.memory_space<vmem>>, vector<16xf32>,
      %slice3A_547 = vector.extract_strided_slice %and3A_288 {offsets = [9], sizes = [1], strides = [1]} : vector<16xi32> to vector<1xi32>
      %squeeze3A_548 = vector.extract %slice3A_547[0] : i32 from vector<1xi32>
      %mul3A_549 = arith.constant 32 : i32
      %mul3A_550 = arith.muli %squeeze3A_548, %mul3A_549 : i32
      %dma_start3A_551 = arith.constant 9 : i32
      %dma_start3A_552 = arith.constant 0 : i32
      %dma_start3A_553 = tpu.memref_slice %arg8[%dma_start3A_551, %dma_start3A_552] : memref<16x32xf32, #tpu.memory_space<vmem>> -> memref<1x32xf32, #tpu.memory_space<vmem>>
      %dma_start3A_554 = tpu.memref_squeeze %dma_start3A_553 : memref<1x32xf32, #tpu.memory_space<vmem>> -> memref<32xf32, #tpu.memory_space<vmem>>
      %dma_start3A_555 = tpu.memref_slice %arg4[%mul3A_550] : memref<524288xf32, #tpu.memory_space<hbm>> -> memref<32xf32, #tpu.memory_space<hbm>>
      %dma_start3A_556 = tpu.memref_slice %arg4[%mul3A_550] : memref<524288xf32, #tpu.memory_space<hbm>> -> memref<32xf32, #tpu.memory_space<hbm>>
      %dma_start3A_557 = arith.constant 0 : i32
      %dma_start3A_558 = tpu.memref_slice %arg8[%dma_start3A_551, %dma_start3A_557] : memref<16x32xf32, #tpu.memory_space<vmem>> -> memref<1x32xf32, #tpu.memory_space<vmem>>
      %dma_start3A_559 = tpu.memref_squeeze %dma_start3A_558 : memref<1x32xf32, #tpu.memory_space<vmem>> -> memref<32xf32, #tpu.memory_space<vmem>>
      tpu.enqueue_dma source(%dma_start3A_559 : memref<32xf32, #tpu.memory_space<vmem>>) target(%dma_start3A_556 : memref<32xf32, #tpu.memory_space<hbm>>) target_semaphore(%arg11 : memref<!tpu.dma_semaphore, #tpu.memory_space<semaphore_mem>>)
      %slice3A_560 = vector.extract_strided_slice %shift_right_logical3A_291 {offsets = [10], sizes = [1], strides = [1]} : vector<16xi32> to vector<1xi32>
      %squeeze3A_561 = vector.extract %slice3A_560[0] : i32 from vector<1xi32>
      %add3A_562 = vector.broadcast %squeeze3A_561 : i32 to vector<16xi32>
      %add3A_563 = arith.addi %broadcast_in_dim3A_72, %add3A_562 : vector<16xi32>
      %gather3A_564 = tpu.vector_load_idx %arg6[%shift_right_logical3A_239, %and3A_241, %add3A_563] : memref<4x8x3200xf32, #tpu.memory_space<vmem>>[vector<16xi32>, vector<16xi32>, vector<16xi32>], vector<16xf32>,
      %swap3A_565 = arith.constant 10 : i32
      %swap3A_566 = arith.index_cast %swap3A_565 : i32 to index
      %swap3A_567 = arith.constant 0 : index
      %swap3A_568 = tpu.vector_load %arg8[%swap3A_566, %swap3A_567] {strides = array<i32>} : memref<16x32xf32, #tpu.memory_space<vmem>>, vector<16xf32>,
      tpu.vector_store %arg8[%swap3A_566, %swap3A_567], %gather3A_564 {strides = array<i32>} : memref<16x32xf32, #tpu.memory_space<vmem>>, vector<16xf32>,
      %gather3A_569 = tpu.vector_load_idx %arg6[%shift_right_logical3A_247, %and3A_250, %add3A_563] : memref<4x8x3200xf32, #tpu.memory_space<vmem>>[vector<16xi32>, vector<16xi32>, vector<16xi32>], vector<16xf32>,
      %swap3A_570 = arith.constant 10 : i32
      %swap3A_571 = arith.index_cast %swap3A_570 : i32 to index
      %swap3A_572 = arith.constant 16 : index
      %swap3A_573 = tpu.vector_load %arg8[%swap3A_571, %swap3A_572] {strides = array<i32>} : memref<16x32xf32, #tpu.memory_space<vmem>>, vector<16xf32>,
      tpu.vector_store %arg8[%swap3A_571, %swap3A_572], %gather3A_569 {strides = array<i32>} : memref<16x32xf32, #tpu.memory_space<vmem>>, vector<16xf32>,
      %slice3A_574 = vector.extract_strided_slice %and3A_288 {offsets = [10], sizes = [1], strides = [1]} : vector<16xi32> to vector<1xi32>
      %squeeze3A_575 = vector.extract %slice3A_574[0] : i32 from vector<1xi32>
      %mul3A_576 = arith.constant 32 : i32
      %mul3A_577 = arith.muli %squeeze3A_575, %mul3A_576 : i32
      %dma_start3A_578 = arith.constant 10 : i32
      %dma_start3A_579 = arith.constant 0 : i32
      %dma_start3A_580 = tpu.memref_slice %arg8[%dma_start3A_578, %dma_start3A_579] : memref<16x32xf32, #tpu.memory_space<vmem>> -> memref<1x32xf32, #tpu.memory_space<vmem>>
      %dma_start3A_581 = tpu.memref_squeeze %dma_start3A_580 : memref<1x32xf32, #tpu.memory_space<vmem>> -> memref<32xf32, #tpu.memory_space<vmem>>
      %dma_start3A_582 = tpu.memref_slice %arg4[%mul3A_577] : memref<524288xf32, #tpu.memory_space<hbm>> -> memref<32xf32, #tpu.memory_space<hbm>>
      %dma_start3A_583 = tpu.memref_slice %arg4[%mul3A_577] : memref<524288xf32, #tpu.memory_space<hbm>> -> memref<32xf32, #tpu.memory_space<hbm>>
      %dma_start3A_584 = arith.constant 0 : i32
      %dma_start3A_585 = tpu.memref_slice %arg8[%dma_start3A_578, %dma_start3A_584] : memref<16x32xf32, #tpu.memory_space<vmem>> -> memref<1x32xf32, #tpu.memory_space<vmem>>
      %dma_start3A_586 = tpu.memref_squeeze %dma_start3A_585 : memref<1x32xf32, #tpu.memory_space<vmem>> -> memref<32xf32, #tpu.memory_space<vmem>>
      tpu.enqueue_dma source(%dma_start3A_586 : memref<32xf32, #tpu.memory_space<vmem>>) target(%dma_start3A_583 : memref<32xf32, #tpu.memory_space<hbm>>) target_semaphore(%arg11 : memref<!tpu.dma_semaphore, #tpu.memory_space<semaphore_mem>>)
      %slice3A_587 = vector.extract_strided_slice %shift_right_logical3A_291 {offsets = [11], sizes = [1], strides = [1]} : vector<16xi32> to vector<1xi32>
      %squeeze3A_588 = vector.extract %slice3A_587[0] : i32 from vector<1xi32>
      %add3A_589 = vector.broadcast %squeeze3A_588 : i32 to vector<16xi32>
      %add3A_590 = arith.addi %broadcast_in_dim3A_72, %add3A_589 : vector<16xi32>
      %gather3A_591 = tpu.vector_load_idx %arg6[%shift_right_logical3A_239, %and3A_241, %add3A_590] : memref<4x8x3200xf32, #tpu.memory_space<vmem>>[vector<16xi32>, vector<16xi32>, vector<16xi32>], vector<16xf32>,
      %swap3A_592 = arith.constant 11 : i32
      %swap3A_593 = arith.index_cast %swap3A_592 : i32 to index
      %swap3A_594 = arith.constant 0 : index
      %swap3A_595 = tpu.vector_load %arg8[%swap3A_593, %swap3A_594] {strides = array<i32>} : memref<16x32xf32, #tpu.memory_space<vmem>>, vector<16xf32>,
      tpu.vector_store %arg8[%swap3A_593, %swap3A_594], %gather3A_591 {strides = array<i32>} : memref<16x32xf32, #tpu.memory_space<vmem>>, vector<16xf32>,
      %gather3A_596 = tpu.vector_load_idx %arg6[%shift_right_logical3A_247, %and3A_250, %add3A_590] : memref<4x8x3200xf32, #tpu.memory_space<vmem>>[vector<16xi32>, vector<16xi32>, vector<16xi32>], vector<16xf32>,
      %swap3A_597 = arith.constant 11 : i32
      %swap3A_598 = arith.index_cast %swap3A_597 : i32 to index
      %swap3A_599 = arith.constant 16 : index
      %swap3A_600 = tpu.vector_load %arg8[%swap3A_598, %swap3A_599] {strides = array<i32>} : memref<16x32xf32, #tpu.memory_space<vmem>>, vector<16xf32>,
      tpu.vector_store %arg8[%swap3A_598, %swap3A_599], %gather3A_596 {strides = array<i32>} : memref<16x32xf32, #tpu.memory_space<vmem>>, vector<16xf32>,
      %slice3A_601 = vector.extract_strided_slice %and3A_288 {offsets = [11], sizes = [1], strides = [1]} : vector<16xi32> to vector<1xi32>
      %squeeze3A_602 = vector.extract %slice3A_601[0] : i32 from vector<1xi32>
      %mul3A_603 = arith.constant 32 : i32
      %mul3A_604 = arith.muli %squeeze3A_602, %mul3A_603 : i32
      %dma_start3A_605 = arith.constant 11 : i32
      %dma_start3A_606 = arith.constant 0 : i32
      %dma_start3A_607 = tpu.memref_slice %arg8[%dma_start3A_605, %dma_start3A_606] : memref<16x32xf32, #tpu.memory_space<vmem>> -> memref<1x32xf32, #tpu.memory_space<vmem>>
      %dma_start3A_608 = tpu.memref_squeeze %dma_start3A_607 : memref<1x32xf32, #tpu.memory_space<vmem>> -> memref<32xf32, #tpu.memory_space<vmem>>
      %dma_start3A_609 = tpu.memref_slice %arg4[%mul3A_604] : memref<524288xf32, #tpu.memory_space<hbm>> -> memref<32xf32, #tpu.memory_space<hbm>>
      %dma_start3A_610 = tpu.memref_slice %arg4[%mul3A_604] : memref<524288xf32, #tpu.memory_space<hbm>> -> memref<32xf32, #tpu.memory_space<hbm>>
      %dma_start3A_611 = arith.constant 0 : i32
      %dma_start3A_612 = tpu.memref_slice %arg8[%dma_start3A_605, %dma_start3A_611] : memref<16x32xf32, #tpu.memory_space<vmem>> -> memref<1x32xf32, #tpu.memory_space<vmem>>
      %dma_start3A_613 = tpu.memref_squeeze %dma_start3A_612 : memref<1x32xf32, #tpu.memory_space<vmem>> -> memref<32xf32, #tpu.memory_space<vmem>>
      tpu.enqueue_dma source(%dma_start3A_613 : memref<32xf32, #tpu.memory_space<vmem>>) target(%dma_start3A_610 : memref<32xf32, #tpu.memory_space<hbm>>) target_semaphore(%arg11 : memref<!tpu.dma_semaphore, #tpu.memory_space<semaphore_mem>>)
      %slice3A_614 = vector.extract_strided_slice %shift_right_logical3A_291 {offsets = [12], sizes = [1], strides = [1]} : vector<16xi32> to vector<1xi32>
      %squeeze3A_615 = vector.extract %slice3A_614[0] : i32 from vector<1xi32>
      %add3A_616 = vector.broadcast %squeeze3A_615 : i32 to vector<16xi32>
      %add3A_617 = arith.addi %broadcast_in_dim3A_72, %add3A_616 : vector<16xi32>
      %gather3A_618 = tpu.vector_load_idx %arg6[%shift_right_logical3A_239, %and3A_241, %add3A_617] : memref<4x8x3200xf32, #tpu.memory_space<vmem>>[vector<16xi32>, vector<16xi32>, vector<16xi32>], vector<16xf32>,
      %swap3A_619 = arith.constant 12 : i32
      %swap3A_620 = arith.index_cast %swap3A_619 : i32 to index
      %swap3A_621 = arith.constant 0 : index
      %swap3A_622 = tpu.vector_load %arg8[%swap3A_620, %swap3A_621] {strides = array<i32>} : memref<16x32xf32, #tpu.memory_space<vmem>>, vector<16xf32>,
      tpu.vector_store %arg8[%swap3A_620, %swap3A_621], %gather3A_618 {strides = array<i32>} : memref<16x32xf32, #tpu.memory_space<vmem>>, vector<16xf32>,
      %gather3A_623 = tpu.vector_load_idx %arg6[%shift_right_logical3A_247, %and3A_250, %add3A_617] : memref<4x8x3200xf32, #tpu.memory_space<vmem>>[vector<16xi32>, vector<16xi32>, vector<16xi32>], vector<16xf32>,
      %swap3A_624 = arith.constant 12 : i32
      %swap3A_625 = arith.index_cast %swap3A_624 : i32 to index
      %swap3A_626 = arith.constant 16 : index
      %swap3A_627 = tpu.vector_load %arg8[%swap3A_625, %swap3A_626] {strides = array<i32>} : memref<16x32xf32, #tpu.memory_space<vmem>>, vector<16xf32>,
      tpu.vector_store %arg8[%swap3A_625, %swap3A_626], %gather3A_623 {strides = array<i32>} : memref<16x32xf32, #tpu.memory_space<vmem>>, vector<16xf32>,
      %slice3A_628 = vector.extract_strided_slice %and3A_288 {offsets = [12], sizes = [1], strides = [1]} : vector<16xi32> to vector<1xi32>
      %squeeze3A_629 = vector.extract %slice3A_628[0] : i32 from vector<1xi32>
      %mul3A_630 = arith.constant 32 : i32
      %mul3A_631 = arith.muli %squeeze3A_629, %mul3A_630 : i32
      %dma_start3A_632 = arith.constant 12 : i32
      %dma_start3A_633 = arith.constant 0 : i32
      %dma_start3A_634 = tpu.memref_slice %arg8[%dma_start3A_632, %dma_start3A_633] : memref<16x32xf32, #tpu.memory_space<vmem>> -> memref<1x32xf32, #tpu.memory_space<vmem>>
      %dma_start3A_635 = tpu.memref_squeeze %dma_start3A_634 : memref<1x32xf32, #tpu.memory_space<vmem>> -> memref<32xf32, #tpu.memory_space<vmem>>
      %dma_start3A_636 = tpu.memref_slice %arg4[%mul3A_631] : memref<524288xf32, #tpu.memory_space<hbm>> -> memref<32xf32, #tpu.memory_space<hbm>>
      %dma_start3A_637 = tpu.memref_slice %arg4[%mul3A_631] : memref<524288xf32, #tpu.memory_space<hbm>> -> memref<32xf32, #tpu.memory_space<hbm>>
      %dma_start3A_638 = arith.constant 0 : i32
      %dma_start3A_639 = tpu.memref_slice %arg8[%dma_start3A_632, %dma_start3A_638] : memref<16x32xf32, #tpu.memory_space<vmem>> -> memref<1x32xf32, #tpu.memory_space<vmem>>
      %dma_start3A_640 = tpu.memref_squeeze %dma_start3A_639 : memref<1x32xf32, #tpu.memory_space<vmem>> -> memref<32xf32, #tpu.memory_space<vmem>>
      tpu.enqueue_dma source(%dma_start3A_640 : memref<32xf32, #tpu.memory_space<vmem>>) target(%dma_start3A_637 : memref<32xf32, #tpu.memory_space<hbm>>) target_semaphore(%arg11 : memref<!tpu.dma_semaphore, #tpu.memory_space<semaphore_mem>>)
      %slice3A_641 = vector.extract_strided_slice %shift_right_logical3A_291 {offsets = [13], sizes = [1], strides = [1]} : vector<16xi32> to vector<1xi32>
      %squeeze3A_642 = vector.extract %slice3A_641[0] : i32 from vector<1xi32>
      %add3A_643 = vector.broadcast %squeeze3A_642 : i32 to vector<16xi32>
      %add3A_644 = arith.addi %broadcast_in_dim3A_72, %add3A_643 : vector<16xi32>
      %gather3A_645 = tpu.vector_load_idx %arg6[%shift_right_logical3A_239, %and3A_241, %add3A_644] : memref<4x8x3200xf32, #tpu.memory_space<vmem>>[vector<16xi32>, vector<16xi32>, vector<16xi32>], vector<16xf32>,
      %swap3A_646 = arith.constant 13 : i32
      %swap3A_647 = arith.index_cast %swap3A_646 : i32 to index
      %swap3A_648 = arith.constant 0 : index
      %swap3A_649 = tpu.vector_load %arg8[%swap3A_647, %swap3A_648] {strides = array<i32>} : memref<16x32xf32, #tpu.memory_space<vmem>>, vector<16xf32>,
      tpu.vector_store %arg8[%swap3A_647, %swap3A_648], %gather3A_645 {strides = array<i32>} : memref<16x32xf32, #tpu.memory_space<vmem>>, vector<16xf32>,
      %gather3A_650 = tpu.vector_load_idx %arg6[%shift_right_logical3A_247, %and3A_250, %add3A_644] : memref<4x8x3200xf32, #tpu.memory_space<vmem>>[vector<16xi32>, vector<16xi32>, vector<16xi32>], vector<16xf32>,
      %swap3A_651 = arith.constant 13 : i32
      %swap3A_652 = arith.index_cast %swap3A_651 : i32 to index
      %swap3A_653 = arith.constant 16 : index
      %swap3A_654 = tpu.vector_load %arg8[%swap3A_652, %swap3A_653] {strides = array<i32>} : memref<16x32xf32, #tpu.memory_space<vmem>>, vector<16xf32>,
      tpu.vector_store %arg8[%swap3A_652, %swap3A_653], %gather3A_650 {strides = array<i32>} : memref<16x32xf32, #tpu.memory_space<vmem>>, vector<16xf32>,
      %slice3A_655 = vector.extract_strided_slice %and3A_288 {offsets = [13], sizes = [1], strides = [1]} : vector<16xi32> to vector<1xi32>
      %squeeze3A_656 = vector.extract %slice3A_655[0] : i32 from vector<1xi32>
      %mul3A_657 = arith.constant 32 : i32
      %mul3A_658 = arith.muli %squeeze3A_656, %mul3A_657 : i32
      %dma_start3A_659 = arith.constant 13 : i32
      %dma_start3A_660 = arith.constant 0 : i32
      %dma_start3A_661 = tpu.memref_slice %arg8[%dma_start3A_659, %dma_start3A_660] : memref<16x32xf32, #tpu.memory_space<vmem>> -> memref<1x32xf32, #tpu.memory_space<vmem>>
      %dma_start3A_662 = tpu.memref_squeeze %dma_start3A_661 : memref<1x32xf32, #tpu.memory_space<vmem>> -> memref<32xf32, #tpu.memory_space<vmem>>
      %dma_start3A_663 = tpu.memref_slice %arg4[%mul3A_658] : memref<524288xf32, #tpu.memory_space<hbm>> -> memref<32xf32, #tpu.memory_space<hbm>>
      %dma_start3A_664 = tpu.memref_slice %arg4[%mul3A_658] : memref<524288xf32, #tpu.memory_space<hbm>> -> memref<32xf32, #tpu.memory_space<hbm>>
      %dma_start3A_665 = arith.constant 0 : i32
      %dma_start3A_666 = tpu.memref_slice %arg8[%dma_start3A_659, %dma_start3A_665] : memref<16x32xf32, #tpu.memory_space<vmem>> -> memref<1x32xf32, #tpu.memory_space<vmem>>
      %dma_start3A_667 = tpu.memref_squeeze %dma_start3A_666 : memref<1x32xf32, #tpu.memory_space<vmem>> -> memref<32xf32, #tpu.memory_space<vmem>>
      tpu.enqueue_dma source(%dma_start3A_667 : memref<32xf32, #tpu.memory_space<vmem>>) target(%dma_start3A_664 : memref<32xf32, #tpu.memory_space<hbm>>) target_semaphore(%arg11 : memref<!tpu.dma_semaphore, #tpu.memory_space<semaphore_mem>>)
      %slice3A_668 = vector.extract_strided_slice %shift_right_logical3A_291 {offsets = [14], sizes = [1], strides = [1]} : vector<16xi32> to vector<1xi32>
      %squeeze3A_669 = vector.extract %slice3A_668[0] : i32 from vector<1xi32>
      %add3A_670 = vector.broadcast %squeeze3A_669 : i32 to vector<16xi32>
      %add3A_671 = arith.addi %broadcast_in_dim3A_72, %add3A_670 : vector<16xi32>
      %gather3A_672 = tpu.vector_load_idx %arg6[%shift_right_logical3A_239, %and3A_241, %add3A_671] : memref<4x8x3200xf32, #tpu.memory_space<vmem>>[vector<16xi32>, vector<16xi32>, vector<16xi32>], vector<16xf32>,
      %swap3A_673 = arith.constant 14 : i32
      %swap3A_674 = arith.index_cast %swap3A_673 : i32 to index
      %swap3A_675 = arith.constant 0 : index
      %swap3A_676 = tpu.vector_load %arg8[%swap3A_674, %swap3A_675] {strides = array<i32>} : memref<16x32xf32, #tpu.memory_space<vmem>>, vector<16xf32>,
      tpu.vector_store %arg8[%swap3A_674, %swap3A_675], %gather3A_672 {strides = array<i32>} : memref<16x32xf32, #tpu.memory_space<vmem>>, vector<16xf32>,
      %gather3A_677 = tpu.vector_load_idx %arg6[%shift_right_logical3A_247, %and3A_250, %add3A_671] : memref<4x8x3200xf32, #tpu.memory_space<vmem>>[vector<16xi32>, vector<16xi32>, vector<16xi32>], vector<16xf32>,
      %swap3A_678 = arith.constant 14 : i32
      %swap3A_679 = arith.index_cast %swap3A_678 : i32 to index
      %swap3A_680 = arith.constant 16 : index
      %swap3A_681 = tpu.vector_load %arg8[%swap3A_679, %swap3A_680] {strides = array<i32>} : memref<16x32xf32, #tpu.memory_space<vmem>>, vector<16xf32>,
      tpu.vector_store %arg8[%swap3A_679, %swap3A_680], %gather3A_677 {strides = array<i32>} : memref<16x32xf32, #tpu.memory_space<vmem>>, vector<16xf32>,
      %slice3A_682 = vector.extract_strided_slice %and3A_288 {offsets = [14], sizes = [1], strides = [1]} : vector<16xi32> to vector<1xi32>
      %squeeze3A_683 = vector.extract %slice3A_682[0] : i32 from vector<1xi32>
      %mul3A_684 = arith.constant 32 : i32
      %mul3A_685 = arith.muli %squeeze3A_683, %mul3A_684 : i32
      %dma_start3A_686 = arith.constant 14 : i32
      %dma_start3A_687 = arith.constant 0 : i32
      %dma_start3A_688 = tpu.memref_slice %arg8[%dma_start3A_686, %dma_start3A_687] : memref<16x32xf32, #tpu.memory_space<vmem>> -> memref<1x32xf32, #tpu.memory_space<vmem>>
      %dma_start3A_689 = tpu.memref_squeeze %dma_start3A_688 : memref<1x32xf32, #tpu.memory_space<vmem>> -> memref<32xf32, #tpu.memory_space<vmem>>
      %dma_start3A_690 = tpu.memref_slice %arg4[%mul3A_685] : memref<524288xf32, #tpu.memory_space<hbm>> -> memref<32xf32, #tpu.memory_space<hbm>>
      %dma_start3A_691 = tpu.memref_slice %arg4[%mul3A_685] : memref<524288xf32, #tpu.memory_space<hbm>> -> memref<32xf32, #tpu.memory_space<hbm>>
      %dma_start3A_692 = arith.constant 0 : i32
      %dma_start3A_693 = tpu.memref_slice %arg8[%dma_start3A_686, %dma_start3A_692] : memref<16x32xf32, #tpu.memory_space<vmem>> -> memref<1x32xf32, #tpu.memory_space<vmem>>
      %dma_start3A_694 = tpu.memref_squeeze %dma_start3A_693 : memref<1x32xf32, #tpu.memory_space<vmem>> -> memref<32xf32, #tpu.memory_space<vmem>>
      tpu.enqueue_dma source(%dma_start3A_694 : memref<32xf32, #tpu.memory_space<vmem>>) target(%dma_start3A_691 : memref<32xf32, #tpu.memory_space<hbm>>) target_semaphore(%arg11 : memref<!tpu.dma_semaphore, #tpu.memory_space<semaphore_mem>>)
      %slice3A_695 = vector.extract_strided_slice %shift_right_logical3A_291 {offsets = [15], sizes = [1], strides = [1]} : vector<16xi32> to vector<1xi32>
      %squeeze3A_696 = vector.extract %slice3A_695[0] : i32 from vector<1xi32>
      %add3A_697 = vector.broadcast %squeeze3A_696 : i32 to vector<16xi32>
      %add3A_698 = arith.addi %broadcast_in_dim3A_72, %add3A_697 : vector<16xi32>
      %gather3A_699 = tpu.vector_load_idx %arg6[%shift_right_logical3A_239, %and3A_241, %add3A_698] : memref<4x8x3200xf32, #tpu.memory_space<vmem>>[vector<16xi32>, vector<16xi32>, vector<16xi32>], vector<16xf32>,
      %swap3A_700 = arith.constant 15 : i32
      %swap3A_701 = arith.index_cast %swap3A_700 : i32 to index
      %swap3A_702 = arith.constant 0 : index
      %swap3A_703 = tpu.vector_load %arg8[%swap3A_701, %swap3A_702] {strides = array<i32>} : memref<16x32xf32, #tpu.memory_space<vmem>>, vector<16xf32>,
      tpu.vector_store %arg8[%swap3A_701, %swap3A_702], %gather3A_699 {strides = array<i32>} : memref<16x32xf32, #tpu.memory_space<vmem>>, vector<16xf32>,
      %gather3A_704 = tpu.vector_load_idx %arg6[%shift_right_logical3A_247, %and3A_250, %add3A_698] : memref<4x8x3200xf32, #tpu.memory_space<vmem>>[vector<16xi32>, vector<16xi32>, vector<16xi32>], vector<16xf32>,
      %swap3A_705 = arith.constant 15 : i32
      %swap3A_706 = arith.index_cast %swap3A_705 : i32 to index
      %swap3A_707 = arith.constant 16 : index
      %swap3A_708 = tpu.vector_load %arg8[%swap3A_706, %swap3A_707] {strides = array<i32>} : memref<16x32xf32, #tpu.memory_space<vmem>>, vector<16xf32>,
      tpu.vector_store %arg8[%swap3A_706, %swap3A_707], %gather3A_704 {strides = array<i32>} : memref<16x32xf32, #tpu.memory_space<vmem>>, vector<16xf32>,
      %slice3A_709 = vector.extract_strided_slice %and3A_288 {offsets = [15], sizes = [1], strides = [1]} : vector<16xi32> to vector<1xi32>
      %squeeze3A_710 = vector.extract %slice3A_709[0] : i32 from vector<1xi32>
      %mul3A_711 = arith.constant 32 : i32
      %mul3A_712 = arith.muli %squeeze3A_710, %mul3A_711 : i32
      %dma_start3A_713 = arith.constant 15 : i32
      %dma_start3A_714 = arith.constant 0 : i32
      %dma_start3A_715 = tpu.memref_slice %arg8[%dma_start3A_713, %dma_start3A_714] : memref<16x32xf32, #tpu.memory_space<vmem>> -> memref<1x32xf32, #tpu.memory_space<vmem>>
      %dma_start3A_716 = tpu.memref_squeeze %dma_start3A_715 : memref<1x32xf32, #tpu.memory_space<vmem>> -> memref<32xf32, #tpu.memory_space<vmem>>
      %dma_start3A_717 = tpu.memref_slice %arg4[%mul3A_712] : memref<524288xf32, #tpu.memory_space<hbm>> -> memref<32xf32, #tpu.memory_space<hbm>>
      %dma_start3A_718 = tpu.memref_slice %arg4[%mul3A_712] : memref<524288xf32, #tpu.memory_space<hbm>> -> memref<32xf32, #tpu.memory_space<hbm>>
      %dma_start3A_719 = arith.constant 0 : i32
      %dma_start3A_720 = tpu.memref_slice %arg8[%dma_start3A_713, %dma_start3A_719] : memref<16x32xf32, #tpu.memory_space<vmem>> -> memref<1x32xf32, #tpu.memory_space<vmem>>
      %dma_start3A_721 = tpu.memref_squeeze %dma_start3A_720 : memref<1x32xf32, #tpu.memory_space<vmem>> -> memref<32xf32, #tpu.memory_space<vmem>>
      tpu.enqueue_dma source(%dma_start3A_721 : memref<32xf32, #tpu.memory_space<vmem>>) target(%dma_start3A_718 : memref<32xf32, #tpu.memory_space<hbm>>) target_semaphore(%arg11 : memref<!tpu.dma_semaphore, #tpu.memory_space<semaphore_mem>>)
      %dma_wait3A_722 = arith.constant 0 : i32
      %dma_wait3A_723 = tpu.memref_slice %arg4[%dma_wait3A_722] : memref<524288xf32, #tpu.memory_space<hbm>> -> memref<512xf32, #tpu.memory_space<hbm>>
      %dma_wait3A_724 = arith.constant 0 : i32
      %dma_wait3A_725 = tpu.memref_slice %arg4[%dma_wait3A_724] : memref<524288xf32, #tpu.memory_space<hbm>> -> memref<512xf32, #tpu.memory_space<hbm>>
      tpu.wait_dma2 semaphore(%arg11 : memref<!tpu.dma_semaphore, #tpu.memory_space<semaphore_mem>>) src(%dma_wait3A_725 : memref<512xf32, #tpu.memory_space<hbm>>) dst(%arg9 : memref<512xf32, #tpu.memory_space<vmem>>)
    }
    %while3A_272 = arith.constant 1 : i32
    scf.for %while3A_283 = %while3A_270 to %while3A_266 step %while3A_272  : i32 {
      %mul3A_284 = arith.constant 16 : i32
      %mul3A_285 = arith.muli %while3A_283, %mul3A_284 : i32
      %get3A_286 = arith.index_cast %mul3A_285 : i32 to index
      %get3A_287 = tpu.vector_load %arg7[%get3A_286] {strides = array<i32>} : memref<16416xi32, #tpu.memory_space<vmem>>, vector<16xi32>,
      %and3A_288 = arith.andi %get3A_287, %add3A_253 : vector<16xi32>
      %shift_right_logical3A_289 = arith.constant 14 : i32
      %shift_right_logical3A_290 = vector.broadcast %shift_right_logical3A_289 : i32 to vector<16xi32>
      %shift_right_logical3A_291 = arith.shrui %get3A_287, %shift_right_logical3A_290 : vector<16xi32>
      %slice3A_292 = vector.extract_strided_slice %shift_right_logical3A_291 {offsets = [0], sizes = [1], strides = [1]} : vector<16xi32> to vector<1xi32>
      %squeeze3A_293 = vector.extract %slice3A_292[0] : i32 from vector<1xi32>
      %add3A_294 = vector.broadcast %squeeze3A_293 : i32 to vector<16xi32>
      %add3A_295 = arith.addi %broadcast_in_dim3A_72, %add3A_294 : vector<16xi32>
      %gather3A = tpu.vector_load_idx %arg6[%shift_right_logical3A_239, %and3A_241, %add3A_295] : memref<4x8x3200xf32, #tpu.memory_space<vmem>>[vector<16xi32>, vector<16xi32>, vector<16xi32>], vector<16xf32>,
      %swap3A = arith.constant 0 : i32
      %swap3A_296 = arith.index_cast %swap3A : i32 to index
      %swap3A_297 = arith.constant 0 : index
      %swap3A_298 = tpu.vector_load %arg8[%swap3A_296, %swap3A_297] {strides = array<i32>} : memref<16x32xf32, #tpu.memory_space<vmem>>, vector<16xf32>,
      tpu.vector_store %arg8[%swap3A_296, %swap3A_297], %gather3A {strides = array<i32>} : memref<16x32xf32, #tpu.memory_space<vmem>>, vector<16xf32>,
      %gather3A_299 = tpu.vector_load_idx %arg6[%shift_right_logical3A_247, %and3A_250, %add3A_295] : memref<4x8x3200xf32, #tpu.memory_space<vmem>>[vector<16xi32>, vector<16xi32>, vector<16xi32>], vector<16xf32>,
      %swap3A_300 = arith.constant 0 : i32
      %swap3A_301 = arith.index_cast %swap3A_300 : i32 to index
      %swap3A_302 = arith.constant 16 : index
      %swap3A_303 = tpu.vector_load %arg8[%swap3A_301, %swap3A_302] {strides = array<i32>} : memref<16x32xf32, #tpu.memory_space<vmem>>, vector<16xf32>,
      tpu.vector_store %arg8[%swap3A_301, %swap3A_302], %gather3A_299 {strides = array<i32>} : memref<16x32xf32, #tpu.memory_space<vmem>>, vector<16xf32>,
      %slice3A_304 = vector.extract_strided_slice %and3A_288 {offsets = [0], sizes = [1], strides = [1]} : vector<16xi32> to vector<1xi32>
      %squeeze3A_305 = vector.extract %slice3A_304[0] : i32 from vector<1xi32>
      %mul3A_306 = arith.constant 32 : i32
      %mul3A_307 = arith.muli %squeeze3A_305, %mul3A_306 : i32
      %dma_start3A_308 = arith.constant 0 : i32
      %dma_start3A_309 = arith.constant 0 : i32
      %dma_start3A_310 = tpu.memref_slice %arg8[%dma_start3A_308, %dma_start3A_309] : memref<16x32xf32, #tpu.memory_space<vmem>> -> memref<1x32xf32, #tpu.memory_space<vmem>>
      %dma_start3A_311 = tpu.memref_squeeze %dma_start3A_310 : memref<1x32xf32, #tpu.memory_space<vmem>> -> memref<32xf32, #tpu.memory_space<vmem>>
      %dma_start3A_312 = tpu.memref_slice %arg4[%mul3A_307] : memref<524288xf32, #tpu.memory_space<hbm>> -> memref<32xf32, #tpu.memory_space<hbm>>
      %dma_start3A_313 = tpu.memref_slice %arg4[%mul3A_307] : memref<524288xf32, #tpu.memory_space<hbm>> -> memref<32xf32, #tpu.memory_space<hbm>>
      %dma_start3A_314 = arith.constant 0 : i32
      %dma_start3A_315 = tpu.memref_slice %arg8[%dma_start3A_308, %dma_start3A_314] : memref<16x32xf32, #tpu.memory_space<vmem>> -> memref<1x32xf32, #tpu.memory_space<vmem>>
      %dma_start3A_316 = tpu.memref_squeeze %dma_start3A_315 : memref<1x32xf32, #tpu.memory_space<vmem>> -> memref<32xf32, #tpu.memory_space<vmem>>
      tpu.enqueue_dma source(%dma_start3A_316 : memref<32xf32, #tpu.memory_space<vmem>>) target(%dma_start3A_313 : memref<32xf32, #tpu.memory_space<hbm>>) target_semaphore(%arg11 : memref<!tpu.dma_semaphore, #tpu.memory_space<semaphore_mem>>)
      %slice3A_317 = vector.extract_strided_slice %shift_right_logical3A_291 {offsets = [1], sizes = [1], strides = [1]} : vector<16xi32> to vector<1xi32>
      %squeeze3A_318 = vector.extract %slice3A_317[0] : i32 from vector<1xi32>
      %add3A_319 = vector.broadcast %squeeze3A_318 : i32 to vector<16xi32>
      %add3A_320 = arith.addi %broadcast_in_dim3A_72, %add3A_319 : vector<16xi32>
      %gather3A_321 = tpu.vector_load_idx %arg6[%shift_right_logical3A_239, %and3A_241, %add3A_320] : memref<4x8x3200xf32, #tpu.memory_space<vmem>>[vector<16xi32>, vector<16xi32>, vector<16xi32>], vector<16xf32>,
      %swap3A_322 = arith.constant 1 : i32
      %swap3A_323 = arith.index_cast %swap3A_322 : i32 to index
      %swap3A_324 = arith.constant 0 : index
      %swap3A_325 = tpu.vector_load %arg8[%swap3A_323, %swap3A_324] {strides = array<i32>} : memref<16x32xf32, #tpu.memory_space<vmem>>, vector<16xf32>,
      tpu.vector_store %arg8[%swap3A_323, %swap3A_324], %gather3A_321 {strides = array<i32>} : memref<16x32xf32, #tpu.memory_space<vmem>>, vector<16xf32>,
      %gather3A_326 = tpu.vector_load_idx %arg6[%shift_right_logical3A_247, %and3A_250, %add3A_320] : memref<4x8x3200xf32, #tpu.memory_space<vmem>>[vector<16xi32>, vector<16xi32>, vector<16xi32>], vector<16xf32>,
      %swap3A_327 = arith.constant 1 : i32
      %swap3A_328 = arith.index_cast %swap3A_327 : i32 to index
      %swap3A_329 = arith.constant 16 : index
      %swap3A_330 = tpu.vector_load %arg8[%swap3A_328, %swap3A_329] {strides = array<i32>} : memref<16x32xf32, #tpu.memory_space<vmem>>, vector<16xf32>,
      tpu.vector_store %arg8[%swap3A_328, %swap3A_329], %gather3A_326 {strides = array<i32>} : memref<16x32xf32, #tpu.memory_space<vmem>>, vector<16xf32>,
      %slice3A_331 = vector.extract_strided_slice %and3A_288 {offsets = [1], sizes = [1], strides = [1]} : vector<16xi32> to vector<1xi32>
      %squeeze3A_332 = vector.extract %slice3A_331[0] : i32 from vector<1xi32>
      %mul3A_333 = arith.constant 32 : i32
      %mul3A_334 = arith.muli %squeeze3A_332, %mul3A_333 : i32
      %dma_start3A_335 = arith.constant 1 : i32
      %dma_start3A_336 = arith.constant 0 : i32
      %dma_start3A_337 = tpu.memref_slice %arg8[%dma_start3A_335, %dma_start3A_336] : memref<16x32xf32, #tpu.memory_space<vmem>> -> memref<1x32xf32, #tpu.memory_space<vmem>>
      %dma_start3A_338 = tpu.memref_squeeze %dma_start3A_337 : memref<1x32xf32, #tpu.memory_space<vmem>> -> memref<32xf32, #tpu.memory_space<vmem>>
      %dma_start3A_339 = tpu.memref_slice %arg4[%mul3A_334] : memref<524288xf32, #tpu.memory_space<hbm>> -> memref<32xf32, #tpu.memory_space<hbm>>
      %dma_start3A_340 = tpu.memref_slice %arg4[%mul3A_334] : memref<524288xf32, #tpu.memory_space<hbm>> -> memref<32xf32, #tpu.memory_space<hbm>>
      %dma_start3A_341 = arith.constant 0 : i32
      %dma_start3A_342 = tpu.memref_slice %arg8[%dma_start3A_335, %dma_start3A_341] : memref<16x32xf32, #tpu.memory_space<vmem>> -> memref<1x32xf32, #tpu.memory_space<vmem>>
      %dma_start3A_343 = tpu.memref_squeeze %dma_start3A_342 : memref<1x32xf32, #tpu.memory_space<vmem>> -> memref<32xf32, #tpu.memory_space<vmem>>
      tpu.enqueue_dma source(%dma_start3A_343 : memref<32xf32, #tpu.memory_space<vmem>>) target(%dma_start3A_340 : memref<32xf32, #tpu.memory_space<hbm>>) target_semaphore(%arg11 : memref<!tpu.dma_semaphore, #tpu.memory_space<semaphore_mem>>)
      %slice3A_344 = vector.extract_strided_slice %shift_right_logical3A_291 {offsets = [2], sizes = [1], strides = [1]} : vector<16xi32> to vector<1xi32>
      %squeeze3A_345 = vector.extract %slice3A_344[0] : i32 from vector<1xi32>
      %add3A_346 = vector.broadcast %squeeze3A_345 : i32 to vector<16xi32>
      %add3A_347 = arith.addi %broadcast_in_dim3A_72, %add3A_346 : vector<16xi32>
      %gather3A_348 = tpu.vector_load_idx %arg6[%shift_right_logical3A_239, %and3A_241, %add3A_347] : memref<4x8x3200xf32, #tpu.memory_space<vmem>>[vector<16xi32>, vector<16xi32>, vector<16xi32>], vector<16xf32>,
      %swap3A_349 = arith.constant 2 : i32
      %swap3A_350 = arith.index_cast %swap3A_349 : i32 to index
      %swap3A_351 = arith.constant 0 : index
      %swap3A_352 = tpu.vector_load %arg8[%swap3A_350, %swap3A_351] {strides = array<i32>} : memref<16x32xf32, #tpu.memory_space<vmem>>, vector<16xf32>,
      tpu.vector_store %arg8[%swap3A_350, %swap3A_351], %gather3A_348 {strides = array<i32>} : memref<16x32xf32, #tpu.memory_space<vmem>>, vector<16xf32>,
      %gather3A_353 = tpu.vector_load_idx %arg6[%shift_right_logical3A_247, %and3A_250, %add3A_347] : memref<4x8x3200xf32, #tpu.memory_space<vmem>>[vector<16xi32>, vector<16xi32>, vector<16xi32>], vector<16xf32>,
      %swap3A_354 = arith.constant 2 : i32
      %swap3A_355 = arith.index_cast %swap3A_354 : i32 to index
      %swap3A_356 = arith.constant 16 : index
      %swap3A_357 = tpu.vector_load %arg8[%swap3A_355, %swap3A_356] {strides = array<i32>} : memref<16x32xf32, #tpu.memory_space<vmem>>, vector<16xf32>,
      tpu.vector_store %arg8[%swap3A_355, %swap3A_356], %gather3A_353 {strides = array<i32>} : memref<16x32xf32, #tpu.memory_space<vmem>>, vector<16xf32>,
      %slice3A_358 = vector.extract_strided_slice %and3A_288 {offsets = [2], sizes = [1], strides = [1]} : vector<16xi32> to vector<1xi32>
      %squeeze3A_359 = vector.extract %slice3A_358[0] : i32 from vector<1xi32>
      %mul3A_360 = arith.constant 32 : i32
      %mul3A_361 = arith.muli %squeeze3A_359, %mul3A_360 : i32
      %dma_start3A_362 = arith.constant 2 : i32
      %dma_start3A_363 = arith.constant 0 : i32
      %dma_start3A_364 = tpu.memref_slice %arg8[%dma_start3A_362, %dma_start3A_363] : memref<16x32xf32, #tpu.memory_space<vmem>> -> memref<1x32xf32, #tpu.memory_space<vmem>>
      %dma_start3A_365 = tpu.memref_squeeze %dma_start3A_364 : memref<1x32xf32, #tpu.memory_space<vmem>> -> memref<32xf32, #tpu.memory_space<vmem>>
      %dma_start3A_366 = tpu.memref_slice %arg4[%mul3A_361] : memref<524288xf32, #tpu.memory_space<hbm>> -> memref<32xf32, #tpu.memory_space<hbm>>
      %dma_start3A_367 = tpu.memref_slice %arg4[%mul3A_361] : memref<524288xf32, #tpu.memory_space<hbm>> -> memref<32xf32, #tpu.memory_space<hbm>>
      %dma_start3A_368 = arith.constant 0 : i32
      %dma_start3A_369 = tpu.memref_slice %arg8[%dma_start3A_362, %dma_start3A_368] : memref<16x32xf32, #tpu.memory_space<vmem>> -> memref<1x32xf32, #tpu.memory_space<vmem>>
      %dma_start3A_370 = tpu.memref_squeeze %dma_start3A_369 : memref<1x32xf32, #tpu.memory_space<vmem>> -> memref<32xf32, #tpu.memory_space<vmem>>
      tpu.enqueue_dma source(%dma_start3A_370 : memref<32xf32, #tpu.memory_space<vmem>>) target(%dma_start3A_367 : memref<32xf32, #tpu.memory_space<hbm>>) target_semaphore(%arg11 : memref<!tpu.dma_semaphore, #tpu.memory_space<semaphore_mem>>)
      %slice3A_371 = vector.extract_strided_slice %shift_right_logical3A_291 {offsets = [3], sizes = [1], strides = [1]} : vector<16xi32> to vector<1xi32>
      %squeeze3A_372 = vector.extract %slice3A_371[0] : i32 from vector<1xi32>
      %add3A_373 = vector.broadcast %squeeze3A_372 : i32 to vector<16xi32>
      %add3A_374 = arith.addi %broadcast_in_dim3A_72, %add3A_373 : vector<16xi32>
      %gather3A_375 = tpu.vector_load_idx %arg6[%shift_right_logical3A_239, %and3A_241, %add3A_374] : memref<4x8x3200xf32, #tpu.memory_space<vmem>>[vector<16xi32>, vector<16xi32>, vector<16xi32>], vector<16xf32>,
      %swap3A_376 = arith.constant 3 : i32
      %swap3A_377 = arith.index_cast %swap3A_376 : i32 to index
      %swap3A_378 = arith.constant 0 : index
      %swap3A_379 = tpu.vector_load %arg8[%swap3A_377, %swap3A_378] {strides = array<i32>} : memref<16x32xf32, #tpu.memory_space<vmem>>, vector<16xf32>,
      tpu.vector_store %arg8[%swap3A_377, %swap3A_378], %gather3A_375 {strides = array<i32>} : memref<16x32xf32, #tpu.memory_space<vmem>>, vector<16xf32>,
      %gather3A_380 = tpu.vector_load_idx %arg6[%shift_right_logical3A_247, %and3A_250, %add3A_374] : memref<4x8x3200xf32, #tpu.memory_space<vmem>>[vector<16xi32>, vector<16xi32>, vector<16xi32>], vector<16xf32>,
      %swap3A_381 = arith.constant 3 : i32
      %swap3A_382 = arith.index_cast %swap3A_381 : i32 to index
      %swap3A_383 = arith.constant 16 : index
      %swap3A_384 = tpu.vector_load %arg8[%swap3A_382, %swap3A_383] {strides = array<i32>} : memref<16x32xf32, #tpu.memory_space<vmem>>, vector<16xf32>,
      tpu.vector_store %arg8[%swap3A_382, %swap3A_383], %gather3A_380 {strides = array<i32>} : memref<16x32xf32, #tpu.memory_space<vmem>>, vector<16xf32>,
      %slice3A_385 = vector.extract_strided_slice %and3A_288 {offsets = [3], sizes = [1], strides = [1]} : vector<16xi32> to vector<1xi32>
      %squeeze3A_386 = vector.extract %slice3A_385[0] : i32 from vector<1xi32>
      %mul3A_387 = arith.constant 32 : i32
      %mul3A_388 = arith.muli %squeeze3A_386, %mul3A_387 : i32
      %dma_start3A_389 = arith.constant 3 : i32
      %dma_start3A_390 = arith.constant 0 : i32
      %dma_start3A_391 = tpu.memref_slice %arg8[%dma_start3A_389, %dma_start3A_390] : memref<16x32xf32, #tpu.memory_space<vmem>> -> memref<1x32xf32, #tpu.memory_space<vmem>>
      %dma_start3A_392 = tpu.memref_squeeze %dma_start3A_391 : memref<1x32xf32, #tpu.memory_space<vmem>> -> memref<32xf32, #tpu.memory_space<vmem>>
      %dma_start3A_393 = tpu.memref_slice %arg4[%mul3A_388] : memref<524288xf32, #tpu.memory_space<hbm>> -> memref<32xf32, #tpu.memory_space<hbm>>
      %dma_start3A_394 = tpu.memref_slice %arg4[%mul3A_388] : memref<524288xf32, #tpu.memory_space<hbm>> -> memref<32xf32, #tpu.memory_space<hbm>>
      %dma_start3A_395 = arith.constant 0 : i32
      %dma_start3A_396 = tpu.memref_slice %arg8[%dma_start3A_389, %dma_start3A_395] : memref<16x32xf32, #tpu.memory_space<vmem>> -> memref<1x32xf32, #tpu.memory_space<vmem>>
      %dma_start3A_397 = tpu.memref_squeeze %dma_start3A_396 : memref<1x32xf32, #tpu.memory_space<vmem>> -> memref<32xf32, #tpu.memory_space<vmem>>
      tpu.enqueue_dma source(%dma_start3A_397 : memref<32xf32, #tpu.memory_space<vmem>>) target(%dma_start3A_394 : memref<32xf32, #tpu.memory_space<hbm>>) target_semaphore(%arg11 : memref<!tpu.dma_semaphore, #tpu.memory_space<semaphore_mem>>)
      %slice3A_398 = vector.extract_strided_slice %shift_right_logical3A_291 {offsets = [4], sizes = [1], strides = [1]} : vector<16xi32> to vector<1xi32>
      %squeeze3A_399 = vector.extract %slice3A_398[0] : i32 from vector<1xi32>
      %add3A_400 = vector.broadcast %squeeze3A_399 : i32 to vector<16xi32>
      %add3A_401 = arith.addi %broadcast_in_dim3A_72, %add3A_400 : vector<16xi32>
      %gather3A_402 = tpu.vector_load_idx %arg6[%shift_right_logical3A_239, %and3A_241, %add3A_401] : memref<4x8x3200xf32, #tpu.memory_space<vmem>>[vector<16xi32>, vector<16xi32>, vector<16xi32>], vector<16xf32>,
      %swap3A_403 = arith.constant 4 : i32
      %swap3A_404 = arith.index_cast %swap3A_403 : i32 to index
      %swap3A_405 = arith.constant 0 : index
      %swap3A_406 = tpu.vector_load %arg8[%swap3A_404, %swap3A_405] {strides = array<i32>} : memref<16x32xf32, #tpu.memory_space<vmem>>, vector<16xf32>,
      tpu.vector_store %arg8[%swap3A_404, %swap3A_405], %gather3A_402 {strides = array<i32>} : memref<16x32xf32, #tpu.memory_space<vmem>>, vector<16xf32>,
      %gather3A_407 = tpu.vector_load_idx %arg6[%shift_right_logical3A_247, %and3A_250, %add3A_401] : memref<4x8x3200xf32, #tpu.memory_space<vmem>>[vector<16xi32>, vector<16xi32>, vector<16xi32>], vector<16xf32>,
      %swap3A_408 = arith.constant 4 : i32
      %swap3A_409 = arith.index_cast %swap3A_408 : i32 to index
      %swap3A_410 = arith.constant 16 : index
      %swap3A_411 = tpu.vector_load %arg8[%swap3A_409, %swap3A_410] {strides = array<i32>} : memref<16x32xf32, #tpu.memory_space<vmem>>, vector<16xf32>,
      tpu.vector_store %arg8[%swap3A_409, %swap3A_410], %gather3A_407 {strides = array<i32>} : memref<16x32xf32, #tpu.memory_space<vmem>>, vector<16xf32>,
      %slice3A_412 = vector.extract_strided_slice %and3A_288 {offsets = [4], sizes = [1], strides = [1]} : vector<16xi32> to vector<1xi32>
      %squeeze3A_413 = vector.extract %slice3A_412[0] : i32 from vector<1xi32>
      %mul3A_414 = arith.constant 32 : i32
      %mul3A_415 = arith.muli %squeeze3A_413, %mul3A_414 : i32
      %dma_start3A_416 = arith.constant 4 : i32
      %dma_start3A_417 = arith.constant 0 : i32
      %dma_start3A_418 = tpu.memref_slice %arg8[%dma_start3A_416, %dma_start3A_417] : memref<16x32xf32, #tpu.memory_space<vmem>> -> memref<1x32xf32, #tpu.memory_space<vmem>>
      %dma_start3A_419 = tpu.memref_squeeze %dma_start3A_418 : memref<1x32xf32, #tpu.memory_space<vmem>> -> memref<32xf32, #tpu.memory_space<vmem>>
      %dma_start3A_420 = tpu.memref_slice %arg4[%mul3A_415] : memref<524288xf32, #tpu.memory_space<hbm>> -> memref<32xf32, #tpu.memory_space<hbm>>
      %dma_start3A_421 = tpu.memref_slice %arg4[%mul3A_415] : memref<524288xf32, #tpu.memory_space<hbm>> -> memref<32xf32, #tpu.memory_space<hbm>>
      %dma_start3A_422 = arith.constant 0 : i32
      %dma_start3A_423 = tpu.memref_slice %arg8[%dma_start3A_416, %dma_start3A_422] : memref<16x32xf32, #tpu.memory_space<vmem>> -> memref<1x32xf32, #tpu.memory_space<vmem>>
      %dma_start3A_424 = tpu.memref_squeeze %dma_start3A_423 : memref<1x32xf32, #tpu.memory_space<vmem>> -> memref<32xf32, #tpu.memory_space<vmem>>
      tpu.enqueue_dma source(%dma_start3A_424 : memref<32xf32, #tpu.memory_space<vmem>>) target(%dma_start3A_421 : memref<32xf32, #tpu.memory_space<hbm>>) target_semaphore(%arg11 : memref<!tpu.dma_semaphore, #tpu.memory_space<semaphore_mem>>)
      %slice3A_425 = vector.extract_strided_slice %shift_right_logical3A_291 {offsets = [5], sizes = [1], strides = [1]} : vector<16xi32> to vector<1xi32>
      %squeeze3A_426 = vector.extract %slice3A_425[0] : i32 from vector<1xi32>
      %add3A_427 = vector.broadcast %squeeze3A_426 : i32 to vector<16xi32>
      %add3A_428 = arith.addi %broadcast_in_dim3A_72, %add3A_427 : vector<16xi32>
      %gather3A_429 = tpu.vector_load_idx %arg6[%shift_right_logical3A_239, %and3A_241, %add3A_428] : memref<4x8x3200xf32, #tpu.memory_space<vmem>>[vector<16xi32>, vector<16xi32>, vector<16xi32>], vector<16xf32>,
      %swap3A_430 = arith.constant 5 : i32
      %swap3A_431 = arith.index_cast %swap3A_430 : i32 to index
      %swap3A_432 = arith.constant 0 : index
      %swap3A_433 = tpu.vector_load %arg8[%swap3A_431, %swap3A_432] {strides = array<i32>} : memref<16x32xf32, #tpu.memory_space<vmem>>, vector<16xf32>,
      tpu.vector_store %arg8[%swap3A_431, %swap3A_432], %gather3A_429 {strides = array<i32>} : memref<16x32xf32, #tpu.memory_space<vmem>>, vector<16xf32>,
      %gather3A_434 = tpu.vector_load_idx %arg6[%shift_right_logical3A_247, %and3A_250, %add3A_428] : memref<4x8x3200xf32, #tpu.memory_space<vmem>>[vector<16xi32>, vector<16xi32>, vector<16xi32>], vector<16xf32>,
      %swap3A_435 = arith.constant 5 : i32
      %swap3A_436 = arith.index_cast %swap3A_435 : i32 to index
      %swap3A_437 = arith.constant 16 : index
      %swap3A_438 = tpu.vector_load %arg8[%swap3A_436, %swap3A_437] {strides = array<i32>} : memref<16x32xf32, #tpu.memory_space<vmem>>, vector<16xf32>,
      tpu.vector_store %arg8[%swap3A_436, %swap3A_437], %gather3A_434 {strides = array<i32>} : memref<16x32xf32, #tpu.memory_space<vmem>>, vector<16xf32>,
      %slice3A_439 = vector.extract_strided_slice %and3A_288 {offsets = [5], sizes = [1], strides = [1]} : vector<16xi32> to vector<1xi32>
      %squeeze3A_440 = vector.extract %slice3A_439[0] : i32 from vector<1xi32>
      %mul3A_441 = arith.constant 32 : i32
      %mul3A_442 = arith.muli %squeeze3A_440, %mul3A_441 : i32
      %dma_start3A_443 = arith.constant 5 : i32
      %dma_start3A_444 = arith.constant 0 : i32
      %dma_start3A_445 = tpu.memref_slice %arg8[%dma_start3A_443, %dma_start3A_444] : memref<16x32xf32, #tpu.memory_space<vmem>> -> memref<1x32xf32, #tpu.memory_space<vmem>>
      %dma_start3A_446 = tpu.memref_squeeze %dma_start3A_445 : memref<1x32xf32, #tpu.memory_space<vmem>> -> memref<32xf32, #tpu.memory_space<vmem>>
      %dma_start3A_447 = tpu.memref_slice %arg4[%mul3A_442] : memref<524288xf32, #tpu.memory_space<hbm>> -> memref<32xf32, #tpu.memory_space<hbm>>
      %dma_start3A_448 = tpu.memref_slice %arg4[%mul3A_442] : memref<524288xf32, #tpu.memory_space<hbm>> -> memref<32xf32, #tpu.memory_space<hbm>>
      %dma_start3A_449 = arith.constant 0 : i32
      %dma_start3A_450 = tpu.memref_slice %arg8[%dma_start3A_443, %dma_start3A_449] : memref<16x32xf32, #tpu.memory_space<vmem>> -> memref<1x32xf32, #tpu.memory_space<vmem>>
      %dma_start3A_451 = tpu.memref_squeeze %dma_start3A_450 : memref<1x32xf32, #tpu.memory_space<vmem>> -> memref<32xf32, #tpu.memory_space<vmem>>
      tpu.enqueue_dma source(%dma_start3A_451 : memref<32xf32, #tpu.memory_space<vmem>>) target(%dma_start3A_448 : memref<32xf32, #tpu.memory_space<hbm>>) target_semaphore(%arg11 : memref<!tpu.dma_semaphore, #tpu.memory_space<semaphore_mem>>)
      %slice3A_452 = vector.extract_strided_slice %shift_right_logical3A_291 {offsets = [6], sizes = [1], strides = [1]} : vector<16xi32> to vector<1xi32>
      %squeeze3A_453 = vector.extract %slice3A_452[0] : i32 from vector<1xi32>
      %add3A_454 = vector.broadcast %squeeze3A_453 : i32 to vector<16xi32>
      %add3A_455 = arith.addi %broadcast_in_dim3A_72, %add3A_454 : vector<16xi32>
      %gather3A_456 = tpu.vector_load_idx %arg6[%shift_right_logical3A_239, %and3A_241, %add3A_455] : memref<4x8x3200xf32, #tpu.memory_space<vmem>>[vector<16xi32>, vector<16xi32>, vector<16xi32>], vector<16xf32>,
      %swap3A_457 = arith.constant 6 : i32
      %swap3A_458 = arith.index_cast %swap3A_457 : i32 to index
      %swap3A_459 = arith.constant 0 : index
      %swap3A_460 = tpu.vector_load %arg8[%swap3A_458, %swap3A_459] {strides = array<i32>} : memref<16x32xf32, #tpu.memory_space<vmem>>, vector<16xf32>,
      tpu.vector_store %arg8[%swap3A_458, %swap3A_459], %gather3A_456 {strides = array<i32>} : memref<16x32xf32, #tpu.memory_space<vmem>>, vector<16xf32>,
      %gather3A_461 = tpu.vector_load_idx %arg6[%shift_right_logical3A_247, %and3A_250, %add3A_455] : memref<4x8x3200xf32, #tpu.memory_space<vmem>>[vector<16xi32>, vector<16xi32>, vector<16xi32>], vector<16xf32>,
      %swap3A_462 = arith.constant 6 : i32
      %swap3A_463 = arith.index_cast %swap3A_462 : i32 to index
      %swap3A_464 = arith.constant 16 : index
      %swap3A_465 = tpu.vector_load %arg8[%swap3A_463, %swap3A_464] {strides = array<i32>} : memref<16x32xf32, #tpu.memory_space<vmem>>, vector<16xf32>,
      tpu.vector_store %arg8[%swap3A_463, %swap3A_464], %gather3A_461 {strides = array<i32>} : memref<16x32xf32, #tpu.memory_space<vmem>>, vector<16xf32>,
      %slice3A_466 = vector.extract_strided_slice %and3A_288 {offsets = [6], sizes = [1], strides = [1]} : vector<16xi32> to vector<1xi32>
      %squeeze3A_467 = vector.extract %slice3A_466[0] : i32 from vector<1xi32>
      %mul3A_468 = arith.constant 32 : i32
      %mul3A_469 = arith.muli %squeeze3A_467, %mul3A_468 : i32
      %dma_start3A_470 = arith.constant 6 : i32
      %dma_start3A_471 = arith.constant 0 : i32
      %dma_start3A_472 = tpu.memref_slice %arg8[%dma_start3A_470, %dma_start3A_471] : memref<16x32xf32, #tpu.memory_space<vmem>> -> memref<1x32xf32, #tpu.memory_space<vmem>>
      %dma_start3A_473 = tpu.memref_squeeze %dma_start3A_472 : memref<1x32xf32, #tpu.memory_space<vmem>> -> memref<32xf32, #tpu.memory_space<vmem>>
      %dma_start3A_474 = tpu.memref_slice %arg4[%mul3A_469] : memref<524288xf32, #tpu.memory_space<hbm>> -> memref<32xf32, #tpu.memory_space<hbm>>
      %dma_start3A_475 = tpu.memref_slice %arg4[%mul3A_469] : memref<524288xf32, #tpu.memory_space<hbm>> -> memref<32xf32, #tpu.memory_space<hbm>>
      %dma_start3A_476 = arith.constant 0 : i32
      %dma_start3A_477 = tpu.memref_slice %arg8[%dma_start3A_470, %dma_start3A_476] : memref<16x32xf32, #tpu.memory_space<vmem>> -> memref<1x32xf32, #tpu.memory_space<vmem>>
      %dma_start3A_478 = tpu.memref_squeeze %dma_start3A_477 : memref<1x32xf32, #tpu.memory_space<vmem>> -> memref<32xf32, #tpu.memory_space<vmem>>
      tpu.enqueue_dma source(%dma_start3A_478 : memref<32xf32, #tpu.memory_space<vmem>>) target(%dma_start3A_475 : memref<32xf32, #tpu.memory_space<hbm>>) target_semaphore(%arg11 : memref<!tpu.dma_semaphore, #tpu.memory_space<semaphore_mem>>)
      %slice3A_479 = vector.extract_strided_slice %shift_right_logical3A_291 {offsets = [7], sizes = [1], strides = [1]} : vector<16xi32> to vector<1xi32>
      %squeeze3A_480 = vector.extract %slice3A_479[0] : i32 from vector<1xi32>
      %add3A_481 = vector.broadcast %squeeze3A_480 : i32 to vector<16xi32>
      %add3A_482 = arith.addi %broadcast_in_dim3A_72, %add3A_481 : vector<16xi32>
      %gather3A_483 = tpu.vector_load_idx %arg6[%shift_right_logical3A_239, %and3A_241, %add3A_482] : memref<4x8x3200xf32, #tpu.memory_space<vmem>>[vector<16xi32>, vector<16xi32>, vector<16xi32>], vector<16xf32>,
      %swap3A_484 = arith.constant 7 : i32
      %swap3A_485 = arith.index_cast %swap3A_484 : i32 to index
      %swap3A_486 = arith.constant 0 : index
      %swap3A_487 = tpu.vector_load %arg8[%swap3A_485, %swap3A_486] {strides = array<i32>} : memref<16x32xf32, #tpu.memory_space<vmem>>, vector<16xf32>,
      tpu.vector_store %arg8[%swap3A_485, %swap3A_486], %gather3A_483 {strides = array<i32>} : memref<16x32xf32, #tpu.memory_space<vmem>>, vector<16xf32>,
      %gather3A_488 = tpu.vector_load_idx %arg6[%shift_right_logical3A_247, %and3A_250, %add3A_482] : memref<4x8x3200xf32, #tpu.memory_space<vmem>>[vector<16xi32>, vector<16xi32>, vector<16xi32>], vector<16xf32>,
      %swap3A_489 = arith.constant 7 : i32
      %swap3A_490 = arith.index_cast %swap3A_489 : i32 to index
      %swap3A_491 = arith.constant 16 : index
      %swap3A_492 = tpu.vector_load %arg8[%swap3A_490, %swap3A_491] {strides = array<i32>} : memref<16x32xf32, #tpu.memory_space<vmem>>, vector<16xf32>,
      tpu.vector_store %arg8[%swap3A_490, %swap3A_491], %gather3A_488 {strides = array<i32>} : memref<16x32xf32, #tpu.memory_space<vmem>>, vector<16xf32>,
      %slice3A_493 = vector.extract_strided_slice %and3A_288 {offsets = [7], sizes = [1], strides = [1]} : vector<16xi32> to vector<1xi32>
      %squeeze3A_494 = vector.extract %slice3A_493[0] : i32 from vector<1xi32>
      %mul3A_495 = arith.constant 32 : i32
      %mul3A_496 = arith.muli %squeeze3A_494, %mul3A_495 : i32
      %dma_start3A_497 = arith.constant 7 : i32
      %dma_start3A_498 = arith.constant 0 : i32
      %dma_start3A_499 = tpu.memref_slice %arg8[%dma_start3A_497, %dma_start3A_498] : memref<16x32xf32, #tpu.memory_space<vmem>> -> memref<1x32xf32, #tpu.memory_space<vmem>>
      %dma_start3A_500 = tpu.memref_squeeze %dma_start3A_499 : memref<1x32xf32, #tpu.memory_space<vmem>> -> memref<32xf32, #tpu.memory_space<vmem>>
      %dma_start3A_501 = tpu.memref_slice %arg4[%mul3A_496] : memref<524288xf32, #tpu.memory_space<hbm>> -> memref<32xf32, #tpu.memory_space<hbm>>
      %dma_start3A_502 = tpu.memref_slice %arg4[%mul3A_496] : memref<524288xf32, #tpu.memory_space<hbm>> -> memref<32xf32, #tpu.memory_space<hbm>>
      %dma_start3A_503 = arith.constant 0 : i32
      %dma_start3A_504 = tpu.memref_slice %arg8[%dma_start3A_497, %dma_start3A_503] : memref<16x32xf32, #tpu.memory_space<vmem>> -> memref<1x32xf32, #tpu.memory_space<vmem>>
      %dma_start3A_505 = tpu.memref_squeeze %dma_start3A_504 : memref<1x32xf32, #tpu.memory_space<vmem>> -> memref<32xf32, #tpu.memory_space<vmem>>
      tpu.enqueue_dma source(%dma_start3A_505 : memref<32xf32, #tpu.memory_space<vmem>>) target(%dma_start3A_502 : memref<32xf32, #tpu.memory_space<hbm>>) target_semaphore(%arg11 : memref<!tpu.dma_semaphore, #tpu.memory_space<semaphore_mem>>)
      %slice3A_506 = vector.extract_strided_slice %shift_right_logical3A_291 {offsets = [8], sizes = [1], strides = [1]} : vector<16xi32> to vector<1xi32>
      %squeeze3A_507 = vector.extract %slice3A_506[0] : i32 from vector<1xi32>
      %add3A_508 = vector.broadcast %squeeze3A_507 : i32 to vector<16xi32>
      %add3A_509 = arith.addi %broadcast_in_dim3A_72, %add3A_508 : vector<16xi32>
      %gather3A_510 = tpu.vector_load_idx %arg6[%shift_right_logical3A_239, %and3A_241, %add3A_509] : memref<4x8x3200xf32, #tpu.memory_space<vmem>>[vector<16xi32>, vector<16xi32>, vector<16xi32>], vector<16xf32>,
      %swap3A_511 = arith.constant 8 : i32
      %swap3A_512 = arith.index_cast %swap3A_511 : i32 to index
      %swap3A_513 = arith.constant 0 : index
      %swap3A_514 = tpu.vector_load %arg8[%swap3A_512, %swap3A_513] {strides = array<i32>} : memref<16x32xf32, #tpu.memory_space<vmem>>, vector<16xf32>,
      tpu.vector_store %arg8[%swap3A_512, %swap3A_513], %gather3A_510 {strides = array<i32>} : memref<16x32xf32, #tpu.memory_space<vmem>>, vector<16xf32>,
      %gather3A_515 = tpu.vector_load_idx %arg6[%shift_right_logical3A_247, %and3A_250, %add3A_509] : memref<4x8x3200xf32, #tpu.memory_space<vmem>>[vector<16xi32>, vector<16xi32>, vector<16xi32>], vector<16xf32>,
      %swap3A_516 = arith.constant 8 : i32
      %swap3A_517 = arith.index_cast %swap3A_516 : i32 to index
      %swap3A_518 = arith.constant 16 : index
      %swap3A_519 = tpu.vector_load %arg8[%swap3A_517, %swap3A_518] {strides = array<i32>} : memref<16x32xf32, #tpu.memory_space<vmem>>, vector<16xf32>,
      tpu.vector_store %arg8[%swap3A_517, %swap3A_518], %gather3A_515 {strides = array<i32>} : memref<16x32xf32, #tpu.memory_space<vmem>>, vector<16xf32>,
      %slice3A_520 = vector.extract_strided_slice %and3A_288 {offsets = [8], sizes = [1], strides = [1]} : vector<16xi32> to vector<1xi32>
      %squeeze3A_521 = vector.extract %slice3A_520[0] : i32 from vector<1xi32>
      %mul3A_522 = arith.constant 32 : i32
      %mul3A_523 = arith.muli %squeeze3A_521, %mul3A_522 : i32
      %dma_start3A_524 = arith.constant 8 : i32
      %dma_start3A_525 = arith.constant 0 : i32
      %dma_start3A_526 = tpu.memref_slice %arg8[%dma_start3A_524, %dma_start3A_525] : memref<16x32xf32, #tpu.memory_space<vmem>> -> memref<1x32xf32, #tpu.memory_space<vmem>>
      %dma_start3A_527 = tpu.memref_squeeze %dma_start3A_526 : memref<1x32xf32, #tpu.memory_space<vmem>> -> memref<32xf32, #tpu.memory_space<vmem>>
      %dma_start3A_528 = tpu.memref_slice %arg4[%mul3A_523] : memref<524288xf32, #tpu.memory_space<hbm>> -> memref<32xf32, #tpu.memory_space<hbm>>
      %dma_start3A_529 = tpu.memref_slice %arg4[%mul3A_523] : memref<524288xf32, #tpu.memory_space<hbm>> -> memref<32xf32, #tpu.memory_space<hbm>>
      %dma_start3A_530 = arith.constant 0 : i32
      %dma_start3A_531 = tpu.memref_slice %arg8[%dma_start3A_524, %dma_start3A_530] : memref<16x32xf32, #tpu.memory_space<vmem>> -> memref<1x32xf32, #tpu.memory_space<vmem>>
      %dma_start3A_532 = tpu.memref_squeeze %dma_start3A_531 : memref<1x32xf32, #tpu.memory_space<vmem>> -> memref<32xf32, #tpu.memory_space<vmem>>
      tpu.enqueue_dma source(%dma_start3A_532 : memref<32xf32, #tpu.memory_space<vmem>>) target(%dma_start3A_529 : memref<32xf32, #tpu.memory_space<hbm>>) target_semaphore(%arg11 : memref<!tpu.dma_semaphore, #tpu.memory_space<semaphore_mem>>)
      %slice3A_533 = vector.extract_strided_slice %shift_right_logical3A_291 {offsets = [9], sizes = [1], strides = [1]} : vector<16xi32> to vector<1xi32>
      %squeeze3A_534 = vector.extract %slice3A_533[0] : i32 from vector<1xi32>
      %add3A_535 = vector.broadcast %squeeze3A_534 : i32 to vector<16xi32>
      %add3A_536 = arith.addi %broadcast_in_dim3A_72, %add3A_535 : vector<16xi32>
      %gather3A_537 = tpu.vector_load_idx %arg6[%shift_right_logical3A_239, %and3A_241, %add3A_536] : memref<4x8x3200xf32, #tpu.memory_space<vmem>>[vector<16xi32>, vector<16xi32>, vector<16xi32>], vector<16xf32>,
      %swap3A_538 = arith.constant 9 : i32
      %swap3A_539 = arith.index_cast %swap3A_538 : i32 to index
      %swap3A_540 = arith.constant 0 : index
      %swap3A_541 = tpu.vector_load %arg8[%swap3A_539, %swap3A_540] {strides = array<i32>} : memref<16x32xf32, #tpu.memory_space<vmem>>, vector<16xf32>,
      tpu.vector_store %arg8[%swap3A_539, %swap3A_540], %gather3A_537 {strides = array<i32>} : memref<16x32xf32, #tpu.memory_space<vmem>>, vector<16xf32>,
      %gather3A_542 = tpu.vector_load_idx %arg6[%shift_right_logical3A_247, %and3A_250, %add3A_536] : memref<4x8x3200xf32, #tpu.memory_space<vmem>>[vector<16xi32>, vector<16xi32>, vector<16xi32>], vector<16xf32>,
      %swap3A_543 = arith.constant 9 : i32
      %swap3A_544 = arith.index_cast %swap3A_543 : i32 to index
      %swap3A_545 = arith.constant 16 : index
      %swap3A_546 = tpu.vector_load %arg8[%swap3A_544, %swap3A_545] {strides = array<i32>} : memref<16x32xf32, #tpu.memory_space<vmem>>, vector<16xf32>,
      tpu.vector_store %arg8[%swap3A_544, %swap3A_545], %gather3A_542 {strides = array<i32>} : memref<16x32xf32, #tpu.memory_space<vmem>>, vector<16xf32>,
      %slice3A_547 = vector.extract_strided_slice %and3A_288 {offsets = [9], sizes = [1], strides = [1]} : vector<16xi32> to vector<1xi32>
      %squeeze3A_548 = vector.extract %slice3A_547[0] : i32 from vector<1xi32>
      %mul3A_549 = arith.constant 32 : i32
      %mul3A_550 = arith.muli %squeeze3A_548, %mul3A_549 : i32
      %dma_start3A_551 = arith.constant 9 : i32
      %dma_start3A_552 = arith.constant 0 : i32
      %dma_start3A_553 = tpu.memref_slice %arg8[%dma_start3A_551, %dma_start3A_552] : memref<16x32xf32, #tpu.memory_space<vmem>> -> memref<1x32xf32, #tpu.memory_space<vmem>>
      %dma_start3A_554 = tpu.memref_squeeze %dma_start3A_553 : memref<1x32xf32, #tpu.memory_space<vmem>> -> memref<32xf32, #tpu.memory_space<vmem>>
      %dma_start3A_555 = tpu.memref_slice %arg4[%mul3A_550] : memref<524288xf32, #tpu.memory_space<hbm>> -> memref<32xf32, #tpu.memory_space<hbm>>
      %dma_start3A_556 = tpu.memref_slice %arg4[%mul3A_550] : memref<524288xf32, #tpu.memory_space<hbm>> -> memref<32xf32, #tpu.memory_space<hbm>>
      %dma_start3A_557 = arith.constant 0 : i32
      %dma_start3A_558 = tpu.memref_slice %arg8[%dma_start3A_551, %dma_start3A_557] : memref<16x32xf32, #tpu.memory_space<vmem>> -> memref<1x32xf32, #tpu.memory_space<vmem>>
      %dma_start3A_559 = tpu.memref_squeeze %dma_start3A_558 : memref<1x32xf32, #tpu.memory_space<vmem>> -> memref<32xf32, #tpu.memory_space<vmem>>
      tpu.enqueue_dma source(%dma_start3A_559 : memref<32xf32, #tpu.memory_space<vmem>>) target(%dma_start3A_556 : memref<32xf32, #tpu.memory_space<hbm>>) target_semaphore(%arg11 : memref<!tpu.dma_semaphore, #tpu.memory_space<semaphore_mem>>)
      %slice3A_560 = vector.extract_strided_slice %shift_right_logical3A_291 {offsets = [10], sizes = [1], strides = [1]} : vector<16xi32> to vector<1xi32>
      %squeeze3A_561 = vector.extract %slice3A_560[0] : i32 from vector<1xi32>
      %add3A_562 = vector.broadcast %squeeze3A_561 : i32 to vector<16xi32>
      %add3A_563 = arith.addi %broadcast_in_dim3A_72, %add3A_562 : vector<16xi32>
      %gather3A_564 = tpu.vector_load_idx %arg6[%shift_right_logical3A_239, %and3A_241, %add3A_563] : memref<4x8x3200xf32, #tpu.memory_space<vmem>>[vector<16xi32>, vector<16xi32>, vector<16xi32>], vector<16xf32>,
      %swap3A_565 = arith.constant 10 : i32
      %swap3A_566 = arith.index_cast %swap3A_565 : i32 to index
      %swap3A_567 = arith.constant 0 : index
      %swap3A_568 = tpu.vector_load %arg8[%swap3A_566, %swap3A_567] {strides = array<i32>} : memref<16x32xf32, #tpu.memory_space<vmem>>, vector<16xf32>,
      tpu.vector_store %arg8[%swap3A_566, %swap3A_567], %gather3A_564 {strides = array<i32>} : memref<16x32xf32, #tpu.memory_space<vmem>>, vector<16xf32>,
      %gather3A_569 = tpu.vector_load_idx %arg6[%shift_right_logical3A_247, %and3A_250, %add3A_563] : memref<4x8x3200xf32, #tpu.memory_space<vmem>>[vector<16xi32>, vector<16xi32>, vector<16xi32>], vector<16xf32>,
      %swap3A_570 = arith.constant 10 : i32
      %swap3A_571 = arith.index_cast %swap3A_570 : i32 to index
      %swap3A_572 = arith.constant 16 : index
      %swap3A_573 = tpu.vector_load %arg8[%swap3A_571, %swap3A_572] {strides = array<i32>} : memref<16x32xf32, #tpu.memory_space<vmem>>, vector<16xf32>,
      tpu.vector_store %arg8[%swap3A_571, %swap3A_572], %gather3A_569 {strides = array<i32>} : memref<16x32xf32, #tpu.memory_space<vmem>>, vector<16xf32>,
      %slice3A_574 = vector.extract_strided_slice %and3A_288 {offsets = [10], sizes = [1], strides = [1]} : vector<16xi32> to vector<1xi32>
      %squeeze3A_575 = vector.extract %slice3A_574[0] : i32 from vector<1xi32>
      %mul3A_576 = arith.constant 32 : i32
      %mul3A_577 = arith.muli %squeeze3A_575, %mul3A_576 : i32
      %dma_start3A_578 = arith.constant 10 : i32
      %dma_start3A_579 = arith.constant 0 : i32
      %dma_start3A_580 = tpu.memref_slice %arg8[%dma_start3A_578, %dma_start3A_579] : memref<16x32xf32, #tpu.memory_space<vmem>> -> memref<1x32xf32, #tpu.memory_space<vmem>>
      %dma_start3A_581 = tpu.memref_squeeze %dma_start3A_580 : memref<1x32xf32, #tpu.memory_space<vmem>> -> memref<32xf32, #tpu.memory_space<vmem>>
      %dma_start3A_582 = tpu.memref_slice %arg4[%mul3A_577] : memref<524288xf32, #tpu.memory_space<hbm>> -> memref<32xf32, #tpu.memory_space<hbm>>
      %dma_start3A_583 = tpu.memref_slice %arg4[%mul3A_577] : memref<524288xf32, #tpu.memory_space<hbm>> -> memref<32xf32, #tpu.memory_space<hbm>>
      %dma_start3A_584 = arith.constant 0 : i32
      %dma_start3A_585 = tpu.memref_slice %arg8[%dma_start3A_578, %dma_start3A_584] : memref<16x32xf32, #tpu.memory_space<vmem>> -> memref<1x32xf32, #tpu.memory_space<vmem>>
      %dma_start3A_586 = tpu.memref_squeeze %dma_start3A_585 : memref<1x32xf32, #tpu.memory_space<vmem>> -> memref<32xf32, #tpu.memory_space<vmem>>
      tpu.enqueue_dma source(%dma_start3A_586 : memref<32xf32, #tpu.memory_space<vmem>>) target(%dma_start3A_583 : memref<32xf32, #tpu.memory_space<hbm>>) target_semaphore(%arg11 : memref<!tpu.dma_semaphore, #tpu.memory_space<semaphore_mem>>)
      %slice3A_587 = vector.extract_strided_slice %shift_right_logical3A_291 {offsets = [11], sizes = [1], strides = [1]} : vector<16xi32> to vector<1xi32>
      %squeeze3A_588 = vector.extract %slice3A_587[0] : i32 from vector<1xi32>
      %add3A_589 = vector.broadcast %squeeze3A_588 : i32 to vector<16xi32>
      %add3A_590 = arith.addi %broadcast_in_dim3A_72, %add3A_589 : vector<16xi32>
      %gather3A_591 = tpu.vector_load_idx %arg6[%shift_right_logical3A_239, %and3A_241, %add3A_590] : memref<4x8x3200xf32, #tpu.memory_space<vmem>>[vector<16xi32>, vector<16xi32>, vector<16xi32>], vector<16xf32>,
      %swap3A_592 = arith.constant 11 : i32
      %swap3A_593 = arith.index_cast %swap3A_592 : i32 to index
      %swap3A_594 = arith.constant 0 : index
      %swap3A_595 = tpu.vector_load %arg8[%swap3A_593, %swap3A_594] {strides = array<i32>} : memref<16x32xf32, #tpu.memory_space<vmem>>, vector<16xf32>,
      tpu.vector_store %arg8[%swap3A_593, %swap3A_594], %gather3A_591 {strides = array<i32>} : memref<16x32xf32, #tpu.memory_space<vmem>>, vector<16xf32>,
      %gather3A_596 = tpu.vector_load_idx %arg6[%shift_right_logical3A_247, %and3A_250, %add3A_590] : memref<4x8x3200xf32, #tpu.memory_space<vmem>>[vector<16xi32>, vector<16xi32>, vector<16xi32>], vector<16xf32>,
      %swap3A_597 = arith.constant 11 : i32
      %swap3A_598 = arith.index_cast %swap3A_597 : i32 to index
      %swap3A_599 = arith.constant 16 : index
      %swap3A_600 = tpu.vector_load %arg8[%swap3A_598, %swap3A_599] {strides = array<i32>} : memref<16x32xf32, #tpu.memory_space<vmem>>, vector<16xf32>,
      tpu.vector_store %arg8[%swap3A_598, %swap3A_599], %gather3A_596 {strides = array<i32>} : memref<16x32xf32, #tpu.memory_space<vmem>>, vector<16xf32>,
      %slice3A_601 = vector.extract_strided_slice %and3A_288 {offsets = [11], sizes = [1], strides = [1]} : vector<16xi32> to vector<1xi32>
      %squeeze3A_602 = vector.extract %slice3A_601[0] : i32 from vector<1xi32>
      %mul3A_603 = arith.constant 32 : i32
      %mul3A_604 = arith.muli %squeeze3A_602, %mul3A_603 : i32
      %dma_start3A_605 = arith.constant 11 : i32
      %dma_start3A_606 = arith.constant 0 : i32
      %dma_start3A_607 = tpu.memref_slice %arg8[%dma_start3A_605, %dma_start3A_606] : memref<16x32xf32, #tpu.memory_space<vmem>> -> memref<1x32xf32, #tpu.memory_space<vmem>>
      %dma_start3A_608 = tpu.memref_squeeze %dma_start3A_607 : memref<1x32xf32, #tpu.memory_space<vmem>> -> memref<32xf32, #tpu.memory_space<vmem>>
      %dma_start3A_609 = tpu.memref_slice %arg4[%mul3A_604] : memref<524288xf32, #tpu.memory_space<hbm>> -> memref<32xf32, #tpu.memory_space<hbm>>
      %dma_start3A_610 = tpu.memref_slice %arg4[%mul3A_604] : memref<524288xf32, #tpu.memory_space<hbm>> -> memref<32xf32, #tpu.memory_space<hbm>>
      %dma_start3A_611 = arith.constant 0 : i32
      %dma_start3A_612 = tpu.memref_slice %arg8[%dma_start3A_605, %dma_start3A_611] : memref<16x32xf32, #tpu.memory_space<vmem>> -> memref<1x32xf32, #tpu.memory_space<vmem>>
      %dma_start3A_613 = tpu.memref_squeeze %dma_start3A_612 : memref<1x32xf32, #tpu.memory_space<vmem>> -> memref<32xf32, #tpu.memory_space<vmem>>
      tpu.enqueue_dma source(%dma_start3A_613 : memref<32xf32, #tpu.memory_space<vmem>>) target(%dma_start3A_610 : memref<32xf32, #tpu.memory_space<hbm>>) target_semaphore(%arg11 : memref<!tpu.dma_semaphore, #tpu.memory_space<semaphore_mem>>)
      %slice3A_614 = vector.extract_strided_slice %shift_right_logical3A_291 {offsets = [12], sizes = [1], strides = [1]} : vector<16xi32> to vector<1xi32>
      %squeeze3A_615 = vector.extract %slice3A_614[0] : i32 from vector<1xi32>
      %add3A_616 = vector.broadcast %squeeze3A_615 : i32 to vector<16xi32>
      %add3A_617 = arith.addi %broadcast_in_dim3A_72, %add3A_616 : vector<16xi32>
      %gather3A_618 = tpu.vector_load_idx %arg6[%shift_right_logical3A_239, %and3A_241, %add3A_617] : memref<4x8x3200xf32, #tpu.memory_space<vmem>>[vector<16xi32>, vector<16xi32>, vector<16xi32>], vector<16xf32>,
      %swap3A_619 = arith.constant 12 : i32
      %swap3A_620 = arith.index_cast %swap3A_619 : i32 to index
      %swap3A_621 = arith.constant 0 : index
      %swap3A_622 = tpu.vector_load %arg8[%swap3A_620, %swap3A_621] {strides = array<i32>} : memref<16x32xf32, #tpu.memory_space<vmem>>, vector<16xf32>,
      tpu.vector_store %arg8[%swap3A_620, %swap3A_621], %gather3A_618 {strides = array<i32>} : memref<16x32xf32, #tpu.memory_space<vmem>>, vector<16xf32>,
      %gather3A_623 = tpu.vector_load_idx %arg6[%shift_right_logical3A_247, %and3A_250, %add3A_617] : memref<4x8x3200xf32, #tpu.memory_space<vmem>>[vector<16xi32>, vector<16xi32>, vector<16xi32>], vector<16xf32>,
      %swap3A_624 = arith.constant 12 : i32
      %swap3A_625 = arith.index_cast %swap3A_624 : i32 to index
      %swap3A_626 = arith.constant 16 : index
      %swap3A_627 = tpu.vector_load %arg8[%swap3A_625, %swap3A_626] {strides = array<i32>} : memref<16x32xf32, #tpu.memory_space<vmem>>, vector<16xf32>,
      tpu.vector_store %arg8[%swap3A_625, %swap3A_626], %gather3A_623 {strides = array<i32>} : memref<16x32xf32, #tpu.memory_space<vmem>>, vector<16xf32>,
      %slice3A_628 = vector.extract_strided_slice %and3A_288 {offsets = [12], sizes = [1], strides = [1]} : vector<16xi32> to vector<1xi32>
      %squeeze3A_629 = vector.extract %slice3A_628[0] : i32 from vector<1xi32>
      %mul3A_630 = arith.constant 32 : i32
      %mul3A_631 = arith.muli %squeeze3A_629, %mul3A_630 : i32
      %dma_start3A_632 = arith.constant 12 : i32
      %dma_start3A_633 = arith.constant 0 : i32
      %dma_start3A_634 = tpu.memref_slice %arg8[%dma_start3A_632, %dma_start3A_633] : memref<16x32xf32, #tpu.memory_space<vmem>> -> memref<1x32xf32, #tpu.memory_space<vmem>>
      %dma_start3A_635 = tpu.memref_squeeze %dma_start3A_634 : memref<1x32xf32, #tpu.memory_space<vmem>> -> memref<32xf32, #tpu.memory_space<vmem>>
      %dma_start3A_636 = tpu.memref_slice %arg4[%mul3A_631] : memref<524288xf32, #tpu.memory_space<hbm>> -> memref<32xf32, #tpu.memory_space<hbm>>
      %dma_start3A_637 = tpu.memref_slice %arg4[%mul3A_631] : memref<524288xf32, #tpu.memory_space<hbm>> -> memref<32xf32, #tpu.memory_space<hbm>>
      %dma_start3A_638 = arith.constant 0 : i32
      %dma_start3A_639 = tpu.memref_slice %arg8[%dma_start3A_632, %dma_start3A_638] : memref<16x32xf32, #tpu.memory_space<vmem>> -> memref<1x32xf32, #tpu.memory_space<vmem>>
      %dma_start3A_640 = tpu.memref_squeeze %dma_start3A_639 : memref<1x32xf32, #tpu.memory_space<vmem>> -> memref<32xf32, #tpu.memory_space<vmem>>
      tpu.enqueue_dma source(%dma_start3A_640 : memref<32xf32, #tpu.memory_space<vmem>>) target(%dma_start3A_637 : memref<32xf32, #tpu.memory_space<hbm>>) target_semaphore(%arg11 : memref<!tpu.dma_semaphore, #tpu.memory_space<semaphore_mem>>)
      %slice3A_641 = vector.extract_strided_slice %shift_right_logical3A_291 {offsets = [13], sizes = [1], strides = [1]} : vector<16xi32> to vector<1xi32>
      %squeeze3A_642 = vector.extract %slice3A_641[0] : i32 from vector<1xi32>
      %add3A_643 = vector.broadcast %squeeze3A_642 : i32 to vector<16xi32>
      %add3A_644 = arith.addi %broadcast_in_dim3A_72, %add3A_643 : vector<16xi32>
      %gather3A_645 = tpu.vector_load_idx %arg6[%shift_right_logical3A_239, %and3A_241, %add3A_644] : memref<4x8x3200xf32, #tpu.memory_space<vmem>>[vector<16xi32>, vector<16xi32>, vector<16xi32>], vector<16xf32>,
      %swap3A_646 = arith.constant 13 : i32
      %swap3A_647 = arith.index_cast %swap3A_646 : i32 to index
      %swap3A_648 = arith.constant 0 : index
      %swap3A_649 = tpu.vector_load %arg8[%swap3A_647, %swap3A_648] {strides = array<i32>} : memref<16x32xf32, #tpu.memory_space<vmem>>, vector<16xf32>,
      tpu.vector_store %arg8[%swap3A_647, %swap3A_648], %gather3A_645 {strides = array<i32>} : memref<16x32xf32, #tpu.memory_space<vmem>>, vector<16xf32>,
      %gather3A_650 = tpu.vector_load_idx %arg6[%shift_right_logical3A_247, %and3A_250, %add3A_644] : memref<4x8x3200xf32, #tpu.memory_space<vmem>>[vector<16xi32>, vector<16xi32>, vector<16xi32>], vector<16xf32>,
      %swap3A_651 = arith.constant 13 : i32
      %swap3A_652 = arith.index_cast %swap3A_651 : i32 to index
      %swap3A_653 = arith.constant 16 : index
      %swap3A_654 = tpu.vector_load %arg8[%swap3A_652, %swap3A_653] {strides = array<i32>} : memref<16x32xf32, #tpu.memory_space<vmem>>, vector<16xf32>,
      tpu.vector_store %arg8[%swap3A_652, %swap3A_653], %gather3A_650 {strides = array<i32>} : memref<16x32xf32, #tpu.memory_space<vmem>>, vector<16xf32>,
      %slice3A_655 = vector.extract_strided_slice %and3A_288 {offsets = [13], sizes = [1], strides = [1]} : vector<16xi32> to vector<1xi32>
      %squeeze3A_656 = vector.extract %slice3A_655[0] : i32 from vector<1xi32>
      %mul3A_657 = arith.constant 32 : i32
      %mul3A_658 = arith.muli %squeeze3A_656, %mul3A_657 : i32
      %dma_start3A_659 = arith.constant 13 : i32
      %dma_start3A_660 = arith.constant 0 : i32
      %dma_start3A_661 = tpu.memref_slice %arg8[%dma_start3A_659, %dma_start3A_660] : memref<16x32xf32, #tpu.memory_space<vmem>> -> memref<1x32xf32, #tpu.memory_space<vmem>>
      %dma_start3A_662 = tpu.memref_squeeze %dma_start3A_661 : memref<1x32xf32, #tpu.memory_space<vmem>> -> memref<32xf32, #tpu.memory_space<vmem>>
      %dma_start3A_663 = tpu.memref_slice %arg4[%mul3A_658] : memref<524288xf32, #tpu.memory_space<hbm>> -> memref<32xf32, #tpu.memory_space<hbm>>
      %dma_start3A_664 = tpu.memref_slice %arg4[%mul3A_658] : memref<524288xf32, #tpu.memory_space<hbm>> -> memref<32xf32, #tpu.memory_space<hbm>>
      %dma_start3A_665 = arith.constant 0 : i32
      %dma_start3A_666 = tpu.memref_slice %arg8[%dma_start3A_659, %dma_start3A_665] : memref<16x32xf32, #tpu.memory_space<vmem>> -> memref<1x32xf32, #tpu.memory_space<vmem>>
      %dma_start3A_667 = tpu.memref_squeeze %dma_start3A_666 : memref<1x32xf32, #tpu.memory_space<vmem>> -> memref<32xf32, #tpu.memory_space<vmem>>
      tpu.enqueue_dma source(%dma_start3A_667 : memref<32xf32, #tpu.memory_space<vmem>>) target(%dma_start3A_664 : memref<32xf32, #tpu.memory_space<hbm>>) target_semaphore(%arg11 : memref<!tpu.dma_semaphore, #tpu.memory_space<semaphore_mem>>)
      %slice3A_668 = vector.extract_strided_slice %shift_right_logical3A_291 {offsets = [14], sizes = [1], strides = [1]} : vector<16xi32> to vector<1xi32>
      %squeeze3A_669 = vector.extract %slice3A_668[0] : i32 from vector<1xi32>
      %add3A_670 = vector.broadcast %squeeze3A_669 : i32 to vector<16xi32>
      %add3A_671 = arith.addi %broadcast_in_dim3A_72, %add3A_670 : vector<16xi32>
      %gather3A_672 = tpu.vector_load_idx %arg6[%shift_right_logical3A_239, %and3A_241, %add3A_671] : memref<4x8x3200xf32, #tpu.memory_space<vmem>>[vector<16xi32>, vector<16xi32>, vector<16xi32>], vector<16xf32>,
      %swap3A_673 = arith.constant 14 : i32
      %swap3A_674 = arith.index_cast %swap3A_673 : i32 to index
      %swap3A_675 = arith.constant 0 : index
      %swap3A_676 = tpu.vector_load %arg8[%swap3A_674, %swap3A_675] {strides = array<i32>} : memref<16x32xf32, #tpu.memory_space<vmem>>, vector<16xf32>,
      tpu.vector_store %arg8[%swap3A_674, %swap3A_675], %gather3A_672 {strides = array<i32>} : memref<16x32xf32, #tpu.memory_space<vmem>>, vector<16xf32>,
      %gather3A_677 = tpu.vector_load_idx %arg6[%shift_right_logical3A_247, %and3A_250, %add3A_671] : memref<4x8x3200xf32, #tpu.memory_space<vmem>>[vector<16xi32>, vector<16xi32>, vector<16xi32>], vector<16xf32>,
      %swap3A_678 = arith.constant 14 : i32
      %swap3A_679 = arith.index_cast %swap3A_678 : i32 to index
      %swap3A_680 = arith.constant 16 : index
      %swap3A_681 = tpu.vector_load %arg8[%swap3A_679, %swap3A_680] {strides = array<i32>} : memref<16x32xf32, #tpu.memory_space<vmem>>, vector<16xf32>,
      tpu.vector_store %arg8[%swap3A_679, %swap3A_680], %gather3A_677 {strides = array<i32>} : memref<16x32xf32, #tpu.memory_space<vmem>>, vector<16xf32>,
      %slice3A_682 = vector.extract_strided_slice %and3A_288 {offsets = [14], sizes = [1], strides = [1]} : vector<16xi32> to vector<1xi32>
      %squeeze3A_683 = vector.extract %slice3A_682[0] : i32 from vector<1xi32>
      %mul3A_684 = arith.constant 32 : i32
      %mul3A_685 = arith.muli %squeeze3A_683, %mul3A_684 : i32
      %dma_start3A_686 = arith.constant 14 : i32
      %dma_start3A_687 = arith.constant 0 : i32
      %dma_start3A_688 = tpu.memref_slice %arg8[%dma_start3A_686, %dma_start3A_687] : memref<16x32xf32, #tpu.memory_space<vmem>> -> memref<1x32xf32, #tpu.memory_space<vmem>>
      %dma_start3A_689 = tpu.memref_squeeze %dma_start3A_688 : memref<1x32xf32, #tpu.memory_space<vmem>> -> memref<32xf32, #tpu.memory_space<vmem>>
      %dma_start3A_690 = tpu.memref_slice %arg4[%mul3A_685] : memref<524288xf32, #tpu.memory_space<hbm>> -> memref<32xf32, #tpu.memory_space<hbm>>
      %dma_start3A_691 = tpu.memref_slice %arg4[%mul3A_685] : memref<524288xf32, #tpu.memory_space<hbm>> -> memref<32xf32, #tpu.memory_space<hbm>>
      %dma_start3A_692 = arith.constant 0 : i32
      %dma_start3A_693 = tpu.memref_slice %arg8[%dma_start3A_686, %dma_start3A_692] : memref<16x32xf32, #tpu.memory_space<vmem>> -> memref<1x32xf32, #tpu.memory_space<vmem>>
      %dma_start3A_694 = tpu.memref_squeeze %dma_start3A_693 : memref<1x32xf32, #tpu.memory_space<vmem>> -> memref<32xf32, #tpu.memory_space<vmem>>
      tpu.enqueue_dma source(%dma_start3A_694 : memref<32xf32, #tpu.memory_space<vmem>>) target(%dma_start3A_691 : memref<32xf32, #tpu.memory_space<hbm>>) target_semaphore(%arg11 : memref<!tpu.dma_semaphore, #tpu.memory_space<semaphore_mem>>)
      %slice3A_695 = vector.extract_strided_slice %shift_right_logical3A_291 {offsets = [15], sizes = [1], strides = [1]} : vector<16xi32> to vector<1xi32>
      %squeeze3A_696 = vector.extract %slice3A_695[0] : i32 from vector<1xi32>
      %add3A_697 = vector.broadcast %squeeze3A_696 : i32 to vector<16xi32>
      %add3A_698 = arith.addi %broadcast_in_dim3A_72, %add3A_697 : vector<16xi32>
      %gather3A_699 = tpu.vector_load_idx %arg6[%shift_right_logical3A_239, %and3A_241, %add3A_698] : memref<4x8x3200xf32, #tpu.memory_space<vmem>>[vector<16xi32>, vector<16xi32>, vector<16xi32>], vector<16xf32>,
      %swap3A_700 = arith.constant 15 : i32
      %swap3A_701 = arith.index_cast %swap3A_700 : i32 to index
      %swap3A_702 = arith.constant 0 : index
      %swap3A_703 = tpu.vector_load %arg8[%swap3A_701, %swap3A_702] {strides = array<i32>} : memref<16x32xf32, #tpu.memory_space<vmem>>, vector<16xf32>,
      tpu.vector_store %arg8[%swap3A_701, %swap3A_702], %gather3A_699 {strides = array<i32>} : memref<16x32xf32, #tpu.memory_space<vmem>>, vector<16xf32>,
      %gather3A_704 = tpu.vector_load_idx %arg6[%shift_right_logical3A_247, %and3A_250, %add3A_698] : memref<4x8x3200xf32, #tpu.memory_space<vmem>>[vector<16xi32>, vector<16xi32>, vector<16xi32>], vector<16xf32>,
      %swap3A_705 = arith.constant 15 : i32
      %swap3A_706 = arith.index_cast %swap3A_705 : i32 to index
      %swap3A_707 = arith.constant 16 : index
      %swap3A_708 = tpu.vector_load %arg8[%swap3A_706, %swap3A_707] {strides = array<i32>} : memref<16x32xf32, #tpu.memory_space<vmem>>, vector<16xf32>,
      tpu.vector_store %arg8[%swap3A_706, %swap3A_707], %gather3A_704 {strides = array<i32>} : memref<16x32xf32, #tpu.memory_space<vmem>>, vector<16xf32>,
      %slice3A_709 = vector.extract_strided_slice %and3A_288 {offsets = [15], sizes = [1], strides = [1]} : vector<16xi32> to vector<1xi32>
      %squeeze3A_710 = vector.extract %slice3A_709[0] : i32 from vector<1xi32>
      %mul3A_711 = arith.constant 32 : i32
      %mul3A_712 = arith.muli %squeeze3A_710, %mul3A_711 : i32
      %dma_start3A_713 = arith.constant 15 : i32
      %dma_start3A_714 = arith.constant 0 : i32
      %dma_start3A_715 = tpu.memref_slice %arg8[%dma_start3A_713, %dma_start3A_714] : memref<16x32xf32, #tpu.memory_space<vmem>> -> memref<1x32xf32, #tpu.memory_space<vmem>>
      %dma_start3A_716 = tpu.memref_squeeze %dma_start3A_715 : memref<1x32xf32, #tpu.memory_space<vmem>> -> memref<32xf32, #tpu.memory_space<vmem>>
      %dma_start3A_717 = tpu.memref_slice %arg4[%mul3A_712] : memref<524288xf32, #tpu.memory_space<hbm>> -> memref<32xf32, #tpu.memory_space<hbm>>
      %dma_start3A_718 = tpu.memref_slice %arg4[%mul3A_712] : memref<524288xf32, #tpu.memory_space<hbm>> -> memref<32xf32, #tpu.memory_space<hbm>>
      %dma_start3A_719 = arith.constant 0 : i32
      %dma_start3A_720 = tpu.memref_slice %arg8[%dma_start3A_713, %dma_start3A_719] : memref<16x32xf32, #tpu.memory_space<vmem>> -> memref<1x32xf32, #tpu.memory_space<vmem>>
      %dma_start3A_721 = tpu.memref_squeeze %dma_start3A_720 : memref<1x32xf32, #tpu.memory_space<vmem>> -> memref<32xf32, #tpu.memory_space<vmem>>
      tpu.enqueue_dma source(%dma_start3A_721 : memref<32xf32, #tpu.memory_space<vmem>>) target(%dma_start3A_718 : memref<32xf32, #tpu.memory_space<hbm>>) target_semaphore(%arg11 : memref<!tpu.dma_semaphore, #tpu.memory_space<semaphore_mem>>)
      %dma_wait3A_722 = arith.constant 0 : i32
      %dma_wait3A_723 = tpu.memref_slice %arg4[%dma_wait3A_722] : memref<524288xf32, #tpu.memory_space<hbm>> -> memref<512xf32, #tpu.memory_space<hbm>>
      %dma_wait3A_724 = arith.constant 0 : i32
      %dma_wait3A_725 = tpu.memref_slice %arg4[%dma_wait3A_724] : memref<524288xf32, #tpu.memory_space<hbm>> -> memref<512xf32, #tpu.memory_space<hbm>>
      tpu.wait_dma2 semaphore(%arg11 : memref<!tpu.dma_semaphore, #tpu.memory_space<semaphore_mem>>) src(%dma_wait3A_725 : memref<512xf32, #tpu.memory_space<hbm>>) dst(%arg9 : memref<512xf32, #tpu.memory_space<vmem>>)
    }
    %while3A_273 = arith.constant 0 : i32
    %while3A_274 = arith.constant 0 : i32
    %while3A_275 = arith.subi %shift_right_logical3A_263, %while3A_274 : i32
    %while3A_276 = arith.addi %while3A_274, %while3A_275 : i32
    %while3A_277 = arith.constant 1 : i32
    %while3A_278 = arith.divsi %while3A_275, %while3A_277 : i32
    %while3A_279 = arith.muli %while3A_278, %while3A_277 : i32
    %while3A_280 = arith.addi %while3A_274, %while3A_279 : i32
    %while3A_281 = arith.constant 1 : i32
    scf.for %while3A_283 = %while3A_274 to %while3A_280 step %while3A_281  : i32 {
      %add3A_284 = arith.constant 1 : i32
      %add3A_285 = arith.addi %while3A_283, %add3A_284 : i32
      %mul3A_286 = arith.constant 16 : i32
      %mul3A_287 = arith.muli %add3A_285, %mul3A_286 : i32
      %sub3A_288 = arith.constant 16416 : i32
      %sub3A_289 = arith.subi %sub3A_288, %mul3A_287 : i32
      %get3A_290 = arith.index_cast %sub3A_289 : i32 to index
      %get3A_291 = tpu.vector_load %arg7[%get3A_290] {strides = array<i32>} : memref<16416xi32, #tpu.memory_space<vmem>>, vector<16xi32>,
      %and3A_292 = arith.andi %get3A_291, %add3A_253 : vector<16xi32>
      %shift_right_logical3A_293 = arith.constant 14 : i32
      %shift_right_logical3A_294 = vector.broadcast %shift_right_logical3A_293 : i32 to vector<16xi32>
      %shift_right_logical3A_295 = arith.shrui %get3A_291, %shift_right_logical3A_294 : vector<16xi32>
      %slice3A_296 = vector.extract_strided_slice %shift_right_logical3A_295 {offsets = [0], sizes = [1], strides = [1]} : vector<16xi32> to vector<1xi32>
      %squeeze3A_297 = vector.extract %slice3A_296[0] : i32 from vector<1xi32>
      %add3A_298 = vector.broadcast %squeeze3A_297 : i32 to vector<16xi32>
      %add3A_299 = arith.addi %broadcast_in_dim3A_72, %add3A_298 : vector<16xi32>
      %gather3A = tpu.vector_load_idx %arg6[%shift_right_logical3A_239, %and3A_241, %add3A_299] : memref<4x8x3200xf32, #tpu.memory_space<vmem>>[vector<16xi32>, vector<16xi32>, vector<16xi32>], vector<16xf32>,
      %swap3A = arith.constant 0 : i32
      %swap3A_300 = arith.index_cast %swap3A : i32 to index
      %swap3A_301 = arith.constant 0 : index
      %swap3A_302 = tpu.vector_load %arg8[%swap3A_300, %swap3A_301] {strides = array<i32>} : memref<16x32xf32, #tpu.memory_space<vmem>>, vector<16xf32>,
      tpu.vector_store %arg8[%swap3A_300, %swap3A_301], %gather3A {strides = array<i32>} : memref<16x32xf32, #tpu.memory_space<vmem>>, vector<16xf32>,
      %gather3A_303 = tpu.vector_load_idx %arg6[%shift_right_logical3A_247, %and3A_250, %add3A_299] : memref<4x8x3200xf32, #tpu.memory_space<vmem>>[vector<16xi32>, vector<16xi32>, vector<16xi32>], vector<16xf32>,
      %swap3A_304 = arith.constant 0 : i32
      %swap3A_305 = arith.index_cast %swap3A_304 : i32 to index
      %swap3A_306 = arith.constant 16 : index
      %swap3A_307 = tpu.vector_load %arg8[%swap3A_305, %swap3A_306] {strides = array<i32>} : memref<16x32xf32, #tpu.memory_space<vmem>>, vector<16xf32>,
      tpu.vector_store %arg8[%swap3A_305, %swap3A_306], %gather3A_303 {strides = array<i32>} : memref<16x32xf32, #tpu.memory_space<vmem>>, vector<16xf32>,
      %slice3A_308 = vector.extract_strided_slice %and3A_292 {offsets = [0], sizes = [1], strides = [1]} : vector<16xi32> to vector<1xi32>
      %squeeze3A_309 = vector.extract %slice3A_308[0] : i32 from vector<1xi32>
      %mul3A_310 = arith.constant 32 : i32
      %mul3A_311 = arith.muli %squeeze3A_309, %mul3A_310 : i32
      %dma_start3A_312 = arith.constant 0 : i32
      %dma_start3A_313 = arith.constant 0 : i32
      %dma_start3A_314 = tpu.memref_slice %arg8[%dma_start3A_312, %dma_start3A_313] : memref<16x32xf32, #tpu.memory_space<vmem>> -> memref<1x32xf32, #tpu.memory_space<vmem>>
      %dma_start3A_315 = tpu.memref_squeeze %dma_start3A_314 : memref<1x32xf32, #tpu.memory_space<vmem>> -> memref<32xf32, #tpu.memory_space<vmem>>
      %dma_start3A_316 = tpu.memref_slice %arg4[%mul3A_311] : memref<524288xf32, #tpu.memory_space<hbm>> -> memref<32xf32, #tpu.memory_space<hbm>>
      %dma_start3A_317 = tpu.memref_slice %arg4[%mul3A_311] : memref<524288xf32, #tpu.memory_space<hbm>> -> memref<32xf32, #tpu.memory_space<hbm>>
      %dma_start3A_318 = arith.constant 0 : i32
      %dma_start3A_319 = tpu.memref_slice %arg8[%dma_start3A_312, %dma_start3A_318] : memref<16x32xf32, #tpu.memory_space<vmem>> -> memref<1x32xf32, #tpu.memory_space<vmem>>
      %dma_start3A_320 = tpu.memref_squeeze %dma_start3A_319 : memref<1x32xf32, #tpu.memory_space<vmem>> -> memref<32xf32, #tpu.memory_space<vmem>>
      tpu.enqueue_dma source(%dma_start3A_320 : memref<32xf32, #tpu.memory_space<vmem>>) target(%dma_start3A_317 : memref<32xf32, #tpu.memory_space<hbm>>) target_semaphore(%arg11 : memref<!tpu.dma_semaphore, #tpu.memory_space<semaphore_mem>>)
      %slice3A_321 = vector.extract_strided_slice %shift_right_logical3A_295 {offsets = [1], sizes = [1], strides = [1]} : vector<16xi32> to vector<1xi32>
      %squeeze3A_322 = vector.extract %slice3A_321[0] : i32 from vector<1xi32>
      %add3A_323 = vector.broadcast %squeeze3A_322 : i32 to vector<16xi32>
      %add3A_324 = arith.addi %broadcast_in_dim3A_72, %add3A_323 : vector<16xi32>
      %gather3A_325 = tpu.vector_load_idx %arg6[%shift_right_logical3A_239, %and3A_241, %add3A_324] : memref<4x8x3200xf32, #tpu.memory_space<vmem>>[vector<16xi32>, vector<16xi32>, vector<16xi32>], vector<16xf32>,
      %swap3A_326 = arith.constant 1 : i32
      %swap3A_327 = arith.index_cast %swap3A_326 : i32 to index
      %swap3A_328 = arith.constant 0 : index
      %swap3A_329 = tpu.vector_load %arg8[%swap3A_327, %swap3A_328] {strides = array<i32>} : memref<16x32xf32, #tpu.memory_space<vmem>>, vector<16xf32>,
      tpu.vector_store %arg8[%swap3A_327, %swap3A_328], %gather3A_325 {strides = array<i32>} : memref<16x32xf32, #tpu.memory_space<vmem>>, vector<16xf32>,
      %gather3A_330 = tpu.vector_load_idx %arg6[%shift_right_logical3A_247, %and3A_250, %add3A_324] : memref<4x8x3200xf32, #tpu.memory_space<vmem>>[vector<16xi32>, vector<16xi32>, vector<16xi32>], vector<16xf32>,
      %swap3A_331 = arith.constant 1 : i32
      %swap3A_332 = arith.index_cast %swap3A_331 : i32 to index
      %swap3A_333 = arith.constant 16 : index
      %swap3A_334 = tpu.vector_load %arg8[%swap3A_332, %swap3A_333] {strides = array<i32>} : memref<16x32xf32, #tpu.memory_space<vmem>>, vector<16xf32>,
      tpu.vector_store %arg8[%swap3A_332, %swap3A_333], %gather3A_330 {strides = array<i32>} : memref<16x32xf32, #tpu.memory_space<vmem>>, vector<16xf32>,
      %slice3A_335 = vector.extract_strided_slice %and3A_292 {offsets = [1], sizes = [1], strides = [1]} : vector<16xi32> to vector<1xi32>
      %squeeze3A_336 = vector.extract %slice3A_335[0] : i32 from vector<1xi32>
      %mul3A_337 = arith.constant 32 : i32
      %mul3A_338 = arith.muli %squeeze3A_336, %mul3A_337 : i32
      %dma_start3A_339 = arith.constant 1 : i32
      %dma_start3A_340 = arith.constant 0 : i32
      %dma_start3A_341 = tpu.memref_slice %arg8[%dma_start3A_339, %dma_start3A_340] : memref<16x32xf32, #tpu.memory_space<vmem>> -> memref<1x32xf32, #tpu.memory_space<vmem>>
      %dma_start3A_342 = tpu.memref_squeeze %dma_start3A_341 : memref<1x32xf32, #tpu.memory_space<vmem>> -> memref<32xf32, #tpu.memory_space<vmem>>
      %dma_start3A_343 = tpu.memref_slice %arg4[%mul3A_338] : memref<524288xf32, #tpu.memory_space<hbm>> -> memref<32xf32, #tpu.memory_space<hbm>>
      %dma_start3A_344 = tpu.memref_slice %arg4[%mul3A_338] : memref<524288xf32, #tpu.memory_space<hbm>> -> memref<32xf32, #tpu.memory_space<hbm>>
      %dma_start3A_345 = arith.constant 0 : i32
      %dma_start3A_346 = tpu.memref_slice %arg8[%dma_start3A_339, %dma_start3A_345] : memref<16x32xf32, #tpu.memory_space<vmem>> -> memref<1x32xf32, #tpu.memory_space<vmem>>
      %dma_start3A_347 = tpu.memref_squeeze %dma_start3A_346 : memref<1x32xf32, #tpu.memory_space<vmem>> -> memref<32xf32, #tpu.memory_space<vmem>>
      tpu.enqueue_dma source(%dma_start3A_347 : memref<32xf32, #tpu.memory_space<vmem>>) target(%dma_start3A_344 : memref<32xf32, #tpu.memory_space<hbm>>) target_semaphore(%arg11 : memref<!tpu.dma_semaphore, #tpu.memory_space<semaphore_mem>>)
      %slice3A_348 = vector.extract_strided_slice %shift_right_logical3A_295 {offsets = [2], sizes = [1], strides = [1]} : vector<16xi32> to vector<1xi32>
      %squeeze3A_349 = vector.extract %slice3A_348[0] : i32 from vector<1xi32>
      %add3A_350 = vector.broadcast %squeeze3A_349 : i32 to vector<16xi32>
      %add3A_351 = arith.addi %broadcast_in_dim3A_72, %add3A_350 : vector<16xi32>
      %gather3A_352 = tpu.vector_load_idx %arg6[%shift_right_logical3A_239, %and3A_241, %add3A_351] : memref<4x8x3200xf32, #tpu.memory_space<vmem>>[vector<16xi32>, vector<16xi32>, vector<16xi32>], vector<16xf32>,
      %swap3A_353 = arith.constant 2 : i32
      %swap3A_354 = arith.index_cast %swap3A_353 : i32 to index
      %swap3A_355 = arith.constant 0 : index
      %swap3A_356 = tpu.vector_load %arg8[%swap3A_354, %swap3A_355] {strides = array<i32>} : memref<16x32xf32, #tpu.memory_space<vmem>>, vector<16xf32>,
      tpu.vector_store %arg8[%swap3A_354, %swap3A_355], %gather3A_352 {strides = array<i32>} : memref<16x32xf32, #tpu.memory_space<vmem>>, vector<16xf32>,
      %gather3A_357 = tpu.vector_load_idx %arg6[%shift_right_logical3A_247, %and3A_250, %add3A_351] : memref<4x8x3200xf32, #tpu.memory_space<vmem>>[vector<16xi32>, vector<16xi32>, vector<16xi32>], vector<16xf32>,
      %swap3A_358 = arith.constant 2 : i32
      %swap3A_359 = arith.index_cast %swap3A_358 : i32 to index
      %swap3A_360 = arith.constant 16 : index
      %swap3A_361 = tpu.vector_load %arg8[%swap3A_359, %swap3A_360] {strides = array<i32>} : memref<16x32xf32, #tpu.memory_space<vmem>>, vector<16xf32>,
      tpu.vector_store %arg8[%swap3A_359, %swap3A_360], %gather3A_357 {strides = array<i32>} : memref<16x32xf32, #tpu.memory_space<vmem>>, vector<16xf32>,
      %slice3A_362 = vector.extract_strided_slice %and3A_292 {offsets = [2], sizes = [1], strides = [1]} : vector<16xi32> to vector<1xi32>
      %squeeze3A_363 = vector.extract %slice3A_362[0] : i32 from vector<1xi32>
      %mul3A_364 = arith.constant 32 : i32
      %mul3A_365 = arith.muli %squeeze3A_363, %mul3A_364 : i32
      %dma_start3A_366 = arith.constant 2 : i32
      %dma_start3A_367 = arith.constant 0 : i32
      %dma_start3A_368 = tpu.memref_slice %arg8[%dma_start3A_366, %dma_start3A_367] : memref<16x32xf32, #tpu.memory_space<vmem>> -> memref<1x32xf32, #tpu.memory_space<vmem>>
      %dma_start3A_369 = tpu.memref_squeeze %dma_start3A_368 : memref<1x32xf32, #tpu.memory_space<vmem>> -> memref<32xf32, #tpu.memory_space<vmem>>
      %dma_start3A_370 = tpu.memref_slice %arg4[%mul3A_365] : memref<524288xf32, #tpu.memory_space<hbm>> -> memref<32xf32, #tpu.memory_space<hbm>>
      %dma_start3A_371 = tpu.memref_slice %arg4[%mul3A_365] : memref<524288xf32, #tpu.memory_space<hbm>> -> memref<32xf32, #tpu.memory_space<hbm>>
      %dma_start3A_372 = arith.constant 0 : i32
      %dma_start3A_373 = tpu.memref_slice %arg8[%dma_start3A_366, %dma_start3A_372] : memref<16x32xf32, #tpu.memory_space<vmem>> -> memref<1x32xf32, #tpu.memory_space<vmem>>
      %dma_start3A_374 = tpu.memref_squeeze %dma_start3A_373 : memref<1x32xf32, #tpu.memory_space<vmem>> -> memref<32xf32, #tpu.memory_space<vmem>>
      tpu.enqueue_dma source(%dma_start3A_374 : memref<32xf32, #tpu.memory_space<vmem>>) target(%dma_start3A_371 : memref<32xf32, #tpu.memory_space<hbm>>) target_semaphore(%arg11 : memref<!tpu.dma_semaphore, #tpu.memory_space<semaphore_mem>>)
      %slice3A_375 = vector.extract_strided_slice %shift_right_logical3A_295 {offsets = [3], sizes = [1], strides = [1]} : vector<16xi32> to vector<1xi32>
      %squeeze3A_376 = vector.extract %slice3A_375[0] : i32 from vector<1xi32>
      %add3A_377 = vector.broadcast %squeeze3A_376 : i32 to vector<16xi32>
      %add3A_378 = arith.addi %broadcast_in_dim3A_72, %add3A_377 : vector<16xi32>
      %gather3A_379 = tpu.vector_load_idx %arg6[%shift_right_logical3A_239, %and3A_241, %add3A_378] : memref<4x8x3200xf32, #tpu.memory_space<vmem>>[vector<16xi32>, vector<16xi32>, vector<16xi32>], vector<16xf32>,
      %swap3A_380 = arith.constant 3 : i32
      %swap3A_381 = arith.index_cast %swap3A_380 : i32 to index
      %swap3A_382 = arith.constant 0 : index
      %swap3A_383 = tpu.vector_load %arg8[%swap3A_381, %swap3A_382] {strides = array<i32>} : memref<16x32xf32, #tpu.memory_space<vmem>>, vector<16xf32>,
      tpu.vector_store %arg8[%swap3A_381, %swap3A_382], %gather3A_379 {strides = array<i32>} : memref<16x32xf32, #tpu.memory_space<vmem>>, vector<16xf32>,
      %gather3A_384 = tpu.vector_load_idx %arg6[%shift_right_logical3A_247, %and3A_250, %add3A_378] : memref<4x8x3200xf32, #tpu.memory_space<vmem>>[vector<16xi32>, vector<16xi32>, vector<16xi32>], vector<16xf32>,
      %swap3A_385 = arith.constant 3 : i32
      %swap3A_386 = arith.index_cast %swap3A_385 : i32 to index
      %swap3A_387 = arith.constant 16 : index
      %swap3A_388 = tpu.vector_load %arg8[%swap3A_386, %swap3A_387] {strides = array<i32>} : memref<16x32xf32, #tpu.memory_space<vmem>>, vector<16xf32>,
      tpu.vector_store %arg8[%swap3A_386, %swap3A_387], %gather3A_384 {strides = array<i32>} : memref<16x32xf32, #tpu.memory_space<vmem>>, vector<16xf32>,
      %slice3A_389 = vector.extract_strided_slice %and3A_292 {offsets = [3], sizes = [1], strides = [1]} : vector<16xi32> to vector<1xi32>
      %squeeze3A_390 = vector.extract %slice3A_389[0] : i32 from vector<1xi32>
      %mul3A_391 = arith.constant 32 : i32
      %mul3A_392 = arith.muli %squeeze3A_390, %mul3A_391 : i32
      %dma_start3A_393 = arith.constant 3 : i32
      %dma_start3A_394 = arith.constant 0 : i32
      %dma_start3A_395 = tpu.memref_slice %arg8[%dma_start3A_393, %dma_start3A_394] : memref<16x32xf32, #tpu.memory_space<vmem>> -> memref<1x32xf32, #tpu.memory_space<vmem>>
      %dma_start3A_396 = tpu.memref_squeeze %dma_start3A_395 : memref<1x32xf32, #tpu.memory_space<vmem>> -> memref<32xf32, #tpu.memory_space<vmem>>
      %dma_start3A_397 = tpu.memref_slice %arg4[%mul3A_392] : memref<524288xf32, #tpu.memory_space<hbm>> -> memref<32xf32, #tpu.memory_space<hbm>>
      %dma_start3A_398 = tpu.memref_slice %arg4[%mul3A_392] : memref<524288xf32, #tpu.memory_space<hbm>> -> memref<32xf32, #tpu.memory_space<hbm>>
      %dma_start3A_399 = arith.constant 0 : i32
      %dma_start3A_400 = tpu.memref_slice %arg8[%dma_start3A_393, %dma_start3A_399] : memref<16x32xf32, #tpu.memory_space<vmem>> -> memref<1x32xf32, #tpu.memory_space<vmem>>
      %dma_start3A_401 = tpu.memref_squeeze %dma_start3A_400 : memref<1x32xf32, #tpu.memory_space<vmem>> -> memref<32xf32, #tpu.memory_space<vmem>>
      tpu.enqueue_dma source(%dma_start3A_401 : memref<32xf32, #tpu.memory_space<vmem>>) target(%dma_start3A_398 : memref<32xf32, #tpu.memory_space<hbm>>) target_semaphore(%arg11 : memref<!tpu.dma_semaphore, #tpu.memory_space<semaphore_mem>>)
      %slice3A_402 = vector.extract_strided_slice %shift_right_logical3A_295 {offsets = [4], sizes = [1], strides = [1]} : vector<16xi32> to vector<1xi32>
      %squeeze3A_403 = vector.extract %slice3A_402[0] : i32 from vector<1xi32>
      %add3A_404 = vector.broadcast %squeeze3A_403 : i32 to vector<16xi32>
      %add3A_405 = arith.addi %broadcast_in_dim3A_72, %add3A_404 : vector<16xi32>
      %gather3A_406 = tpu.vector_load_idx %arg6[%shift_right_logical3A_239, %and3A_241, %add3A_405] : memref<4x8x3200xf32, #tpu.memory_space<vmem>>[vector<16xi32>, vector<16xi32>, vector<16xi32>], vector<16xf32>,
      %swap3A_407 = arith.constant 4 : i32
      %swap3A_408 = arith.index_cast %swap3A_407 : i32 to index
      %swap3A_409 = arith.constant 0 : index
      %swap3A_410 = tpu.vector_load %arg8[%swap3A_408, %swap3A_409] {strides = array<i32>} : memref<16x32xf32, #tpu.memory_space<vmem>>, vector<16xf32>,
      tpu.vector_store %arg8[%swap3A_408, %swap3A_409], %gather3A_406 {strides = array<i32>} : memref<16x32xf32, #tpu.memory_space<vmem>>, vector<16xf32>,
      %gather3A_411 = tpu.vector_load_idx %arg6[%shift_right_logical3A_247, %and3A_250, %add3A_405] : memref<4x8x3200xf32, #tpu.memory_space<vmem>>[vector<16xi32>, vector<16xi32>, vector<16xi32>], vector<16xf32>,
      %swap3A_412 = arith.constant 4 : i32
      %swap3A_413 = arith.index_cast %swap3A_412 : i32 to index
      %swap3A_414 = arith.constant 16 : index
      %swap3A_415 = tpu.vector_load %arg8[%swap3A_413, %swap3A_414] {strides = array<i32>} : memref<16x32xf32, #tpu.memory_space<vmem>>, vector<16xf32>,
      tpu.vector_store %arg8[%swap3A_413, %swap3A_414], %gather3A_411 {strides = array<i32>} : memref<16x32xf32, #tpu.memory_space<vmem>>, vector<16xf32>,
      %slice3A_416 = vector.extract_strided_slice %and3A_292 {offsets = [4], sizes = [1], strides = [1]} : vector<16xi32> to vector<1xi32>
      %squeeze3A_417 = vector.extract %slice3A_416[0] : i32 from vector<1xi32>
      %mul3A_418 = arith.constant 32 : i32
      %mul3A_419 = arith.muli %squeeze3A_417, %mul3A_418 : i32
      %dma_start3A_420 = arith.constant 4 : i32
      %dma_start3A_421 = arith.constant 0 : i32
      %dma_start3A_422 = tpu.memref_slice %arg8[%dma_start3A_420, %dma_start3A_421] : memref<16x32xf32, #tpu.memory_space<vmem>> -> memref<1x32xf32, #tpu.memory_space<vmem>>
      %dma_start3A_423 = tpu.memref_squeeze %dma_start3A_422 : memref<1x32xf32, #tpu.memory_space<vmem>> -> memref<32xf32, #tpu.memory_space<vmem>>
      %dma_start3A_424 = tpu.memref_slice %arg4[%mul3A_419] : memref<524288xf32, #tpu.memory_space<hbm>> -> memref<32xf32, #tpu.memory_space<hbm>>
      %dma_start3A_425 = tpu.memref_slice %arg4[%mul3A_419] : memref<524288xf32, #tpu.memory_space<hbm>> -> memref<32xf32, #tpu.memory_space<hbm>>
      %dma_start3A_426 = arith.constant 0 : i32
      %dma_start3A_427 = tpu.memref_slice %arg8[%dma_start3A_420, %dma_start3A_426] : memref<16x32xf32, #tpu.memory_space<vmem>> -> memref<1x32xf32, #tpu.memory_space<vmem>>
      %dma_start3A_428 = tpu.memref_squeeze %dma_start3A_427 : memref<1x32xf32, #tpu.memory_space<vmem>> -> memref<32xf32, #tpu.memory_space<vmem>>
      tpu.enqueue_dma source(%dma_start3A_428 : memref<32xf32, #tpu.memory_space<vmem>>) target(%dma_start3A_425 : memref<32xf32, #tpu.memory_space<hbm>>) target_semaphore(%arg11 : memref<!tpu.dma_semaphore, #tpu.memory_space<semaphore_mem>>)
      %slice3A_429 = vector.extract_strided_slice %shift_right_logical3A_295 {offsets = [5], sizes = [1], strides = [1]} : vector<16xi32> to vector<1xi32>
      %squeeze3A_430 = vector.extract %slice3A_429[0] : i32 from vector<1xi32>
      %add3A_431 = vector.broadcast %squeeze3A_430 : i32 to vector<16xi32>
      %add3A_432 = arith.addi %broadcast_in_dim3A_72, %add3A_431 : vector<16xi32>
      %gather3A_433 = tpu.vector_load_idx %arg6[%shift_right_logical3A_239, %and3A_241, %add3A_432] : memref<4x8x3200xf32, #tpu.memory_space<vmem>>[vector<16xi32>, vector<16xi32>, vector<16xi32>], vector<16xf32>,
      %swap3A_434 = arith.constant 5 : i32
      %swap3A_435 = arith.index_cast %swap3A_434 : i32 to index
      %swap3A_436 = arith.constant 0 : index
      %swap3A_437 = tpu.vector_load %arg8[%swap3A_435, %swap3A_436] {strides = array<i32>} : memref<16x32xf32, #tpu.memory_space<vmem>>, vector<16xf32>,
      tpu.vector_store %arg8[%swap3A_435, %swap3A_436], %gather3A_433 {strides = array<i32>} : memref<16x32xf32, #tpu.memory_space<vmem>>, vector<16xf32>,
      %gather3A_438 = tpu.vector_load_idx %arg6[%shift_right_logical3A_247, %and3A_250, %add3A_432] : memref<4x8x3200xf32, #tpu.memory_space<vmem>>[vector<16xi32>, vector<16xi32>, vector<16xi32>], vector<16xf32>,
      %swap3A_439 = arith.constant 5 : i32
      %swap3A_440 = arith.index_cast %swap3A_439 : i32 to index
      %swap3A_441 = arith.constant 16 : index
      %swap3A_442 = tpu.vector_load %arg8[%swap3A_440, %swap3A_441] {strides = array<i32>} : memref<16x32xf32, #tpu.memory_space<vmem>>, vector<16xf32>,
      tpu.vector_store %arg8[%swap3A_440, %swap3A_441], %gather3A_438 {strides = array<i32>} : memref<16x32xf32, #tpu.memory_space<vmem>>, vector<16xf32>,
      %slice3A_443 = vector.extract_strided_slice %and3A_292 {offsets = [5], sizes = [1], strides = [1]} : vector<16xi32> to vector<1xi32>
      %squeeze3A_444 = vector.extract %slice3A_443[0] : i32 from vector<1xi32>
      %mul3A_445 = arith.constant 32 : i32
      %mul3A_446 = arith.muli %squeeze3A_444, %mul3A_445 : i32
      %dma_start3A_447 = arith.constant 5 : i32
      %dma_start3A_448 = arith.constant 0 : i32
      %dma_start3A_449 = tpu.memref_slice %arg8[%dma_start3A_447, %dma_start3A_448] : memref<16x32xf32, #tpu.memory_space<vmem>> -> memref<1x32xf32, #tpu.memory_space<vmem>>
      %dma_start3A_450 = tpu.memref_squeeze %dma_start3A_449 : memref<1x32xf32, #tpu.memory_space<vmem>> -> memref<32xf32, #tpu.memory_space<vmem>>
      %dma_start3A_451 = tpu.memref_slice %arg4[%mul3A_446] : memref<524288xf32, #tpu.memory_space<hbm>> -> memref<32xf32, #tpu.memory_space<hbm>>
      %dma_start3A_452 = tpu.memref_slice %arg4[%mul3A_446] : memref<524288xf32, #tpu.memory_space<hbm>> -> memref<32xf32, #tpu.memory_space<hbm>>
      %dma_start3A_453 = arith.constant 0 : i32
      %dma_start3A_454 = tpu.memref_slice %arg8[%dma_start3A_447, %dma_start3A_453] : memref<16x32xf32, #tpu.memory_space<vmem>> -> memref<1x32xf32, #tpu.memory_space<vmem>>
      %dma_start3A_455 = tpu.memref_squeeze %dma_start3A_454 : memref<1x32xf32, #tpu.memory_space<vmem>> -> memref<32xf32, #tpu.memory_space<vmem>>
      tpu.enqueue_dma source(%dma_start3A_455 : memref<32xf32, #tpu.memory_space<vmem>>) target(%dma_start3A_452 : memref<32xf32, #tpu.memory_space<hbm>>) target_semaphore(%arg11 : memref<!tpu.dma_semaphore, #tpu.memory_space<semaphore_mem>>)
      %slice3A_456 = vector.extract_strided_slice %shift_right_logical3A_295 {offsets = [6], sizes = [1], strides = [1]} : vector<16xi32> to vector<1xi32>
      %squeeze3A_457 = vector.extract %slice3A_456[0] : i32 from vector<1xi32>
      %add3A_458 = vector.broadcast %squeeze3A_457 : i32 to vector<16xi32>
      %add3A_459 = arith.addi %broadcast_in_dim3A_72, %add3A_458 : vector<16xi32>
      %gather3A_460 = tpu.vector_load_idx %arg6[%shift_right_logical3A_239, %and3A_241, %add3A_459] : memref<4x8x3200xf32, #tpu.memory_space<vmem>>[vector<16xi32>, vector<16xi32>, vector<16xi32>], vector<16xf32>,
      %swap3A_461 = arith.constant 6 : i32
      %swap3A_462 = arith.index_cast %swap3A_461 : i32 to index
      %swap3A_463 = arith.constant 0 : index
      %swap3A_464 = tpu.vector_load %arg8[%swap3A_462, %swap3A_463] {strides = array<i32>} : memref<16x32xf32, #tpu.memory_space<vmem>>, vector<16xf32>,
      tpu.vector_store %arg8[%swap3A_462, %swap3A_463], %gather3A_460 {strides = array<i32>} : memref<16x32xf32, #tpu.memory_space<vmem>>, vector<16xf32>,
      %gather3A_465 = tpu.vector_load_idx %arg6[%shift_right_logical3A_247, %and3A_250, %add3A_459] : memref<4x8x3200xf32, #tpu.memory_space<vmem>>[vector<16xi32>, vector<16xi32>, vector<16xi32>], vector<16xf32>,
      %swap3A_466 = arith.constant 6 : i32
      %swap3A_467 = arith.index_cast %swap3A_466 : i32 to index
      %swap3A_468 = arith.constant 16 : index
      %swap3A_469 = tpu.vector_load %arg8[%swap3A_467, %swap3A_468] {strides = array<i32>} : memref<16x32xf32, #tpu.memory_space<vmem>>, vector<16xf32>,
      tpu.vector_store %arg8[%swap3A_467, %swap3A_468], %gather3A_465 {strides = array<i32>} : memref<16x32xf32, #tpu.memory_space<vmem>>, vector<16xf32>,
      %slice3A_470 = vector.extract_strided_slice %and3A_292 {offsets = [6], sizes = [1], strides = [1]} : vector<16xi32> to vector<1xi32>
      %squeeze3A_471 = vector.extract %slice3A_470[0] : i32 from vector<1xi32>
      %mul3A_472 = arith.constant 32 : i32
      %mul3A_473 = arith.muli %squeeze3A_471, %mul3A_472 : i32
      %dma_start3A_474 = arith.constant 6 : i32
      %dma_start3A_475 = arith.constant 0 : i32
      %dma_start3A_476 = tpu.memref_slice %arg8[%dma_start3A_474, %dma_start3A_475] : memref<16x32xf32, #tpu.memory_space<vmem>> -> memref<1x32xf32, #tpu.memory_space<vmem>>
      %dma_start3A_477 = tpu.memref_squeeze %dma_start3A_476 : memref<1x32xf32, #tpu.memory_space<vmem>> -> memref<32xf32, #tpu.memory_space<vmem>>
      %dma_start3A_478 = tpu.memref_slice %arg4[%mul3A_473] : memref<524288xf32, #tpu.memory_space<hbm>> -> memref<32xf32, #tpu.memory_space<hbm>>
      %dma_start3A_479 = tpu.memref_slice %arg4[%mul3A_473] : memref<524288xf32, #tpu.memory_space<hbm>> -> memref<32xf32, #tpu.memory_space<hbm>>
      %dma_start3A_480 = arith.constant 0 : i32
      %dma_start3A_481 = tpu.memref_slice %arg8[%dma_start3A_474, %dma_start3A_480] : memref<16x32xf32, #tpu.memory_space<vmem>> -> memref<1x32xf32, #tpu.memory_space<vmem>>
      %dma_start3A_482 = tpu.memref_squeeze %dma_start3A_481 : memref<1x32xf32, #tpu.memory_space<vmem>> -> memref<32xf32, #tpu.memory_space<vmem>>
      tpu.enqueue_dma source(%dma_start3A_482 : memref<32xf32, #tpu.memory_space<vmem>>) target(%dma_start3A_479 : memref<32xf32, #tpu.memory_space<hbm>>) target_semaphore(%arg11 : memref<!tpu.dma_semaphore, #tpu.memory_space<semaphore_mem>>)
      %slice3A_483 = vector.extract_strided_slice %shift_right_logical3A_295 {offsets = [7], sizes = [1], strides = [1]} : vector<16xi32> to vector<1xi32>
      %squeeze3A_484 = vector.extract %slice3A_483[0] : i32 from vector<1xi32>
      %add3A_485 = vector.broadcast %squeeze3A_484 : i32 to vector<16xi32>
      %add3A_486 = arith.addi %broadcast_in_dim3A_72, %add3A_485 : vector<16xi32>
      %gather3A_487 = tpu.vector_load_idx %arg6[%shift_right_logical3A_239, %and3A_241, %add3A_486] : memref<4x8x3200xf32, #tpu.memory_space<vmem>>[vector<16xi32>, vector<16xi32>, vector<16xi32>], vector<16xf32>,
      %swap3A_488 = arith.constant 7 : i32
      %swap3A_489 = arith.index_cast %swap3A_488 : i32 to index
      %swap3A_490 = arith.constant 0 : index
      %swap3A_491 = tpu.vector_load %arg8[%swap3A_489, %swap3A_490] {strides = array<i32>} : memref<16x32xf32, #tpu.memory_space<vmem>>, vector<16xf32>,
      tpu.vector_store %arg8[%swap3A_489, %swap3A_490], %gather3A_487 {strides = array<i32>} : memref<16x32xf32, #tpu.memory_space<vmem>>, vector<16xf32>,
      %gather3A_492 = tpu.vector_load_idx %arg6[%shift_right_logical3A_247, %and3A_250, %add3A_486] : memref<4x8x3200xf32, #tpu.memory_space<vmem>>[vector<16xi32>, vector<16xi32>, vector<16xi32>], vector<16xf32>,
      %swap3A_493 = arith.constant 7 : i32
      %swap3A_494 = arith.index_cast %swap3A_493 : i32 to index
      %swap3A_495 = arith.constant 16 : index
      %swap3A_496 = tpu.vector_load %arg8[%swap3A_494, %swap3A_495] {strides = array<i32>} : memref<16x32xf32, #tpu.memory_space<vmem>>, vector<16xf32>,
      tpu.vector_store %arg8[%swap3A_494, %swap3A_495], %gather3A_492 {strides = array<i32>} : memref<16x32xf32, #tpu.memory_space<vmem>>, vector<16xf32>,
      %slice3A_497 = vector.extract_strided_slice %and3A_292 {offsets = [7], sizes = [1], strides = [1]} : vector<16xi32> to vector<1xi32>
      %squeeze3A_498 = vector.extract %slice3A_497[0] : i32 from vector<1xi32>
      %mul3A_499 = arith.constant 32 : i32
      %mul3A_500 = arith.muli %squeeze3A_498, %mul3A_499 : i32
      %dma_start3A_501 = arith.constant 7 : i32
      %dma_start3A_502 = arith.constant 0 : i32
      %dma_start3A_503 = tpu.memref_slice %arg8[%dma_start3A_501, %dma_start3A_502] : memref<16x32xf32, #tpu.memory_space<vmem>> -> memref<1x32xf32, #tpu.memory_space<vmem>>
      %dma_start3A_504 = tpu.memref_squeeze %dma_start3A_503 : memref<1x32xf32, #tpu.memory_space<vmem>> -> memref<32xf32, #tpu.memory_space<vmem>>
      %dma_start3A_505 = tpu.memref_slice %arg4[%mul3A_500] : memref<524288xf32, #tpu.memory_space<hbm>> -> memref<32xf32, #tpu.memory_space<hbm>>
      %dma_start3A_506 = tpu.memref_slice %arg4[%mul3A_500] : memref<524288xf32, #tpu.memory_space<hbm>> -> memref<32xf32, #tpu.memory_space<hbm>>
      %dma_start3A_507 = arith.constant 0 : i32
      %dma_start3A_508 = tpu.memref_slice %arg8[%dma_start3A_501, %dma_start3A_507] : memref<16x32xf32, #tpu.memory_space<vmem>> -> memref<1x32xf32, #tpu.memory_space<vmem>>
      %dma_start3A_509 = tpu.memref_squeeze %dma_start3A_508 : memref<1x32xf32, #tpu.memory_space<vmem>> -> memref<32xf32, #tpu.memory_space<vmem>>
      tpu.enqueue_dma source(%dma_start3A_509 : memref<32xf32, #tpu.memory_space<vmem>>) target(%dma_start3A_506 : memref<32xf32, #tpu.memory_space<hbm>>) target_semaphore(%arg11 : memref<!tpu.dma_semaphore, #tpu.memory_space<semaphore_mem>>)
      %slice3A_510 = vector.extract_strided_slice %shift_right_logical3A_295 {offsets = [8], sizes = [1], strides = [1]} : vector<16xi32> to vector<1xi32>
      %squeeze3A_511 = vector.extract %slice3A_510[0] : i32 from vector<1xi32>
      %add3A_512 = vector.broadcast %squeeze3A_511 : i32 to vector<16xi32>
      %add3A_513 = arith.addi %broadcast_in_dim3A_72, %add3A_512 : vector<16xi32>
      %gather3A_514 = tpu.vector_load_idx %arg6[%shift_right_logical3A_239, %and3A_241, %add3A_513] : memref<4x8x3200xf32, #tpu.memory_space<vmem>>[vector<16xi32>, vector<16xi32>, vector<16xi32>], vector<16xf32>,
      %swap3A_515 = arith.constant 8 : i32
      %swap3A_516 = arith.index_cast %swap3A_515 : i32 to index
      %swap3A_517 = arith.constant 0 : index
      %swap3A_518 = tpu.vector_load %arg8[%swap3A_516, %swap3A_517] {strides = array<i32>} : memref<16x32xf32, #tpu.memory_space<vmem>>, vector<16xf32>,
      tpu.vector_store %arg8[%swap3A_516, %swap3A_517], %gather3A_514 {strides = array<i32>} : memref<16x32xf32, #tpu.memory_space<vmem>>, vector<16xf32>,
      %gather3A_519 = tpu.vector_load_idx %arg6[%shift_right_logical3A_247, %and3A_250, %add3A_513] : memref<4x8x3200xf32, #tpu.memory_space<vmem>>[vector<16xi32>, vector<16xi32>, vector<16xi32>], vector<16xf32>,
      %swap3A_520 = arith.constant 8 : i32
      %swap3A_521 = arith.index_cast %swap3A_520 : i32 to index
      %swap3A_522 = arith.constant 16 : index
      %swap3A_523 = tpu.vector_load %arg8[%swap3A_521, %swap3A_522] {strides = array<i32>} : memref<16x32xf32, #tpu.memory_space<vmem>>, vector<16xf32>,
      tpu.vector_store %arg8[%swap3A_521, %swap3A_522], %gather3A_519 {strides = array<i32>} : memref<16x32xf32, #tpu.memory_space<vmem>>, vector<16xf32>,
      %slice3A_524 = vector.extract_strided_slice %and3A_292 {offsets = [8], sizes = [1], strides = [1]} : vector<16xi32> to vector<1xi32>
      %squeeze3A_525 = vector.extract %slice3A_524[0] : i32 from vector<1xi32>
      %mul3A_526 = arith.constant 32 : i32
      %mul3A_527 = arith.muli %squeeze3A_525, %mul3A_526 : i32
      %dma_start3A_528 = arith.constant 8 : i32
      %dma_start3A_529 = arith.constant 0 : i32
      %dma_start3A_530 = tpu.memref_slice %arg8[%dma_start3A_528, %dma_start3A_529] : memref<16x32xf32, #tpu.memory_space<vmem>> -> memref<1x32xf32, #tpu.memory_space<vmem>>
      %dma_start3A_531 = tpu.memref_squeeze %dma_start3A_530 : memref<1x32xf32, #tpu.memory_space<vmem>> -> memref<32xf32, #tpu.memory_space<vmem>>
      %dma_start3A_532 = tpu.memref_slice %arg4[%mul3A_527] : memref<524288xf32, #tpu.memory_space<hbm>> -> memref<32xf32, #tpu.memory_space<hbm>>
      %dma_start3A_533 = tpu.memref_slice %arg4[%mul3A_527] : memref<524288xf32, #tpu.memory_space<hbm>> -> memref<32xf32, #tpu.memory_space<hbm>>
      %dma_start3A_534 = arith.constant 0 : i32
      %dma_start3A_535 = tpu.memref_slice %arg8[%dma_start3A_528, %dma_start3A_534] : memref<16x32xf32, #tpu.memory_space<vmem>> -> memref<1x32xf32, #tpu.memory_space<vmem>>
      %dma_start3A_536 = tpu.memref_squeeze %dma_start3A_535 : memref<1x32xf32, #tpu.memory_space<vmem>> -> memref<32xf32, #tpu.memory_space<vmem>>
      tpu.enqueue_dma source(%dma_start3A_536 : memref<32xf32, #tpu.memory_space<vmem>>) target(%dma_start3A_533 : memref<32xf32, #tpu.memory_space<hbm>>) target_semaphore(%arg11 : memref<!tpu.dma_semaphore, #tpu.memory_space<semaphore_mem>>)
      %slice3A_537 = vector.extract_strided_slice %shift_right_logical3A_295 {offsets = [9], sizes = [1], strides = [1]} : vector<16xi32> to vector<1xi32>
      %squeeze3A_538 = vector.extract %slice3A_537[0] : i32 from vector<1xi32>
      %add3A_539 = vector.broadcast %squeeze3A_538 : i32 to vector<16xi32>
      %add3A_540 = arith.addi %broadcast_in_dim3A_72, %add3A_539 : vector<16xi32>
      %gather3A_541 = tpu.vector_load_idx %arg6[%shift_right_logical3A_239, %and3A_241, %add3A_540] : memref<4x8x3200xf32, #tpu.memory_space<vmem>>[vector<16xi32>, vector<16xi32>, vector<16xi32>], vector<16xf32>,
      %swap3A_542 = arith.constant 9 : i32
      %swap3A_543 = arith.index_cast %swap3A_542 : i32 to index
      %swap3A_544 = arith.constant 0 : index
      %swap3A_545 = tpu.vector_load %arg8[%swap3A_543, %swap3A_544] {strides = array<i32>} : memref<16x32xf32, #tpu.memory_space<vmem>>, vector<16xf32>,
      tpu.vector_store %arg8[%swap3A_543, %swap3A_544], %gather3A_541 {strides = array<i32>} : memref<16x32xf32, #tpu.memory_space<vmem>>, vector<16xf32>,
      %gather3A_546 = tpu.vector_load_idx %arg6[%shift_right_logical3A_247, %and3A_250, %add3A_540] : memref<4x8x3200xf32, #tpu.memory_space<vmem>>[vector<16xi32>, vector<16xi32>, vector<16xi32>], vector<16xf32>,
      %swap3A_547 = arith.constant 9 : i32
      %swap3A_548 = arith.index_cast %swap3A_547 : i32 to index
      %swap3A_549 = arith.constant 16 : index
      %swap3A_550 = tpu.vector_load %arg8[%swap3A_548, %swap3A_549] {strides = array<i32>} : memref<16x32xf32, #tpu.memory_space<vmem>>, vector<16xf32>,
      tpu.vector_store %arg8[%swap3A_548, %swap3A_549], %gather3A_546 {strides = array<i32>} : memref<16x32xf32, #tpu.memory_space<vmem>>, vector<16xf32>,
      %slice3A_551 = vector.extract_strided_slice %and3A_292 {offsets = [9], sizes = [1], strides = [1]} : vector<16xi32> to vector<1xi32>
      %squeeze3A_552 = vector.extract %slice3A_551[0] : i32 from vector<1xi32>
      %mul3A_553 = arith.constant 32 : i32
      %mul3A_554 = arith.muli %squeeze3A_552, %mul3A_553 : i32
      %dma_start3A_555 = arith.constant 9 : i32
      %dma_start3A_556 = arith.constant 0 : i32
      %dma_start3A_557 = tpu.memref_slice %arg8[%dma_start3A_555, %dma_start3A_556] : memref<16x32xf32, #tpu.memory_space<vmem>> -> memref<1x32xf32, #tpu.memory_space<vmem>>
      %dma_start3A_558 = tpu.memref_squeeze %dma_start3A_557 : memref<1x32xf32, #tpu.memory_space<vmem>> -> memref<32xf32, #tpu.memory_space<vmem>>
      %dma_start3A_559 = tpu.memref_slice %arg4[%mul3A_554] : memref<524288xf32, #tpu.memory_space<hbm>> -> memref<32xf32, #tpu.memory_space<hbm>>
      %dma_start3A_560 = tpu.memref_slice %arg4[%mul3A_554] : memref<524288xf32, #tpu.memory_space<hbm>> -> memref<32xf32, #tpu.memory_space<hbm>>
      %dma_start3A_561 = arith.constant 0 : i32
      %dma_start3A_562 = tpu.memref_slice %arg8[%dma_start3A_555, %dma_start3A_561] : memref<16x32xf32, #tpu.memory_space<vmem>> -> memref<1x32xf32, #tpu.memory_space<vmem>>
      %dma_start3A_563 = tpu.memref_squeeze %dma_start3A_562 : memref<1x32xf32, #tpu.memory_space<vmem>> -> memref<32xf32, #tpu.memory_space<vmem>>
      tpu.enqueue_dma source(%dma_start3A_563 : memref<32xf32, #tpu.memory_space<vmem>>) target(%dma_start3A_560 : memref<32xf32, #tpu.memory_space<hbm>>) target_semaphore(%arg11 : memref<!tpu.dma_semaphore, #tpu.memory_space<semaphore_mem>>)
      %slice3A_564 = vector.extract_strided_slice %shift_right_logical3A_295 {offsets = [10], sizes = [1], strides = [1]} : vector<16xi32> to vector<1xi32>
      %squeeze3A_565 = vector.extract %slice3A_564[0] : i32 from vector<1xi32>
      %add3A_566 = vector.broadcast %squeeze3A_565 : i32 to vector<16xi32>
      %add3A_567 = arith.addi %broadcast_in_dim3A_72, %add3A_566 : vector<16xi32>
      %gather3A_568 = tpu.vector_load_idx %arg6[%shift_right_logical3A_239, %and3A_241, %add3A_567] : memref<4x8x3200xf32, #tpu.memory_space<vmem>>[vector<16xi32>, vector<16xi32>, vector<16xi32>], vector<16xf32>,
      %swap3A_569 = arith.constant 10 : i32
      %swap3A_570 = arith.index_cast %swap3A_569 : i32 to index
      %swap3A_571 = arith.constant 0 : index
      %swap3A_572 = tpu.vector_load %arg8[%swap3A_570, %swap3A_571] {strides = array<i32>} : memref<16x32xf32, #tpu.memory_space<vmem>>, vector<16xf32>,
      tpu.vector_store %arg8[%swap3A_570, %swap3A_571], %gather3A_568 {strides = array<i32>} : memref<16x32xf32, #tpu.memory_space<vmem>>, vector<16xf32>,
      %gather3A_573 = tpu.vector_load_idx %arg6[%shift_right_logical3A_247, %and3A_250, %add3A_567] : memref<4x8x3200xf32, #tpu.memory_space<vmem>>[vector<16xi32>, vector<16xi32>, vector<16xi32>], vector<16xf32>,
      %swap3A_574 = arith.constant 10 : i32
      %swap3A_575 = arith.index_cast %swap3A_574 : i32 to index
      %swap3A_576 = arith.constant 16 : index
      %swap3A_577 = tpu.vector_load %arg8[%swap3A_575, %swap3A_576] {strides = array<i32>} : memref<16x32xf32, #tpu.memory_space<vmem>>, vector<16xf32>,
      tpu.vector_store %arg8[%swap3A_575, %swap3A_576], %gather3A_573 {strides = array<i32>} : memref<16x32xf32, #tpu.memory_space<vmem>>, vector<16xf32>,
      %slice3A_578 = vector.extract_strided_slice %and3A_292 {offsets = [10], sizes = [1], strides = [1]} : vector<16xi32> to vector<1xi32>
      %squeeze3A_579 = vector.extract %slice3A_578[0] : i32 from vector<1xi32>
      %mul3A_580 = arith.constant 32 : i32
      %mul3A_581 = arith.muli %squeeze3A_579, %mul3A_580 : i32
      %dma_start3A_582 = arith.constant 10 : i32
      %dma_start3A_583 = arith.constant 0 : i32
      %dma_start3A_584 = tpu.memref_slice %arg8[%dma_start3A_582, %dma_start3A_583] : memref<16x32xf32, #tpu.memory_space<vmem>> -> memref<1x32xf32, #tpu.memory_space<vmem>>
      %dma_start3A_585 = tpu.memref_squeeze %dma_start3A_584 : memref<1x32xf32, #tpu.memory_space<vmem>> -> memref<32xf32, #tpu.memory_space<vmem>>
      %dma_start3A_586 = tpu.memref_slice %arg4[%mul3A_581] : memref<524288xf32, #tpu.memory_space<hbm>> -> memref<32xf32, #tpu.memory_space<hbm>>
      %dma_start3A_587 = tpu.memref_slice %arg4[%mul3A_581] : memref<524288xf32, #tpu.memory_space<hbm>> -> memref<32xf32, #tpu.memory_space<hbm>>
      %dma_start3A_588 = arith.constant 0 : i32
      %dma_start3A_589 = tpu.memref_slice %arg8[%dma_start3A_582, %dma_start3A_588] : memref<16x32xf32, #tpu.memory_space<vmem>> -> memref<1x32xf32, #tpu.memory_space<vmem>>
      %dma_start3A_590 = tpu.memref_squeeze %dma_start3A_589 : memref<1x32xf32, #tpu.memory_space<vmem>> -> memref<32xf32, #tpu.memory_space<vmem>>
      tpu.enqueue_dma source(%dma_start3A_590 : memref<32xf32, #tpu.memory_space<vmem>>) target(%dma_start3A_587 : memref<32xf32, #tpu.memory_space<hbm>>) target_semaphore(%arg11 : memref<!tpu.dma_semaphore, #tpu.memory_space<semaphore_mem>>)
      %slice3A_591 = vector.extract_strided_slice %shift_right_logical3A_295 {offsets = [11], sizes = [1], strides = [1]} : vector<16xi32> to vector<1xi32>
      %squeeze3A_592 = vector.extract %slice3A_591[0] : i32 from vector<1xi32>
      %add3A_593 = vector.broadcast %squeeze3A_592 : i32 to vector<16xi32>
      %add3A_594 = arith.addi %broadcast_in_dim3A_72, %add3A_593 : vector<16xi32>
      %gather3A_595 = tpu.vector_load_idx %arg6[%shift_right_logical3A_239, %and3A_241, %add3A_594] : memref<4x8x3200xf32, #tpu.memory_space<vmem>>[vector<16xi32>, vector<16xi32>, vector<16xi32>], vector<16xf32>,
      %swap3A_596 = arith.constant 11 : i32
      %swap3A_597 = arith.index_cast %swap3A_596 : i32 to index
      %swap3A_598 = arith.constant 0 : index
      %swap3A_599 = tpu.vector_load %arg8[%swap3A_597, %swap3A_598] {strides = array<i32>} : memref<16x32xf32, #tpu.memory_space<vmem>>, vector<16xf32>,
      tpu.vector_store %arg8[%swap3A_597, %swap3A_598], %gather3A_595 {strides = array<i32>} : memref<16x32xf32, #tpu.memory_space<vmem>>, vector<16xf32>,
      %gather3A_600 = tpu.vector_load_idx %arg6[%shift_right_logical3A_247, %and3A_250, %add3A_594] : memref<4x8x3200xf32, #tpu.memory_space<vmem>>[vector<16xi32>, vector<16xi32>, vector<16xi32>], vector<16xf32>,
      %swap3A_601 = arith.constant 11 : i32
      %swap3A_602 = arith.index_cast %swap3A_601 : i32 to index
      %swap3A_603 = arith.constant 16 : index
      %swap3A_604 = tpu.vector_load %arg8[%swap3A_602, %swap3A_603] {strides = array<i32>} : memref<16x32xf32, #tpu.memory_space<vmem>>, vector<16xf32>,
      tpu.vector_store %arg8[%swap3A_602, %swap3A_603], %gather3A_600 {strides = array<i32>} : memref<16x32xf32, #tpu.memory_space<vmem>>, vector<16xf32>,
      %slice3A_605 = vector.extract_strided_slice %and3A_292 {offsets = [11], sizes = [1], strides = [1]} : vector<16xi32> to vector<1xi32>
      %squeeze3A_606 = vector.extract %slice3A_605[0] : i32 from vector<1xi32>
      %mul3A_607 = arith.constant 32 : i32
      %mul3A_608 = arith.muli %squeeze3A_606, %mul3A_607 : i32
      %dma_start3A_609 = arith.constant 11 : i32
      %dma_start3A_610 = arith.constant 0 : i32
      %dma_start3A_611 = tpu.memref_slice %arg8[%dma_start3A_609, %dma_start3A_610] : memref<16x32xf32, #tpu.memory_space<vmem>> -> memref<1x32xf32, #tpu.memory_space<vmem>>
      %dma_start3A_612 = tpu.memref_squeeze %dma_start3A_611 : memref<1x32xf32, #tpu.memory_space<vmem>> -> memref<32xf32, #tpu.memory_space<vmem>>
      %dma_start3A_613 = tpu.memref_slice %arg4[%mul3A_608] : memref<524288xf32, #tpu.memory_space<hbm>> -> memref<32xf32, #tpu.memory_space<hbm>>
      %dma_start3A_614 = tpu.memref_slice %arg4[%mul3A_608] : memref<524288xf32, #tpu.memory_space<hbm>> -> memref<32xf32, #tpu.memory_space<hbm>>
      %dma_start3A_615 = arith.constant 0 : i32
      %dma_start3A_616 = tpu.memref_slice %arg8[%dma_start3A_609, %dma_start3A_615] : memref<16x32xf32, #tpu.memory_space<vmem>> -> memref<1x32xf32, #tpu.memory_space<vmem>>
      %dma_start3A_617 = tpu.memref_squeeze %dma_start3A_616 : memref<1x32xf32, #tpu.memory_space<vmem>> -> memref<32xf32, #tpu.memory_space<vmem>>
      tpu.enqueue_dma source(%dma_start3A_617 : memref<32xf32, #tpu.memory_space<vmem>>) target(%dma_start3A_614 : memref<32xf32, #tpu.memory_space<hbm>>) target_semaphore(%arg11 : memref<!tpu.dma_semaphore, #tpu.memory_space<semaphore_mem>>)
      %slice3A_618 = vector.extract_strided_slice %shift_right_logical3A_295 {offsets = [12], sizes = [1], strides = [1]} : vector<16xi32> to vector<1xi32>
      %squeeze3A_619 = vector.extract %slice3A_618[0] : i32 from vector<1xi32>
      %add3A_620 = vector.broadcast %squeeze3A_619 : i32 to vector<16xi32>
      %add3A_621 = arith.addi %broadcast_in_dim3A_72, %add3A_620 : vector<16xi32>
      %gather3A_622 = tpu.vector_load_idx %arg6[%shift_right_logical3A_239, %and3A_241, %add3A_621] : memref<4x8x3200xf32, #tpu.memory_space<vmem>>[vector<16xi32>, vector<16xi32>, vector<16xi32>], vector<16xf32>,
      %swap3A_623 = arith.constant 12 : i32
      %swap3A_624 = arith.index_cast %swap3A_623 : i32 to index
      %swap3A_625 = arith.constant 0 : index
      %swap3A_626 = tpu.vector_load %arg8[%swap3A_624, %swap3A_625] {strides = array<i32>} : memref<16x32xf32, #tpu.memory_space<vmem>>, vector<16xf32>,
      tpu.vector_store %arg8[%swap3A_624, %swap3A_625], %gather3A_622 {strides = array<i32>} : memref<16x32xf32, #tpu.memory_space<vmem>>, vector<16xf32>,
      %gather3A_627 = tpu.vector_load_idx %arg6[%shift_right_logical3A_247, %and3A_250, %add3A_621] : memref<4x8x3200xf32, #tpu.memory_space<vmem>>[vector<16xi32>, vector<16xi32>, vector<16xi32>], vector<16xf32>,
      %swap3A_628 = arith.constant 12 : i32
      %swap3A_629 = arith.index_cast %swap3A_628 : i32 to index
      %swap3A_630 = arith.constant 16 : index
      %swap3A_631 = tpu.vector_load %arg8[%swap3A_629, %swap3A_630] {strides = array<i32>} : memref<16x32xf32, #tpu.memory_space<vmem>>, vector<16xf32>,
      tpu.vector_store %arg8[%swap3A_629, %swap3A_630], %gather3A_627 {strides = array<i32>} : memref<16x32xf32, #tpu.memory_space<vmem>>, vector<16xf32>,
      %slice3A_632 = vector.extract_strided_slice %and3A_292 {offsets = [12], sizes = [1], strides = [1]} : vector<16xi32> to vector<1xi32>
      %squeeze3A_633 = vector.extract %slice3A_632[0] : i32 from vector<1xi32>
      %mul3A_634 = arith.constant 32 : i32
      %mul3A_635 = arith.muli %squeeze3A_633, %mul3A_634 : i32
      %dma_start3A_636 = arith.constant 12 : i32
      %dma_start3A_637 = arith.constant 0 : i32
      %dma_start3A_638 = tpu.memref_slice %arg8[%dma_start3A_636, %dma_start3A_637] : memref<16x32xf32, #tpu.memory_space<vmem>> -> memref<1x32xf32, #tpu.memory_space<vmem>>
      %dma_start3A_639 = tpu.memref_squeeze %dma_start3A_638 : memref<1x32xf32, #tpu.memory_space<vmem>> -> memref<32xf32, #tpu.memory_space<vmem>>
      %dma_start3A_640 = tpu.memref_slice %arg4[%mul3A_635] : memref<524288xf32, #tpu.memory_space<hbm>> -> memref<32xf32, #tpu.memory_space<hbm>>
      %dma_start3A_641 = tpu.memref_slice %arg4[%mul3A_635] : memref<524288xf32, #tpu.memory_space<hbm>> -> memref<32xf32, #tpu.memory_space<hbm>>
      %dma_start3A_642 = arith.constant 0 : i32
      %dma_start3A_643 = tpu.memref_slice %arg8[%dma_start3A_636, %dma_start3A_642] : memref<16x32xf32, #tpu.memory_space<vmem>> -> memref<1x32xf32, #tpu.memory_space<vmem>>
      %dma_start3A_644 = tpu.memref_squeeze %dma_start3A_643 : memref<1x32xf32, #tpu.memory_space<vmem>> -> memref<32xf32, #tpu.memory_space<vmem>>
      tpu.enqueue_dma source(%dma_start3A_644 : memref<32xf32, #tpu.memory_space<vmem>>) target(%dma_start3A_641 : memref<32xf32, #tpu.memory_space<hbm>>) target_semaphore(%arg11 : memref<!tpu.dma_semaphore, #tpu.memory_space<semaphore_mem>>)
      %slice3A_645 = vector.extract_strided_slice %shift_right_logical3A_295 {offsets = [13], sizes = [1], strides = [1]} : vector<16xi32> to vector<1xi32>
      %squeeze3A_646 = vector.extract %slice3A_645[0] : i32 from vector<1xi32>
      %add3A_647 = vector.broadcast %squeeze3A_646 : i32 to vector<16xi32>
      %add3A_648 = arith.addi %broadcast_in_dim3A_72, %add3A_647 : vector<16xi32>
      %gather3A_649 = tpu.vector_load_idx %arg6[%shift_right_logical3A_239, %and3A_241, %add3A_648] : memref<4x8x3200xf32, #tpu.memory_space<vmem>>[vector<16xi32>, vector<16xi32>, vector<16xi32>], vector<16xf32>,
      %swap3A_650 = arith.constant 13 : i32
      %swap3A_651 = arith.index_cast %swap3A_650 : i32 to index
      %swap3A_652 = arith.constant 0 : index
      %swap3A_653 = tpu.vector_load %arg8[%swap3A_651, %swap3A_652] {strides = array<i32>} : memref<16x32xf32, #tpu.memory_space<vmem>>, vector<16xf32>,
      tpu.vector_store %arg8[%swap3A_651, %swap3A_652], %gather3A_649 {strides = array<i32>} : memref<16x32xf32, #tpu.memory_space<vmem>>, vector<16xf32>,
      %gather3A_654 = tpu.vector_load_idx %arg6[%shift_right_logical3A_247, %and3A_250, %add3A_648] : memref<4x8x3200xf32, #tpu.memory_space<vmem>>[vector<16xi32>, vector<16xi32>, vector<16xi32>], vector<16xf32>,
      %swap3A_655 = arith.constant 13 : i32
      %swap3A_656 = arith.index_cast %swap3A_655 : i32 to index
      %swap3A_657 = arith.constant 16 : index
      %swap3A_658 = tpu.vector_load %arg8[%swap3A_656, %swap3A_657] {strides = array<i32>} : memref<16x32xf32, #tpu.memory_space<vmem>>, vector<16xf32>,
      tpu.vector_store %arg8[%swap3A_656, %swap3A_657], %gather3A_654 {strides = array<i32>} : memref<16x32xf32, #tpu.memory_space<vmem>>, vector<16xf32>,
      %slice3A_659 = vector.extract_strided_slice %and3A_292 {offsets = [13], sizes = [1], strides = [1]} : vector<16xi32> to vector<1xi32>
      %squeeze3A_660 = vector.extract %slice3A_659[0] : i32 from vector<1xi32>
      %mul3A_661 = arith.constant 32 : i32
      %mul3A_662 = arith.muli %squeeze3A_660, %mul3A_661 : i32
      %dma_start3A_663 = arith.constant 13 : i32
      %dma_start3A_664 = arith.constant 0 : i32
      %dma_start3A_665 = tpu.memref_slice %arg8[%dma_start3A_663, %dma_start3A_664] : memref<16x32xf32, #tpu.memory_space<vmem>> -> memref<1x32xf32, #tpu.memory_space<vmem>>
      %dma_start3A_666 = tpu.memref_squeeze %dma_start3A_665 : memref<1x32xf32, #tpu.memory_space<vmem>> -> memref<32xf32, #tpu.memory_space<vmem>>
      %dma_start3A_667 = tpu.memref_slice %arg4[%mul3A_662] : memref<524288xf32, #tpu.memory_space<hbm>> -> memref<32xf32, #tpu.memory_space<hbm>>
      %dma_start3A_668 = tpu.memref_slice %arg4[%mul3A_662] : memref<524288xf32, #tpu.memory_space<hbm>> -> memref<32xf32, #tpu.memory_space<hbm>>
      %dma_start3A_669 = arith.constant 0 : i32
      %dma_start3A_670 = tpu.memref_slice %arg8[%dma_start3A_663, %dma_start3A_669] : memref<16x32xf32, #tpu.memory_space<vmem>> -> memref<1x32xf32, #tpu.memory_space<vmem>>
      %dma_start3A_671 = tpu.memref_squeeze %dma_start3A_670 : memref<1x32xf32, #tpu.memory_space<vmem>> -> memref<32xf32, #tpu.memory_space<vmem>>
      tpu.enqueue_dma source(%dma_start3A_671 : memref<32xf32, #tpu.memory_space<vmem>>) target(%dma_start3A_668 : memref<32xf32, #tpu.memory_space<hbm>>) target_semaphore(%arg11 : memref<!tpu.dma_semaphore, #tpu.memory_space<semaphore_mem>>)
      %slice3A_672 = vector.extract_strided_slice %shift_right_logical3A_295 {offsets = [14], sizes = [1], strides = [1]} : vector<16xi32> to vector<1xi32>
      %squeeze3A_673 = vector.extract %slice3A_672[0] : i32 from vector<1xi32>
      %add3A_674 = vector.broadcast %squeeze3A_673 : i32 to vector<16xi32>
      %add3A_675 = arith.addi %broadcast_in_dim3A_72, %add3A_674 : vector<16xi32>
      %gather3A_676 = tpu.vector_load_idx %arg6[%shift_right_logical3A_239, %and3A_241, %add3A_675] : memref<4x8x3200xf32, #tpu.memory_space<vmem>>[vector<16xi32>, vector<16xi32>, vector<16xi32>], vector<16xf32>,
      %swap3A_677 = arith.constant 14 : i32
      %swap3A_678 = arith.index_cast %swap3A_677 : i32 to index
      %swap3A_679 = arith.constant 0 : index
      %swap3A_680 = tpu.vector_load %arg8[%swap3A_678, %swap3A_679] {strides = array<i32>} : memref<16x32xf32, #tpu.memory_space<vmem>>, vector<16xf32>,
      tpu.vector_store %arg8[%swap3A_678, %swap3A_679], %gather3A_676 {strides = array<i32>} : memref<16x32xf32, #tpu.memory_space<vmem>>, vector<16xf32>,
      %gather3A_681 = tpu.vector_load_idx %arg6[%shift_right_logical3A_247, %and3A_250, %add3A_675] : memref<4x8x3200xf32, #tpu.memory_space<vmem>>[vector<16xi32>, vector<16xi32>, vector<16xi32>], vector<16xf32>,
      %swap3A_682 = arith.constant 14 : i32
      %swap3A_683 = arith.index_cast %swap3A_682 : i32 to index
      %swap3A_684 = arith.constant 16 : index
      %swap3A_685 = tpu.vector_load %arg8[%swap3A_683, %swap3A_684] {strides = array<i32>} : memref<16x32xf32, #tpu.memory_space<vmem>>, vector<16xf32>,
      tpu.vector_store %arg8[%swap3A_683, %swap3A_684], %gather3A_681 {strides = array<i32>} : memref<16x32xf32, #tpu.memory_space<vmem>>, vector<16xf32>,
      %slice3A_686 = vector.extract_strided_slice %and3A_292 {offsets = [14], sizes = [1], strides = [1]} : vector<16xi32> to vector<1xi32>
      %squeeze3A_687 = vector.extract %slice3A_686[0] : i32 from vector<1xi32>
      %mul3A_688 = arith.constant 32 : i32
      %mul3A_689 = arith.muli %squeeze3A_687, %mul3A_688 : i32
      %dma_start3A_690 = arith.constant 14 : i32
      %dma_start3A_691 = arith.constant 0 : i32
      %dma_start3A_692 = tpu.memref_slice %arg8[%dma_start3A_690, %dma_start3A_691] : memref<16x32xf32, #tpu.memory_space<vmem>> -> memref<1x32xf32, #tpu.memory_space<vmem>>
      %dma_start3A_693 = tpu.memref_squeeze %dma_start3A_692 : memref<1x32xf32, #tpu.memory_space<vmem>> -> memref<32xf32, #tpu.memory_space<vmem>>
      %dma_start3A_694 = tpu.memref_slice %arg4[%mul3A_689] : memref<524288xf32, #tpu.memory_space<hbm>> -> memref<32xf32, #tpu.memory_space<hbm>>
      %dma_start3A_695 = tpu.memref_slice %arg4[%mul3A_689] : memref<524288xf32, #tpu.memory_space<hbm>> -> memref<32xf32, #tpu.memory_space<hbm>>
      %dma_start3A_696 = arith.constant 0 : i32
      %dma_start3A_697 = tpu.memref_slice %arg8[%dma_start3A_690, %dma_start3A_696] : memref<16x32xf32, #tpu.memory_space<vmem>> -> memref<1x32xf32, #tpu.memory_space<vmem>>
      %dma_start3A_698 = tpu.memref_squeeze %dma_start3A_697 : memref<1x32xf32, #tpu.memory_space<vmem>> -> memref<32xf32, #tpu.memory_space<vmem>>
      tpu.enqueue_dma source(%dma_start3A_698 : memref<32xf32, #tpu.memory_space<vmem>>) target(%dma_start3A_695 : memref<32xf32, #tpu.memory_space<hbm>>) target_semaphore(%arg11 : memref<!tpu.dma_semaphore, #tpu.memory_space<semaphore_mem>>)
      %slice3A_699 = vector.extract_strided_slice %shift_right_logical3A_295 {offsets = [15], sizes = [1], strides = [1]} : vector<16xi32> to vector<1xi32>
      %squeeze3A_700 = vector.extract %slice3A_699[0] : i32 from vector<1xi32>
      %add3A_701 = vector.broadcast %squeeze3A_700 : i32 to vector<16xi32>
      %add3A_702 = arith.addi %broadcast_in_dim3A_72, %add3A_701 : vector<16xi32>
      %gather3A_703 = tpu.vector_load_idx %arg6[%shift_right_logical3A_239, %and3A_241, %add3A_702] : memref<4x8x3200xf32, #tpu.memory_space<vmem>>[vector<16xi32>, vector<16xi32>, vector<16xi32>], vector<16xf32>,
      %swap3A_704 = arith.constant 15 : i32
      %swap3A_705 = arith.index_cast %swap3A_704 : i32 to index
      %swap3A_706 = arith.constant 0 : index
      %swap3A_707 = tpu.vector_load %arg8[%swap3A_705, %swap3A_706] {strides = array<i32>} : memref<16x32xf32, #tpu.memory_space<vmem>>, vector<16xf32>,
      tpu.vector_store %arg8[%swap3A_705, %swap3A_706], %gather3A_703 {strides = array<i32>} : memref<16x32xf32, #tpu.memory_space<vmem>>, vector<16xf32>,
      %gather3A_708 = tpu.vector_load_idx %arg6[%shift_right_logical3A_247, %and3A_250, %add3A_702] : memref<4x8x3200xf32, #tpu.memory_space<vmem>>[vector<16xi32>, vector<16xi32>, vector<16xi32>], vector<16xf32>,
      %swap3A_709 = arith.constant 15 : i32
      %swap3A_710 = arith.index_cast %swap3A_709 : i32 to index
      %swap3A_711 = arith.constant 16 : index
      %swap3A_712 = tpu.vector_load %arg8[%swap3A_710, %swap3A_711] {strides = array<i32>} : memref<16x32xf32, #tpu.memory_space<vmem>>, vector<16xf32>,
      tpu.vector_store %arg8[%swap3A_710, %swap3A_711], %gather3A_708 {strides = array<i32>} : memref<16x32xf32, #tpu.memory_space<vmem>>, vector<16xf32>,
      %slice3A_713 = vector.extract_strided_slice %and3A_292 {offsets = [15], sizes = [1], strides = [1]} : vector<16xi32> to vector<1xi32>
      %squeeze3A_714 = vector.extract %slice3A_713[0] : i32 from vector<1xi32>
      %mul3A_715 = arith.constant 32 : i32
      %mul3A_716 = arith.muli %squeeze3A_714, %mul3A_715 : i32
      %dma_start3A_717 = arith.constant 15 : i32
      %dma_start3A_718 = arith.constant 0 : i32
      %dma_start3A_719 = tpu.memref_slice %arg8[%dma_start3A_717, %dma_start3A_718] : memref<16x32xf32, #tpu.memory_space<vmem>> -> memref<1x32xf32, #tpu.memory_space<vmem>>
      %dma_start3A_720 = tpu.memref_squeeze %dma_start3A_719 : memref<1x32xf32, #tpu.memory_space<vmem>> -> memref<32xf32, #tpu.memory_space<vmem>>
      %dma_start3A_721 = tpu.memref_slice %arg4[%mul3A_716] : memref<524288xf32, #tpu.memory_space<hbm>> -> memref<32xf32, #tpu.memory_space<hbm>>
      %dma_start3A_722 = tpu.memref_slice %arg4[%mul3A_716] : memref<524288xf32, #tpu.memory_space<hbm>> -> memref<32xf32, #tpu.memory_space<hbm>>
      %dma_start3A_723 = arith.constant 0 : i32
      %dma_start3A_724 = tpu.memref_slice %arg8[%dma_start3A_717, %dma_start3A_723] : memref<16x32xf32, #tpu.memory_space<vmem>> -> memref<1x32xf32, #tpu.memory_space<vmem>>
      %dma_start3A_725 = tpu.memref_squeeze %dma_start3A_724 : memref<1x32xf32, #tpu.memory_space<vmem>> -> memref<32xf32, #tpu.memory_space<vmem>>
      tpu.enqueue_dma source(%dma_start3A_725 : memref<32xf32, #tpu.memory_space<vmem>>) target(%dma_start3A_722 : memref<32xf32, #tpu.memory_space<hbm>>) target_semaphore(%arg11 : memref<!tpu.dma_semaphore, #tpu.memory_space<semaphore_mem>>)
      %dma_wait3A_726 = arith.constant 0 : i32
      %dma_wait3A_727 = tpu.memref_slice %arg4[%dma_wait3A_726] : memref<524288xf32, #tpu.memory_space<hbm>> -> memref<512xf32, #tpu.memory_space<hbm>>
      %dma_wait3A_728 = arith.constant 0 : i32
      %dma_wait3A_729 = tpu.memref_slice %arg4[%dma_wait3A_728] : memref<524288xf32, #tpu.memory_space<hbm>> -> memref<512xf32, #tpu.memory_space<hbm>>
      tpu.wait_dma2 semaphore(%arg11 : memref<!tpu.dma_semaphore, #tpu.memory_space<semaphore_mem>>) src(%dma_wait3A_729 : memref<512xf32, #tpu.memory_space<hbm>>) dst(%arg9 : memref<512xf32, #tpu.memory_space<vmem>>)
    }
    %while3A_282 = arith.constant 1 : i32
    scf.for %while3A_283 = %while3A_280 to %while3A_276 step %while3A_282  : i32 {
      %add3A_284 = arith.constant 1 : i32
      %add3A_285 = arith.addi %while3A_283, %add3A_284 : i32
      %mul3A_286 = arith.constant 16 : i32
      %mul3A_287 = arith.muli %add3A_285, %mul3A_286 : i32
      %sub3A_288 = arith.constant 16416 : i32
      %sub3A_289 = arith.subi %sub3A_288, %mul3A_287 : i32
      %get3A_290 = arith.index_cast %sub3A_289 : i32 to index
      %get3A_291 = tpu.vector_load %arg7[%get3A_290] {strides = array<i32>} : memref<16416xi32, #tpu.memory_space<vmem>>, vector<16xi32>,
      %and3A_292 = arith.andi %get3A_291, %add3A_253 : vector<16xi32>
      %shift_right_logical3A_293 = arith.constant 14 : i32
      %shift_right_logical3A_294 = vector.broadcast %shift_right_logical3A_293 : i32 to vector<16xi32>
      %shift_right_logical3A_295 = arith.shrui %get3A_291, %shift_right_logical3A_294 : vector<16xi32>
      %slice3A_296 = vector.extract_strided_slice %shift_right_logical3A_295 {offsets = [0], sizes = [1], strides = [1]} : vector<16xi32> to vector<1xi32>
      %squeeze3A_297 = vector.extract %slice3A_296[0] : i32 from vector<1xi32>
      %add3A_298 = vector.broadcast %squeeze3A_297 : i32 to vector<16xi32>
      %add3A_299 = arith.addi %broadcast_in_dim3A_72, %add3A_298 : vector<16xi32>
      %gather3A = tpu.vector_load_idx %arg6[%shift_right_logical3A_239, %and3A_241, %add3A_299] : memref<4x8x3200xf32, #tpu.memory_space<vmem>>[vector<16xi32>, vector<16xi32>, vector<16xi32>], vector<16xf32>,
      %swap3A = arith.constant 0 : i32
      %swap3A_300 = arith.index_cast %swap3A : i32 to index
      %swap3A_301 = arith.constant 0 : index
      %swap3A_302 = tpu.vector_load %arg8[%swap3A_300, %swap3A_301] {strides = array<i32>} : memref<16x32xf32, #tpu.memory_space<vmem>>, vector<16xf32>,
      tpu.vector_store %arg8[%swap3A_300, %swap3A_301], %gather3A {strides = array<i32>} : memref<16x32xf32, #tpu.memory_space<vmem>>, vector<16xf32>,
      %gather3A_303 = tpu.vector_load_idx %arg6[%shift_right_logical3A_247, %and3A_250, %add3A_299] : memref<4x8x3200xf32, #tpu.memory_space<vmem>>[vector<16xi32>, vector<16xi32>, vector<16xi32>], vector<16xf32>,
      %swap3A_304 = arith.constant 0 : i32
      %swap3A_305 = arith.index_cast %swap3A_304 : i32 to index
      %swap3A_306 = arith.constant 16 : index
      %swap3A_307 = tpu.vector_load %arg8[%swap3A_305, %swap3A_306] {strides = array<i32>} : memref<16x32xf32, #tpu.memory_space<vmem>>, vector<16xf32>,
      tpu.vector_store %arg8[%swap3A_305, %swap3A_306], %gather3A_303 {strides = array<i32>} : memref<16x32xf32, #tpu.memory_space<vmem>>, vector<16xf32>,
      %slice3A_308 = vector.extract_strided_slice %and3A_292 {offsets = [0], sizes = [1], strides = [1]} : vector<16xi32> to vector<1xi32>
      %squeeze3A_309 = vector.extract %slice3A_308[0] : i32 from vector<1xi32>
      %mul3A_310 = arith.constant 32 : i32
      %mul3A_311 = arith.muli %squeeze3A_309, %mul3A_310 : i32
      %dma_start3A_312 = arith.constant 0 : i32
      %dma_start3A_313 = arith.constant 0 : i32
      %dma_start3A_314 = tpu.memref_slice %arg8[%dma_start3A_312, %dma_start3A_313] : memref<16x32xf32, #tpu.memory_space<vmem>> -> memref<1x32xf32, #tpu.memory_space<vmem>>
      %dma_start3A_315 = tpu.memref_squeeze %dma_start3A_314 : memref<1x32xf32, #tpu.memory_space<vmem>> -> memref<32xf32, #tpu.memory_space<vmem>>
      %dma_start3A_316 = tpu.memref_slice %arg4[%mul3A_311] : memref<524288xf32, #tpu.memory_space<hbm>> -> memref<32xf32, #tpu.memory_space<hbm>>
      %dma_start3A_317 = tpu.memref_slice %arg4[%mul3A_311] : memref<524288xf32, #tpu.memory_space<hbm>> -> memref<32xf32, #tpu.memory_space<hbm>>
      %dma_start3A_318 = arith.constant 0 : i32
      %dma_start3A_319 = tpu.memref_slice %arg8[%dma_start3A_312, %dma_start3A_318] : memref<16x32xf32, #tpu.memory_space<vmem>> -> memref<1x32xf32, #tpu.memory_space<vmem>>
      %dma_start3A_320 = tpu.memref_squeeze %dma_start3A_319 : memref<1x32xf32, #tpu.memory_space<vmem>> -> memref<32xf32, #tpu.memory_space<vmem>>
      tpu.enqueue_dma source(%dma_start3A_320 : memref<32xf32, #tpu.memory_space<vmem>>) target(%dma_start3A_317 : memref<32xf32, #tpu.memory_space<hbm>>) target_semaphore(%arg11 : memref<!tpu.dma_semaphore, #tpu.memory_space<semaphore_mem>>)
      %slice3A_321 = vector.extract_strided_slice %shift_right_logical3A_295 {offsets = [1], sizes = [1], strides = [1]} : vector<16xi32> to vector<1xi32>
      %squeeze3A_322 = vector.extract %slice3A_321[0] : i32 from vector<1xi32>
      %add3A_323 = vector.broadcast %squeeze3A_322 : i32 to vector<16xi32>
      %add3A_324 = arith.addi %broadcast_in_dim3A_72, %add3A_323 : vector<16xi32>
      %gather3A_325 = tpu.vector_load_idx %arg6[%shift_right_logical3A_239, %and3A_241, %add3A_324] : memref<4x8x3200xf32, #tpu.memory_space<vmem>>[vector<16xi32>, vector<16xi32>, vector<16xi32>], vector<16xf32>,
      %swap3A_326 = arith.constant 1 : i32
      %swap3A_327 = arith.index_cast %swap3A_326 : i32 to index
      %swap3A_328 = arith.constant 0 : index
      %swap3A_329 = tpu.vector_load %arg8[%swap3A_327, %swap3A_328] {strides = array<i32>} : memref<16x32xf32, #tpu.memory_space<vmem>>, vector<16xf32>,
      tpu.vector_store %arg8[%swap3A_327, %swap3A_328], %gather3A_325 {strides = array<i32>} : memref<16x32xf32, #tpu.memory_space<vmem>>, vector<16xf32>,
      %gather3A_330 = tpu.vector_load_idx %arg6[%shift_right_logical3A_247, %and3A_250, %add3A_324] : memref<4x8x3200xf32, #tpu.memory_space<vmem>>[vector<16xi32>, vector<16xi32>, vector<16xi32>], vector<16xf32>,
      %swap3A_331 = arith.constant 1 : i32
      %swap3A_332 = arith.index_cast %swap3A_331 : i32 to index
      %swap3A_333 = arith.constant 16 : index
      %swap3A_334 = tpu.vector_load %arg8[%swap3A_332, %swap3A_333] {strides = array<i32>} : memref<16x32xf32, #tpu.memory_space<vmem>>, vector<16xf32>,
      tpu.vector_store %arg8[%swap3A_332, %swap3A_333], %gather3A_330 {strides = array<i32>} : memref<16x32xf32, #tpu.memory_space<vmem>>, vector<16xf32>,
      %slice3A_335 = vector.extract_strided_slice %and3A_292 {offsets = [1], sizes = [1], strides = [1]} : vector<16xi32> to vector<1xi32>
      %squeeze3A_336 = vector.extract %slice3A_335[0] : i32 from vector<1xi32>
      %mul3A_337 = arith.constant 32 : i32
      %mul3A_338 = arith.muli %squeeze3A_336, %mul3A_337 : i32
      %dma_start3A_339 = arith.constant 1 : i32
      %dma_start3A_340 = arith.constant 0 : i32
      %dma_start3A_341 = tpu.memref_slice %arg8[%dma_start3A_339, %dma_start3A_340] : memref<16x32xf32, #tpu.memory_space<vmem>> -> memref<1x32xf32, #tpu.memory_space<vmem>>
      %dma_start3A_342 = tpu.memref_squeeze %dma_start3A_341 : memref<1x32xf32, #tpu.memory_space<vmem>> -> memref<32xf32, #tpu.memory_space<vmem>>
      %dma_start3A_343 = tpu.memref_slice %arg4[%mul3A_338] : memref<524288xf32, #tpu.memory_space<hbm>> -> memref<32xf32, #tpu.memory_space<hbm>>
      %dma_start3A_344 = tpu.memref_slice %arg4[%mul3A_338] : memref<524288xf32, #tpu.memory_space<hbm>> -> memref<32xf32, #tpu.memory_space<hbm>>
      %dma_start3A_345 = arith.constant 0 : i32
      %dma_start3A_346 = tpu.memref_slice %arg8[%dma_start3A_339, %dma_start3A_345] : memref<16x32xf32, #tpu.memory_space<vmem>> -> memref<1x32xf32, #tpu.memory_space<vmem>>
      %dma_start3A_347 = tpu.memref_squeeze %dma_start3A_346 : memref<1x32xf32, #tpu.memory_space<vmem>> -> memref<32xf32, #tpu.memory_space<vmem>>
      tpu.enqueue_dma source(%dma_start3A_347 : memref<32xf32, #tpu.memory_space<vmem>>) target(%dma_start3A_344 : memref<32xf32, #tpu.memory_space<hbm>>) target_semaphore(%arg11 : memref<!tpu.dma_semaphore, #tpu.memory_space<semaphore_mem>>)
      %slice3A_348 = vector.extract_strided_slice %shift_right_logical3A_295 {offsets = [2], sizes = [1], strides = [1]} : vector<16xi32> to vector<1xi32>
      %squeeze3A_349 = vector.extract %slice3A_348[0] : i32 from vector<1xi32>
      %add3A_350 = vector.broadcast %squeeze3A_349 : i32 to vector<16xi32>
      %add3A_351 = arith.addi %broadcast_in_dim3A_72, %add3A_350 : vector<16xi32>
      %gather3A_352 = tpu.vector_load_idx %arg6[%shift_right_logical3A_239, %and3A_241, %add3A_351] : memref<4x8x3200xf32, #tpu.memory_space<vmem>>[vector<16xi32>, vector<16xi32>, vector<16xi32>], vector<16xf32>,
      %swap3A_353 = arith.constant 2 : i32
      %swap3A_354 = arith.index_cast %swap3A_353 : i32 to index
      %swap3A_355 = arith.constant 0 : index
      %swap3A_356 = tpu.vector_load %arg8[%swap3A_354, %swap3A_355] {strides = array<i32>} : memref<16x32xf32, #tpu.memory_space<vmem>>, vector<16xf32>,
      tpu.vector_store %arg8[%swap3A_354, %swap3A_355], %gather3A_352 {strides = array<i32>} : memref<16x32xf32, #tpu.memory_space<vmem>>, vector<16xf32>,
      %gather3A_357 = tpu.vector_load_idx %arg6[%shift_right_logical3A_247, %and3A_250, %add3A_351] : memref<4x8x3200xf32, #tpu.memory_space<vmem>>[vector<16xi32>, vector<16xi32>, vector<16xi32>], vector<16xf32>,
      %swap3A_358 = arith.constant 2 : i32
      %swap3A_359 = arith.index_cast %swap3A_358 : i32 to index
      %swap3A_360 = arith.constant 16 : index
      %swap3A_361 = tpu.vector_load %arg8[%swap3A_359, %swap3A_360] {strides = array<i32>} : memref<16x32xf32, #tpu.memory_space<vmem>>, vector<16xf32>,
      tpu.vector_store %arg8[%swap3A_359, %swap3A_360], %gather3A_357 {strides = array<i32>} : memref<16x32xf32, #tpu.memory_space<vmem>>, vector<16xf32>,
      %slice3A_362 = vector.extract_strided_slice %and3A_292 {offsets = [2], sizes = [1], strides = [1]} : vector<16xi32> to vector<1xi32>
      %squeeze3A_363 = vector.extract %slice3A_362[0] : i32 from vector<1xi32>
      %mul3A_364 = arith.constant 32 : i32
      %mul3A_365 = arith.muli %squeeze3A_363, %mul3A_364 : i32
      %dma_start3A_366 = arith.constant 2 : i32
      %dma_start3A_367 = arith.constant 0 : i32
      %dma_start3A_368 = tpu.memref_slice %arg8[%dma_start3A_366, %dma_start3A_367] : memref<16x32xf32, #tpu.memory_space<vmem>> -> memref<1x32xf32, #tpu.memory_space<vmem>>
      %dma_start3A_369 = tpu.memref_squeeze %dma_start3A_368 : memref<1x32xf32, #tpu.memory_space<vmem>> -> memref<32xf32, #tpu.memory_space<vmem>>
      %dma_start3A_370 = tpu.memref_slice %arg4[%mul3A_365] : memref<524288xf32, #tpu.memory_space<hbm>> -> memref<32xf32, #tpu.memory_space<hbm>>
      %dma_start3A_371 = tpu.memref_slice %arg4[%mul3A_365] : memref<524288xf32, #tpu.memory_space<hbm>> -> memref<32xf32, #tpu.memory_space<hbm>>
      %dma_start3A_372 = arith.constant 0 : i32
      %dma_start3A_373 = tpu.memref_slice %arg8[%dma_start3A_366, %dma_start3A_372] : memref<16x32xf32, #tpu.memory_space<vmem>> -> memref<1x32xf32, #tpu.memory_space<vmem>>
      %dma_start3A_374 = tpu.memref_squeeze %dma_start3A_373 : memref<1x32xf32, #tpu.memory_space<vmem>> -> memref<32xf32, #tpu.memory_space<vmem>>
      tpu.enqueue_dma source(%dma_start3A_374 : memref<32xf32, #tpu.memory_space<vmem>>) target(%dma_start3A_371 : memref<32xf32, #tpu.memory_space<hbm>>) target_semaphore(%arg11 : memref<!tpu.dma_semaphore, #tpu.memory_space<semaphore_mem>>)
      %slice3A_375 = vector.extract_strided_slice %shift_right_logical3A_295 {offsets = [3], sizes = [1], strides = [1]} : vector<16xi32> to vector<1xi32>
      %squeeze3A_376 = vector.extract %slice3A_375[0] : i32 from vector<1xi32>
      %add3A_377 = vector.broadcast %squeeze3A_376 : i32 to vector<16xi32>
      %add3A_378 = arith.addi %broadcast_in_dim3A_72, %add3A_377 : vector<16xi32>
      %gather3A_379 = tpu.vector_load_idx %arg6[%shift_right_logical3A_239, %and3A_241, %add3A_378] : memref<4x8x3200xf32, #tpu.memory_space<vmem>>[vector<16xi32>, vector<16xi32>, vector<16xi32>], vector<16xf32>,
      %swap3A_380 = arith.constant 3 : i32
      %swap3A_381 = arith.index_cast %swap3A_380 : i32 to index
      %swap3A_382 = arith.constant 0 : index
      %swap3A_383 = tpu.vector_load %arg8[%swap3A_381, %swap3A_382] {strides = array<i32>} : memref<16x32xf32, #tpu.memory_space<vmem>>, vector<16xf32>,
      tpu.vector_store %arg8[%swap3A_381, %swap3A_382], %gather3A_379 {strides = array<i32>} : memref<16x32xf32, #tpu.memory_space<vmem>>, vector<16xf32>,
      %gather3A_384 = tpu.vector_load_idx %arg6[%shift_right_logical3A_247, %and3A_250, %add3A_378] : memref<4x8x3200xf32, #tpu.memory_space<vmem>>[vector<16xi32>, vector<16xi32>, vector<16xi32>], vector<16xf32>,
      %swap3A_385 = arith.constant 3 : i32
      %swap3A_386 = arith.index_cast %swap3A_385 : i32 to index
      %swap3A_387 = arith.constant 16 : index
      %swap3A_388 = tpu.vector_load %arg8[%swap3A_386, %swap3A_387] {strides = array<i32>} : memref<16x32xf32, #tpu.memory_space<vmem>>, vector<16xf32>,
      tpu.vector_store %arg8[%swap3A_386, %swap3A_387], %gather3A_384 {strides = array<i32>} : memref<16x32xf32, #tpu.memory_space<vmem>>, vector<16xf32>,
      %slice3A_389 = vector.extract_strided_slice %and3A_292 {offsets = [3], sizes = [1], strides = [1]} : vector<16xi32> to vector<1xi32>
      %squeeze3A_390 = vector.extract %slice3A_389[0] : i32 from vector<1xi32>
      %mul3A_391 = arith.constant 32 : i32
      %mul3A_392 = arith.muli %squeeze3A_390, %mul3A_391 : i32
      %dma_start3A_393 = arith.constant 3 : i32
      %dma_start3A_394 = arith.constant 0 : i32
      %dma_start3A_395 = tpu.memref_slice %arg8[%dma_start3A_393, %dma_start3A_394] : memref<16x32xf32, #tpu.memory_space<vmem>> -> memref<1x32xf32, #tpu.memory_space<vmem>>
      %dma_start3A_396 = tpu.memref_squeeze %dma_start3A_395 : memref<1x32xf32, #tpu.memory_space<vmem>> -> memref<32xf32, #tpu.memory_space<vmem>>
      %dma_start3A_397 = tpu.memref_slice %arg4[%mul3A_392] : memref<524288xf32, #tpu.memory_space<hbm>> -> memref<32xf32, #tpu.memory_space<hbm>>
      %dma_start3A_398 = tpu.memref_slice %arg4[%mul3A_392] : memref<524288xf32, #tpu.memory_space<hbm>> -> memref<32xf32, #tpu.memory_space<hbm>>
      %dma_start3A_399 = arith.constant 0 : i32
      %dma_start3A_400 = tpu.memref_slice %arg8[%dma_start3A_393, %dma_start3A_399] : memref<16x32xf32, #tpu.memory_space<vmem>> -> memref<1x32xf32, #tpu.memory_space<vmem>>
      %dma_start3A_401 = tpu.memref_squeeze %dma_start3A_400 : memref<1x32xf32, #tpu.memory_space<vmem>> -> memref<32xf32, #tpu.memory_space<vmem>>
      tpu.enqueue_dma source(%dma_start3A_401 : memref<32xf32, #tpu.memory_space<vmem>>) target(%dma_start3A_398 : memref<32xf32, #tpu.memory_space<hbm>>) target_semaphore(%arg11 : memref<!tpu.dma_semaphore, #tpu.memory_space<semaphore_mem>>)
      %slice3A_402 = vector.extract_strided_slice %shift_right_logical3A_295 {offsets = [4], sizes = [1], strides = [1]} : vector<16xi32> to vector<1xi32>
      %squeeze3A_403 = vector.extract %slice3A_402[0] : i32 from vector<1xi32>
      %add3A_404 = vector.broadcast %squeeze3A_403 : i32 to vector<16xi32>
      %add3A_405 = arith.addi %broadcast_in_dim3A_72, %add3A_404 : vector<16xi32>
      %gather3A_406 = tpu.vector_load_idx %arg6[%shift_right_logical3A_239, %and3A_241, %add3A_405] : memref<4x8x3200xf32, #tpu.memory_space<vmem>>[vector<16xi32>, vector<16xi32>, vector<16xi32>], vector<16xf32>,
      %swap3A_407 = arith.constant 4 : i32
      %swap3A_408 = arith.index_cast %swap3A_407 : i32 to index
      %swap3A_409 = arith.constant 0 : index
      %swap3A_410 = tpu.vector_load %arg8[%swap3A_408, %swap3A_409] {strides = array<i32>} : memref<16x32xf32, #tpu.memory_space<vmem>>, vector<16xf32>,
      tpu.vector_store %arg8[%swap3A_408, %swap3A_409], %gather3A_406 {strides = array<i32>} : memref<16x32xf32, #tpu.memory_space<vmem>>, vector<16xf32>,
      %gather3A_411 = tpu.vector_load_idx %arg6[%shift_right_logical3A_247, %and3A_250, %add3A_405] : memref<4x8x3200xf32, #tpu.memory_space<vmem>>[vector<16xi32>, vector<16xi32>, vector<16xi32>], vector<16xf32>,
      %swap3A_412 = arith.constant 4 : i32
      %swap3A_413 = arith.index_cast %swap3A_412 : i32 to index
      %swap3A_414 = arith.constant 16 : index
      %swap3A_415 = tpu.vector_load %arg8[%swap3A_413, %swap3A_414] {strides = array<i32>} : memref<16x32xf32, #tpu.memory_space<vmem>>, vector<16xf32>,
      tpu.vector_store %arg8[%swap3A_413, %swap3A_414], %gather3A_411 {strides = array<i32>} : memref<16x32xf32, #tpu.memory_space<vmem>>, vector<16xf32>,
      %slice3A_416 = vector.extract_strided_slice %and3A_292 {offsets = [4], sizes = [1], strides = [1]} : vector<16xi32> to vector<1xi32>
      %squeeze3A_417 = vector.extract %slice3A_416[0] : i32 from vector<1xi32>
      %mul3A_418 = arith.constant 32 : i32
      %mul3A_419 = arith.muli %squeeze3A_417, %mul3A_418 : i32
      %dma_start3A_420 = arith.constant 4 : i32
      %dma_start3A_421 = arith.constant 0 : i32
      %dma_start3A_422 = tpu.memref_slice %arg8[%dma_start3A_420, %dma_start3A_421] : memref<16x32xf32, #tpu.memory_space<vmem>> -> memref<1x32xf32, #tpu.memory_space<vmem>>
      %dma_start3A_423 = tpu.memref_squeeze %dma_start3A_422 : memref<1x32xf32, #tpu.memory_space<vmem>> -> memref<32xf32, #tpu.memory_space<vmem>>
      %dma_start3A_424 = tpu.memref_slice %arg4[%mul3A_419] : memref<524288xf32, #tpu.memory_space<hbm>> -> memref<32xf32, #tpu.memory_space<hbm>>
      %dma_start3A_425 = tpu.memref_slice %arg4[%mul3A_419] : memref<524288xf32, #tpu.memory_space<hbm>> -> memref<32xf32, #tpu.memory_space<hbm>>
      %dma_start3A_426 = arith.constant 0 : i32
      %dma_start3A_427 = tpu.memref_slice %arg8[%dma_start3A_420, %dma_start3A_426] : memref<16x32xf32, #tpu.memory_space<vmem>> -> memref<1x32xf32, #tpu.memory_space<vmem>>
      %dma_start3A_428 = tpu.memref_squeeze %dma_start3A_427 : memref<1x32xf32, #tpu.memory_space<vmem>> -> memref<32xf32, #tpu.memory_space<vmem>>
      tpu.enqueue_dma source(%dma_start3A_428 : memref<32xf32, #tpu.memory_space<vmem>>) target(%dma_start3A_425 : memref<32xf32, #tpu.memory_space<hbm>>) target_semaphore(%arg11 : memref<!tpu.dma_semaphore, #tpu.memory_space<semaphore_mem>>)
      %slice3A_429 = vector.extract_strided_slice %shift_right_logical3A_295 {offsets = [5], sizes = [1], strides = [1]} : vector<16xi32> to vector<1xi32>
      %squeeze3A_430 = vector.extract %slice3A_429[0] : i32 from vector<1xi32>
      %add3A_431 = vector.broadcast %squeeze3A_430 : i32 to vector<16xi32>
      %add3A_432 = arith.addi %broadcast_in_dim3A_72, %add3A_431 : vector<16xi32>
      %gather3A_433 = tpu.vector_load_idx %arg6[%shift_right_logical3A_239, %and3A_241, %add3A_432] : memref<4x8x3200xf32, #tpu.memory_space<vmem>>[vector<16xi32>, vector<16xi32>, vector<16xi32>], vector<16xf32>,
      %swap3A_434 = arith.constant 5 : i32
      %swap3A_435 = arith.index_cast %swap3A_434 : i32 to index
      %swap3A_436 = arith.constant 0 : index
      %swap3A_437 = tpu.vector_load %arg8[%swap3A_435, %swap3A_436] {strides = array<i32>} : memref<16x32xf32, #tpu.memory_space<vmem>>, vector<16xf32>,
      tpu.vector_store %arg8[%swap3A_435, %swap3A_436], %gather3A_433 {strides = array<i32>} : memref<16x32xf32, #tpu.memory_space<vmem>>, vector<16xf32>,
      %gather3A_438 = tpu.vector_load_idx %arg6[%shift_right_logical3A_247, %and3A_250, %add3A_432] : memref<4x8x3200xf32, #tpu.memory_space<vmem>>[vector<16xi32>, vector<16xi32>, vector<16xi32>], vector<16xf32>,
      %swap3A_439 = arith.constant 5 : i32
      %swap3A_440 = arith.index_cast %swap3A_439 : i32 to index
      %swap3A_441 = arith.constant 16 : index
      %swap3A_442 = tpu.vector_load %arg8[%swap3A_440, %swap3A_441] {strides = array<i32>} : memref<16x32xf32, #tpu.memory_space<vmem>>, vector<16xf32>,
      tpu.vector_store %arg8[%swap3A_440, %swap3A_441], %gather3A_438 {strides = array<i32>} : memref<16x32xf32, #tpu.memory_space<vmem>>, vector<16xf32>,
      %slice3A_443 = vector.extract_strided_slice %and3A_292 {offsets = [5], sizes = [1], strides = [1]} : vector<16xi32> to vector<1xi32>
      %squeeze3A_444 = vector.extract %slice3A_443[0] : i32 from vector<1xi32>
      %mul3A_445 = arith.constant 32 : i32
      %mul3A_446 = arith.muli %squeeze3A_444, %mul3A_445 : i32
      %dma_start3A_447 = arith.constant 5 : i32
      %dma_start3A_448 = arith.constant 0 : i32
      %dma_start3A_449 = tpu.memref_slice %arg8[%dma_start3A_447, %dma_start3A_448] : memref<16x32xf32, #tpu.memory_space<vmem>> -> memref<1x32xf32, #tpu.memory_space<vmem>>
      %dma_start3A_450 = tpu.memref_squeeze %dma_start3A_449 : memref<1x32xf32, #tpu.memory_space<vmem>> -> memref<32xf32, #tpu.memory_space<vmem>>
      %dma_start3A_451 = tpu.memref_slice %arg4[%mul3A_446] : memref<524288xf32, #tpu.memory_space<hbm>> -> memref<32xf32, #tpu.memory_space<hbm>>
      %dma_start3A_452 = tpu.memref_slice %arg4[%mul3A_446] : memref<524288xf32, #tpu.memory_space<hbm>> -> memref<32xf32, #tpu.memory_space<hbm>>
      %dma_start3A_453 = arith.constant 0 : i32
      %dma_start3A_454 = tpu.memref_slice %arg8[%dma_start3A_447, %dma_start3A_453] : memref<16x32xf32, #tpu.memory_space<vmem>> -> memref<1x32xf32, #tpu.memory_space<vmem>>
      %dma_start3A_455 = tpu.memref_squeeze %dma_start3A_454 : memref<1x32xf32, #tpu.memory_space<vmem>> -> memref<32xf32, #tpu.memory_space<vmem>>
      tpu.enqueue_dma source(%dma_start3A_455 : memref<32xf32, #tpu.memory_space<vmem>>) target(%dma_start3A_452 : memref<32xf32, #tpu.memory_space<hbm>>) target_semaphore(%arg11 : memref<!tpu.dma_semaphore, #tpu.memory_space<semaphore_mem>>)
      %slice3A_456 = vector.extract_strided_slice %shift_right_logical3A_295 {offsets = [6], sizes = [1], strides = [1]} : vector<16xi32> to vector<1xi32>
      %squeeze3A_457 = vector.extract %slice3A_456[0] : i32 from vector<1xi32>
      %add3A_458 = vector.broadcast %squeeze3A_457 : i32 to vector<16xi32>
      %add3A_459 = arith.addi %broadcast_in_dim3A_72, %add3A_458 : vector<16xi32>
      %gather3A_460 = tpu.vector_load_idx %arg6[%shift_right_logical3A_239, %and3A_241, %add3A_459] : memref<4x8x3200xf32, #tpu.memory_space<vmem>>[vector<16xi32>, vector<16xi32>, vector<16xi32>], vector<16xf32>,
      %swap3A_461 = arith.constant 6 : i32
      %swap3A_462 = arith.index_cast %swap3A_461 : i32 to index
      %swap3A_463 = arith.constant 0 : index
      %swap3A_464 = tpu.vector_load %arg8[%swap3A_462, %swap3A_463] {strides = array<i32>} : memref<16x32xf32, #tpu.memory_space<vmem>>, vector<16xf32>,
      tpu.vector_store %arg8[%swap3A_462, %swap3A_463], %gather3A_460 {strides = array<i32>} : memref<16x32xf32, #tpu.memory_space<vmem>>, vector<16xf32>,
      %gather3A_465 = tpu.vector_load_idx %arg6[%shift_right_logical3A_247, %and3A_250, %add3A_459] : memref<4x8x3200xf32, #tpu.memory_space<vmem>>[vector<16xi32>, vector<16xi32>, vector<16xi32>], vector<16xf32>,
      %swap3A_466 = arith.constant 6 : i32
      %swap3A_467 = arith.index_cast %swap3A_466 : i32 to index
      %swap3A_468 = arith.constant 16 : index
      %swap3A_469 = tpu.vector_load %arg8[%swap3A_467, %swap3A_468] {strides = array<i32>} : memref<16x32xf32, #tpu.memory_space<vmem>>, vector<16xf32>,
      tpu.vector_store %arg8[%swap3A_467, %swap3A_468], %gather3A_465 {strides = array<i32>} : memref<16x32xf32, #tpu.memory_space<vmem>>, vector<16xf32>,
      %slice3A_470 = vector.extract_strided_slice %and3A_292 {offsets = [6], sizes = [1], strides = [1]} : vector<16xi32> to vector<1xi32>
      %squeeze3A_471 = vector.extract %slice3A_470[0] : i32 from vector<1xi32>
      %mul3A_472 = arith.constant 32 : i32
      %mul3A_473 = arith.muli %squeeze3A_471, %mul3A_472 : i32
      %dma_start3A_474 = arith.constant 6 : i32
      %dma_start3A_475 = arith.constant 0 : i32
      %dma_start3A_476 = tpu.memref_slice %arg8[%dma_start3A_474, %dma_start3A_475] : memref<16x32xf32, #tpu.memory_space<vmem>> -> memref<1x32xf32, #tpu.memory_space<vmem>>
      %dma_start3A_477 = tpu.memref_squeeze %dma_start3A_476 : memref<1x32xf32, #tpu.memory_space<vmem>> -> memref<32xf32, #tpu.memory_space<vmem>>
      %dma_start3A_478 = tpu.memref_slice %arg4[%mul3A_473] : memref<524288xf32, #tpu.memory_space<hbm>> -> memref<32xf32, #tpu.memory_space<hbm>>
      %dma_start3A_479 = tpu.memref_slice %arg4[%mul3A_473] : memref<524288xf32, #tpu.memory_space<hbm>> -> memref<32xf32, #tpu.memory_space<hbm>>
      %dma_start3A_480 = arith.constant 0 : i32
      %dma_start3A_481 = tpu.memref_slice %arg8[%dma_start3A_474, %dma_start3A_480] : memref<16x32xf32, #tpu.memory_space<vmem>> -> memref<1x32xf32, #tpu.memory_space<vmem>>
      %dma_start3A_482 = tpu.memref_squeeze %dma_start3A_481 : memref<1x32xf32, #tpu.memory_space<vmem>> -> memref<32xf32, #tpu.memory_space<vmem>>
      tpu.enqueue_dma source(%dma_start3A_482 : memref<32xf32, #tpu.memory_space<vmem>>) target(%dma_start3A_479 : memref<32xf32, #tpu.memory_space<hbm>>) target_semaphore(%arg11 : memref<!tpu.dma_semaphore, #tpu.memory_space<semaphore_mem>>)
      %slice3A_483 = vector.extract_strided_slice %shift_right_logical3A_295 {offsets = [7], sizes = [1], strides = [1]} : vector<16xi32> to vector<1xi32>
      %squeeze3A_484 = vector.extract %slice3A_483[0] : i32 from vector<1xi32>
      %add3A_485 = vector.broadcast %squeeze3A_484 : i32 to vector<16xi32>
      %add3A_486 = arith.addi %broadcast_in_dim3A_72, %add3A_485 : vector<16xi32>
      %gather3A_487 = tpu.vector_load_idx %arg6[%shift_right_logical3A_239, %and3A_241, %add3A_486] : memref<4x8x3200xf32, #tpu.memory_space<vmem>>[vector<16xi32>, vector<16xi32>, vector<16xi32>], vector<16xf32>,
      %swap3A_488 = arith.constant 7 : i32
      %swap3A_489 = arith.index_cast %swap3A_488 : i32 to index
      %swap3A_490 = arith.constant 0 : index
      %swap3A_491 = tpu.vector_load %arg8[%swap3A_489, %swap3A_490] {strides = array<i32>} : memref<16x32xf32, #tpu.memory_space<vmem>>, vector<16xf32>,
      tpu.vector_store %arg8[%swap3A_489, %swap3A_490], %gather3A_487 {strides = array<i32>} : memref<16x32xf32, #tpu.memory_space<vmem>>, vector<16xf32>,
      %gather3A_492 = tpu.vector_load_idx %arg6[%shift_right_logical3A_247, %and3A_250, %add3A_486] : memref<4x8x3200xf32, #tpu.memory_space<vmem>>[vector<16xi32>, vector<16xi32>, vector<16xi32>], vector<16xf32>,
      %swap3A_493 = arith.constant 7 : i32
      %swap3A_494 = arith.index_cast %swap3A_493 : i32 to index
      %swap3A_495 = arith.constant 16 : index
      %swap3A_496 = tpu.vector_load %arg8[%swap3A_494, %swap3A_495] {strides = array<i32>} : memref<16x32xf32, #tpu.memory_space<vmem>>, vector<16xf32>,
      tpu.vector_store %arg8[%swap3A_494, %swap3A_495], %gather3A_492 {strides = array<i32>} : memref<16x32xf32, #tpu.memory_space<vmem>>, vector<16xf32>,
      %slice3A_497 = vector.extract_strided_slice %and3A_292 {offsets = [7], sizes = [1], strides = [1]} : vector<16xi32> to vector<1xi32>
      %squeeze3A_498 = vector.extract %slice3A_497[0] : i32 from vector<1xi32>
      %mul3A_499 = arith.constant 32 : i32
      %mul3A_500 = arith.muli %squeeze3A_498, %mul3A_499 : i32
      %dma_start3A_501 = arith.constant 7 : i32
      %dma_start3A_502 = arith.constant 0 : i32
      %dma_start3A_503 = tpu.memref_slice %arg8[%dma_start3A_501, %dma_start3A_502] : memref<16x32xf32, #tpu.memory_space<vmem>> -> memref<1x32xf32, #tpu.memory_space<vmem>>
      %dma_start3A_504 = tpu.memref_squeeze %dma_start3A_503 : memref<1x32xf32, #tpu.memory_space<vmem>> -> memref<32xf32, #tpu.memory_space<vmem>>
      %dma_start3A_505 = tpu.memref_slice %arg4[%mul3A_500] : memref<524288xf32, #tpu.memory_space<hbm>> -> memref<32xf32, #tpu.memory_space<hbm>>
      %dma_start3A_506 = tpu.memref_slice %arg4[%mul3A_500] : memref<524288xf32, #tpu.memory_space<hbm>> -> memref<32xf32, #tpu.memory_space<hbm>>
      %dma_start3A_507 = arith.constant 0 : i32
      %dma_start3A_508 = tpu.memref_slice %arg8[%dma_start3A_501, %dma_start3A_507] : memref<16x32xf32, #tpu.memory_space<vmem>> -> memref<1x32xf32, #tpu.memory_space<vmem>>
      %dma_start3A_509 = tpu.memref_squeeze %dma_start3A_508 : memref<1x32xf32, #tpu.memory_space<vmem>> -> memref<32xf32, #tpu.memory_space<vmem>>
      tpu.enqueue_dma source(%dma_start3A_509 : memref<32xf32, #tpu.memory_space<vmem>>) target(%dma_start3A_506 : memref<32xf32, #tpu.memory_space<hbm>>) target_semaphore(%arg11 : memref<!tpu.dma_semaphore, #tpu.memory_space<semaphore_mem>>)
      %slice3A_510 = vector.extract_strided_slice %shift_right_logical3A_295 {offsets = [8], sizes = [1], strides = [1]} : vector<16xi32> to vector<1xi32>
      %squeeze3A_511 = vector.extract %slice3A_510[0] : i32 from vector<1xi32>
      %add3A_512 = vector.broadcast %squeeze3A_511 : i32 to vector<16xi32>
      %add3A_513 = arith.addi %broadcast_in_dim3A_72, %add3A_512 : vector<16xi32>
      %gather3A_514 = tpu.vector_load_idx %arg6[%shift_right_logical3A_239, %and3A_241, %add3A_513] : memref<4x8x3200xf32, #tpu.memory_space<vmem>>[vector<16xi32>, vector<16xi32>, vector<16xi32>], vector<16xf32>,
      %swap3A_515 = arith.constant 8 : i32
      %swap3A_516 = arith.index_cast %swap3A_515 : i32 to index
      %swap3A_517 = arith.constant 0 : index
      %swap3A_518 = tpu.vector_load %arg8[%swap3A_516, %swap3A_517] {strides = array<i32>} : memref<16x32xf32, #tpu.memory_space<vmem>>, vector<16xf32>,
      tpu.vector_store %arg8[%swap3A_516, %swap3A_517], %gather3A_514 {strides = array<i32>} : memref<16x32xf32, #tpu.memory_space<vmem>>, vector<16xf32>,
      %gather3A_519 = tpu.vector_load_idx %arg6[%shift_right_logical3A_247, %and3A_250, %add3A_513] : memref<4x8x3200xf32, #tpu.memory_space<vmem>>[vector<16xi32>, vector<16xi32>, vector<16xi32>], vector<16xf32>,
      %swap3A_520 = arith.constant 8 : i32
      %swap3A_521 = arith.index_cast %swap3A_520 : i32 to index
      %swap3A_522 = arith.constant 16 : index
      %swap3A_523 = tpu.vector_load %arg8[%swap3A_521, %swap3A_522] {strides = array<i32>} : memref<16x32xf32, #tpu.memory_space<vmem>>, vector<16xf32>,
      tpu.vector_store %arg8[%swap3A_521, %swap3A_522], %gather3A_519 {strides = array<i32>} : memref<16x32xf32, #tpu.memory_space<vmem>>, vector<16xf32>,
      %slice3A_524 = vector.extract_strided_slice %and3A_292 {offsets = [8], sizes = [1], strides = [1]} : vector<16xi32> to vector<1xi32>
      %squeeze3A_525 = vector.extract %slice3A_524[0] : i32 from vector<1xi32>
      %mul3A_526 = arith.constant 32 : i32
      %mul3A_527 = arith.muli %squeeze3A_525, %mul3A_526 : i32
      %dma_start3A_528 = arith.constant 8 : i32
      %dma_start3A_529 = arith.constant 0 : i32
      %dma_start3A_530 = tpu.memref_slice %arg8[%dma_start3A_528, %dma_start3A_529] : memref<16x32xf32, #tpu.memory_space<vmem>> -> memref<1x32xf32, #tpu.memory_space<vmem>>
      %dma_start3A_531 = tpu.memref_squeeze %dma_start3A_530 : memref<1x32xf32, #tpu.memory_space<vmem>> -> memref<32xf32, #tpu.memory_space<vmem>>
      %dma_start3A_532 = tpu.memref_slice %arg4[%mul3A_527] : memref<524288xf32, #tpu.memory_space<hbm>> -> memref<32xf32, #tpu.memory_space<hbm>>
      %dma_start3A_533 = tpu.memref_slice %arg4[%mul3A_527] : memref<524288xf32, #tpu.memory_space<hbm>> -> memref<32xf32, #tpu.memory_space<hbm>>
      %dma_start3A_534 = arith.constant 0 : i32
      %dma_start3A_535 = tpu.memref_slice %arg8[%dma_start3A_528, %dma_start3A_534] : memref<16x32xf32, #tpu.memory_space<vmem>> -> memref<1x32xf32, #tpu.memory_space<vmem>>
      %dma_start3A_536 = tpu.memref_squeeze %dma_start3A_535 : memref<1x32xf32, #tpu.memory_space<vmem>> -> memref<32xf32, #tpu.memory_space<vmem>>
      tpu.enqueue_dma source(%dma_start3A_536 : memref<32xf32, #tpu.memory_space<vmem>>) target(%dma_start3A_533 : memref<32xf32, #tpu.memory_space<hbm>>) target_semaphore(%arg11 : memref<!tpu.dma_semaphore, #tpu.memory_space<semaphore_mem>>)
      %slice3A_537 = vector.extract_strided_slice %shift_right_logical3A_295 {offsets = [9], sizes = [1], strides = [1]} : vector<16xi32> to vector<1xi32>
      %squeeze3A_538 = vector.extract %slice3A_537[0] : i32 from vector<1xi32>
      %add3A_539 = vector.broadcast %squeeze3A_538 : i32 to vector<16xi32>
      %add3A_540 = arith.addi %broadcast_in_dim3A_72, %add3A_539 : vector<16xi32>
      %gather3A_541 = tpu.vector_load_idx %arg6[%shift_right_logical3A_239, %and3A_241, %add3A_540] : memref<4x8x3200xf32, #tpu.memory_space<vmem>>[vector<16xi32>, vector<16xi32>, vector<16xi32>], vector<16xf32>,
      %swap3A_542 = arith.constant 9 : i32
      %swap3A_543 = arith.index_cast %swap3A_542 : i32 to index
      %swap3A_544 = arith.constant 0 : index
      %swap3A_545 = tpu.vector_load %arg8[%swap3A_543, %swap3A_544] {strides = array<i32>} : memref<16x32xf32, #tpu.memory_space<vmem>>, vector<16xf32>,
      tpu.vector_store %arg8[%swap3A_543, %swap3A_544], %gather3A_541 {strides = array<i32>} : memref<16x32xf32, #tpu.memory_space<vmem>>, vector<16xf32>,
      %gather3A_546 = tpu.vector_load_idx %arg6[%shift_right_logical3A_247, %and3A_250, %add3A_540] : memref<4x8x3200xf32, #tpu.memory_space<vmem>>[vector<16xi32>, vector<16xi32>, vector<16xi32>], vector<16xf32>,
      %swap3A_547 = arith.constant 9 : i32
      %swap3A_548 = arith.index_cast %swap3A_547 : i32 to index
      %swap3A_549 = arith.constant 16 : index
      %swap3A_550 = tpu.vector_load %arg8[%swap3A_548, %swap3A_549] {strides = array<i32>} : memref<16x32xf32, #tpu.memory_space<vmem>>, vector<16xf32>,
      tpu.vector_store %arg8[%swap3A_548, %swap3A_549], %gather3A_546 {strides = array<i32>} : memref<16x32xf32, #tpu.memory_space<vmem>>, vector<16xf32>,
      %slice3A_551 = vector.extract_strided_slice %and3A_292 {offsets = [9], sizes = [1], strides = [1]} : vector<16xi32> to vector<1xi32>
      %squeeze3A_552 = vector.extract %slice3A_551[0] : i32 from vector<1xi32>
      %mul3A_553 = arith.constant 32 : i32
      %mul3A_554 = arith.muli %squeeze3A_552, %mul3A_553 : i32
      %dma_start3A_555 = arith.constant 9 : i32
      %dma_start3A_556 = arith.constant 0 : i32
      %dma_start3A_557 = tpu.memref_slice %arg8[%dma_start3A_555, %dma_start3A_556] : memref<16x32xf32, #tpu.memory_space<vmem>> -> memref<1x32xf32, #tpu.memory_space<vmem>>
      %dma_start3A_558 = tpu.memref_squeeze %dma_start3A_557 : memref<1x32xf32, #tpu.memory_space<vmem>> -> memref<32xf32, #tpu.memory_space<vmem>>
      %dma_start3A_559 = tpu.memref_slice %arg4[%mul3A_554] : memref<524288xf32, #tpu.memory_space<hbm>> -> memref<32xf32, #tpu.memory_space<hbm>>
      %dma_start3A_560 = tpu.memref_slice %arg4[%mul3A_554] : memref<524288xf32, #tpu.memory_space<hbm>> -> memref<32xf32, #tpu.memory_space<hbm>>
      %dma_start3A_561 = arith.constant 0 : i32
      %dma_start3A_562 = tpu.memref_slice %arg8[%dma_start3A_555, %dma_start3A_561] : memref<16x32xf32, #tpu.memory_space<vmem>> -> memref<1x32xf32, #tpu.memory_space<vmem>>
      %dma_start3A_563 = tpu.memref_squeeze %dma_start3A_562 : memref<1x32xf32, #tpu.memory_space<vmem>> -> memref<32xf32, #tpu.memory_space<vmem>>
      tpu.enqueue_dma source(%dma_start3A_563 : memref<32xf32, #tpu.memory_space<vmem>>) target(%dma_start3A_560 : memref<32xf32, #tpu.memory_space<hbm>>) target_semaphore(%arg11 : memref<!tpu.dma_semaphore, #tpu.memory_space<semaphore_mem>>)
      %slice3A_564 = vector.extract_strided_slice %shift_right_logical3A_295 {offsets = [10], sizes = [1], strides = [1]} : vector<16xi32> to vector<1xi32>
      %squeeze3A_565 = vector.extract %slice3A_564[0] : i32 from vector<1xi32>
      %add3A_566 = vector.broadcast %squeeze3A_565 : i32 to vector<16xi32>
      %add3A_567 = arith.addi %broadcast_in_dim3A_72, %add3A_566 : vector<16xi32>
      %gather3A_568 = tpu.vector_load_idx %arg6[%shift_right_logical3A_239, %and3A_241, %add3A_567] : memref<4x8x3200xf32, #tpu.memory_space<vmem>>[vector<16xi32>, vector<16xi32>, vector<16xi32>], vector<16xf32>,
      %swap3A_569 = arith.constant 10 : i32
      %swap3A_570 = arith.index_cast %swap3A_569 : i32 to index
      %swap3A_571 = arith.constant 0 : index
      %swap3A_572 = tpu.vector_load %arg8[%swap3A_570, %swap3A_571] {strides = array<i32>} : memref<16x32xf32, #tpu.memory_space<vmem>>, vector<16xf32>,
      tpu.vector_store %arg8[%swap3A_570, %swap3A_571], %gather3A_568 {strides = array<i32>} : memref<16x32xf32, #tpu.memory_space<vmem>>, vector<16xf32>,
      %gather3A_573 = tpu.vector_load_idx %arg6[%shift_right_logical3A_247, %and3A_250, %add3A_567] : memref<4x8x3200xf32, #tpu.memory_space<vmem>>[vector<16xi32>, vector<16xi32>, vector<16xi32>], vector<16xf32>,
      %swap3A_574 = arith.constant 10 : i32
      %swap3A_575 = arith.index_cast %swap3A_574 : i32 to index
      %swap3A_576 = arith.constant 16 : index
      %swap3A_577 = tpu.vector_load %arg8[%swap3A_575, %swap3A_576] {strides = array<i32>} : memref<16x32xf32, #tpu.memory_space<vmem>>, vector<16xf32>,
      tpu.vector_store %arg8[%swap3A_575, %swap3A_576], %gather3A_573 {strides = array<i32>} : memref<16x32xf32, #tpu.memory_space<vmem>>, vector<16xf32>,
      %slice3A_578 = vector.extract_strided_slice %and3A_292 {offsets = [10], sizes = [1], strides = [1]} : vector<16xi32> to vector<1xi32>
      %squeeze3A_579 = vector.extract %slice3A_578[0] : i32 from vector<1xi32>
      %mul3A_580 = arith.constant 32 : i32
      %mul3A_581 = arith.muli %squeeze3A_579, %mul3A_580 : i32
      %dma_start3A_582 = arith.constant 10 : i32
      %dma_start3A_583 = arith.constant 0 : i32
      %dma_start3A_584 = tpu.memref_slice %arg8[%dma_start3A_582, %dma_start3A_583] : memref<16x32xf32, #tpu.memory_space<vmem>> -> memref<1x32xf32, #tpu.memory_space<vmem>>
      %dma_start3A_585 = tpu.memref_squeeze %dma_start3A_584 : memref<1x32xf32, #tpu.memory_space<vmem>> -> memref<32xf32, #tpu.memory_space<vmem>>
      %dma_start3A_586 = tpu.memref_slice %arg4[%mul3A_581] : memref<524288xf32, #tpu.memory_space<hbm>> -> memref<32xf32, #tpu.memory_space<hbm>>
      %dma_start3A_587 = tpu.memref_slice %arg4[%mul3A_581] : memref<524288xf32, #tpu.memory_space<hbm>> -> memref<32xf32, #tpu.memory_space<hbm>>
      %dma_start3A_588 = arith.constant 0 : i32
      %dma_start3A_589 = tpu.memref_slice %arg8[%dma_start3A_582, %dma_start3A_588] : memref<16x32xf32, #tpu.memory_space<vmem>> -> memref<1x32xf32, #tpu.memory_space<vmem>>
      %dma_start3A_590 = tpu.memref_squeeze %dma_start3A_589 : memref<1x32xf32, #tpu.memory_space<vmem>> -> memref<32xf32, #tpu.memory_space<vmem>>
      tpu.enqueue_dma source(%dma_start3A_590 : memref<32xf32, #tpu.memory_space<vmem>>) target(%dma_start3A_587 : memref<32xf32, #tpu.memory_space<hbm>>) target_semaphore(%arg11 : memref<!tpu.dma_semaphore, #tpu.memory_space<semaphore_mem>>)
      %slice3A_591 = vector.extract_strided_slice %shift_right_logical3A_295 {offsets = [11], sizes = [1], strides = [1]} : vector<16xi32> to vector<1xi32>
      %squeeze3A_592 = vector.extract %slice3A_591[0] : i32 from vector<1xi32>
      %add3A_593 = vector.broadcast %squeeze3A_592 : i32 to vector<16xi32>
      %add3A_594 = arith.addi %broadcast_in_dim3A_72, %add3A_593 : vector<16xi32>
      %gather3A_595 = tpu.vector_load_idx %arg6[%shift_right_logical3A_239, %and3A_241, %add3A_594] : memref<4x8x3200xf32, #tpu.memory_space<vmem>>[vector<16xi32>, vector<16xi32>, vector<16xi32>], vector<16xf32>,
      %swap3A_596 = arith.constant 11 : i32
      %swap3A_597 = arith.index_cast %swap3A_596 : i32 to index
      %swap3A_598 = arith.constant 0 : index
      %swap3A_599 = tpu.vector_load %arg8[%swap3A_597, %swap3A_598] {strides = array<i32>} : memref<16x32xf32, #tpu.memory_space<vmem>>, vector<16xf32>,
      tpu.vector_store %arg8[%swap3A_597, %swap3A_598], %gather3A_595 {strides = array<i32>} : memref<16x32xf32, #tpu.memory_space<vmem>>, vector<16xf32>,
      %gather3A_600 = tpu.vector_load_idx %arg6[%shift_right_logical3A_247, %and3A_250, %add3A_594] : memref<4x8x3200xf32, #tpu.memory_space<vmem>>[vector<16xi32>, vector<16xi32>, vector<16xi32>], vector<16xf32>,
      %swap3A_601 = arith.constant 11 : i32
      %swap3A_602 = arith.index_cast %swap3A_601 : i32 to index
      %swap3A_603 = arith.constant 16 : index
      %swap3A_604 = tpu.vector_load %arg8[%swap3A_602, %swap3A_603] {strides = array<i32>} : memref<16x32xf32, #tpu.memory_space<vmem>>, vector<16xf32>,
      tpu.vector_store %arg8[%swap3A_602, %swap3A_603], %gather3A_600 {strides = array<i32>} : memref<16x32xf32, #tpu.memory_space<vmem>>, vector<16xf32>,
      %slice3A_605 = vector.extract_strided_slice %and3A_292 {offsets = [11], sizes = [1], strides = [1]} : vector<16xi32> to vector<1xi32>
      %squeeze3A_606 = vector.extract %slice3A_605[0] : i32 from vector<1xi32>
      %mul3A_607 = arith.constant 32 : i32
      %mul3A_608 = arith.muli %squeeze3A_606, %mul3A_607 : i32
      %dma_start3A_609 = arith.constant 11 : i32
      %dma_start3A_610 = arith.constant 0 : i32
      %dma_start3A_611 = tpu.memref_slice %arg8[%dma_start3A_609, %dma_start3A_610] : memref<16x32xf32, #tpu.memory_space<vmem>> -> memref<1x32xf32, #tpu.memory_space<vmem>>
      %dma_start3A_612 = tpu.memref_squeeze %dma_start3A_611 : memref<1x32xf32, #tpu.memory_space<vmem>> -> memref<32xf32, #tpu.memory_space<vmem>>
      %dma_start3A_613 = tpu.memref_slice %arg4[%mul3A_608] : memref<524288xf32, #tpu.memory_space<hbm>> -> memref<32xf32, #tpu.memory_space<hbm>>
      %dma_start3A_614 = tpu.memref_slice %arg4[%mul3A_608] : memref<524288xf32, #tpu.memory_space<hbm>> -> memref<32xf32, #tpu.memory_space<hbm>>
      %dma_start3A_615 = arith.constant 0 : i32
      %dma_start3A_616 = tpu.memref_slice %arg8[%dma_start3A_609, %dma_start3A_615] : memref<16x32xf32, #tpu.memory_space<vmem>> -> memref<1x32xf32, #tpu.memory_space<vmem>>
      %dma_start3A_617 = tpu.memref_squeeze %dma_start3A_616 : memref<1x32xf32, #tpu.memory_space<vmem>> -> memref<32xf32, #tpu.memory_space<vmem>>
      tpu.enqueue_dma source(%dma_start3A_617 : memref<32xf32, #tpu.memory_space<vmem>>) target(%dma_start3A_614 : memref<32xf32, #tpu.memory_space<hbm>>) target_semaphore(%arg11 : memref<!tpu.dma_semaphore, #tpu.memory_space<semaphore_mem>>)
      %slice3A_618 = vector.extract_strided_slice %shift_right_logical3A_295 {offsets = [12], sizes = [1], strides = [1]} : vector<16xi32> to vector<1xi32>
      %squeeze3A_619 = vector.extract %slice3A_618[0] : i32 from vector<1xi32>
      %add3A_620 = vector.broadcast %squeeze3A_619 : i32 to vector<16xi32>
      %add3A_621 = arith.addi %broadcast_in_dim3A_72, %add3A_620 : vector<16xi32>
      %gather3A_622 = tpu.vector_load_idx %arg6[%shift_right_logical3A_239, %and3A_241, %add3A_621] : memref<4x8x3200xf32, #tpu.memory_space<vmem>>[vector<16xi32>, vector<16xi32>, vector<16xi32>], vector<16xf32>,
      %swap3A_623 = arith.constant 12 : i32
      %swap3A_624 = arith.index_cast %swap3A_623 : i32 to index
      %swap3A_625 = arith.constant 0 : index
      %swap3A_626 = tpu.vector_load %arg8[%swap3A_624, %swap3A_625] {strides = array<i32>} : memref<16x32xf32, #tpu.memory_space<vmem>>, vector<16xf32>,
      tpu.vector_store %arg8[%swap3A_624, %swap3A_625], %gather3A_622 {strides = array<i32>} : memref<16x32xf32, #tpu.memory_space<vmem>>, vector<16xf32>,
      %gather3A_627 = tpu.vector_load_idx %arg6[%shift_right_logical3A_247, %and3A_250, %add3A_621] : memref<4x8x3200xf32, #tpu.memory_space<vmem>>[vector<16xi32>, vector<16xi32>, vector<16xi32>], vector<16xf32>,
      %swap3A_628 = arith.constant 12 : i32
      %swap3A_629 = arith.index_cast %swap3A_628 : i32 to index
      %swap3A_630 = arith.constant 16 : index
      %swap3A_631 = tpu.vector_load %arg8[%swap3A_629, %swap3A_630] {strides = array<i32>} : memref<16x32xf32, #tpu.memory_space<vmem>>, vector<16xf32>,
      tpu.vector_store %arg8[%swap3A_629, %swap3A_630], %gather3A_627 {strides = array<i32>} : memref<16x32xf32, #tpu.memory_space<vmem>>, vector<16xf32>,
      %slice3A_632 = vector.extract_strided_slice %and3A_292 {offsets = [12], sizes = [1], strides = [1]} : vector<16xi32> to vector<1xi32>
      %squeeze3A_633 = vector.extract %slice3A_632[0] : i32 from vector<1xi32>
      %mul3A_634 = arith.constant 32 : i32
      %mul3A_635 = arith.muli %squeeze3A_633, %mul3A_634 : i32
      %dma_start3A_636 = arith.constant 12 : i32
      %dma_start3A_637 = arith.constant 0 : i32
      %dma_start3A_638 = tpu.memref_slice %arg8[%dma_start3A_636, %dma_start3A_637] : memref<16x32xf32, #tpu.memory_space<vmem>> -> memref<1x32xf32, #tpu.memory_space<vmem>>
      %dma_start3A_639 = tpu.memref_squeeze %dma_start3A_638 : memref<1x32xf32, #tpu.memory_space<vmem>> -> memref<32xf32, #tpu.memory_space<vmem>>
      %dma_start3A_640 = tpu.memref_slice %arg4[%mul3A_635] : memref<524288xf32, #tpu.memory_space<hbm>> -> memref<32xf32, #tpu.memory_space<hbm>>
      %dma_start3A_641 = tpu.memref_slice %arg4[%mul3A_635] : memref<524288xf32, #tpu.memory_space<hbm>> -> memref<32xf32, #tpu.memory_space<hbm>>
      %dma_start3A_642 = arith.constant 0 : i32
      %dma_start3A_643 = tpu.memref_slice %arg8[%dma_start3A_636, %dma_start3A_642] : memref<16x32xf32, #tpu.memory_space<vmem>> -> memref<1x32xf32, #tpu.memory_space<vmem>>
      %dma_start3A_644 = tpu.memref_squeeze %dma_start3A_643 : memref<1x32xf32, #tpu.memory_space<vmem>> -> memref<32xf32, #tpu.memory_space<vmem>>
      tpu.enqueue_dma source(%dma_start3A_644 : memref<32xf32, #tpu.memory_space<vmem>>) target(%dma_start3A_641 : memref<32xf32, #tpu.memory_space<hbm>>) target_semaphore(%arg11 : memref<!tpu.dma_semaphore, #tpu.memory_space<semaphore_mem>>)
      %slice3A_645 = vector.extract_strided_slice %shift_right_logical3A_295 {offsets = [13], sizes = [1], strides = [1]} : vector<16xi32> to vector<1xi32>
      %squeeze3A_646 = vector.extract %slice3A_645[0] : i32 from vector<1xi32>
      %add3A_647 = vector.broadcast %squeeze3A_646 : i32 to vector<16xi32>
      %add3A_648 = arith.addi %broadcast_in_dim3A_72, %add3A_647 : vector<16xi32>
      %gather3A_649 = tpu.vector_load_idx %arg6[%shift_right_logical3A_239, %and3A_241, %add3A_648] : memref<4x8x3200xf32, #tpu.memory_space<vmem>>[vector<16xi32>, vector<16xi32>, vector<16xi32>], vector<16xf32>,
      %swap3A_650 = arith.constant 13 : i32
      %swap3A_651 = arith.index_cast %swap3A_650 : i32 to index
      %swap3A_652 = arith.constant 0 : index
      %swap3A_653 = tpu.vector_load %arg8[%swap3A_651, %swap3A_652] {strides = array<i32>} : memref<16x32xf32, #tpu.memory_space<vmem>>, vector<16xf32>,
      tpu.vector_store %arg8[%swap3A_651, %swap3A_652], %gather3A_649 {strides = array<i32>} : memref<16x32xf32, #tpu.memory_space<vmem>>, vector<16xf32>,
      %gather3A_654 = tpu.vector_load_idx %arg6[%shift_right_logical3A_247, %and3A_250, %add3A_648] : memref<4x8x3200xf32, #tpu.memory_space<vmem>>[vector<16xi32>, vector<16xi32>, vector<16xi32>], vector<16xf32>,
      %swap3A_655 = arith.constant 13 : i32
      %swap3A_656 = arith.index_cast %swap3A_655 : i32 to index
      %swap3A_657 = arith.constant 16 : index
      %swap3A_658 = tpu.vector_load %arg8[%swap3A_656, %swap3A_657] {strides = array<i32>} : memref<16x32xf32, #tpu.memory_space<vmem>>, vector<16xf32>,
      tpu.vector_store %arg8[%swap3A_656, %swap3A_657], %gather3A_654 {strides = array<i32>} : memref<16x32xf32, #tpu.memory_space<vmem>>, vector<16xf32>,
      %slice3A_659 = vector.extract_strided_slice %and3A_292 {offsets = [13], sizes = [1], strides = [1]} : vector<16xi32> to vector<1xi32>
      %squeeze3A_660 = vector.extract %slice3A_659[0] : i32 from vector<1xi32>
      %mul3A_661 = arith.constant 32 : i32
      %mul3A_662 = arith.muli %squeeze3A_660, %mul3A_661 : i32
      %dma_start3A_663 = arith.constant 13 : i32
      %dma_start3A_664 = arith.constant 0 : i32
      %dma_start3A_665 = tpu.memref_slice %arg8[%dma_start3A_663, %dma_start3A_664] : memref<16x32xf32, #tpu.memory_space<vmem>> -> memref<1x32xf32, #tpu.memory_space<vmem>>
      %dma_start3A_666 = tpu.memref_squeeze %dma_start3A_665 : memref<1x32xf32, #tpu.memory_space<vmem>> -> memref<32xf32, #tpu.memory_space<vmem>>
      %dma_start3A_667 = tpu.memref_slice %arg4[%mul3A_662] : memref<524288xf32, #tpu.memory_space<hbm>> -> memref<32xf32, #tpu.memory_space<hbm>>
      %dma_start3A_668 = tpu.memref_slice %arg4[%mul3A_662] : memref<524288xf32, #tpu.memory_space<hbm>> -> memref<32xf32, #tpu.memory_space<hbm>>
      %dma_start3A_669 = arith.constant 0 : i32
      %dma_start3A_670 = tpu.memref_slice %arg8[%dma_start3A_663, %dma_start3A_669] : memref<16x32xf32, #tpu.memory_space<vmem>> -> memref<1x32xf32, #tpu.memory_space<vmem>>
      %dma_start3A_671 = tpu.memref_squeeze %dma_start3A_670 : memref<1x32xf32, #tpu.memory_space<vmem>> -> memref<32xf32, #tpu.memory_space<vmem>>
      tpu.enqueue_dma source(%dma_start3A_671 : memref<32xf32, #tpu.memory_space<vmem>>) target(%dma_start3A_668 : memref<32xf32, #tpu.memory_space<hbm>>) target_semaphore(%arg11 : memref<!tpu.dma_semaphore, #tpu.memory_space<semaphore_mem>>)
      %slice3A_672 = vector.extract_strided_slice %shift_right_logical3A_295 {offsets = [14], sizes = [1], strides = [1]} : vector<16xi32> to vector<1xi32>
      %squeeze3A_673 = vector.extract %slice3A_672[0] : i32 from vector<1xi32>
      %add3A_674 = vector.broadcast %squeeze3A_673 : i32 to vector<16xi32>
      %add3A_675 = arith.addi %broadcast_in_dim3A_72, %add3A_674 : vector<16xi32>
      %gather3A_676 = tpu.vector_load_idx %arg6[%shift_right_logical3A_239, %and3A_241, %add3A_675] : memref<4x8x3200xf32, #tpu.memory_space<vmem>>[vector<16xi32>, vector<16xi32>, vector<16xi32>], vector<16xf32>,
      %swap3A_677 = arith.constant 14 : i32
      %swap3A_678 = arith.index_cast %swap3A_677 : i32 to index
      %swap3A_679 = arith.constant 0 : index
      %swap3A_680 = tpu.vector_load %arg8[%swap3A_678, %swap3A_679] {strides = array<i32>} : memref<16x32xf32, #tpu.memory_space<vmem>>, vector<16xf32>,
      tpu.vector_store %arg8[%swap3A_678, %swap3A_679], %gather3A_676 {strides = array<i32>} : memref<16x32xf32, #tpu.memory_space<vmem>>, vector<16xf32>,
      %gather3A_681 = tpu.vector_load_idx %arg6[%shift_right_logical3A_247, %and3A_250, %add3A_675] : memref<4x8x3200xf32, #tpu.memory_space<vmem>>[vector<16xi32>, vector<16xi32>, vector<16xi32>], vector<16xf32>,
      %swap3A_682 = arith.constant 14 : i32
      %swap3A_683 = arith.index_cast %swap3A_682 : i32 to index
      %swap3A_684 = arith.constant 16 : index
      %swap3A_685 = tpu.vector_load %arg8[%swap3A_683, %swap3A_684] {strides = array<i32>} : memref<16x32xf32, #tpu.memory_space<vmem>>, vector<16xf32>,
      tpu.vector_store %arg8[%swap3A_683, %swap3A_684], %gather3A_681 {strides = array<i32>} : memref<16x32xf32, #tpu.memory_space<vmem>>, vector<16xf32>,
      %slice3A_686 = vector.extract_strided_slice %and3A_292 {offsets = [14], sizes = [1], strides = [1]} : vector<16xi32> to vector<1xi32>
      %squeeze3A_687 = vector.extract %slice3A_686[0] : i32 from vector<1xi32>
      %mul3A_688 = arith.constant 32 : i32
      %mul3A_689 = arith.muli %squeeze3A_687, %mul3A_688 : i32
      %dma_start3A_690 = arith.constant 14 : i32
      %dma_start3A_691 = arith.constant 0 : i32
      %dma_start3A_692 = tpu.memref_slice %arg8[%dma_start3A_690, %dma_start3A_691] : memref<16x32xf32, #tpu.memory_space<vmem>> -> memref<1x32xf32, #tpu.memory_space<vmem>>
      %dma_start3A_693 = tpu.memref_squeeze %dma_start3A_692 : memref<1x32xf32, #tpu.memory_space<vmem>> -> memref<32xf32, #tpu.memory_space<vmem>>
      %dma_start3A_694 = tpu.memref_slice %arg4[%mul3A_689] : memref<524288xf32, #tpu.memory_space<hbm>> -> memref<32xf32, #tpu.memory_space<hbm>>
      %dma_start3A_695 = tpu.memref_slice %arg4[%mul3A_689] : memref<524288xf32, #tpu.memory_space<hbm>> -> memref<32xf32, #tpu.memory_space<hbm>>
      %dma_start3A_696 = arith.constant 0 : i32
      %dma_start3A_697 = tpu.memref_slice %arg8[%dma_start3A_690, %dma_start3A_696] : memref<16x32xf32, #tpu.memory_space<vmem>> -> memref<1x32xf32, #tpu.memory_space<vmem>>
      %dma_start3A_698 = tpu.memref_squeeze %dma_start3A_697 : memref<1x32xf32, #tpu.memory_space<vmem>> -> memref<32xf32, #tpu.memory_space<vmem>>
      tpu.enqueue_dma source(%dma_start3A_698 : memref<32xf32, #tpu.memory_space<vmem>>) target(%dma_start3A_695 : memref<32xf32, #tpu.memory_space<hbm>>) target_semaphore(%arg11 : memref<!tpu.dma_semaphore, #tpu.memory_space<semaphore_mem>>)
      %slice3A_699 = vector.extract_strided_slice %shift_right_logical3A_295 {offsets = [15], sizes = [1], strides = [1]} : vector<16xi32> to vector<1xi32>
      %squeeze3A_700 = vector.extract %slice3A_699[0] : i32 from vector<1xi32>
      %add3A_701 = vector.broadcast %squeeze3A_700 : i32 to vector<16xi32>
      %add3A_702 = arith.addi %broadcast_in_dim3A_72, %add3A_701 : vector<16xi32>
      %gather3A_703 = tpu.vector_load_idx %arg6[%shift_right_logical3A_239, %and3A_241, %add3A_702] : memref<4x8x3200xf32, #tpu.memory_space<vmem>>[vector<16xi32>, vector<16xi32>, vector<16xi32>], vector<16xf32>,
      %swap3A_704 = arith.constant 15 : i32
      %swap3A_705 = arith.index_cast %swap3A_704 : i32 to index
      %swap3A_706 = arith.constant 0 : index
      %swap3A_707 = tpu.vector_load %arg8[%swap3A_705, %swap3A_706] {strides = array<i32>} : memref<16x32xf32, #tpu.memory_space<vmem>>, vector<16xf32>,
      tpu.vector_store %arg8[%swap3A_705, %swap3A_706], %gather3A_703 {strides = array<i32>} : memref<16x32xf32, #tpu.memory_space<vmem>>, vector<16xf32>,
      %gather3A_708 = tpu.vector_load_idx %arg6[%shift_right_logical3A_247, %and3A_250, %add3A_702] : memref<4x8x3200xf32, #tpu.memory_space<vmem>>[vector<16xi32>, vector<16xi32>, vector<16xi32>], vector<16xf32>,
      %swap3A_709 = arith.constant 15 : i32
      %swap3A_710 = arith.index_cast %swap3A_709 : i32 to index
      %swap3A_711 = arith.constant 16 : index
      %swap3A_712 = tpu.vector_load %arg8[%swap3A_710, %swap3A_711] {strides = array<i32>} : memref<16x32xf32, #tpu.memory_space<vmem>>, vector<16xf32>,
      tpu.vector_store %arg8[%swap3A_710, %swap3A_711], %gather3A_708 {strides = array<i32>} : memref<16x32xf32, #tpu.memory_space<vmem>>, vector<16xf32>,
      %slice3A_713 = vector.extract_strided_slice %and3A_292 {offsets = [15], sizes = [1], strides = [1]} : vector<16xi32> to vector<1xi32>
      %squeeze3A_714 = vector.extract %slice3A_713[0] : i32 from vector<1xi32>
      %mul3A_715 = arith.constant 32 : i32
      %mul3A_716 = arith.muli %squeeze3A_714, %mul3A_715 : i32
      %dma_start3A_717 = arith.constant 15 : i32
      %dma_start3A_718 = arith.constant 0 : i32
      %dma_start3A_719 = tpu.memref_slice %arg8[%dma_start3A_717, %dma_start3A_718] : memref<16x32xf32, #tpu.memory_space<vmem>> -> memref<1x32xf32, #tpu.memory_space<vmem>>
      %dma_start3A_720 = tpu.memref_squeeze %dma_start3A_719 : memref<1x32xf32, #tpu.memory_space<vmem>> -> memref<32xf32, #tpu.memory_space<vmem>>
      %dma_start3A_721 = tpu.memref_slice %arg4[%mul3A_716] : memref<524288xf32, #tpu.memory_space<hbm>> -> memref<32xf32, #tpu.memory_space<hbm>>
      %dma_start3A_722 = tpu.memref_slice %arg4[%mul3A_716] : memref<524288xf32, #tpu.memory_space<hbm>> -> memref<32xf32, #tpu.memory_space<hbm>>
      %dma_start3A_723 = arith.constant 0 : i32
      %dma_start3A_724 = tpu.memref_slice %arg8[%dma_start3A_717, %dma_start3A_723] : memref<16x32xf32, #tpu.memory_space<vmem>> -> memref<1x32xf32, #tpu.memory_space<vmem>>
      %dma_start3A_725 = tpu.memref_squeeze %dma_start3A_724 : memref<1x32xf32, #tpu.memory_space<vmem>> -> memref<32xf32, #tpu.memory_space<vmem>>
      tpu.enqueue_dma source(%dma_start3A_725 : memref<32xf32, #tpu.memory_space<vmem>>) target(%dma_start3A_722 : memref<32xf32, #tpu.memory_space<hbm>>) target_semaphore(%arg11 : memref<!tpu.dma_semaphore, #tpu.memory_space<semaphore_mem>>)
      %dma_wait3A_726 = arith.constant 0 : i32
      %dma_wait3A_727 = tpu.memref_slice %arg4[%dma_wait3A_726] : memref<524288xf32, #tpu.memory_space<hbm>> -> memref<512xf32, #tpu.memory_space<hbm>>
      %dma_wait3A_728 = arith.constant 0 : i32
      %dma_wait3A_729 = tpu.memref_slice %arg4[%dma_wait3A_728] : memref<524288xf32, #tpu.memory_space<hbm>> -> memref<512xf32, #tpu.memory_space<hbm>>
      tpu.wait_dma2 semaphore(%arg11 : memref<!tpu.dma_semaphore, #tpu.memory_space<semaphore_mem>>) src(%dma_wait3A_729 : memref<512xf32, #tpu.memory_space<hbm>>) dst(%arg9 : memref<512xf32, #tpu.memory_space<vmem>>)
    }
    return
  }
}

</mosaic_0001>

<sc_bundles>
// kernel: kernel.3.cloned.1.call-start
scs
__scs_entry_jumppad:
0x0: {  	(pc) =	sbr.rel $0x88, $3  }
0x1: {  	(tag) =	ssettag $0x0;
	lr =	simm.s32 $0x1  }
0x2: {  	[smem:$0x3F9F] =	sst lr;
	_ =	strace $0xD0000000  }
0x3: {  	_ = 	snop  }
0x4: {  	_ = 	snop  }
0x5: {  	_ = 	snop  }
0x6: {  	_ = 	snop  }
0x7: {  	_ = 	snop  }
__scs_overlays_trampoline_lowered:
0x8: {  	[smem:$0x3FAE] =	sst s0  }
0x9: {  	[smem:$0x3FAF] =	sst s1  }
0xa: {  	[smem:$0x3FB0] =	sst s2  }
0xb: {  	[smem:$0x3FB1] =	sst s3  }
0xc: {  	[smem:$0x3FB2] =	sst s4  }
0xd: {  	[smem:$0x3FB3] =	sst s5  }
0xe: {  	[smem:$0x3FB4] =	sst s6  }
0xf: {  	[smem:$0x3FB5] =	sst s7  }
0x10: {  	[smem:$0x3FB6] =	sst s8  }
0x11: {  	[smem:$0x3FB7] =	sst s9;
	s0 =	simm.s32 @!p0 $0x0  }
0x12: {  	s1 =	sld [smem:$0x3F9D];
	s0 =	simm.s32 @p0 $0x1  }
0x13: {  	[smem:$0x3FB8] =	sst s0;
	s0 =	simm.s32 @!p1 $0x0  }
0x14: {  	s2 =	sld [smem:$0x3F9C];
	s0 =	simm.s32 @p1 $0x1  }
0x15: {  	[smem:$0x3FB9] =	sst s0;
	s0 =	simm.s32 @!p2 $0x0  }
0x16: {  	s3 =	sld [smem:$0x3FDB];
	s0 =	simm.s32 @p2 $0x1  }
0x17: {  	s4 =	simm.s32 $0x1BF5;
	[smem:$0x3FBB] =	sst s0  }
0x18: {  	s0 =	sld [smem:$0x3F9E];
	_ =	swait.ge [sflag:s4], $0x0  }
0x19: {  	s7 =	sld [smem:$0x3F9F]  }
0x1a: {  	s8 =	sadd.s32 $0xFFFFE003, lr  }
0x1b: {  	s9 =	sadd.s32 $0xFFFFFEF7, lr;
	s5 =	simm.s32 $0xFFFFFFFF;
	p2 =	slt.u32 s8, $0xFFFFF086  }
0x1c: {  	p1 =	slt.u32 s9, $0xF7A;
	s5 =	simm.s32 @!p2 $0x0  }
0x1d: {  	s5 =	simm.s32 @p1 $0x1;
	p0 =	seq.s32 s7, s2  }
0x1e: {  	s7 =	smul.u32 @!p0 $0xF7A, s2;
	p2 =	seq.s32 @!p0 s5, $0x0  }
0x1f: {  	s9 =	smul.u32 $0xF7A, s1;
	s8 =	simm.s32 @!p0 $0x1BF5;
	p2 =	por !p2, p0  }
0x20: {  	[sflag:s8] =	ssyncset.s32 @!p0 $0xFFFFF086;
	s6 =	sadd.s32 @!p0 s3, s7;
	s7 =	simm.s32 @!p0 $0x108  }
0x21: {  	s3 =	sadd.s32 s3, s9;
	s6 =	sadd.s32 @!p0 $0x88, s6;
	s7 =	simm.s32 @p2 $0x1082  }
0x22: {  	[simem:s7], [sflag:s8] =	dma.local @!p0 [hbm:s6], $0xF7A  }
0x23: {  	s9 =	sor.u32 $0xD0000000, s2;
	s6 =	simm.s32 $0x108;
	_ =	swait.ge @!p0 [sflag:s8], $0x0  }
0x24: {  	s3 =	sadd.s32 $0x88, s3;
	s6 =	simm.s32 @!p1 $0x1082;
	[sflag:s4] =	ssyncset.s32 $0xFFFFF086  }
0x25: {  	[simem:s6], [sflag:s4] =	dma.local [hbm:s3], $0xF7A  }
0x26: {  	[smem:$0x3F9F] =	sst s1;
	(tag) =	ssettag s2;
	_ =	strace s9  }
0x27: {  	s1 =	sld [smem:$0x3FAF]  }
0x28: {  	s2 =	sld [smem:$0x3FB0]  }
0x29: {  	s4 =	sld [smem:$0x3FB2]  }
0x2a: {  	p0 =	seq.s32 s5, $0x0;
	s5 =	sld [smem:$0x3FB3]  }
0x2b: {  	s6 =	sld [smem:$0x3FB4]  }
0x2c: {  	s7 =	sld [smem:$0x3FB5]  }
0x2d: {  	s3 =	simm.s32 $0x108;
	s8 =	sld [smem:$0x3FB6]  }
0x2e: {  	s3 =	simm.s32 @!p0 $0x1082;
	s9 =	sld [smem:$0x3FB7]  }
0x2f: {  	lr =	sadd.s32 s0, s3;
	s0 =	sld [smem:$0x3FAE]  }
0x30: {  	s3 =	sld [smem:$0x3FB1]  }
0x31: {  	[smem:$0x3FBA] =	sst s10  }
0x32: {  	s10 =	sld [smem:$0x3FB8];
	_ =	sdelay $0x3  }
0x33: {  	p0 =	seq.s32 s10, $0x1;
	s10 =	sld [smem:$0x3FBA];
	_ =	sdelay $0x3  }
0x34: {  	[smem:$0x3FBA] =	sst s10  }
0x35: {  	s10 =	sld [smem:$0x3FB9];
	_ =	sdelay $0x3  }
0x36: {  	p1 =	seq.s32 s10, $0x1;
	s10 =	sld [smem:$0x3FBA];
	_ =	sdelay $0x3  }
0x37: {  	[smem:$0x3FBA] =	sst s10  }
0x38: {  	s10 =	sld [smem:$0x3FBB]  }
0x39: {  	_ = 	snop;
	(pc) =	sbr.ind lr, $3  }
0x3a: {  	_ = 	snop  }
0x3b: {  	_ = 	snop  }
0x3c: {  	p2 =	seq.s32 s10, $0x1;
	s10 =	sld [smem:$0x3FBA]  }
0x3d: {  	_ =	shalt  }
0x3e: {  	_ =	shalt  }
0x3f: {  	_ =	shalt  }
0x40: {  	_ =	shalt  }
0x41: {  	_ =	shalt  }
0x42: {  	_ =	shalt  }
0x43: {  	_ =	shalt  }
0x44: {  	_ =	shalt  }
0x45: {  	_ =	shalt  }
0x46: {  	_ =	shalt  }
0x47: {  	_ =	shalt  }
0x48: {  	_ =	shalt  }
0x49: {  	_ =	shalt  }
0x4a: {  	_ =	shalt  }
0x4b: {  	_ =	shalt  }
0x4c: {  	_ =	shalt  }
0x4d: {  	_ =	shalt  }
0x4e: {  	_ =	shalt  }
0x4f: {  	_ =	shalt  }
0x50: {  	_ =	shalt  }
0x51: {  	_ =	shalt  }
0x52: {  	_ =	shalt  }
0x53: {  	_ =	shalt  }
0x54: {  	_ =	shalt  }
0x55: {  	_ =	shalt  }
0x56: {  	_ =	shalt  }
0x57: {  	_ =	shalt  }
0x58: {  	_ =	shalt  }
0x59: {  	_ =	shalt  }
0x5a: {  	_ =	shalt  }
0x5b: {  	_ =	shalt  }
0x5c: {  	_ =	shalt  }
0x5d: {  	_ =	shalt  }
0x5e: {  	_ =	shalt  }
0x5f: {  	_ =	shalt  }
0x60: {  	_ =	shalt  }
0x61: {  	_ =	shalt  }
0x62: {  	_ =	shalt  }
0x63: {  	_ =	shalt  }
0x64: {  	_ =	shalt  }
0x65: {  	_ =	shalt  }
0x66: {  	_ =	shalt  }
0x67: {  	_ =	shalt  }
0x68: {  	_ =	shalt  }
0x69: {  	_ =	shalt  }
0x6a: {  	_ =	shalt  }
0x6b: {  	_ =	shalt  }
0x6c: {  	_ =	shalt  }
0x6d: {  	_ =	shalt  }
0x6e: {  	_ =	shalt  }
0x6f: {  	_ =	shalt  }
0x70: {  	_ =	shalt  }
0x71: {  	_ =	shalt  }
0x72: {  	_ =	shalt  }
0x73: {  	_ =	shalt  }
0x74: {  	_ =	shalt  }
0x75: {  	_ =	shalt  }
0x76: {  	_ =	shalt  }
0x77: {  	_ =	shalt  }
0x78: {  	_ =	shalt  }
0x79: {  	_ =	shalt  }
0x7a: {  	_ =	shalt  }
0x7b: {  	_ =	shalt  }
0x7c: {  	_ =	shalt  }
0x7d: {  	_ =	shalt  }
0x7e: {  	_ =	shalt  }
0x7f: {  	_ =	shalt  }
0x80: {  	_ =	shalt  }
0x81: {  	_ =	shalt  }
0x82: {  	_ =	shalt  }
0x83: {  	_ =	shalt  }
0x84: {  	_ =	shalt  }
0x85: {  	_ =	shalt  }
0x86: {  	_ =	shalt  }
0x87: {  	_ =	shalt  }
.Lfunc_end0:
.L_simem_size_0:
called_computation_lowered:
.L_overlay_start_0:
0x88: {  	s2 =	sld [smem:$0x3FD9]  }
0x89: {  	s3 =	sld [smem:$0x3FFE];
	_ =	sdelay $0x1  }
0x8a: {  	s1 =	srdreg.scid  }
0x8b: {  	s0 =	sand.u32 $0x1, s1  }
0x8c: {  	s18 =	sshll.u32 s0, $0xA;
	s2 =	sadd.s32 s3, s2  }
0x8d: {  	s2 =	sadd.s32 s2, s18  }
0x8e: {  	[smem:$0x3FC6] =	sst s2  }
0x8f: {  	_ = 	snop  }
0x90: {  	s2 =	sld [smem:$0x3FC9]  }
0x91: {  	s19 =	sld [smem:$0x3FC8]  }
0x92: {  	s4 =	sld [smem:$0x3FD0];
	(tm) =	ssettm $0x1  }
0x93: {  	s5 =	sld [smem:$0x3FFB];
	_ =	sdelay $0x3  }
0x94: {  	_ =	strace s5  }
0x95: {  	s5 =	sld [smem:$0x3FFC];
	_ =	sdelay $0x3  }
0x96: {  	_ =	strace s5  }
0x97: {  	s5 =	sld [smem:$0x3FFD];
	_ =	sdelay $0x3  }
0x98: {  	_ =	strace s5  }
0x99: {  	_ =	strace $0x8FFFFFFF  }
0x9a: {  	s20 =	sld [smem:$0x3FDB];
	_ =	sdelay $0x1  }
0x9b: {  	s6 =	simm.s32 $_scs_section_size  }
0x9c: {  	s7 =	simm.s32 $_size__tile_overlayer_lowered;
	s8 =	simm.s32 $_tile_overlayer_lowered  }
0x9d: {  	s23 =	simm.s32 $0x1BFF;
	s22 =	sshll.u32 s8, $0x1;
	s5 =	sadd.s32 s6, s20  }
0x9e: {  	s9 =	simm.s32 $0x0;
	s21 =	sshll.u32 s7, $0x1;
	s7 =	sadd.s32 s22, s5  }
0x9f: {  	[timem:s9], [sflag:s23] =	dma.local [hbm:s7], s21  }
0xa0: {  	_ =	swait.ge [sflag:s23], s21  }
0xa1: {  	s6 =	ssub.s32 $0x0, s21;
	[sflag:s23] =	ssyncset.done $0x0  }
0xa2: {  	[sflag:s23] =	ssyncadd.s32 s6;
	_ =	sdelay $0x1  }
0xa3: {  	s24 =	simm.s32 $0x1B8B  }
0xa4: {  	_ =	swait.ge [sflag:s24], $0x1  }
0xa5: {  	[sflag:s24] =	ssyncset.done $0x0  }
0xa6: {  	s25 =	simm.s32 $0x1B8E;
	[sflag:s24] =	ssyncadd.s32 $0xFFFFFFFF  }
0xa7: {  	s26 =	simm.s32 $execute0_lowered;
	[smem:$0x3FD2] =	sst s25  }
0xa8: {  	s6 =	sshll.u32 s26, $0x1;
	_ =	strace $0x80000046;
	[dreg:$0x1] =	wrdreg $0xFFFFFFFF  }
0xa9: {  	s28 =	simm.s32 $_size_execute0_lowered;
	s5 =	sadd.s32 s5, s6;
	[dreg:$0x0] =	wrdreg $0x0  }
0xaa: {  	s6 =	sshll.u32 s28, $0x1;
	[dreg:$0x2] =	wrdreg s5  }
0xab: {  	[dreg:$0x3] =	wrdreg s6  }
0xac: {  	[dreg:$0x4] =	wrdreg $0xC0  }
0xad: {  	_ =	task [dreg:s9], $0x5FFFF  }
0xae: {  	[dreg:$0x1] =	wrdreg $0xFFFFFFFF  }
0xaf: {  	[dreg:$0x0] =	wrdreg $0x60  }
0xb0: {  	[dreg:$0x2] =	wrdreg s2  }
0xb1: {  	[dreg:$0x3] =	wrdreg s19  }
0xb2: {  	[dreg:$0x4] =	wrdreg s4  }
0xb3: {  	[dreg:$0x5] =	wrdreg $0x9  }
0xb4: {  	_ =	task.clear_ibuf [dreg:s9], $0x6FFFF;
	_ =	strace $0x90000046  }
0xb5: {  	s29 =	simm.s32 $0x9;
	_ =	strace $0x80000048  }
0xb6: {  	_ =	swait.ge [sflag:s29], $0x1  }
0xb7: {  	[sflag:s29] =	ssyncadd.s32 $0xFFFFFFFF  }
0xb8: {  	_ =	strace $0x90000048  }
0xb9: {  	_ =	sfence  }
0xba: {  	s30 =	sld [smem:$0x0];
	_ =	sdelay $0x2  }
0xbb: {  	s31 =	sshll.u32 s1, $0xD;
	s1 =	sshrl.u32 s1, $0x2  }
0xbc: {  	s3 =	sand.u32 $0x4000, s31;
	s1 =	sadd.s32 s1, s30  }
0xbd: {  	s0 =	sor.u32 s3, s0;
	s1 =	sshll.u32 s1, $0x11  }
0xbe: {  	s0 =	sor.u32 s1, s0  }
0xbf: {  	s0 =	sadd.s32 $0x8F2B, s0  }
0xc0: {  	[sflag:s0] =	ssyncadd.remote.s32 $0x1  }
0xc1: {  	_ =	sfence.sel $0xFFFF  }
0xc2: {  	[dreg:$0x0] =	wrdreg $0xFFFFFFFF;
	(pc) =	sbr.abs _section_cstart, $3  }
0xc3: {  	[dreg:$0x1] =	wrdreg $0xFFFFFFFF  }
0xc4: {  	_ =	task.clear_ibuf [dreg:s9], $0x2FFFF;
	_ =	strace $0x9FFFFFFF  }
0xc5: {  	(tm) =	ssettm $0x7FFFFFFF  }
tec
execute0_lowered:
.L_overlay_start_1:
0x0: {  	(tag) =	ssettag $0x1  }
0x1: {  	s0 =	srdreg.scid;
	s5 =	rddreg [dreg:$0x0]  }
0x2: {  	s3 =	stileid.u32;
	s6 =	rddreg [dreg:$0x1];
	s13 =	simm.s32 $0x2000  }
0x3: {  	s17 =	simm.s32 $0x3;
	s12 =	simm.s32 $0x1000;
	s19 =	simm.s32 $0x1  }
0x4: {  	s28 =	simm.s32 $0x1F400;
	s29 =	simm.s32 $0x1F480;
	s30 =	simm.s32 $0x1F500  }
0x5: {  	s31 =	simm.s32 $0x1F580;
	s0 =	sand.u32 $0x1, s0;
	s1 =	sshll.u32 s3, $0x1  }
0x6: {  	v3 =	vimm.s32 $0x6780;
	vm0 =	vcmask $0x300;
	v4 =	vimm.s32 $0x12F80;
	s14 =	simm.s32 $0x1F700;
	s15 =	simm.s32 $0x1F780;
	s1 =	sor.u32 s0, s1  }
0x7: {  	vm1 =	vcmask $0x704;
	vm15 =	vcmask $0xB08;
	vm4 =	vcmask $0xF0C;
	s16 =	simm.s32 $0x1F800;
	s18 =	simm.s32 $0x0;
	s2 =	smul.u32 $0x18, s1  }
0x8: {  	vm5 =	vcmask $0x1310;
	p0 =	slt.u32 s3, $0x7;
	v3 =	vsel vm0, $0x0, v3;
	v4 =	vsel vm0, $0xC800, v4;
	s24 =	sadd.s32 $0x200, s6;
	s1 =	smul.u32 $0x19, s1  }
0x9: {  	vm6 =	vcmask $0x1714;
	s25 =	sadd.s32 $0x400, s6;
	s26 =	sadd.s32 $0x600, s6;
	v3 =	vsel vm1, $0x80, v3;
	v4 =	vsel vm1, $0xC880, v4;
	s3 =	sadd.s32 $0xE, s2  }
0xa: {  	vm7 =	vcmask $0x1B18;
	s0 =	ssub.s32 $0x2, s0;
	v3 =	vsel vm15, $0x100, v3;
	v4 =	vsel vm15, $0xC900, v4;
	s2 =	sadd.s32 $0x26, s2;
	s3 =	smov.u32 @p0 s1  }
0xb: {  	vm8 =	vcmask $0x1F1C;
	v3 =	vsel vm4, $0x180, v3;
	v4 =	vsel vm4, $0xC980, v4;
	s1 =	sadd.s32 $0x19, s1;
	s4 =	smin.u32 s3, $0x2F5;
	s3 =	sshll.u32 s3, $0x7  }
0xc: {  	v3 =	vsel vm5, $0x200, v3;
	v4 =	vsel vm5, $0xCA00, v4;
	s20 =	sshll.u32 s4, $0x7;
	v0 =	vmov s3;
	s3 =	rddreg [dreg:$0x2];
	s4 =	simm.s32 $0x0  }
0xd: {  	vm9 =	vcmask $0x2320;
	v3 =	vsel vm6, $0x280, v3;
	v4 =	vsel vm6, $0xCA80, v4;
	s2 =	smov.u32 @p0 s1;
	[smem:$0x7FF] =	sst s4;
	s1 =	sadd.s32 s5, s20  }
0xe: {  	vm10 =	vcmask $0x2724;
	s21 =	sshrl.u32 s0, $0x1;
	v3 =	vsel vm7, $0x300, v3;
	v4 =	vsel vm7, $0xCB00, v4;
	_ =	strace $0x80000047;
	[dreg:$0x4] =	wrdreg s1  }
0xf: {  	vm11 =	vcmask $0x2B28;
	s0 =	ssub.s32 s0, s21;
	s2 =	sshll.u32 s2, $0x7;
	v3 =	vsel vm8, $0x380, v3;
	v4 =	vsel vm8, $0xCB80, v4;
	[dreg:$0x8] =	wrdreg s24  }
0x10: {  	s21 =	simm.s32 $0x1F100;
	s0 =	smax.u32 s0, $0x1;
	v1 =	vmov s2;
	v3 =	vsel vm9, $0x6400, v3;
	v4 =	vsel vm9, $0x12C00, v4;
	[dreg:$0x9] =	wrdreg s25  }
0x11: {  	v2 =	vmov s20;
	s20 =	simm.s32 $0x1F080;
	s2 =	simm.s32 $0x1F600;
	[dreg:$0xa] =	wrdreg s26;
	v3 =	vsel vm10, $0x6480, v3;
	v4 =	vsel vm10, $0x12C80, v4  }
.Ltmp0:
0x12: {  	vm12 =	vcmask $0x2F2C;
	s22 =	sadd.s32 $0x18700, s1;
	[dreg:$0xb] =	wrdreg s0;
	v3 =	vsel vm11, $0x6500, v3;
	v4 =	vsel vm11, $0x12D00, v4;
	(pc) =	sbr.rel .LBB2_1-.Ltmp0, $4  }
0x13: {  	vm13 =	vcmask $0x3330;
	s23 =	sadd.s32 $0x30E00, s1;
	s1 =	sadd.s32 $0x49500, s1;
	[dreg:$0x5] =	wrdreg s22;
	v3 =	vsel vm12, $0x6580, v3;
	v4 =	vsel vm12, $0x12D80, v4  }
0x14: {  	vm14 =	vcmask $0x3734;
	s24 =	simm.s32 $0x1F280;
	s25 =	simm.s32 $0x1F300;
	[dreg:$0x6] =	wrdreg s23;
	v3 =	vsel vm13, $0x6600, v3;
	v4 =	vsel vm13, $0x12E00, v4  }
0x15: {  	vm15 =	vcmask $0x3B38;
	s26 =	simm.s32 $0x1F380;
	s0 =	simm.s32 $0x1F680;
	[dreg:$0x7] =	wrdreg s1;
	v5 =	vsel vm14, $0x6680, v3;
	v6 =	vsel vm14, $0x12E80, v4  }
0x16: {  	s22 =	simm.s32 $0x1F180;
	s23 =	simm.s32 $0x1F200;
	s1 =	simm.s32 $0x2;
	v3 =	vlaneseq.u32;
	v4 =	vsel vm15, $0x6700, v5;
	v5 =	vsel vm15, $0x12F00, v6  }
.LBB2_13:
0x17: {  	[sflag:s1] =	ssyncadd.s32 $0xFFFFFE00  }
.LBB2_14:
0x18: {  	s18 =	sadd.s32 $0x1, s18;
	s5 =	rddreg [dreg:$0xb]  }
0x19: {  	p0 =	sne.s32 s18, s5  }
.Ltmp1:
0x1a: {  	_ = 	snop;
	(pc) =	sbr.rel @!p0 .LBB2_15-.Ltmp1, $1  }
0x1b: {  	_ =	sdelay $0x3  }
.LBB2_1:
0x1c: {  	s5 =	rddreg [dreg:$0x4]  }
0x1d: {  	[tilespmem:s13], [sflag:$0x1] =	stream.linear.gather [hbm4b:s5+s4], $0x6400, $0x38;
	[tilespmem:$0x1F880] =	vst v63  }
0x1e: {  	s9 =	rddreg [dreg:$0x5];
	s6 =	simm.s32 $0x8400  }
0x1f: {  	[tilespmem:s6], [sflag:$0x1] =	stream.linear.gather [hbm4b:s9+s4], $0x6400, $0x38;
	[tilespmem:$0x1F880] =	vst v63  }
0x20: {  	s10 =	rddreg [dreg:$0x6];
	s11 =	simm.s32 $0xE800  }
0x21: {  	[tilespmem:s11], [sflag:$0x1] =	stream.linear.gather [hbm4b:s10+s4], $0x6400, $0x38;
	[tilespmem:$0x1F880] =	vst v63  }
0x22: {  	s7 =	simm.s32 $0x14C00;
	s6 =	rddreg [dreg:$0x7]  }
0x23: {  	[tilespmem:s7], [sflag:$0x1] =	stream.linear.gather [hbm4b:s6+s4], $0x6400, $0x38;
	[tilespmem:$0x1F880] =	vst v63  }
0x24: {  	s8 =	rddreg [dreg:$0x1]  }
0x25: {  	[tilespmem:s4], [sflag:$0x3] =	stream.linear.gather [hbm4b:s8+s4], $0x1000, $0x38;
	[tilespmem:$0x1F880] =	vst v63  }
0x26: {  	_ =	swait.ge [sflag:s17], $0x1000  }
0x27: {  	[sflag:s17] =	ssyncset.done $0x0  }
0x28: {  	s10 =	simm.s32 $0x10;
	s9 =	rddreg [dreg:$0x8];
	[sflag:s17] =	ssyncadd.s32 $0xFFFFF000  }
0x29: {  	[tilespmem:s12], [sflag:$0x3] =	stream.linear.gather [hbm4b:s9+s4], $0x1000, $0x38;
	[tilespmem:$0x1F880] =	vst v63  }
0x2a: {  	v6 =	vld [tilespmem:s10+$0x0];
	_ =	sdelay $0x4  }
0x2b: {  	vm0 =	vge.s32 v6, v0;
	vm1 =	vlt.s32 v6, v1  }
0x2c: {  	vm0 =	vmand vm0, vm1  }
0x2d: {  	v7 =	vmpcnt.ones.xlane vm0;
	_ =	sdelay $0x1  }
0x2e: {  	(v2sf) =	vpush v7, $0x0;
	_ =	sdelay $0x6  }
0x2f: {  	v7 =	vld [tilespmem:s10+$0xFFFFFFF0];
	_ =	sdelay $0x4  }
0x30: {  	v6 =	vsub.s32 v6, v2;
	v8 =	vsub.s32 v7, v2  }
0x31: {  	v6 =	vshll.u32 v6, $0xE;
	v8 =	vshll.u32 v8, $0xE  }
0x32: {  	s11 =	simm.s32 $0x10;
	vm15 =	vge.s32 v7, v0;
	vm2 =	vlt.s32 v7, v1;
	v7 =	vadd.s32 s4, v8  }
0x33: {  	v6 =	vadd.s32 s11, v6;
	vm1 =	vmand vm15, vm2;
	v7 =	vadd.s32 v3, v7;
	s12 =	spop (v2sf)  }
0x34: {  	v6 =	vadd.s32 v3, v6;
	v8 =	vmpcnt.ones.xlane vm1;
	[tilespmem:s4+$0x1B000] =	vst.msk vm1, v7;
	s6 =	ssub.s32 $0x4020, s12  }
0x35: {  	s9 =	simm.s32 $0x30;
	[tilespmem:s6+$0x1B000] =	vst.msk vm0, v6  }
0x36: {  	s7 =	simm.s32 $0x20;
	s8 =	simm.s32 $0x0;
	s10 =	simm.s32 $0x40;
	(v2sf) =	vpush v8, $0x0;
	v6 =	vld [tilespmem:s9+$0x0]  }
.LBB2_2:
0x37: {  	p0 =	sne.s32 s10, $0xFE0;
	_ =	sdelay $0x3  }
0x38: {  	vm0 =	vge.s32 v6, v0;
	vm1 =	vlt.s32 v6, v1  }
0x39: {  	vm0 =	vmand vm0, vm1  }
0x3a: {  	v7 =	vmpcnt.ones.xlane vm0;
	_ =	sdelay $0x1  }
0x3b: {  	(v2sf) =	vpush v7, $0x0;
	_ =	sdelay $0x5  }
0x3c: {  	s11 =	spop (v2sf)  }
0x3d: {  	v7 =	vld [tilespmem:s9+$0xFFFFFFF0];
	s8 =	sadd.s32 s8, s11;
	_ =	sdelay $0x4  }
0x3e: {  	v8 =	vsub.s32 v7, v2  }
0x3f: {  	v6 =	vsub.s32 v6, v2;
	vm1 =	vge.s32 v7, v0;
	v8 =	vshll.u32 v8, $0xE  }
.Ltmp2:
0x40: {  	v6 =	vshll.u32 v6, $0xE;
	s11 =	sadd.s32 $0x10, s7;
	vm2 =	vlt.s32 v7, v1;
	v7 =	vadd.s32 s7, v8;
	s7 =	smov.u32 s10;
	(pc) =	sbr.rel @p0 .LBB2_2-.Ltmp2, $4  }
0x41: {  	v6 =	vadd.s32 s11, v6;
	vm1 =	vmand vm1, vm2;
	v7 =	vadd.s32 v3, v7;
	s11 =	spop (v2sf)  }
0x42: {  	v6 =	vadd.s32 v3, v6;
	v8 =	vmpcnt.ones.xlane vm1;
	[tilespmem:s8+$0x1B000] =	vst.msk vm1, v7;
	s6 =	ssub.s32 s6, s11  }
0x43: {  	s9 =	sadd.s32 $0x20, s9;
	[tilespmem:s6+$0x1B000] =	vst.msk vm0, v6  }
0x44: {  	s10 =	sadd.s32 $0x20, s10;
	v6 =	vld [tilespmem:s9+$0x0];
	(v2sf) =	vpush v8, $0x0  }
0x45: {  	_ = 	snop  }
0x46: {  	v7 =	vld [tilespmem:s9+$0xFFFFFFF0];
	_ =	sdelay $0x2  }
0x47: {  	vm0 =	vge.s32 v6, v0;
	vm1 =	vlt.s32 v6, v1  }
0x48: {  	vm0 =	vmand vm0, vm1  }
0x49: {  	vm1 =	vge.s32 v7, v0;
	vm2 =	vlt.s32 v7, v1;
	v8 =	vmpcnt.ones.xlane vm0  }
0x4a: {  	vm1 =	vmand vm1, vm2  }
0x4b: {  	(v2sf) =	vpush v8, $0x0;
	v8 =	vmpcnt.ones.xlane vm1;
	_ =	sdelay $0x1  }
0x4c: {  	(v2sf) =	vpush v8, $0x0;
	_ =	sdelay $0x9  }
0x4d: {  	v7 =	vsub.s32 v7, v2  }
0x4e: {  	v6 =	vsub.s32 v6, v2;
	v7 =	vshll.u32 v7, $0xE  }
0x4f: {  	s5 =	sadd.s32 $0x10, s7;
	v6 =	vshll.u32 v6, $0xE;
	v7 =	vadd.s32 s7, v7;
	s12 =	spop (v2sf)  }
0x50: {  	v6 =	vadd.s32 s5, v6;
	v7 =	vadd.s32 v3, v7;
	s9 =	sadd.s32 s8, s12;
	s10 =	spop (v2sf)  }
0x51: {  	v6 =	vadd.s32 v3, v6;
	[tilespmem:s9+$0x1B000] =	vst.msk vm1, v7;
	s7 =	ssub.s32 s6, s10  }
0x52: {  	[tilespmem:s7+$0x1B000] =	vst.msk vm0, v6;
	s6 =	spop (v2sf)  }
0x53: {  	_ =	swait.ge [sflag:s17], $0x1000  }
0x54: {  	s8 =	simm.s32 $0x1010;
	[sflag:s17] =	ssyncset.done $0x0  }
0x55: {  	s10 =	simm.s32 $0x0;
	s5 =	rddreg [dreg:$0x9];
	[sflag:s17] =	ssyncadd.s32 $0xFFFFF000  }
0x56: {  	[tilespmem:s10], [sflag:$0x3] =	stream.linear.gather [hbm4b:s5+s10], $0x1000, $0x38;
	[tilespmem:$0x1F880] =	vst v63  }
0x57: {  	v6 =	vld [tilespmem:s8+$0x0];
	_ =	sdelay $0x4  }
0x58: {  	vm0 =	vge.s32 v6, v0;
	vm1 =	vlt.s32 v6, v1  }
0x59: {  	vm0 =	vmand vm0, vm1  }
0x5a: {  	v7 =	vmpcnt.ones.xlane vm0;
	_ =	sdelay $0x1  }
0x5b: {  	(v2sf) =	vpush v7, $0x0;
	_ =	sdelay $0x3  }
0x5c: {  	s11 =	simm.s32 $0x1000  }
0x5d: {  	s12 =	sand.u32 $0x1F80, s11;
	s10 =	sand.u32 $0x60, s10  }
0x5e: {  	s10 =	sor.u32 s10, s12  }
0x5f: {  	v7 =	vld [tilespmem:s10+$0x0];
	_ =	sdelay $0x4  }
0x60: {  	v6 =	vsub.s32 v6, v2;
	v8 =	vsub.s32 v7, v2  }
0x61: {  	v6 =	vshll.u32 v6, $0xE;
	v8 =	vshll.u32 v8, $0xE  }
0x62: {  	vm1 =	vge.s32 v7, v0;
	vm2 =	vlt.s32 v7, v1;
	v7 =	vadd.s32 s11, v8;
	s11 =	simm.s32 $0x1010  }
0x63: {  	s6 =	sadd.s32 s9, s6;
	vm1 =	vmand vm1, vm2;
	v8 =	vadd.s32 v3, v7;
	v7 =	vadd.s32 s11, v6;
	s12 =	spop (v2sf)  }
0x64: {  	s9 =	simm.s32 $0x20;
	s10 =	simm.s32 $0x40;
	v6 =	vmpcnt.ones.xlane vm1;
	v7 =	vadd.s32 v3, v7;
	[tilespmem:s6+$0x1B000] =	vst.msk vm1, v8;
	s7 =	ssub.s32 s7, s12  }
.LBB2_4:
0x65: {  	p0 =	sne.s32 s10, $0xFE0;
	[tilespmem:s7+$0x1B000] =	vst.msk vm0, v7;
	s8 =	sadd.s32 $0x20, s8  }
0x66: {  	v7 =	vld [tilespmem:s8+$0x0];
	(v2sf) =	vpush v6, $0x0;
	_ =	sdelay $0x4  }
0x67: {  	vm0 =	vge.s32 v7, v0;
	vm1 =	vlt.s32 v7, v1  }
0x68: {  	vm0 =	vmand vm0, vm1  }
0x69: {  	v6 =	vmpcnt.ones.xlane vm0;
	_ =	sdelay $0x1  }
0x6a: {  	(v2sf) =	vpush v6, $0x0;
	_ =	sdelay $0x3  }
0x6b: {  	s11 =	sadd.s32 $0x1000, s9  }
0x6c: {  	s5 =	sand.u32 $0x60, s9;
	s12 =	sand.u32 $0x1F80, s11  }
0x6d: {  	s5 =	sor.u32 s5, s12;
	s12 =	spop (v2sf)  }
0x6e: {  	v6 =	vld [tilespmem:s5+$0x0];
	s6 =	sadd.s32 s6, s12;
	_ =	sdelay $0x4  }
.Ltmp3:
0x6f: {  	v8 =	vsub.s32 v6, v2;
	(pc) =	sbr.rel @p0 .LBB2_4-.Ltmp3, $4  }
0x70: {  	v7 =	vsub.s32 v7, v2;
	vm1 =	vge.s32 v6, v0;
	v8 =	vshll.u32 v8, $0xE  }
0x71: {  	v7 =	vshll.u32 v7, $0xE;
	s5 =	sadd.s32 $0x1010, s9;
	s9 =	smov.u32 s10;
	vm2 =	vlt.s32 v6, v1;
	v6 =	vadd.s32 s11, v8  }
0x72: {  	v7 =	vadd.s32 s5, v7;
	vm1 =	vmand vm1, vm2;
	v8 =	vadd.s32 v3, v6;
	s5 =	spop (v2sf)  }
0x73: {  	s10 =	sadd.s32 $0x20, s10;
	v7 =	vadd.s32 v3, v7;
	v6 =	vmpcnt.ones.xlane vm1;
	[tilespmem:s6+$0x1B000] =	vst.msk vm1, v8;
	s7 =	ssub.s32 s7, s5  }
0x74: {  	[tilespmem:s7+$0x1B000] =	vst.msk vm0, v7;
	s5 =	sadd.s32 $0x20, s8;
	s8 =	sadd.s32 $0x1000, s9  }
0x75: {  	s10 =	sand.u32 $0x60, s9;
	v7 =	vld [tilespmem:s5+$0x0];
	s12 =	sand.u32 $0x1F80, s8  }
0x76: {  	s5 =	sor.u32 s10, s12  }
0x77: {  	v8 =	vld [tilespmem:s5+$0x0];
	_ =	sdelay $0x2  }
0x78: {  	vm10 =	vge.s32 v7, v0;
	vm1 =	vlt.s32 v7, v1  }
0x79: {  	vm0 =	vmand vm10, vm1  }
0x7a: {  	v9 =	vmpcnt.ones.xlane vm0;
	vm11 =	vge.s32 v8, v0;
	vm2 =	vlt.s32 v8, v1  }
0x7b: {  	(v2sf) =	vpush v6, $0x0;
	vm1 =	vmand vm11, vm2  }
0x7c: {  	(v2sf) =	vpush v9, $0x0;
	v6 =	vmpcnt.ones.xlane vm1;
	_ =	sdelay $0x1  }
0x7d: {  	(v2sf) =	vpush v6, $0x0;
	_ =	sdelay $0x9  }
0x7e: {  	v6 =	vsub.s32 v8, v2  }
0x7f: {  	v7 =	vsub.s32 v7, v2;
	v6 =	vshll.u32 v6, $0xE  }
0x80: {  	s12 =	sadd.s32 $0x1010, s9;
	v7 =	vshll.u32 v7, $0xE;
	v6 =	vadd.s32 s8, v6;
	s11 =	spop (v2sf)  }
0x81: {  	v7 =	vadd.s32 s12, v7;
	v6 =	vadd.s32 v3, v6;
	s5 =	sadd.s32 s6, s11;
	s9 =	spop (v2sf)  }
0x82: {  	v7 =	vadd.s32 v3, v7;
	[tilespmem:s5+$0x1B000] =	vst.msk vm1, v6;
	s7 =	ssub.s32 s7, s9  }
0x83: {  	[tilespmem:s7+$0x1B000] =	vst.msk vm0, v7;
	s6 =	spop (v2sf)  }
0x84: {  	_ =	swait.ge [sflag:s17], $0x1000  }
0x85: {  	s12 =	simm.s32 $0x1000;
	[sflag:s17] =	ssyncset.done $0x0  }
0x86: {  	s11 =	simm.s32 $0x10;
	s10 =	rddreg [dreg:$0xa];
	[sflag:s17] =	ssyncadd.s32 $0xFFFFF000  }
0x87: {  	[tilespmem:s12], [sflag:$0x3] =	stream.linear.gather [hbm4b:s10+s4], $0x1000, $0x38;
	[tilespmem:$0x1F880] =	vst v63  }
0x88: {  	v6 =	vld [tilespmem:s11+$0x0];
	_ =	sdelay $0x4  }
0x89: {  	vm12 =	vge.s32 v6, v0;
	vm13 =	vlt.s32 v6, v1  }
0x8a: {  	vm0 =	vmand vm12, vm13  }
0x8b: {  	v7 =	vmpcnt.ones.xlane vm0;
	_ =	sdelay $0x1  }
0x8c: {  	(v2sf) =	vpush v7, $0x0;
	_ =	sdelay $0x6  }
0x8d: {  	v7 =	vld [tilespmem:s11+$0xFFFFFFF0];
	_ =	sdelay $0x4  }
0x8e: {  	v6 =	vsub.s32 v6, v2;
	v8 =	vsub.s32 v7, v2  }
0x8f: {  	s9 =	simm.s32 $0x2000;
	v6 =	vshll.u32 v6, $0xE;
	v8 =	vshll.u32 v8, $0xE  }
0x90: {  	s10 =	simm.s32 $0x2010;
	vm14 =	vge.s32 v7, v0;
	vm15 =	vlt.s32 v7, v1;
	v7 =	vadd.s32 s9, v8  }
0x91: {  	s6 =	sadd.s32 s5, s6;
	v6 =	vadd.s32 s10, v6;
	vm1 =	vmand vm14, vm15;
	v7 =	vadd.s32 v3, v7;
	s11 =	spop (v2sf)  }
0x92: {  	v6 =	vadd.s32 v3, v6;
	v8 =	vmpcnt.ones.xlane vm1;
	[tilespmem:s6+$0x1B000] =	vst.msk vm1, v7;
	s7 =	ssub.s32 s7, s11  }
0x93: {  	s9 =	simm.s32 $0x30;
	[tilespmem:s7+$0x1B000] =	vst.msk vm0, v6  }
0x94: {  	s8 =	simm.s32 $0x2020;
	s10 =	simm.s32 $0x2040;
	(v2sf) =	vpush v8, $0x0;
	v6 =	vld [tilespmem:s9+$0x0]  }
.LBB2_6:
0x95: {  	p0 =	sne.s32 s10, $0x2FE0;
	_ =	sdelay $0x3  }
0x96: {  	vm0 =	vge.s32 v6, v0;
	vm1 =	vlt.s32 v6, v1  }
0x97: {  	vm0 =	vmand vm0, vm1  }
0x98: {  	v7 =	vmpcnt.ones.xlane vm0;
	_ =	sdelay $0x1  }
0x99: {  	(v2sf) =	vpush v7, $0x0;
	_ =	sdelay $0x5  }
0x9a: {  	s5 =	spop (v2sf)  }
0x9b: {  	v7 =	vld [tilespmem:s9+$0xFFFFFFF0];
	s6 =	sadd.s32 s6, s5;
	_ =	sdelay $0x4  }
0x9c: {  	v8 =	vsub.s32 v7, v2  }
0x9d: {  	v6 =	vsub.s32 v6, v2;
	vm1 =	vge.s32 v7, v0;
	v8 =	vshll.u32 v8, $0xE  }
.Ltmp4:
0x9e: {  	v6 =	vshll.u32 v6, $0xE;
	s5 =	sadd.s32 $0x10, s8;
	vm2 =	vlt.s32 v7, v1;
	v7 =	vadd.s32 s8, v8;
	s8 =	smov.u32 s10;
	(pc) =	sbr.rel @p0 .LBB2_6-.Ltmp4, $4  }
0x9f: {  	v6 =	vadd.s32 s5, v6;
	vm1 =	vmand vm1, vm2;
	v7 =	vadd.s32 v3, v7;
	s5 =	spop (v2sf)  }
0xa0: {  	v6 =	vadd.s32 v3, v6;
	v8 =	vmpcnt.ones.xlane vm1;
	[tilespmem:s6+$0x1B000] =	vst.msk vm1, v7;
	s7 =	ssub.s32 s7, s5  }
0xa1: {  	s9 =	sadd.s32 $0x20, s9;
	[tilespmem:s7+$0x1B000] =	vst.msk vm0, v6  }
0xa2: {  	s10 =	sadd.s32 $0x20, s10;
	v6 =	vld [tilespmem:s9+$0x0];
	(v2sf) =	vpush v8, $0x0  }
0xa3: {  	_ = 	snop  }
0xa4: {  	v7 =	vld [tilespmem:s9+$0xFFFFFFF0];
	_ =	sdelay $0x2  }
0xa5: {  	vm0 =	vge.s32 v6, v0;
	vm1 =	vlt.s32 v6, v1  }
0xa6: {  	vm0 =	vmand vm0, vm1  }
0xa7: {  	vm11 =	vge.s32 v7, v0;
	vm2 =	vlt.s32 v7, v1;
	v8 =	vmpcnt.ones.xlane vm0  }
0xa8: {  	vm1 =	vmand vm11, vm2  }
0xa9: {  	(v2sf) =	vpush v8, $0x0;
	v8 =	vmpcnt.ones.xlane vm1;
	_ =	sdelay $0x1  }
0xaa: {  	(v2sf) =	vpush v8, $0x0;
	_ =	sdelay $0x9  }
0xab: {  	v7 =	vsub.s32 v7, v2  }
0xac: {  	v6 =	vsub.s32 v6, v2;
	v7 =	vshll.u32 v7, $0xE  }
0xad: {  	s11 =	sadd.s32 $0x10, s8;
	v6 =	vshll.u32 v6, $0xE;
	v7 =	vadd.s32 s8, v7;
	s5 =	spop (v2sf)  }
0xae: {  	v6 =	vadd.s32 s11, v6;
	v7 =	vadd.s32 v3, v7;
	s5 =	sadd.s32 s6, s5;
	s9 =	spop (v2sf)  }
0xaf: {  	v6 =	vadd.s32 v3, v6;
	[tilespmem:s5+$0x1B000] =	vst.msk vm1, v7;
	s7 =	ssub.s32 s7, s9  }
0xb0: {  	[tilespmem:s7+$0x1B000] =	vst.msk vm0, v6;
	s6 =	spop (v2sf)  }
0xb1: {  	_ =	swait.ge [sflag:s17], $0x1000  }
0xb2: {  	[sflag:s17] =	ssyncset.done $0x0  }
0xb3: {  	s10 =	simm.s32 $0x1010;
	[sflag:s17] =	ssyncadd.s32 $0xFFFFF000  }
0xb4: {  	v6 =	vld [tilespmem:s10+$0x0];
	_ =	sdelay $0x4  }
0xb5: {  	vm12 =	vge.s32 v6, v0;
	vm13 =	vlt.s32 v6, v1  }
0xb6: {  	vm0 =	vmand vm12, vm13  }
0xb7: {  	v7 =	vmpcnt.ones.xlane vm0;
	_ =	sdelay $0x1  }
0xb8: {  	(v2sf) =	vpush v7, $0x0;
	_ =	sdelay $0x4  }
0xb9: {  	s11 =	simm.s32 $0x0  }
0xba: {  	s8 =	sand.u32 $0xFE0, s11  }
0xbb: {  	v7 =	vld [tilespmem:s8+$0x1000];
	_ =	sdelay $0x4  }
0xbc: {  	v6 =	vsub.s32 v6, v2;
	v8 =	vsub.s32 v7, v2  }
0xbd: {  	s9 =	simm.s32 $0x3000;
	v6 =	vshll.u32 v6, $0xE;
	v8 =	vshll.u32 v8, $0xE  }
0xbe: {  	s10 =	simm.s32 $0x3010;
	vm14 =	vge.s32 v7, v0;
	vm15 =	vlt.s32 v7, v1;
	v7 =	vadd.s32 s9, v8  }
0xbf: {  	s6 =	sadd.s32 s5, s6;
	v6 =	vadd.s32 s10, v6;
	vm1 =	vmand vm14, vm15;
	v7 =	vadd.s32 v3, v7;
	s11 =	spop (v2sf)  }
0xc0: {  	v6 =	vadd.s32 v3, v6;
	v8 =	vmpcnt.ones.xlane vm1;
	[tilespmem:s6+$0x1B000] =	vst.msk vm1, v7;
	s7 =	ssub.s32 s7, s11  }
0xc1: {  	s9 =	simm.s32 $0x1030;
	[tilespmem:s7+$0x1B000] =	vst.msk vm0, v6  }
0xc2: {  	s10 =	simm.s32 $0x40;
	s8 =	simm.s32 $0x20;
	(v2sf) =	vpush v8, $0x0;
	v6 =	vld [tilespmem:s9+$0x0]  }
.LBB2_8:
0xc3: {  	p0 =	sne.s32 s10, $0xFE0;
	_ =	sdelay $0x3  }
0xc4: {  	vm0 =	vge.s32 v6, v0;
	vm1 =	vlt.s32 v6, v1  }
0xc5: {  	vm0 =	vmand vm0, vm1  }
0xc6: {  	v7 =	vmpcnt.ones.xlane vm0;
	_ =	sdelay $0x1  }
0xc7: {  	(v2sf) =	vpush v7, $0x0;
	_ =	sdelay $0x5  }
0xc8: {  	s5 =	sand.u32 $0xFE0, s8;
	s11 =	spop (v2sf)  }
0xc9: {  	v7 =	vld [tilespmem:s5+$0x1000];
	s6 =	sadd.s32 s6, s11;
	_ =	sdelay $0x4  }
0xca: {  	v8 =	vsub.s32 v7, v2  }
0xcb: {  	v6 =	vsub.s32 v6, v2;
	s5 =	sadd.s32 $0x3000, s8;
	vm1 =	vge.s32 v7, v0;
	v8 =	vshll.u32 v8, $0xE  }
.Ltmp5:
0xcc: {  	v6 =	vshll.u32 v6, $0xE;
	vm2 =	vlt.s32 v7, v1;
	v7 =	vadd.s32 s5, v8;
	s5 =	sadd.s32 $0x3010, s8;
	s8 =	smov.u32 s10;
	(pc) =	sbr.rel @p0 .LBB2_8-.Ltmp5, $4  }
0xcd: {  	vm1 =	vmand vm1, vm2;
	v7 =	vadd.s32 v3, v7;
	v6 =	vadd.s32 s5, v6;
	s5 =	spop (v2sf)  }
0xce: {  	v8 =	vmpcnt.ones.xlane vm1;
	v6 =	vadd.s32 v3, v6;
	[tilespmem:s6+$0x1B000] =	vst.msk vm1, v7;
	s7 =	ssub.s32 s7, s5  }
0xcf: {  	s9 =	sadd.s32 $0x20, s9;
	[tilespmem:s7+$0x1B000] =	vst.msk vm0, v6  }
0xd0: {  	s10 =	sadd.s32 $0x20, s10;
	v6 =	vld [tilespmem:s9+$0x0];
	(v2sf) =	vpush v8, $0x0  }
0xd1: {  	s5 =	sand.u32 $0xFE0, s8  }
0xd2: {  	v7 =	vld [tilespmem:s5+$0x1000];
	_ =	sdelay $0x3  }
0xd3: {  	vm0 =	vge.s32 v6, v0;
	vm1 =	vlt.s32 v6, v1  }
0xd4: {  	vm0 =	vmand vm0, vm1;
	vm15 =	vge.s32 v7, v0;
	vm2 =	vlt.s32 v7, v1  }
0xd5: {  	v8 =	vmpcnt.ones.xlane vm0;
	vm1 =	vmand vm15, vm2  }
0xd6: {  	v9 =	vmpcnt.ones.xlane vm1  }
0xd7: {  	(v2sf) =	vpush v8, $0x0  }
0xd8: {  	(v2sf) =	vpush v9, $0x0;
	_ =	sdelay $0xb  }
0xd9: {  	v7 =	vsub.s32 v7, v2  }
0xda: {  	s9 =	sadd.s32 $0x3000, s8;
	v6 =	vsub.s32 v6, v2;
	v7 =	vshll.u32 v7, $0xE;
	s11 =	spop (v2sf)  }
0xdb: {  	v6 =	vshll.u32 v6, $0xE;
	v7 =	vadd.s32 s9, v7;
	s9 =	sadd.s32 $0x3010, s8;
	s10 =	spop (v2sf)  }
0xdc: {  	v7 =	vadd.s32 v3, v7;
	v6 =	vadd.s32 s9, v6;
	s5 =	sadd.s32 s6, s11;
	s11 =	spop (v2sf)  }
0xdd: {  	v6 =	vadd.s32 v3, v6;
	[tilespmem:s5+$0x1B000] =	vst.msk vm1, v7;
	s6 =	ssub.s32 s7, s10;
	s5 =	sadd.s32 s5, s11  }
0xde: {  	[tilespmem:s6+$0x1B000] =	vst.msk vm0, v6;
	p0 =	slt.s32 s5, $0x1  }
0xdf: {  	v6 =	vld.msk @!p0 [tilespmem:$0x1B000 ss:$0x0], $0xffff;
	_ =	sdelay $0x4  }
0xe0: {  	s7 =	sadd.s32 $0x1B000, s6;
	[tilespmem:s5+$0x1B000] =	vst @!p0 v6;
	p0 =	sgt.s32 s6, $0x401F  }
0xe1: {  	v6 =	vld.msk @!p0 [tilespmem:s7+$0x0 ss:$0x0], $0xffff;
	_ =	sdelay $0x4  }
0xe2: {  	[tilespmem:s6+$0x1AFF0] =	vst @!p0 v6  }
0xe3: {  	_ =	swait.ge [sflag:s19], $0x6400  }
0xe4: {  	[sflag:s19] =	ssyncset.done $0x0  }
0xe5: {  	[sflag:s19] =	ssyncadd.s32 $0xFFFF9C00  }
0xe6: {  	_ =	swait.ge [sflag:s19], $0x6400  }
0xe7: {  	s5 =	sadd.s32 $0xF, s5;
	[sflag:s19] =	ssyncset.done $0x0  }
0xe8: {  	s8 =	sshrl.u32 s5, $0x4;
	[sflag:s19] =	ssyncadd.s32 $0xFFFF9C00  }
0xe9: {  	p0 =	sne.s32 s8, $0x0;
	_ =	swait.ge [sflag:s19], $0x6400  }
.Ltmp6:
0xea: {  	[sflag:s19] =	ssyncset.done $0x0;
	(pc) =	sbr.rel @!p0 .LBB2_10-.Ltmp6, $4  }
0xeb: {  	[sflag:s19] =	ssyncadd.s32 $0xFFFF9C00  }
0xec: {  	_ =	swait.ge [sflag:s19], $0x6400  }
0xed: {  	[sflag:s19] =	ssyncset.done $0x0  }
0xee: {  	s7 =	simm.s32 $0x1B000;
	[sflag:s19] =	ssyncadd.s32 $0xFFFF9C00  }
0xef: {  	v7 =	vld [tilespmem:s7+$0x0];
	_ =	sdelay $0x4  }
0xf0: {  	v6 =	vshrl.u32 v7, $0xE  }
0xf1: {  	v8 =	vbroadcast v6, $0x0;
	_ =	sdelay $0x1  }
0xf2: {  	v9 =	vshll.u32 v8, $0x3  }
0xf3: {  	v7 =	vand.u32 $0x3FFF, v7;
	v8 =	vand.u32 $0x7F, v8;
	v9 =	vand.u32 $0x1FFC00, v9  }
0xf4: {  	v7 =	vshll.u32 v7, $0x2;
	v8 =	vor.u32 v8, v9  }
0xf5: {  	v7 =	vadd.s32 s3, v7;
	v9 =	vadd.s32 v4, v8  }
0xf6: {  	(v2sf) =	vpush v7, $0x0;
	_ =	sdelay $0x3  }
0xf7: {  	v9 =	vld.idx.msk [tilespmem:v9+s13+$0x0], $0xffff  }
0xf8: {  	v8 =	vadd.s32 v5, v8;
	_ =	sdelay $0x1  }
0xf9: {  	v10 =	vbroadcast v6, $0x1;
	_ =	sdelay $0x1  }
0xfa: {  	v11 =	vshll.u32 v10, $0x3;
	[tilespmem:$0x1F080] =	vst v9  }
0xfb: {  	v60 =	vand.u32 $0x7F, v10;
	v61 =	vand.u32 $0x1FFC00, v11;
	v8 =	vld.idx.msk [tilespmem:v8+s13+$0x0], $0xffff  }
0xfc: {  	v9 =	vor.u32 v60, v61  }
0xfd: {  	v10 =	vadd.s32 v4, v9  }
0xfe: {  	(v2sf) =	vpush v7, $0x1;
	_ =	sdelay $0x1  }
0xff: {  	s5 =	spop (v2sf);
	[tilespmem:$0x1F090] =	vst v8  }
0x100: {  	[hbm4b:s5+s4] =	stream.linear.scatter [tilespmem:s20], [sflag:$0x2], $0x20, $0x38;
	[tilespmem:$0x1F880] =	vst v63  }
0x101: {  	v8 =	vld.idx.msk [tilespmem:v10+s13+$0x0], $0xffff  }
0x102: {  	v9 =	vadd.s32 v5, v9;
	_ =	sdelay $0x1  }
0x103: {  	v62 =	vbroadcast v6, $0x2;
	_ =	sdelay $0x1  }
0x104: {  	v63 =	vshll.u32 v62, $0x3;
	[tilespmem:$0x1F100] =	vst v8  }
0x105: {  	v12 =	vand.u32 $0x7F, v62;
	v13 =	vand.u32 $0x1FFC00, v63;
	v9 =	vld.idx.msk [tilespmem:v9+s13+$0x0], $0xffff  }
0x106: {  	v8 =	vor.u32 v12, v13  }
0x107: {  	v10 =	vadd.s32 v4, v8  }
0x108: {  	(v2sf) =	vpush v7, $0x2;
	_ =	sdelay $0x1  }
0x109: {  	s9 =	spop (v2sf);
	[tilespmem:$0x1F110] =	vst v9  }
0x10a: {  	[hbm4b:s9+s4] =	stream.linear.scatter [tilespmem:s21], [sflag:$0x2], $0x20, $0x38;
	[tilespmem:$0x1F880] =	vst v63  }
0x10b: {  	v9 =	vld.idx.msk [tilespmem:v10+s13+$0x0], $0xffff  }
0x10c: {  	v8 =	vadd.s32 v5, v8;
	_ =	sdelay $0x1  }
0x10d: {  	v14 =	vbroadcast v6, $0x3;
	_ =	sdelay $0x1  }
0x10e: {  	v15 =	vshll.u32 v14, $0x3;
	[tilespmem:$0x1F180] =	vst v9  }
0x10f: {  	v16 =	vand.u32 $0x7F, v14;
	v17 =	vand.u32 $0x1FFC00, v15;
	v8 =	vld.idx.msk [tilespmem:v8+s13+$0x0], $0xffff  }
0x110: {  	v9 =	vor.u32 v16, v17  }
0x111: {  	v10 =	vadd.s32 v4, v9  }
0x112: {  	(v2sf) =	vpush v7, $0x3;
	_ =	sdelay $0x1  }
0x113: {  	s10 =	spop (v2sf);
	[tilespmem:$0x1F190] =	vst v8  }
0x114: {  	[hbm4b:s10+s4] =	stream.linear.scatter [tilespmem:s22], [sflag:$0x2], $0x20, $0x38;
	[tilespmem:$0x1F880] =	vst v63  }
0x115: {  	v8 =	vld.idx.msk [tilespmem:v10+s13+$0x0], $0xffff  }
0x116: {  	v9 =	vadd.s32 v5, v9;
	_ =	sdelay $0x1  }
0x117: {  	v18 =	vbroadcast v6, $0x4;
	_ =	sdelay $0x1  }
0x118: {  	v19 =	vshll.u32 v18, $0x3;
	[tilespmem:$0x1F200] =	vst v8  }
0x119: {  	v20 =	vand.u32 $0x7F, v18;
	v21 =	vand.u32 $0x1FFC00, v19;
	v9 =	vld.idx.msk [tilespmem:v9+s13+$0x0], $0xffff  }
0x11a: {  	v8 =	vor.u32 v20, v21  }
0x11b: {  	v10 =	vadd.s32 v4, v8  }
0x11c: {  	(v2sf) =	vpush v7, $0x4;
	_ =	sdelay $0x1  }
0x11d: {  	s11 =	spop (v2sf);
	[tilespmem:$0x1F210] =	vst v9  }
0x11e: {  	[hbm4b:s11+s4] =	stream.linear.scatter [tilespmem:s23], [sflag:$0x2], $0x20, $0x38;
	[tilespmem:$0x1F880] =	vst v63  }
0x11f: {  	v9 =	vld.idx.msk [tilespmem:v10+s13+$0x0], $0xffff  }
0x120: {  	v8 =	vadd.s32 v5, v8;
	_ =	sdelay $0x1  }
0x121: {  	v22 =	vbroadcast v6, $0x5;
	_ =	sdelay $0x1  }
0x122: {  	v23 =	vshll.u32 v22, $0x3;
	[tilespmem:$0x1F280] =	vst v9  }
0x123: {  	v24 =	vand.u32 $0x7F, v22;
	v25 =	vand.u32 $0x1FFC00, v23;
	v8 =	vld.idx.msk [tilespmem:v8+s13+$0x0], $0xffff  }
0x124: {  	v9 =	vor.u32 v24, v25  }
0x125: {  	v10 =	vadd.s32 v4, v9  }
0x126: {  	(v2sf) =	vpush v7, $0x5;
	_ =	sdelay $0x1  }
0x127: {  	s9 =	spop (v2sf);
	[tilespmem:$0x1F290] =	vst v8  }
0x128: {  	[hbm4b:s9+s4] =	stream.linear.scatter [tilespmem:s24], [sflag:$0x2], $0x20, $0x38;
	[tilespmem:$0x1F880] =	vst v63  }
0x129: {  	v8 =	vld.idx.msk [tilespmem:v10+s13+$0x0], $0xffff  }
0x12a: {  	v9 =	vadd.s32 v5, v9;
	_ =	sdelay $0x1  }
0x12b: {  	v26 =	vbroadcast v6, $0x6;
	_ =	sdelay $0x1  }
0x12c: {  	v27 =	vshll.u32 v26, $0x3;
	[tilespmem:$0x1F300] =	vst v8  }
0x12d: {  	v28 =	vand.u32 $0x7F, v26;
	v29 =	vand.u32 $0x1FFC00, v27;
	v9 =	vld.idx.msk [tilespmem:v9+s13+$0x0], $0xffff  }
0x12e: {  	v8 =	vor.u32 v28, v29  }
0x12f: {  	v10 =	vadd.s32 v4, v8  }
0x130: {  	(v2sf) =	vpush v7, $0x6;
	_ =	sdelay $0x1  }
0x131: {  	s10 =	spop (v2sf);
	[tilespmem:$0x1F310] =	vst v9  }
0x132: {  	[hbm4b:s10+s4] =	stream.linear.scatter [tilespmem:s25], [sflag:$0x2], $0x20, $0x38;
	[tilespmem:$0x1F880] =	vst v63  }
0x133: {  	v9 =	vld.idx.msk [tilespmem:v10+s13+$0x0], $0xffff  }
0x134: {  	v8 =	vadd.s32 v5, v8;
	_ =	sdelay $0x1  }
0x135: {  	v30 =	vbroadcast v6, $0x7;
	_ =	sdelay $0x1  }
0x136: {  	v31 =	vshll.u32 v30, $0x3;
	[tilespmem:$0x1F380] =	vst v9  }
0x137: {  	v32 =	vand.u32 $0x7F, v30;
	v33 =	vand.u32 $0x1FFC00, v31;
	v8 =	vld.idx.msk [tilespmem:v8+s13+$0x0], $0xffff  }
0x138: {  	v9 =	vor.u32 v32, v33  }
0x139: {  	v10 =	vadd.s32 v4, v9  }
0x13a: {  	(v2sf) =	vpush v7, $0x7;
	_ =	sdelay $0x1  }
0x13b: {  	s11 =	spop (v2sf);
	[tilespmem:$0x1F390] =	vst v8  }
0x13c: {  	[hbm4b:s11+s4] =	stream.linear.scatter [tilespmem:s26], [sflag:$0x2], $0x20, $0x38;
	[tilespmem:$0x1F880] =	vst v63  }
0x13d: {  	v8 =	vld.idx.msk [tilespmem:v10+s13+$0x0], $0xffff  }
0x13e: {  	v9 =	vadd.s32 v5, v9;
	_ =	sdelay $0x1  }
0x13f: {  	v34 =	vbroadcast v6, $0x8;
	_ =	sdelay $0x1  }
0x140: {  	v35 =	vshll.u32 v34, $0x3;
	[tilespmem:$0x1F400] =	vst v8  }
0x141: {  	v36 =	vand.u32 $0x7F, v34;
	v37 =	vand.u32 $0x1FFC00, v35;
	v9 =	vld.idx.msk [tilespmem:v9+s13+$0x0], $0xffff  }
0x142: {  	v8 =	vor.u32 v36, v37  }
0x143: {  	v10 =	vadd.s32 v4, v8  }
0x144: {  	(v2sf) =	vpush v7, $0x8;
	_ =	sdelay $0x1  }
0x145: {  	s9 =	spop (v2sf);
	[tilespmem:$0x1F410] =	vst v9  }
0x146: {  	[hbm4b:s9+s4] =	stream.linear.scatter [tilespmem:s28], [sflag:$0x2], $0x20, $0x38;
	[tilespmem:$0x1F880] =	vst v63  }
0x147: {  	v9 =	vld.idx.msk [tilespmem:v10+s13+$0x0], $0xffff  }
0x148: {  	v8 =	vadd.s32 v5, v8;
	_ =	sdelay $0x1  }
0x149: {  	v38 =	vbroadcast v6, $0x9;
	_ =	sdelay $0x1  }
0x14a: {  	v39 =	vshll.u32 v38, $0x3;
	[tilespmem:$0x1F480] =	vst v9  }
0x14b: {  	v40 =	vand.u32 $0x7F, v38;
	v41 =	vand.u32 $0x1FFC00, v39;
	v8 =	vld.idx.msk [tilespmem:v8+s13+$0x0], $0xffff  }
0x14c: {  	v9 =	vor.u32 v40, v41  }
0x14d: {  	v10 =	vadd.s32 v4, v9  }
0x14e: {  	(v2sf) =	vpush v7, $0x9;
	_ =	sdelay $0x1  }
0x14f: {  	s10 =	spop (v2sf);
	[tilespmem:$0x1F490] =	vst v8  }
0x150: {  	[hbm4b:s10+s4] =	stream.linear.scatter [tilespmem:s29], [sflag:$0x2], $0x20, $0x38;
	[tilespmem:$0x1F880] =	vst v63  }
0x151: {  	v8 =	vld.idx.msk [tilespmem:v10+s13+$0x0], $0xffff  }
0x152: {  	v9 =	vadd.s32 v5, v9;
	_ =	sdelay $0x1  }
0x153: {  	v42 =	vbroadcast v6, $0xA;
	_ =	sdelay $0x1  }
0x154: {  	v43 =	vshll.u32 v42, $0x3;
	[tilespmem:$0x1F500] =	vst v8  }
0x155: {  	v44 =	vand.u32 $0x7F, v42;
	v45 =	vand.u32 $0x1FFC00, v43;
	v9 =	vld.idx.msk [tilespmem:v9+s13+$0x0], $0xffff  }
0x156: {  	v8 =	vor.u32 v44, v45  }
0x157: {  	v10 =	vadd.s32 v4, v8  }
0x158: {  	(v2sf) =	vpush v7, $0xA;
	_ =	sdelay $0x1  }
0x159: {  	s11 =	spop (v2sf);
	[tilespmem:$0x1F510] =	vst v9  }
0x15a: {  	[hbm4b:s11+s4] =	stream.linear.scatter [tilespmem:s30], [sflag:$0x2], $0x20, $0x38;
	[tilespmem:$0x1F880] =	vst v63  }
0x15b: {  	v9 =	vld.idx.msk [tilespmem:v10+s13+$0x0], $0xffff  }
0x15c: {  	v8 =	vadd.s32 v5, v8;
	_ =	sdelay $0x1  }
0x15d: {  	v46 =	vbroadcast v6, $0xB;
	_ =	sdelay $0x1  }
0x15e: {  	v47 =	vshll.u32 v46, $0x3;
	[tilespmem:$0x1F580] =	vst v9  }
0x15f: {  	v48 =	vand.u32 $0x7F, v46;
	v49 =	vand.u32 $0x1FFC00, v47;
	v8 =	vld.idx.msk [tilespmem:v8+s13+$0x0], $0xffff  }
0x160: {  	v9 =	vor.u32 v48, v49  }
0x161: {  	v10 =	vadd.s32 v4, v9  }
0x162: {  	(v2sf) =	vpush v7, $0xB;
	_ =	sdelay $0x1  }
0x163: {  	s9 =	spop (v2sf);
	[tilespmem:$0x1F590] =	vst v8  }
0x164: {  	[hbm4b:s9+s4] =	stream.linear.scatter [tilespmem:s31], [sflag:$0x2], $0x20, $0x38;
	[tilespmem:$0x1F880] =	vst v63  }
0x165: {  	v8 =	vld.idx.msk [tilespmem:v10+s13+$0x0], $0xffff  }
0x166: {  	v9 =	vadd.s32 v5, v9;
	_ =	sdelay $0x1  }
0x167: {  	v50 =	vbroadcast v6, $0xC;
	_ =	sdelay $0x1  }
0x168: {  	v51 =	vshll.u32 v50, $0x3;
	[tilespmem:$0x1F600] =	vst v8  }
0x169: {  	v52 =	vand.u32 $0x7F, v50;
	v53 =	vand.u32 $0x1FFC00, v51;
	v9 =	vld.idx.msk [tilespmem:v9+s13+$0x0], $0xffff  }
0x16a: {  	v8 =	vor.u32 v52, v53  }
0x16b: {  	v10 =	vadd.s32 v4, v8  }
0x16c: {  	(v2sf) =	vpush v7, $0xC;
	_ =	sdelay $0x1  }
0x16d: {  	s10 =	spop (v2sf);
	[tilespmem:$0x1F610] =	vst v9  }
0x16e: {  	[hbm4b:s10+s4] =	stream.linear.scatter [tilespmem:s2], [sflag:$0x2], $0x20, $0x38;
	[tilespmem:$0x1F880] =	vst v63  }
0x16f: {  	v9 =	vld.idx.msk [tilespmem:v10+s13+$0x0], $0xffff  }
0x170: {  	v8 =	vadd.s32 v5, v8;
	_ =	sdelay $0x1  }
0x171: {  	v54 =	vbroadcast v6, $0xD;
	_ =	sdelay $0x1  }
0x172: {  	v55 =	vshll.u32 v54, $0x3;
	[tilespmem:$0x1F680] =	vst v9  }
0x173: {  	v56 =	vand.u32 $0x7F, v54;
	v57 =	vand.u32 $0x1FFC00, v55;
	v8 =	vld.idx.msk [tilespmem:v8+s13+$0x0], $0xffff  }
0x174: {  	v9 =	vor.u32 v56, v57  }
0x175: {  	v10 =	vadd.s32 v4, v9  }
0x176: {  	(v2sf) =	vpush v7, $0xD;
	_ =	sdelay $0x1  }
0x177: {  	s11 =	spop (v2sf);
	[tilespmem:$0x1F690] =	vst v8  }
0x178: {  	[hbm4b:s11+s4] =	stream.linear.scatter [tilespmem:s0], [sflag:$0x2], $0x20, $0x38;
	[tilespmem:$0x1F880] =	vst v63  }
0x179: {  	v8 =	vld.idx.msk [tilespmem:v10+s13+$0x0], $0xffff  }
0x17a: {  	v9 =	vadd.s32 v5, v9;
	_ =	sdelay $0x1  }
0x17b: {  	v58 =	vbroadcast v6, $0xE;
	_ =	sdelay $0x1  }
0x17c: {  	v59 =	vshll.u32 v58, $0x3;
	[tilespmem:$0x1F700] =	vst v8  }
0x17d: {  	v60 =	vand.u32 $0x7F, v58;
	v61 =	vand.u32 $0x1FFC00, v59;
	v9 =	vld.idx.msk [tilespmem:v9+s13+$0x0], $0xffff  }
0x17e: {  	v8 =	vor.u32 v60, v61  }
0x17f: {  	v10 =	vadd.s32 v4, v8  }
0x180: {  	(v2sf) =	vpush v7, $0xE;
	_ =	sdelay $0x1  }
0x181: {  	s9 =	spop (v2sf);
	[tilespmem:$0x1F710] =	vst v9  }
0x182: {  	[hbm4b:s9+s4] =	stream.linear.scatter [tilespmem:s14], [sflag:$0x2], $0x20, $0x38;
	[tilespmem:$0x1F880] =	vst v63  }
0x183: {  	v9 =	vld.idx.msk [tilespmem:v10+s13+$0x0], $0xffff  }
0x184: {  	v8 =	vadd.s32 v5, v8;
	_ =	sdelay $0x1  }
0x185: {  	v6 =	vbroadcast v6, $0xF;
	_ =	sdelay $0x1  }
0x186: {  	v62 =	vshll.u32 v6, $0x3;
	[tilespmem:$0x1F780] =	vst v9  }
0x187: {  	v6 =	vand.u32 $0x7F, v6;
	v63 =	vand.u32 $0x1FFC00, v62;
	v8 =	vld.idx.msk [tilespmem:v8+s13+$0x0], $0xffff  }
0x188: {  	v6 =	vor.u32 v6, v63  }
0x189: {  	v9 =	vadd.s32 v4, v6  }
0x18a: {  	(v2sf) =	vpush v7, $0xF;
	_ =	sdelay $0x1  }
0x18b: {  	s10 =	spop (v2sf);
	[tilespmem:$0x1F790] =	vst v8  }
0x18c: {  	[hbm4b:s10+s4] =	stream.linear.scatter [tilespmem:s15], [sflag:$0x2], $0x20, $0x38;
	[tilespmem:$0x1F880] =	vst v63  }
0x18d: {  	v7 =	vld.idx.msk [tilespmem:v9+s13+$0x0], $0xffff  }
0x18e: {  	v6 =	vadd.s32 v5, v6;
	_ =	sdelay $0x3  }
0x18f: {  	[tilespmem:$0x1F800] =	vst v7  }
0x190: {  	v6 =	vld.idx.msk [tilespmem:v6+s13+$0x0], $0xffff;
	_ =	sdelay $0x2  }
0x191: {  	p0 =	seq.s32 s8, $0x1  }
.Ltmp7:
0x192: {  	_ = 	snop;
	(pc) =	sbr.rel @p0 .LBB2_18-.Ltmp7, $4  }
0x193: {  	s11 =	spop (v2sf);
	[tilespmem:$0x1F810] =	vst v6  }
0x194: {  	[hbm4b:s11+s4] =	stream.linear.scatter [tilespmem:s16], [sflag:$0x2], $0x20, $0x38;
	[tilespmem:$0x1F880] =	vst v63  }
0x195: {  	_ =	swait.ge [sflag:s1], $0x200  }
0x196: {  	s8 =	sadd.s32 $0xFFFFFFFF, s8;
	[sflag:s1] =	ssyncset.done $0x0  }
.LBB2_17:
0x197: {  	p0 =	seq.s32 s8, $0x1;
	[sflag:s1] =	ssyncadd.s32 $0xFFFFFE00;
	s7 =	sadd.s32 $0x10, s7  }
0x198: {  	s8 =	sadd.s32 $0xFFFFFFFF, s8;
	v6 =	vld [tilespmem:s7+$0x0];
	_ =	sdelay $0x4  }
0x199: {  	v7 =	vand.u32 $0x3FFF, v6;
	v8 =	vshrl.u32 v6, $0xE  }
0x19a: {  	v9 =	vbroadcast v8, $0x0;
	v6 =	vshll.u32 v7, $0x2;
	v7 =	vbroadcast v8, $0x1  }
0x19b: {  	v10 =	vbroadcast v8, $0x2;
	v11 =	vbroadcast v8, $0x3;
	v6 =	vadd.s32 s3, v6  }
0x19c: {  	v12 =	vshll.u32 v9, $0x3;
	v13 =	vand.u32 $0x7F, v7;
	v7 =	vshll.u32 v7, $0x3  }
0x19d: {  	v9 =	vand.u32 $0x7F, v9;
	v12 =	vand.u32 $0x1FFC00, v12;
	v7 =	vand.u32 $0x1FFC00, v7  }
0x19e: {  	v9 =	vor.u32 v9, v12;
	v7 =	vor.u32 v13, v7;
	v12 =	vshll.u32 v10, $0x3  }
0x19f: {  	v10 =	vand.u32 $0x7F, v10;
	v13 =	vadd.s32 v4, v9;
	v12 =	vand.u32 $0x1FFC00, v12  }
0x1a0: {  	v20 =	vor.u32 v10, v12;
	v10 =	vshll.u32 v11, $0x3;
	v12 =	vbroadcast v8, $0x4  }
0x1a1: {  	v14 =	vbroadcast v8, $0x5;
	v11 =	vand.u32 $0x7F, v11;
	v10 =	vand.u32 $0x1FFC00, v10  }
0x1a2: {  	v19 =	vor.u32 v11, v10;
	v10 =	vshll.u32 v12, $0x3;
	(v2sf) =	vpush v6, $0x0  }
0x1a3: {  	v11 =	vand.u32 $0x7F, v12;
	v12 =	vshll.u32 v14, $0x3;
	v10 =	vand.u32 $0x1FFC00, v10  }
0x1a4: {  	v13 =	vld.idx.msk [tilespmem:v13+s13+$0x0], $0xffff;
	v18 =	vor.u32 v11, v10;
	v10 =	vand.u32 $0x7F, v14;
	v11 =	vand.u32 $0x1FFC00, v12  }
0x1a5: {  	v17 =	vor.u32 v10, v11;
	v10 =	vbroadcast v8, $0x6;
	v11 =	vbroadcast v8, $0x7  }
0x1a6: {  	v21 =	vbroadcast v8, $0x9;
	v9 =	vadd.s32 v5, v9;
	v12 =	vbroadcast v8, $0x8  }
0x1a7: {  	v14 =	vshll.u32 v10, $0x3;
	v15 =	vand.u32 $0x7F, v11;
	v11 =	vshll.u32 v11, $0x3  }
0x1a8: {  	v10 =	vand.u32 $0x7F, v10;
	v14 =	vand.u32 $0x1FFC00, v14;
	v11 =	vand.u32 $0x1FFC00, v11  }
0x1a9: {  	v16 =	vor.u32 v10, v14;
	v15 =	vor.u32 v15, v11;
	v10 =	vshll.u32 v12, $0x3  }
0x1aa: {  	v11 =	vand.u32 $0x7F, v12;
	v12 =	vshll.u32 v21, $0x3;
	[tilespmem:$0x1F080] =	vst v13;
	v10 =	vand.u32 $0x1FFC00, v10  }
0x1ab: {  	v9 =	vld.idx.msk [tilespmem:v9+s13+$0x0], $0xffff;
	v14 =	vor.u32 v11, v10;
	v10 =	vand.u32 $0x7F, v21;
	v11 =	vand.u32 $0x1FFC00, v12  }
0x1ac: {  	v13 =	vor.u32 v10, v11;
	v10 =	vbroadcast v8, $0xA;
	v11 =	vbroadcast v8, $0xB  }
0x1ad: {  	v22 =	vbroadcast v8, $0xD;
	v21 =	vbroadcast v8, $0xC  }
0x1ae: {  	v23 =	vadd.s32 v4, v7;
	v12 =	vshll.u32 v10, $0x3;
	v24 =	vshll.u32 v11, $0x3  }
0x1af: {  	v25 =	vshll.u32 v21, $0x3;
	v10 =	vand.u32 $0x7F, v10;
	v12 =	vand.u32 $0x1FFC00, v12  }
0x1b0: {  	v21 =	vand.u32 $0x7F, v21;
	v12 =	vor.u32 v10, v12;
	v10 =	vand.u32 $0x7F, v11  }
0x1b1: {  	[tilespmem:$0x1F090] =	vst v9;
	v9 =	vand.u32 $0x1FFC00, v24;
	v24 =	vand.u32 $0x1FFC00, v25;
	s5 =	spop (v2sf);
	(v2sf) =	vpush v6, $0x1  }
0x1b2: {  	[hbm4b:s5+s4] =	stream.linear.scatter [tilespmem:s20], [sflag:$0x2], $0x20, $0x38;
	v11 =	vor.u32 v10, v9;
	v10 =	vor.u32 v21, v24;
	v9 =	vshll.u32 v22, $0x3;
	[tilespmem:$0x1F880] =	vst v63  }
0x1b3: {  	v22 =	vand.u32 $0x7F, v22;
	v21 =	vld.idx.msk [tilespmem:v23+s13+$0x0], $0xffff;
	v9 =	vand.u32 $0x1FFC00, v9;
	v23 =	vbroadcast v8, $0xE  }
0x1b4: {  	v9 =	vor.u32 v22, v9;
	v22 =	vbroadcast v8, $0xF  }
0x1b5: {  	v24 =	vadd.s32 v5, v7;
	v7 =	vshll.u32 v23, $0x3  }
0x1b6: {  	v8 =	vand.u32 $0x7F, v23;
	v7 =	vand.u32 $0x1FFC00, v7;
	v23 =	vshll.u32 v22, $0x3  }
0x1b7: {  	v8 =	vor.u32 v8, v7;
	v7 =	vand.u32 $0x7F, v22;
	v22 =	vand.u32 $0x1FFC00, v23  }
0x1b8: {  	v7 =	vor.u32 v7, v22  }
0x1b9: {  	[tilespmem:$0x1F100] =	vst v21  }
0x1ba: {  	v21 =	vld.idx.msk [tilespmem:v24+s13+$0x0], $0xffff;
	_ =	sdelay $0x2  }
0x1bb: {  	v22 =	vadd.s32 v4, v20;
	_ =	sdelay $0x2  }
0x1bc: {  	[tilespmem:$0x1F110] =	vst v21;
	s5 =	spop (v2sf);
	(v2sf) =	vpush v6, $0x2  }
0x1bd: {  	[hbm4b:s5+s4] =	stream.linear.scatter [tilespmem:s21], [sflag:$0x2], $0x20, $0x38;
	[tilespmem:$0x1F880] =	vst v63  }
0x1be: {  	v21 =	vld.idx.msk [tilespmem:v22+s13+$0x0], $0xffff;
	_ =	sdelay $0x1  }
0x1bf: {  	v20 =	vadd.s32 v5, v20;
	_ =	sdelay $0x3  }
0x1c0: {  	[tilespmem:$0x1F180] =	vst v21  }
0x1c1: {  	v20 =	vld.idx.msk [tilespmem:v20+s13+$0x0], $0xffff;
	_ =	sdelay $0x2  }
0x1c2: {  	v21 =	vadd.s32 v4, v19;
	_ =	sdelay $0x2  }
0x1c3: {  	[tilespmem:$0x1F190] =	vst v20;
	s5 =	spop (v2sf);
	(v2sf) =	vpush v6, $0x3  }
0x1c4: {  	[hbm4b:s5+s4] =	stream.linear.scatter [tilespmem:s22], [sflag:$0x2], $0x20, $0x38;
	[tilespmem:$0x1F880] =	vst v63  }
0x1c5: {  	v20 =	vld.idx.msk [tilespmem:v21+s13+$0x0], $0xffff;
	_ =	sdelay $0x1  }
0x1c6: {  	v19 =	vadd.s32 v5, v19;
	_ =	sdelay $0x3  }
0x1c7: {  	[tilespmem:$0x1F200] =	vst v20  }
0x1c8: {  	v19 =	vld.idx.msk [tilespmem:v19+s13+$0x0], $0xffff;
	_ =	sdelay $0x2  }
0x1c9: {  	v20 =	vadd.s32 v4, v18;
	_ =	sdelay $0x2  }
0x1ca: {  	[tilespmem:$0x1F210] =	vst v19;
	s5 =	spop (v2sf);
	(v2sf) =	vpush v6, $0x4  }
0x1cb: {  	[hbm4b:s5+s4] =	stream.linear.scatter [tilespmem:s23], [sflag:$0x2], $0x20, $0x38;
	[tilespmem:$0x1F880] =	vst v63  }
0x1cc: {  	v19 =	vld.idx.msk [tilespmem:v20+s13+$0x0], $0xffff;
	_ =	sdelay $0x1  }
0x1cd: {  	v18 =	vadd.s32 v5, v18;
	_ =	sdelay $0x3  }
0x1ce: {  	[tilespmem:$0x1F280] =	vst v19  }
0x1cf: {  	v18 =	vld.idx.msk [tilespmem:v18+s13+$0x0], $0xffff;
	_ =	sdelay $0x2  }
0x1d0: {  	v19 =	vadd.s32 v4, v17;
	_ =	sdelay $0x2  }
0x1d1: {  	[tilespmem:$0x1F290] =	vst v18;
	s5 =	spop (v2sf);
	(v2sf) =	vpush v6, $0x5  }
0x1d2: {  	[hbm4b:s5+s4] =	stream.linear.scatter [tilespmem:s24], [sflag:$0x2], $0x20, $0x38;
	[tilespmem:$0x1F880] =	vst v63  }
0x1d3: {  	v18 =	vld.idx.msk [tilespmem:v19+s13+$0x0], $0xffff;
	_ =	sdelay $0x1  }
0x1d4: {  	v17 =	vadd.s32 v5, v17;
	_ =	sdelay $0x3  }
0x1d5: {  	[tilespmem:$0x1F300] =	vst v18  }
0x1d6: {  	v17 =	vld.idx.msk [tilespmem:v17+s13+$0x0], $0xffff;
	_ =	sdelay $0x2  }
0x1d7: {  	v18 =	vadd.s32 v4, v16;
	_ =	sdelay $0x2  }
0x1d8: {  	[tilespmem:$0x1F310] =	vst v17;
	s5 =	spop (v2sf);
	(v2sf) =	vpush v6, $0x6  }
0x1d9: {  	[hbm4b:s5+s4] =	stream.linear.scatter [tilespmem:s25], [sflag:$0x2], $0x20, $0x38;
	[tilespmem:$0x1F880] =	vst v63  }
0x1da: {  	v17 =	vld.idx.msk [tilespmem:v18+s13+$0x0], $0xffff;
	_ =	sdelay $0x1  }
0x1db: {  	v16 =	vadd.s32 v5, v16;
	_ =	sdelay $0x3  }
0x1dc: {  	[tilespmem:$0x1F380] =	vst v17  }
0x1dd: {  	v16 =	vld.idx.msk [tilespmem:v16+s13+$0x0], $0xffff;
	_ =	sdelay $0x2  }
0x1de: {  	v17 =	vadd.s32 v4, v15;
	_ =	sdelay $0x2  }
0x1df: {  	[tilespmem:$0x1F390] =	vst v16;
	s5 =	spop (v2sf);
	(v2sf) =	vpush v6, $0x7  }
0x1e0: {  	[hbm4b:s5+s4] =	stream.linear.scatter [tilespmem:s26], [sflag:$0x2], $0x20, $0x38;
	[tilespmem:$0x1F880] =	vst v63  }
0x1e1: {  	v16 =	vld.idx.msk [tilespmem:v17+s13+$0x0], $0xffff;
	_ =	sdelay $0x1  }
0x1e2: {  	v15 =	vadd.s32 v5, v15;
	_ =	sdelay $0x3  }
0x1e3: {  	[tilespmem:$0x1F400] =	vst v16  }
0x1e4: {  	v15 =	vld.idx.msk [tilespmem:v15+s13+$0x0], $0xffff;
	_ =	sdelay $0x2  }
0x1e5: {  	v16 =	vadd.s32 v4, v14;
	_ =	sdelay $0x2  }
0x1e6: {  	[tilespmem:$0x1F410] =	vst v15;
	s5 =	spop (v2sf);
	(v2sf) =	vpush v6, $0x8  }
0x1e7: {  	[hbm4b:s5+s4] =	stream.linear.scatter [tilespmem:s28], [sflag:$0x2], $0x20, $0x38;
	[tilespmem:$0x1F880] =	vst v63  }
0x1e8: {  	v15 =	vld.idx.msk [tilespmem:v16+s13+$0x0], $0xffff;
	_ =	sdelay $0x1  }
0x1e9: {  	v14 =	vadd.s32 v5, v14;
	_ =	sdelay $0x3  }
0x1ea: {  	[tilespmem:$0x1F480] =	vst v15  }
0x1eb: {  	v14 =	vld.idx.msk [tilespmem:v14+s13+$0x0], $0xffff;
	_ =	sdelay $0x2  }
0x1ec: {  	v15 =	vadd.s32 v4, v13;
	_ =	sdelay $0x2  }
0x1ed: {  	[tilespmem:$0x1F490] =	vst v14;
	s5 =	spop (v2sf);
	(v2sf) =	vpush v6, $0x9  }
0x1ee: {  	[hbm4b:s5+s4] =	stream.linear.scatter [tilespmem:s29], [sflag:$0x2], $0x20, $0x38;
	[tilespmem:$0x1F880] =	vst v63  }
0x1ef: {  	v14 =	vld.idx.msk [tilespmem:v15+s13+$0x0], $0xffff;
	_ =	sdelay $0x1  }
0x1f0: {  	v13 =	vadd.s32 v5, v13;
	_ =	sdelay $0x3  }
0x1f1: {  	[tilespmem:$0x1F500] =	vst v14  }
0x1f2: {  	v13 =	vld.idx.msk [tilespmem:v13+s13+$0x0], $0xffff;
	_ =	sdelay $0x2  }
0x1f3: {  	v14 =	vadd.s32 v4, v12;
	_ =	sdelay $0x2  }
0x1f4: {  	[tilespmem:$0x1F510] =	vst v13;
	s5 =	spop (v2sf);
	(v2sf) =	vpush v6, $0xA  }
0x1f5: {  	[hbm4b:s5+s4] =	stream.linear.scatter [tilespmem:s30], [sflag:$0x2], $0x20, $0x38;
	[tilespmem:$0x1F880] =	vst v63  }
0x1f6: {  	v13 =	vld.idx.msk [tilespmem:v14+s13+$0x0], $0xffff;
	_ =	sdelay $0x1  }
0x1f7: {  	v12 =	vadd.s32 v5, v12;
	_ =	sdelay $0x3  }
0x1f8: {  	[tilespmem:$0x1F580] =	vst v13  }
0x1f9: {  	v12 =	vld.idx.msk [tilespmem:v12+s13+$0x0], $0xffff;
	_ =	sdelay $0x2  }
0x1fa: {  	v13 =	vadd.s32 v4, v11;
	_ =	sdelay $0x2  }
0x1fb: {  	[tilespmem:$0x1F590] =	vst v12;
	s5 =	spop (v2sf);
	(v2sf) =	vpush v6, $0xB  }
0x1fc: {  	[hbm4b:s5+s4] =	stream.linear.scatter [tilespmem:s31], [sflag:$0x2], $0x20, $0x38;
	[tilespmem:$0x1F880] =	vst v63  }
0x1fd: {  	v12 =	vld.idx.msk [tilespmem:v13+s13+$0x0], $0xffff;
	_ =	sdelay $0x1  }
0x1fe: {  	v11 =	vadd.s32 v5, v11;
	_ =	sdelay $0x3  }
0x1ff: {  	[tilespmem:$0x1F600] =	vst v12  }
0x200: {  	v11 =	vld.idx.msk [tilespmem:v11+s13+$0x0], $0xffff;
	_ =	sdelay $0x2  }
0x201: {  	v12 =	vadd.s32 v4, v10;
	_ =	sdelay $0x2  }
0x202: {  	[tilespmem:$0x1F610] =	vst v11;
	s5 =	spop (v2sf);
	(v2sf) =	vpush v6, $0xC  }
0x203: {  	[hbm4b:s5+s4] =	stream.linear.scatter [tilespmem:s2], [sflag:$0x2], $0x20, $0x38;
	[tilespmem:$0x1F880] =	vst v63  }
0x204: {  	v11 =	vld.idx.msk [tilespmem:v12+s13+$0x0], $0xffff;
	_ =	sdelay $0x1  }
0x205: {  	v10 =	vadd.s32 v5, v10;
	_ =	sdelay $0x3  }
0x206: {  	[tilespmem:$0x1F680] =	vst v11  }
0x207: {  	v10 =	vld.idx.msk [tilespmem:v10+s13+$0x0], $0xffff;
	_ =	sdelay $0x2  }
0x208: {  	v11 =	vadd.s32 v4, v9;
	_ =	sdelay $0x2  }
0x209: {  	[tilespmem:$0x1F690] =	vst v10;
	s5 =	spop (v2sf);
	(v2sf) =	vpush v6, $0xD  }
0x20a: {  	[hbm4b:s5+s4] =	stream.linear.scatter [tilespmem:s0], [sflag:$0x2], $0x20, $0x38;
	[tilespmem:$0x1F880] =	vst v63  }
0x20b: {  	v10 =	vld.idx.msk [tilespmem:v11+s13+$0x0], $0xffff;
	_ =	sdelay $0x1  }
0x20c: {  	v9 =	vadd.s32 v5, v9;
	_ =	sdelay $0x3  }
0x20d: {  	[tilespmem:$0x1F700] =	vst v10  }
0x20e: {  	v9 =	vld.idx.msk [tilespmem:v9+s13+$0x0], $0xffff;
	_ =	sdelay $0x2  }
0x20f: {  	v10 =	vadd.s32 v4, v8;
	_ =	sdelay $0x2  }
0x210: {  	[tilespmem:$0x1F710] =	vst v9;
	s5 =	spop (v2sf);
	(v2sf) =	vpush v6, $0xE  }
0x211: {  	[hbm4b:s5+s4] =	stream.linear.scatter [tilespmem:s14], [sflag:$0x2], $0x20, $0x38;
	[tilespmem:$0x1F880] =	vst v63  }
0x212: {  	v9 =	vld.idx.msk [tilespmem:v10+s13+$0x0], $0xffff;
	_ =	sdelay $0x1  }
0x213: {  	v8 =	vadd.s32 v5, v8;
	_ =	sdelay $0x3  }
0x214: {  	[tilespmem:$0x1F780] =	vst v9  }
0x215: {  	v8 =	vld.idx.msk [tilespmem:v8+s13+$0x0], $0xffff;
	_ =	sdelay $0x2  }
0x216: {  	v9 =	vadd.s32 v4, v7;
	_ =	sdelay $0x2  }
0x217: {  	[tilespmem:$0x1F790] =	vst v8;
	s5 =	spop (v2sf);
	(v2sf) =	vpush v6, $0xF  }
0x218: {  	[hbm4b:s5+s4] =	stream.linear.scatter [tilespmem:s15], [sflag:$0x2], $0x20, $0x38;
	[tilespmem:$0x1F880] =	vst v63  }
0x219: {  	v6 =	vld.idx.msk [tilespmem:v9+s13+$0x0], $0xffff;
	_ =	sdelay $0x1  }
0x21a: {  	v7 =	vadd.s32 v5, v7;
	_ =	sdelay $0x3  }
0x21b: {  	[tilespmem:$0x1F800] =	vst v6  }
0x21c: {  	v6 =	vld.idx.msk [tilespmem:v7+s13+$0x0], $0xffff;
	_ =	sdelay $0x4  }
.Ltmp8:
0x21d: {  	(pc) =	sbr.rel @!p0 .LBB2_17-.Ltmp8, $4  }
0x21e: {  	[tilespmem:$0x1F810] =	vst v6;
	s5 =	spop (v2sf)  }
0x21f: {  	[hbm4b:s5+s4] =	stream.linear.scatter [tilespmem:s16], [sflag:$0x2], $0x20, $0x38;
	[tilespmem:$0x1F880] =	vst v63  }
0x220: {  	_ =	swait.ge [sflag:s1], $0x200  }
0x221: {  	[sflag:s1] =	ssyncset.done $0x0  }
.LBB2_18:
0x222: {  	[sflag:s1] =	ssyncadd.s32 $0xFFFFFE00  }
.LBB2_10:
0x223: {  	s5 =	ssub.s32 $0x402F, s6  }
0x224: {  	s7 =	sshrl.u32 s5, $0x4  }
0x225: {  	p0 =	seq.s32 s7, $0x0  }
.Ltmp9:
0x226: {  	_ = 	snop;
	(pc) =	sbr.rel @p0 .LBB2_14-.Ltmp9, $2  }
0x227: {  	_ =	sdelay $0x2  }
0x228: {  	s6 =	simm.s32 $0x1F010  }
0x229: {  	v7 =	vld [tilespmem:s6+$0x0];
	_ =	sdelay $0x4  }
0x22a: {  	v6 =	vshrl.u32 v7, $0xE  }
0x22b: {  	v8 =	vbroadcast v6, $0x0;
	_ =	sdelay $0x1  }
0x22c: {  	v9 =	vshll.u32 v8, $0x3  }
0x22d: {  	v7 =	vand.u32 $0x3FFF, v7;
	v8 =	vand.u32 $0x7F, v8;
	v9 =	vand.u32 $0x1FFC00, v9  }
0x22e: {  	v7 =	vshll.u32 v7, $0x2;
	v8 =	vor.u32 v8, v9  }
0x22f: {  	v7 =	vadd.s32 s3, v7;
	v9 =	vadd.s32 v4, v8  }
0x230: {  	(v2sf) =	vpush v7, $0x0;
	_ =	sdelay $0x3  }
0x231: {  	v9 =	vld.idx.msk [tilespmem:v9+s13+$0x0], $0xffff  }
0x232: {  	v8 =	vadd.s32 v5, v8;
	_ =	sdelay $0x1  }
0x233: {  	v10 =	vbroadcast v6, $0x1;
	_ =	sdelay $0x1  }
0x234: {  	v11 =	vshll.u32 v10, $0x3;
	[tilespmem:$0x1F080] =	vst v9  }
0x235: {  	v60 =	vand.u32 $0x7F, v10;
	v61 =	vand.u32 $0x1FFC00, v11;
	v8 =	vld.idx.msk [tilespmem:v8+s13+$0x0], $0xffff  }
0x236: {  	v9 =	vor.u32 v60, v61  }
0x237: {  	v10 =	vadd.s32 v4, v9  }
0x238: {  	(v2sf) =	vpush v7, $0x1;
	_ =	sdelay $0x1  }
0x239: {  	s5 =	spop (v2sf);
	[tilespmem:$0x1F090] =	vst v8  }
0x23a: {  	[hbm4b:s5+s4] =	stream.linear.scatter [tilespmem:s20], [sflag:$0x2], $0x20, $0x38;
	[tilespmem:$0x1F880] =	vst v63  }
0x23b: {  	v8 =	vld.idx.msk [tilespmem:v10+s13+$0x0], $0xffff  }
0x23c: {  	v9 =	vadd.s32 v5, v9;
	_ =	sdelay $0x1  }
0x23d: {  	v62 =	vbroadcast v6, $0x2;
	_ =	sdelay $0x1  }
0x23e: {  	v63 =	vshll.u32 v62, $0x3;
	[tilespmem:$0x1F100] =	vst v8  }
0x23f: {  	v12 =	vand.u32 $0x7F, v62;
	v13 =	vand.u32 $0x1FFC00, v63;
	v9 =	vld.idx.msk [tilespmem:v9+s13+$0x0], $0xffff  }
0x240: {  	v8 =	vor.u32 v12, v13  }
0x241: {  	v10 =	vadd.s32 v4, v8  }
0x242: {  	(v2sf) =	vpush v7, $0x2;
	_ =	sdelay $0x1  }
0x243: {  	s9 =	spop (v2sf);
	[tilespmem:$0x1F110] =	vst v9  }
0x244: {  	[hbm4b:s9+s4] =	stream.linear.scatter [tilespmem:s21], [sflag:$0x2], $0x20, $0x38;
	[tilespmem:$0x1F880] =	vst v63  }
0x245: {  	v9 =	vld.idx.msk [tilespmem:v10+s13+$0x0], $0xffff  }
0x246: {  	v8 =	vadd.s32 v5, v8;
	_ =	sdelay $0x1  }
0x247: {  	v14 =	vbroadcast v6, $0x3;
	_ =	sdelay $0x1  }
0x248: {  	v15 =	vshll.u32 v14, $0x3;
	[tilespmem:$0x1F180] =	vst v9  }
0x249: {  	v16 =	vand.u32 $0x7F, v14;
	v17 =	vand.u32 $0x1FFC00, v15;
	v8 =	vld.idx.msk [tilespmem:v8+s13+$0x0], $0xffff  }
0x24a: {  	v9 =	vor.u32 v16, v17  }
0x24b: {  	v10 =	vadd.s32 v4, v9  }
0x24c: {  	(v2sf) =	vpush v7, $0x3;
	_ =	sdelay $0x1  }
0x24d: {  	s10 =	spop (v2sf);
	[tilespmem:$0x1F190] =	vst v8  }
0x24e: {  	[hbm4b:s10+s4] =	stream.linear.scatter [tilespmem:s22], [sflag:$0x2], $0x20, $0x38;
	[tilespmem:$0x1F880] =	vst v63  }
0x24f: {  	v8 =	vld.idx.msk [tilespmem:v10+s13+$0x0], $0xffff  }
0x250: {  	v9 =	vadd.s32 v5, v9;
	_ =	sdelay $0x1  }
0x251: {  	v18 =	vbroadcast v6, $0x4;
	_ =	sdelay $0x1  }
0x252: {  	v19 =	vshll.u32 v18, $0x3;
	[tilespmem:$0x1F200] =	vst v8  }
0x253: {  	v20 =	vand.u32 $0x7F, v18;
	v21 =	vand.u32 $0x1FFC00, v19;
	v9 =	vld.idx.msk [tilespmem:v9+s13+$0x0], $0xffff  }
0x254: {  	v8 =	vor.u32 v20, v21  }
0x255: {  	v10 =	vadd.s32 v4, v8  }
0x256: {  	(v2sf) =	vpush v7, $0x4;
	_ =	sdelay $0x1  }
0x257: {  	s11 =	spop (v2sf);
	[tilespmem:$0x1F210] =	vst v9  }
0x258: {  	[hbm4b:s11+s4] =	stream.linear.scatter [tilespmem:s23], [sflag:$0x2], $0x20, $0x38;
	[tilespmem:$0x1F880] =	vst v63  }
0x259: {  	v9 =	vld.idx.msk [tilespmem:v10+s13+$0x0], $0xffff  }
0x25a: {  	v8 =	vadd.s32 v5, v8;
	_ =	sdelay $0x1  }
0x25b: {  	v22 =	vbroadcast v6, $0x5;
	_ =	sdelay $0x1  }
0x25c: {  	v23 =	vshll.u32 v22, $0x3;
	[tilespmem:$0x1F280] =	vst v9  }
0x25d: {  	v24 =	vand.u32 $0x7F, v22;
	v25 =	vand.u32 $0x1FFC00, v23;
	v8 =	vld.idx.msk [tilespmem:v8+s13+$0x0], $0xffff  }
0x25e: {  	v9 =	vor.u32 v24, v25  }
0x25f: {  	v10 =	vadd.s32 v4, v9  }
0x260: {  	(v2sf) =	vpush v7, $0x5;
	_ =	sdelay $0x1  }
0x261: {  	s8 =	spop (v2sf);
	[tilespmem:$0x1F290] =	vst v8  }
0x262: {  	[hbm4b:s8+s4] =	stream.linear.scatter [tilespmem:s24], [sflag:$0x2], $0x20, $0x38;
	[tilespmem:$0x1F880] =	vst v63  }
0x263: {  	v8 =	vld.idx.msk [tilespmem:v10+s13+$0x0], $0xffff  }
0x264: {  	v9 =	vadd.s32 v5, v9;
	_ =	sdelay $0x1  }
0x265: {  	v26 =	vbroadcast v6, $0x6;
	_ =	sdelay $0x1  }
0x266: {  	v27 =	vshll.u32 v26, $0x3;
	[tilespmem:$0x1F300] =	vst v8  }
0x267: {  	v28 =	vand.u32 $0x7F, v26;
	v29 =	vand.u32 $0x1FFC00, v27;
	v9 =	vld.idx.msk [tilespmem:v9+s13+$0x0], $0xffff  }
0x268: {  	v8 =	vor.u32 v28, v29  }
0x269: {  	v10 =	vadd.s32 v4, v8  }
0x26a: {  	(v2sf) =	vpush v7, $0x6;
	_ =	sdelay $0x1  }
0x26b: {  	s9 =	spop (v2sf);
	[tilespmem:$0x1F310] =	vst v9  }
0x26c: {  	[hbm4b:s9+s4] =	stream.linear.scatter [tilespmem:s25], [sflag:$0x2], $0x20, $0x38;
	[tilespmem:$0x1F880] =	vst v63  }
0x26d: {  	v9 =	vld.idx.msk [tilespmem:v10+s13+$0x0], $0xffff  }
0x26e: {  	v8 =	vadd.s32 v5, v8;
	_ =	sdelay $0x1  }
0x26f: {  	v30 =	vbroadcast v6, $0x7;
	_ =	sdelay $0x1  }
0x270: {  	v31 =	vshll.u32 v30, $0x3;
	[tilespmem:$0x1F380] =	vst v9  }
0x271: {  	v32 =	vand.u32 $0x7F, v30;
	v33 =	vand.u32 $0x1FFC00, v31;
	v8 =	vld.idx.msk [tilespmem:v8+s13+$0x0], $0xffff  }
0x272: {  	v9 =	vor.u32 v32, v33  }
0x273: {  	v10 =	vadd.s32 v4, v9  }
0x274: {  	(v2sf) =	vpush v7, $0x7;
	_ =	sdelay $0x1  }
0x275: {  	s10 =	spop (v2sf);
	[tilespmem:$0x1F390] =	vst v8  }
0x276: {  	[hbm4b:s10+s4] =	stream.linear.scatter [tilespmem:s26], [sflag:$0x2], $0x20, $0x38;
	[tilespmem:$0x1F880] =	vst v63  }
0x277: {  	v8 =	vld.idx.msk [tilespmem:v10+s13+$0x0], $0xffff  }
0x278: {  	v9 =	vadd.s32 v5, v9;
	_ =	sdelay $0x1  }
0x279: {  	v34 =	vbroadcast v6, $0x8;
	_ =	sdelay $0x1  }
0x27a: {  	v35 =	vshll.u32 v34, $0x3;
	[tilespmem:$0x1F400] =	vst v8  }
0x27b: {  	v36 =	vand.u32 $0x7F, v34;
	v37 =	vand.u32 $0x1FFC00, v35;
	v9 =	vld.idx.msk [tilespmem:v9+s13+$0x0], $0xffff  }
0x27c: {  	v8 =	vor.u32 v36, v37  }
0x27d: {  	v10 =	vadd.s32 v4, v8  }
0x27e: {  	(v2sf) =	vpush v7, $0x8;
	_ =	sdelay $0x1  }
0x27f: {  	s11 =	spop (v2sf);
	[tilespmem:$0x1F410] =	vst v9  }
0x280: {  	[hbm4b:s11+s4] =	stream.linear.scatter [tilespmem:s28], [sflag:$0x2], $0x20, $0x38;
	[tilespmem:$0x1F880] =	vst v63  }
0x281: {  	v9 =	vld.idx.msk [tilespmem:v10+s13+$0x0], $0xffff  }
0x282: {  	v8 =	vadd.s32 v5, v8;
	_ =	sdelay $0x1  }
0x283: {  	v38 =	vbroadcast v6, $0x9;
	_ =	sdelay $0x1  }
0x284: {  	v39 =	vshll.u32 v38, $0x3;
	[tilespmem:$0x1F480] =	vst v9  }
0x285: {  	v40 =	vand.u32 $0x7F, v38;
	v41 =	vand.u32 $0x1FFC00, v39;
	v8 =	vld.idx.msk [tilespmem:v8+s13+$0x0], $0xffff  }
0x286: {  	v9 =	vor.u32 v40, v41  }
0x287: {  	v10 =	vadd.s32 v4, v9  }
0x288: {  	(v2sf) =	vpush v7, $0x9;
	_ =	sdelay $0x1  }
0x289: {  	s8 =	spop (v2sf);
	[tilespmem:$0x1F490] =	vst v8  }
0x28a: {  	[hbm4b:s8+s4] =	stream.linear.scatter [tilespmem:s29], [sflag:$0x2], $0x20, $0x38;
	[tilespmem:$0x1F880] =	vst v63  }
0x28b: {  	v8 =	vld.idx.msk [tilespmem:v10+s13+$0x0], $0xffff  }
0x28c: {  	v9 =	vadd.s32 v5, v9;
	_ =	sdelay $0x1  }
0x28d: {  	v42 =	vbroadcast v6, $0xA;
	_ =	sdelay $0x1  }
0x28e: {  	v43 =	vshll.u32 v42, $0x3;
	[tilespmem:$0x1F500] =	vst v8  }
0x28f: {  	v44 =	vand.u32 $0x7F, v42;
	v45 =	vand.u32 $0x1FFC00, v43;
	v9 =	vld.idx.msk [tilespmem:v9+s13+$0x0], $0xffff  }
0x290: {  	v8 =	vor.u32 v44, v45  }
0x291: {  	v10 =	vadd.s32 v4, v8  }
0x292: {  	(v2sf) =	vpush v7, $0xA;
	_ =	sdelay $0x1  }
0x293: {  	s9 =	spop (v2sf);
	[tilespmem:$0x1F510] =	vst v9  }
0x294: {  	[hbm4b:s9+s4] =	stream.linear.scatter [tilespmem:s30], [sflag:$0x2], $0x20, $0x38;
	[tilespmem:$0x1F880] =	vst v63  }
0x295: {  	v9 =	vld.idx.msk [tilespmem:v10+s13+$0x0], $0xffff  }
0x296: {  	v8 =	vadd.s32 v5, v8;
	_ =	sdelay $0x1  }
0x297: {  	v46 =	vbroadcast v6, $0xB;
	_ =	sdelay $0x1  }
0x298: {  	v47 =	vshll.u32 v46, $0x3;
	[tilespmem:$0x1F580] =	vst v9  }
0x299: {  	v48 =	vand.u32 $0x7F, v46;
	v49 =	vand.u32 $0x1FFC00, v47;
	v8 =	vld.idx.msk [tilespmem:v8+s13+$0x0], $0xffff  }
0x29a: {  	v9 =	vor.u32 v48, v49  }
0x29b: {  	v10 =	vadd.s32 v4, v9  }
0x29c: {  	(v2sf) =	vpush v7, $0xB;
	_ =	sdelay $0x1  }
0x29d: {  	s10 =	spop (v2sf);
	[tilespmem:$0x1F590] =	vst v8  }
0x29e: {  	[hbm4b:s10+s4] =	stream.linear.scatter [tilespmem:s31], [sflag:$0x2], $0x20, $0x38;
	[tilespmem:$0x1F880] =	vst v63  }
0x29f: {  	v8 =	vld.idx.msk [tilespmem:v10+s13+$0x0], $0xffff  }
0x2a0: {  	v9 =	vadd.s32 v5, v9;
	_ =	sdelay $0x1  }
0x2a1: {  	v50 =	vbroadcast v6, $0xC;
	_ =	sdelay $0x1  }
0x2a2: {  	v51 =	vshll.u32 v50, $0x3;
	[tilespmem:$0x1F600] =	vst v8  }
0x2a3: {  	v52 =	vand.u32 $0x7F, v50;
	v53 =	vand.u32 $0x1FFC00, v51;
	v9 =	vld.idx.msk [tilespmem:v9+s13+$0x0], $0xffff  }
0x2a4: {  	v8 =	vor.u32 v52, v53  }
0x2a5: {  	v10 =	vadd.s32 v4, v8  }
0x2a6: {  	(v2sf) =	vpush v7, $0xC;
	_ =	sdelay $0x1  }
0x2a7: {  	s11 =	spop (v2sf);
	[tilespmem:$0x1F610] =	vst v9  }
0x2a8: {  	[hbm4b:s11+s4] =	stream.linear.scatter [tilespmem:s2], [sflag:$0x2], $0x20, $0x38;
	[tilespmem:$0x1F880] =	vst v63  }
0x2a9: {  	v9 =	vld.idx.msk [tilespmem:v10+s13+$0x0], $0xffff  }
0x2aa: {  	v8 =	vadd.s32 v5, v8;
	_ =	sdelay $0x1  }
0x2ab: {  	v54 =	vbroadcast v6, $0xD;
	_ =	sdelay $0x1  }
0x2ac: {  	v55 =	vshll.u32 v54, $0x3;
	[tilespmem:$0x1F680] =	vst v9  }
0x2ad: {  	v56 =	vand.u32 $0x7F, v54;
	v57 =	vand.u32 $0x1FFC00, v55;
	v8 =	vld.idx.msk [tilespmem:v8+s13+$0x0], $0xffff  }
0x2ae: {  	v9 =	vor.u32 v56, v57  }
0x2af: {  	v10 =	vadd.s32 v4, v9  }
0x2b0: {  	(v2sf) =	vpush v7, $0xD;
	_ =	sdelay $0x1  }
0x2b1: {  	s8 =	spop (v2sf);
	[tilespmem:$0x1F690] =	vst v8  }
0x2b2: {  	[hbm4b:s8+s4] =	stream.linear.scatter [tilespmem:s0], [sflag:$0x2], $0x20, $0x38;
	[tilespmem:$0x1F880] =	vst v63  }
0x2b3: {  	v8 =	vld.idx.msk [tilespmem:v10+s13+$0x0], $0xffff  }
0x2b4: {  	v9 =	vadd.s32 v5, v9;
	_ =	sdelay $0x1  }
0x2b5: {  	v58 =	vbroadcast v6, $0xE;
	_ =	sdelay $0x1  }
0x2b6: {  	v59 =	vshll.u32 v58, $0x3;
	[tilespmem:$0x1F700] =	vst v8  }
0x2b7: {  	v60 =	vand.u32 $0x7F, v58;
	v61 =	vand.u32 $0x1FFC00, v59;
	v9 =	vld.idx.msk [tilespmem:v9+s13+$0x0], $0xffff  }
0x2b8: {  	v8 =	vor.u32 v60, v61  }
0x2b9: {  	v10 =	vadd.s32 v4, v8  }
0x2ba: {  	(v2sf) =	vpush v7, $0xE;
	_ =	sdelay $0x1  }
0x2bb: {  	s9 =	spop (v2sf);
	[tilespmem:$0x1F710] =	vst v9  }
0x2bc: {  	[hbm4b:s9+s4] =	stream.linear.scatter [tilespmem:s14], [sflag:$0x2], $0x20, $0x38;
	[tilespmem:$0x1F880] =	vst v63  }
0x2bd: {  	v9 =	vld.idx.msk [tilespmem:v10+s13+$0x0], $0xffff  }
0x2be: {  	v8 =	vadd.s32 v5, v8;
	_ =	sdelay $0x1  }
0x2bf: {  	v6 =	vbroadcast v6, $0xF;
	_ =	sdelay $0x1  }
0x2c0: {  	v62 =	vshll.u32 v6, $0x3;
	[tilespmem:$0x1F780] =	vst v9  }
0x2c1: {  	v6 =	vand.u32 $0x7F, v6;
	v63 =	vand.u32 $0x1FFC00, v62;
	v8 =	vld.idx.msk [tilespmem:v8+s13+$0x0], $0xffff  }
0x2c2: {  	v6 =	vor.u32 v6, v63  }
0x2c3: {  	v9 =	vadd.s32 v4, v6  }
0x2c4: {  	(v2sf) =	vpush v7, $0xF;
	_ =	sdelay $0x1  }
0x2c5: {  	s10 =	spop (v2sf);
	[tilespmem:$0x1F790] =	vst v8  }
0x2c6: {  	[hbm4b:s10+s4] =	stream.linear.scatter [tilespmem:s15], [sflag:$0x2], $0x20, $0x38;
	[tilespmem:$0x1F880] =	vst v63  }
0x2c7: {  	v7 =	vld.idx.msk [tilespmem:v9+s13+$0x0], $0xffff  }
0x2c8: {  	v6 =	vadd.s32 v5, v6;
	_ =	sdelay $0x3  }
0x2c9: {  	[tilespmem:$0x1F800] =	vst v7  }
0x2ca: {  	v6 =	vld.idx.msk [tilespmem:v6+s13+$0x0], $0xffff;
	_ =	sdelay $0x2  }
0x2cb: {  	p0 =	sne.s32 s7, $0x1  }
.Ltmp10:
0x2cc: {  	_ = 	snop;
	(pc) =	sbr.rel @!p0 .LBB2_13-.Ltmp10, $4  }
0x2cd: {  	s11 =	spop (v2sf);
	[tilespmem:$0x1F810] =	vst v6  }
0x2ce: {  	[hbm4b:s11+s4] =	stream.linear.scatter [tilespmem:s16], [sflag:$0x2], $0x20, $0x38;
	[tilespmem:$0x1F880] =	vst v63  }
0x2cf: {  	_ =	swait.ge [sflag:s1], $0x200  }
0x2d0: {  	s7 =	sadd.s32 $0xFFFFFFFF, s7;
	[sflag:s1] =	ssyncset.done $0x0  }
.LBB2_12:
0x2d1: {  	p0 =	sne.s32 s7, $0x1;
	[sflag:s1] =	ssyncadd.s32 $0xFFFFFE00;
	s6 =	sadd.s32 $0xFFFFFFF0, s6  }
0x2d2: {  	s7 =	sadd.s32 $0xFFFFFFFF, s7;
	v6 =	vld [tilespmem:s6+$0x0];
	_ =	sdelay $0x4  }
0x2d3: {  	v7 =	vand.u32 $0x3FFF, v6;
	v8 =	vshrl.u32 v6, $0xE  }
0x2d4: {  	v9 =	vbroadcast v8, $0x0;
	v6 =	vshll.u32 v7, $0x2;
	v7 =	vbroadcast v8, $0x1  }
0x2d5: {  	v10 =	vbroadcast v8, $0x2;
	v11 =	vbroadcast v8, $0x3;
	v6 =	vadd.s32 s3, v6  }
0x2d6: {  	v12 =	vshll.u32 v9, $0x3;
	v13 =	vand.u32 $0x7F, v7;
	v7 =	vshll.u32 v7, $0x3  }
0x2d7: {  	v9 =	vand.u32 $0x7F, v9;
	v12 =	vand.u32 $0x1FFC00, v12;
	v7 =	vand.u32 $0x1FFC00, v7  }
0x2d8: {  	v9 =	vor.u32 v9, v12;
	v7 =	vor.u32 v13, v7;
	v12 =	vshll.u32 v10, $0x3  }
0x2d9: {  	v10 =	vand.u32 $0x7F, v10;
	v13 =	vadd.s32 v4, v9;
	v12 =	vand.u32 $0x1FFC00, v12  }
0x2da: {  	v20 =	vor.u32 v10, v12;
	v10 =	vshll.u32 v11, $0x3;
	v12 =	vbroadcast v8, $0x4  }
0x2db: {  	v14 =	vbroadcast v8, $0x5;
	v11 =	vand.u32 $0x7F, v11;
	v10 =	vand.u32 $0x1FFC00, v10  }
0x2dc: {  	v19 =	vor.u32 v11, v10;
	v10 =	vshll.u32 v12, $0x3;
	(v2sf) =	vpush v6, $0x0  }
0x2dd: {  	v11 =	vand.u32 $0x7F, v12;
	v12 =	vshll.u32 v14, $0x3;
	v10 =	vand.u32 $0x1FFC00, v10  }
0x2de: {  	v13 =	vld.idx.msk [tilespmem:v13+s13+$0x0], $0xffff;
	v18 =	vor.u32 v11, v10;
	v10 =	vand.u32 $0x7F, v14;
	v11 =	vand.u32 $0x1FFC00, v12  }
0x2df: {  	v17 =	vor.u32 v10, v11;
	v10 =	vbroadcast v8, $0x6;
	v11 =	vbroadcast v8, $0x7  }
0x2e0: {  	v21 =	vbroadcast v8, $0x9;
	v9 =	vadd.s32 v5, v9;
	v12 =	vbroadcast v8, $0x8  }
0x2e1: {  	v14 =	vshll.u32 v10, $0x3;
	v15 =	vand.u32 $0x7F, v11;
	v11 =	vshll.u32 v11, $0x3  }
0x2e2: {  	v10 =	vand.u32 $0x7F, v10;
	v14 =	vand.u32 $0x1FFC00, v14;
	v11 =	vand.u32 $0x1FFC00, v11  }
0x2e3: {  	v16 =	vor.u32 v10, v14;
	v15 =	vor.u32 v15, v11;
	v10 =	vshll.u32 v12, $0x3  }
0x2e4: {  	v11 =	vand.u32 $0x7F, v12;
	v12 =	vshll.u32 v21, $0x3;
	[tilespmem:$0x1F080] =	vst v13;
	v10 =	vand.u32 $0x1FFC00, v10  }
0x2e5: {  	v9 =	vld.idx.msk [tilespmem:v9+s13+$0x0], $0xffff;
	v14 =	vor.u32 v11, v10;
	v10 =	vand.u32 $0x7F, v21;
	v11 =	vand.u32 $0x1FFC00, v12  }
0x2e6: {  	v13 =	vor.u32 v10, v11;
	v10 =	vbroadcast v8, $0xA;
	v11 =	vbroadcast v8, $0xB  }
0x2e7: {  	v22 =	vbroadcast v8, $0xD;
	v21 =	vbroadcast v8, $0xC  }
0x2e8: {  	v23 =	vadd.s32 v4, v7;
	v12 =	vshll.u32 v10, $0x3;
	v24 =	vshll.u32 v11, $0x3  }
0x2e9: {  	v25 =	vshll.u32 v21, $0x3;
	v10 =	vand.u32 $0x7F, v10;
	v12 =	vand.u32 $0x1FFC00, v12  }
0x2ea: {  	v21 =	vand.u32 $0x7F, v21;
	v12 =	vor.u32 v10, v12;
	v10 =	vand.u32 $0x7F, v11  }
0x2eb: {  	[tilespmem:$0x1F090] =	vst v9;
	v9 =	vand.u32 $0x1FFC00, v24;
	v24 =	vand.u32 $0x1FFC00, v25;
	s5 =	spop (v2sf);
	(v2sf) =	vpush v6, $0x1  }
0x2ec: {  	[hbm4b:s5+s4] =	stream.linear.scatter [tilespmem:s20], [sflag:$0x2], $0x20, $0x38;
	v11 =	vor.u32 v10, v9;
	v10 =	vor.u32 v21, v24;
	v9 =	vshll.u32 v22, $0x3;
	[tilespmem:$0x1F880] =	vst v63  }
0x2ed: {  	v22 =	vand.u32 $0x7F, v22;
	v21 =	vld.idx.msk [tilespmem:v23+s13+$0x0], $0xffff;
	v9 =	vand.u32 $0x1FFC00, v9;
	v23 =	vbroadcast v8, $0xE  }
0x2ee: {  	v9 =	vor.u32 v22, v9;
	v22 =	vbroadcast v8, $0xF  }
0x2ef: {  	v24 =	vadd.s32 v5, v7;
	v7 =	vshll.u32 v23, $0x3  }
0x2f0: {  	v8 =	vand.u32 $0x7F, v23;
	v7 =	vand.u32 $0x1FFC00, v7;
	v23 =	vshll.u32 v22, $0x3  }
0x2f1: {  	v8 =	vor.u32 v8, v7;
	v7 =	vand.u32 $0x7F, v22;
	v22 =	vand.u32 $0x1FFC00, v23  }
0x2f2: {  	v7 =	vor.u32 v7, v22  }
0x2f3: {  	[tilespmem:$0x1F100] =	vst v21  }
0x2f4: {  	v21 =	vld.idx.msk [tilespmem:v24+s13+$0x0], $0xffff;
	_ =	sdelay $0x2  }
0x2f5: {  	v22 =	vadd.s32 v4, v20;
	_ =	sdelay $0x2  }
0x2f6: {  	[tilespmem:$0x1F110] =	vst v21;
	s5 =	spop (v2sf);
	(v2sf) =	vpush v6, $0x2  }
0x2f7: {  	[hbm4b:s5+s4] =	stream.linear.scatter [tilespmem:s21], [sflag:$0x2], $0x20, $0x38;
	[tilespmem:$0x1F880] =	vst v63  }
0x2f8: {  	v21 =	vld.idx.msk [tilespmem:v22+s13+$0x0], $0xffff;
	_ =	sdelay $0x1  }
0x2f9: {  	v20 =	vadd.s32 v5, v20;
	_ =	sdelay $0x3  }
0x2fa: {  	[tilespmem:$0x1F180] =	vst v21  }
0x2fb: {  	v20 =	vld.idx.msk [tilespmem:v20+s13+$0x0], $0xffff;
	_ =	sdelay $0x2  }
0x2fc: {  	v21 =	vadd.s32 v4, v19;
	_ =	sdelay $0x2  }
0x2fd: {  	[tilespmem:$0x1F190] =	vst v20;
	s5 =	spop (v2sf);
	(v2sf) =	vpush v6, $0x3  }
0x2fe: {  	[hbm4b:s5+s4] =	stream.linear.scatter [tilespmem:s22], [sflag:$0x2], $0x20, $0x38;
	[tilespmem:$0x1F880] =	vst v63  }
0x2ff: {  	v20 =	vld.idx.msk [tilespmem:v21+s13+$0x0], $0xffff;
	_ =	sdelay $0x1  }
0x300: {  	v19 =	vadd.s32 v5, v19;
	_ =	sdelay $0x3  }
0x301: {  	[tilespmem:$0x1F200] =	vst v20  }
0x302: {  	v19 =	vld.idx.msk [tilespmem:v19+s13+$0x0], $0xffff;
	_ =	sdelay $0x2  }
0x303: {  	v20 =	vadd.s32 v4, v18;
	_ =	sdelay $0x2  }
0x304: {  	[tilespmem:$0x1F210] =	vst v19;
	s5 =	spop (v2sf);
	(v2sf) =	vpush v6, $0x4  }
0x305: {  	[hbm4b:s5+s4] =	stream.linear.scatter [tilespmem:s23], [sflag:$0x2], $0x20, $0x38;
	[tilespmem:$0x1F880] =	vst v63  }
0x306: {  	v19 =	vld.idx.msk [tilespmem:v20+s13+$0x0], $0xffff;
	_ =	sdelay $0x1  }
0x307: {  	v18 =	vadd.s32 v5, v18;
	_ =	sdelay $0x3  }
0x308: {  	[tilespmem:$0x1F280] =	vst v19  }
0x309: {  	v18 =	vld.idx.msk [tilespmem:v18+s13+$0x0], $0xffff;
	_ =	sdelay $0x2  }
0x30a: {  	v19 =	vadd.s32 v4, v17;
	_ =	sdelay $0x2  }
0x30b: {  	[tilespmem:$0x1F290] =	vst v18;
	s5 =	spop (v2sf);
	(v2sf) =	vpush v6, $0x5  }
0x30c: {  	[hbm4b:s5+s4] =	stream.linear.scatter [tilespmem:s24], [sflag:$0x2], $0x20, $0x38;
	[tilespmem:$0x1F880] =	vst v63  }
0x30d: {  	v18 =	vld.idx.msk [tilespmem:v19+s13+$0x0], $0xffff;
	_ =	sdelay $0x1  }
0x30e: {  	v17 =	vadd.s32 v5, v17;
	_ =	sdelay $0x3  }
0x30f: {  	[tilespmem:$0x1F300] =	vst v18  }
0x310: {  	v17 =	vld.idx.msk [tilespmem:v17+s13+$0x0], $0xffff;
	_ =	sdelay $0x2  }
0x311: {  	v18 =	vadd.s32 v4, v16;
	_ =	sdelay $0x2  }
0x312: {  	[tilespmem:$0x1F310] =	vst v17;
	s5 =	spop (v2sf);
	(v2sf) =	vpush v6, $0x6  }
0x313: {  	[hbm4b:s5+s4] =	stream.linear.scatter [tilespmem:s25], [sflag:$0x2], $0x20, $0x38;
	[tilespmem:$0x1F880] =	vst v63  }
0x314: {  	v17 =	vld.idx.msk [tilespmem:v18+s13+$0x0], $0xffff;
	_ =	sdelay $0x1  }
0x315: {  	v16 =	vadd.s32 v5, v16;
	_ =	sdelay $0x3  }
0x316: {  	[tilespmem:$0x1F380] =	vst v17  }
0x317: {  	v16 =	vld.idx.msk [tilespmem:v16+s13+$0x0], $0xffff;
	_ =	sdelay $0x2  }
0x318: {  	v17 =	vadd.s32 v4, v15;
	_ =	sdelay $0x2  }
0x319: {  	[tilespmem:$0x1F390] =	vst v16;
	s5 =	spop (v2sf);
	(v2sf) =	vpush v6, $0x7  }
0x31a: {  	[hbm4b:s5+s4] =	stream.linear.scatter [tilespmem:s26], [sflag:$0x2], $0x20, $0x38;
	[tilespmem:$0x1F880] =	vst v63  }
0x31b: {  	v16 =	vld.idx.msk [tilespmem:v17+s13+$0x0], $0xffff;
	_ =	sdelay $0x1  }
0x31c: {  	v15 =	vadd.s32 v5, v15;
	_ =	sdelay $0x3  }
0x31d: {  	[tilespmem:$0x1F400] =	vst v16  }
0x31e: {  	v15 =	vld.idx.msk [tilespmem:v15+s13+$0x0], $0xffff;
	_ =	sdelay $0x2  }
0x31f: {  	v16 =	vadd.s32 v4, v14;
	_ =	sdelay $0x2  }
0x320: {  	[tilespmem:$0x1F410] =	vst v15;
	s5 =	spop (v2sf);
	(v2sf) =	vpush v6, $0x8  }
0x321: {  	[hbm4b:s5+s4] =	stream.linear.scatter [tilespmem:s28], [sflag:$0x2], $0x20, $0x38;
	[tilespmem:$0x1F880] =	vst v63  }
0x322: {  	v15 =	vld.idx.msk [tilespmem:v16+s13+$0x0], $0xffff;
	_ =	sdelay $0x1  }
0x323: {  	v14 =	vadd.s32 v5, v14;
	_ =	sdelay $0x3  }
0x324: {  	[tilespmem:$0x1F480] =	vst v15  }
0x325: {  	v14 =	vld.idx.msk [tilespmem:v14+s13+$0x0], $0xffff;
	_ =	sdelay $0x2  }
0x326: {  	v15 =	vadd.s32 v4, v13;
	_ =	sdelay $0x2  }
0x327: {  	[tilespmem:$0x1F490] =	vst v14;
	s5 =	spop (v2sf);
	(v2sf) =	vpush v6, $0x9  }
0x328: {  	[hbm4b:s5+s4] =	stream.linear.scatter [tilespmem:s29], [sflag:$0x2], $0x20, $0x38;
	[tilespmem:$0x1F880] =	vst v63  }
0x329: {  	v14 =	vld.idx.msk [tilespmem:v15+s13+$0x0], $0xffff;
	_ =	sdelay $0x1  }
0x32a: {  	v13 =	vadd.s32 v5, v13;
	_ =	sdelay $0x3  }
0x32b: {  	[tilespmem:$0x1F500] =	vst v14  }
0x32c: {  	v13 =	vld.idx.msk [tilespmem:v13+s13+$0x0], $0xffff;
	_ =	sdelay $0x2  }
0x32d: {  	v14 =	vadd.s32 v4, v12;
	_ =	sdelay $0x2  }
0x32e: {  	[tilespmem:$0x1F510] =	vst v13;
	s5 =	spop (v2sf);
	(v2sf) =	vpush v6, $0xA  }
0x32f: {  	[hbm4b:s5+s4] =	stream.linear.scatter [tilespmem:s30], [sflag:$0x2], $0x20, $0x38;
	[tilespmem:$0x1F880] =	vst v63  }
0x330: {  	v13 =	vld.idx.msk [tilespmem:v14+s13+$0x0], $0xffff;
	_ =	sdelay $0x1  }
0x331: {  	v12 =	vadd.s32 v5, v12;
	_ =	sdelay $0x3  }
0x332: {  	[tilespmem:$0x1F580] =	vst v13  }
0x333: {  	v12 =	vld.idx.msk [tilespmem:v12+s13+$0x0], $0xffff;
	_ =	sdelay $0x2  }
0x334: {  	v13 =	vadd.s32 v4, v11;
	_ =	sdelay $0x2  }
0x335: {  	[tilespmem:$0x1F590] =	vst v12;
	s5 =	spop (v2sf);
	(v2sf) =	vpush v6, $0xB  }
0x336: {  	[hbm4b:s5+s4] =	stream.linear.scatter [tilespmem:s31], [sflag:$0x2], $0x20, $0x38;
	[tilespmem:$0x1F880] =	vst v63  }
0x337: {  	v12 =	vld.idx.msk [tilespmem:v13+s13+$0x0], $0xffff;
	_ =	sdelay $0x1  }
0x338: {  	v11 =	vadd.s32 v5, v11;
	_ =	sdelay $0x3  }
0x339: {  	[tilespmem:$0x1F600] =	vst v12  }
0x33a: {  	v11 =	vld.idx.msk [tilespmem:v11+s13+$0x0], $0xffff;
	_ =	sdelay $0x2  }
0x33b: {  	v12 =	vadd.s32 v4, v10;
	_ =	sdelay $0x2  }
0x33c: {  	[tilespmem:$0x1F610] =	vst v11;
	s5 =	spop (v2sf);
	(v2sf) =	vpush v6, $0xC  }
0x33d: {  	[hbm4b:s5+s4] =	stream.linear.scatter [tilespmem:s2], [sflag:$0x2], $0x20, $0x38;
	[tilespmem:$0x1F880] =	vst v63  }
0x33e: {  	v11 =	vld.idx.msk [tilespmem:v12+s13+$0x0], $0xffff;
	_ =	sdelay $0x1  }
0x33f: {  	v10 =	vadd.s32 v5, v10;
	_ =	sdelay $0x3  }
0x340: {  	[tilespmem:$0x1F680] =	vst v11  }
0x341: {  	v10 =	vld.idx.msk [tilespmem:v10+s13+$0x0], $0xffff;
	_ =	sdelay $0x2  }
0x342: {  	v11 =	vadd.s32 v4, v9;
	_ =	sdelay $0x2  }
0x343: {  	[tilespmem:$0x1F690] =	vst v10;
	s5 =	spop (v2sf);
	(v2sf) =	vpush v6, $0xD  }
0x344: {  	[hbm4b:s5+s4] =	stream.linear.scatter [tilespmem:s0], [sflag:$0x2], $0x20, $0x38;
	[tilespmem:$0x1F880] =	vst v63  }
0x345: {  	v10 =	vld.idx.msk [tilespmem:v11+s13+$0x0], $0xffff;
	_ =	sdelay $0x1  }
0x346: {  	v9 =	vadd.s32 v5, v9;
	_ =	sdelay $0x3  }
0x347: {  	[tilespmem:$0x1F700] =	vst v10  }
0x348: {  	v9 =	vld.idx.msk [tilespmem:v9+s13+$0x0], $0xffff;
	_ =	sdelay $0x2  }
0x349: {  	v10 =	vadd.s32 v4, v8;
	_ =	sdelay $0x2  }
0x34a: {  	[tilespmem:$0x1F710] =	vst v9;
	s5 =	spop (v2sf);
	(v2sf) =	vpush v6, $0xE  }
0x34b: {  	[hbm4b:s5+s4] =	stream.linear.scatter [tilespmem:s14], [sflag:$0x2], $0x20, $0x38;
	[tilespmem:$0x1F880] =	vst v63  }
0x34c: {  	v9 =	vld.idx.msk [tilespmem:v10+s13+$0x0], $0xffff;
	_ =	sdelay $0x1  }
0x34d: {  	v8 =	vadd.s32 v5, v8;
	_ =	sdelay $0x3  }
0x34e: {  	[tilespmem:$0x1F780] =	vst v9  }
0x34f: {  	v8 =	vld.idx.msk [tilespmem:v8+s13+$0x0], $0xffff;
	_ =	sdelay $0x2  }
0x350: {  	v9 =	vadd.s32 v4, v7;
	_ =	sdelay $0x2  }
0x351: {  	[tilespmem:$0x1F790] =	vst v8;
	s5 =	spop (v2sf);
	(v2sf) =	vpush v6, $0xF  }
0x352: {  	[hbm4b:s5+s4] =	stream.linear.scatter [tilespmem:s15], [sflag:$0x2], $0x20, $0x38;
	[tilespmem:$0x1F880] =	vst v63  }
0x353: {  	v6 =	vld.idx.msk [tilespmem:v9+s13+$0x0], $0xffff;
	_ =	sdelay $0x1  }
0x354: {  	v7 =	vadd.s32 v5, v7;
	_ =	sdelay $0x3  }
0x355: {  	[tilespmem:$0x1F800] =	vst v6  }
0x356: {  	v6 =	vld.idx.msk [tilespmem:v7+s13+$0x0], $0xffff;
	_ =	sdelay $0x4  }
.Ltmp11:
0x357: {  	(pc) =	sbr.rel @p0 .LBB2_12-.Ltmp11, $4  }
0x358: {  	[tilespmem:$0x1F810] =	vst v6;
	s5 =	spop (v2sf)  }
0x359: {  	[hbm4b:s5+s4] =	stream.linear.scatter [tilespmem:s16], [sflag:$0x2], $0x20, $0x38;
	[tilespmem:$0x1F880] =	vst v63  }
0x35a: {  	_ =	swait.ge [sflag:s1], $0x200  }
0x35b: {  	[sflag:s1] =	ssyncset.done $0x0  }
.Ltmp12:
0x35c: {  	_ = 	snop;
	(pc) =	sbr.rel .LBB2_13-.Ltmp12, $1  }
0x35d: {  	_ =	sdelay $0x3  }
.LBB2_15:
0x35e: {  	_ =	sfence.sel $0x180000  }
0x35f: {  	[bflag:$0x0] =	sbarrier.arrive $0xFFFF  }
0x360: {  	_ =	strace $0x90000047  }
0x361: {  	s0 =	stileid.u32;
	[bflag:$0x2] =	sbarrier.arrive $0xFFFF  }
0x362: {  	p0 =	sne.s32 s0, $0x0;
	s0 =	rddreg [dreg:$0x3]  }
0x363: {  	s0 =	sadd.s32 @!p0 $0x100000, s0  }
0x364: {  	[sflag:s0] =	ssyncadd.tile.s32 @!p0 $0x1;
	_ =	shalt  }
.Lfunc_end2:
_tile_overlayer_lowered:
.L_overlay_start_2:
0x365: {  	(tag) =	ssettag $0x2  }
0x366: {  	s0 =	rddreg [dreg:$0x0];
	s2 =	stileid.u32  }
0x367: {  	s1 =	rddreg [dreg:$0x1];
	p0 =	sne.s32 s2, $0x0  }
0x368: {  	s3 =	rddreg [dreg:$0x2];
	[bflag:$0x3] =	sbarrier.arrive $0xFFFF;
	s2 =	simm.s32 @!p0 $0x1C04  }
0x369: {  	[timem:s3], [sflag:s2] =	dma.local @!p0 [hbm:s0], s1  }
0x36a: {  	s0 =	simm.s32 @!p0 $0x4  }
0x36b: {  	_ =	swait.ge @!p0 [sflag:s0], s1  }
0x36c: {  	s1 =	ssub.s32 @!p0 $0x0, s1;
	[sflag:s0] =	ssyncset.done @!p0 $0x0  }
0x36d: {  	[sflag:s0] =	ssyncadd.s32 @!p0 s1  }
0x36e: {  	[bflag:$0x3] =	sbarrier.arrive $0xFFFF  }
0x36f: {  	_ =	shalt  }

</sc_bundles>
